<compile_context>
chip_gen: v7x
topology: tpu7x:2x2x1
jax: 0.10.2.dev20260603
libtpu: 0.0.44.dev20260713+nightly
codegen_flags: <defaults>
</compile_context>

<pallas_src>
import functools

import jax
import jax.numpy as jnp
from jax import lax
from jax.experimental import pallas as pl
from jax.experimental.pallas import tpu as pltpu
from jax.experimental.pallas import tpu_sc as plsc

EOS_ID = 49407
SEQ = 77
DIM = 512
NSEQ = 4096
LANES = 16
NC = 2
NS = 16
NW = NC * NS
SPW = NSEQ // NW
NB = 4
QTR = SPW // NB


def _emb_body(ids_t, table, pos, out, idx, pos_v, buf,
              gs0, gs1, gs2, gs3, ws0, ws1, ws2, ws3):
    gsem = (gs0, gs1, gs2, gs3)
    wsem = (ws0, ws1, ws2, ws3)
    wid = lax.axis_index("s") * NC + lax.axis_index("c")
    base = wid * SPW
    pltpu.sync_copy(pos, pos_v)
    pltpu.sync_copy(ids_t.at[:, pl.ds(base, SPW)], idx)

    def start_gather(h, p):
        pltpu.async_copy(table.at[idx.at[p, pl.ds(h * QTR, QTR)]],
                         buf.at[h], gsem[h])

    def wait_gather(h):
        pltpu.make_async_copy(table.at[pl.ds(0, QTR)], buf.at[h],
                              gsem[h]).wait()

    def start_write(h, p):
        pltpu.async_copy(buf.at[h], out.at[p, pl.ds(base + h * QTR, QTR)],
                         wsem[h])

    def wait_write(h):
        pltpu.make_async_copy(buf.at[0], out.at[0, pl.ds(0, QTR)],
                              wsem[h]).wait()

    def addpass(h, p):
        for cb in range(DIM // LANES // 8):
            pvs = [pos_v[p, pl.ds((cb * 8 + j) * LANES, LANES)]
                   for j in range(8)]

            def row_body(r, carry):
                for j in range(8):
                    sl = pl.ds((cb * 8 + j) * LANES, LANES)
                    buf[h, r, sl] = buf[h, r, sl] + pvs[j]
                return carry

            lax.fori_loop(0, QTR, row_body, 0)

    start_gather(0, 0)
    start_gather(1, 0)
    start_gather(2, 0)

    def ploop(p, carry):
        for h in range(NB):
            wait_gather(h)
            addpass(h, p)
            start_write(h, p)
            hp = (h + 3) % NB
            if h == 0:
                @pl.when(p > 0)
                def _():
                    wait_write(hp)

                start_gather(hp, p)
            else:
                wait_write(hp)

                @pl.when(p < SEQ - 1)
                def _():
                    start_gather(hp, p + 1)

        return carry

    lax.fori_loop(0, SEQ, ploop, 0)
    wait_write(NB - 1)


def _mask_body(ids_ref, out_ref):
    out_ref[...] = ids_ref[...] == EOS_ID


def kernel(input_ids, embedding_table, positional_embedding):
    ids_t = jnp.transpose(input_ids)
    mesh = plsc.VectorSubcoreMesh(core_axis_name="c", subcore_axis_name="s")
    emb = functools.partial(
        pl.kernel,
        mesh=mesh,
        out_type=jax.ShapeDtypeStruct((SEQ, NSEQ, DIM), jnp.float32),
        scratch_types=[
            pltpu.VMEM((SEQ, SPW), jnp.int32),
            pltpu.VMEM((SEQ, DIM), jnp.float32),
            pltpu.VMEM((NB, QTR, DIM), jnp.float32),
            pltpu.SemaphoreType.DMA,
            pltpu.SemaphoreType.DMA,
            pltpu.SemaphoreType.DMA,
            pltpu.SemaphoreType.DMA,
            pltpu.SemaphoreType.DMA,
            pltpu.SemaphoreType.DMA,
            pltpu.SemaphoreType.DMA,
            pltpu.SemaphoreType.DMA,
        ],
    )(_emb_body)
    tokens_t = emb(ids_t, embedding_table, positional_embedding)
    tokens = jnp.transpose(tokens_t, (1, 0, 2))
    mask = pl.pallas_call(
        _mask_body,
        out_shape=jax.ShapeDtypeStruct((NSEQ, SEQ), jnp.bool_),
    )(input_ids)
    return (tokens, mask)

# --- scband reference (transcript-rebuilt; emitter-appended) ---
"""Pipeline reference for scband-text-preprocessor-3925600109403 (READ-ONLY COPY).

The authoritative reference and input builder live on the scoring server;
editing this copy changes nothing except your own understanding.
"""

import jax, jax.numpy as jnp
import numpy as np

VOCAB = 49408
EMBED_DIM = 512
MAX_CTX = 77
EOS_ID = 49407
BATCH = 4096
SEQ = 77

def setup_inputs(seed: int = 0) -> dict:
    key = jax.random.key(seed)
    k_ids, k_emb = jax.random.split(key)
    input_ids = jax.random.randint(k_ids, (BATCH, SEQ), 0, VOCAB, dtype=jnp.int32)
    # nn.Embed default init: variance_scaling(1.0, 'fan_in', 'normal', out_axis=0)
    embedding_table = (jax.random.normal(k_emb, (VOCAB, EMBED_DIM), dtype=jnp.float32)
                       / jnp.sqrt(jnp.float32(EMBED_DIM)))
    # positional_embedding param is zeros-initialized in the module
    positional_embedding = jnp.zeros((MAX_CTX, EMBED_DIM), dtype=jnp.float32)
    return {"input_ids": input_ids,
            "embedding_table": embedding_table,
            "positional_embedding": positional_embedding}

def reference(input_ids, embedding_table, positional_embedding):
    _, N = input_ids.shape
    max_len = min(N, MAX_CTX)
    eos_token_mask = input_ids == EOS_ID
    tokens = jnp.take(embedding_table, input_ids, axis=0)
    tokens = tokens[:, :max_len] + positional_embedding[None, :max_len]
    return (tokens, eos_token_mask)

if __name__ == "__main__":
    import jax
    _d = setup_inputs()
    print(jax.jit(kernel)(*tuple(_d.values())))

</pallas_src>

<mosaic_0001>
#map = affine_map<(d0, d1) -> (0, 0)>
#map1 = affine_map<(d0, d1) -> (0, 0, 0)>
module attributes {stable_mosaic.version = 14 : i64} {
  func.func @_emb_body(%arg0: i32, %arg1: i32, %arg2: memref<77x4096xi32, #tpu.memory_space<hbm>>, %arg3: memref<49408x512xf32, #tpu.memory_space<hbm>>, %arg4: memref<77x512xf32, #tpu.memory_space<hbm>>, %arg5: memref<77x4096x512xf32, #tpu.memory_space<hbm>>, %arg6: memref<77x128xi32, #tpu.memory_space<vmem>>, %arg7: memref<77x512xf32, #tpu.memory_space<vmem>>, %arg8: memref<4x32x512xf32, #tpu.memory_space<vmem>>, %arg9: memref<!tpu.dma_semaphore, #tpu.memory_space<semaphore_mem>>, %arg10: memref<!tpu.dma_semaphore, #tpu.memory_space<semaphore_mem>>, %arg11: memref<!tpu.dma_semaphore, #tpu.memory_space<semaphore_mem>>, %arg12: memref<!tpu.dma_semaphore, #tpu.memory_space<semaphore_mem>>, %arg13: memref<!tpu.dma_semaphore, #tpu.memory_space<semaphore_mem>>, %arg14: memref<!tpu.dma_semaphore, #tpu.memory_space<semaphore_mem>>, %arg15: memref<!tpu.dma_semaphore, #tpu.memory_space<semaphore_mem>>, %arg16: memref<!tpu.dma_semaphore, #tpu.memory_space<semaphore_mem>>) attributes {dimension_semantics = [#tpu.dimension_semantics<core_parallel>, #tpu.dimension_semantics<subcore_parallel>], iteration_bounds = array<i64: 2, 16>, scalar_prefetch = 0 : i64, scratch_operands = 11 : i64, tpu.core_type = #tpu.core_type<sc_vector_subcore>, window_params = [{transform_indices = #map}, {transform_indices = #map}, {transform_indices = #map}, {transform_indices = #map1}]} {
    %mul3A = arith.constant 2 : i32
    %mul3A_0 = arith.muli %arg1, %mul3A : i32
    %add3A = arith.addi %mul3A_0, %arg0 : i32
    %mul3A_1 = arith.constant 128 : i32
    %mul3A_2 = arith.muli %add3A, %mul3A_1 : i32
    "tpu.region"() ({
      %run_scoped3A = tpu.sem_alloc : memref<!tpu.dma_semaphore, #tpu.memory_space<semaphore_mem>>
      tpu.enqueue_dma source(%arg4 : memref<77x512xf32, #tpu.memory_space<hbm>>) target(%arg7 : memref<77x512xf32, #tpu.memory_space<vmem>>) target_semaphore(%run_scoped3A : memref<!tpu.dma_semaphore, #tpu.memory_space<semaphore_mem>>)
      tpu.wait_dma2 semaphore(%run_scoped3A : memref<!tpu.dma_semaphore, #tpu.memory_space<semaphore_mem>>) src(%arg4 : memref<77x512xf32, #tpu.memory_space<hbm>>) dst(%arg7 : memref<77x512xf32, #tpu.memory_space<vmem>>)
      tpu.yield
    }) : () -> ()
    "tpu.region"() ({
      %run_scoped3A = tpu.sem_alloc : memref<!tpu.dma_semaphore, #tpu.memory_space<semaphore_mem>>
      %dma_start3A_60 = arith.constant 0 : i32
      %dma_start3A_61 = tpu.memref_slice %arg2[%dma_start3A_60, %mul3A_2] : memref<77x4096xi32, #tpu.memory_space<hbm>> -> memref<77x128xi32, #tpu.memory_space<hbm>>
      %dma_start3A_62 = arith.constant 0 : i32
      %dma_start3A_63 = tpu.memref_slice %arg2[%dma_start3A_62, %mul3A_2] : memref<77x4096xi32, #tpu.memory_space<hbm>> -> memref<77x128xi32, #tpu.memory_space<hbm>>
      tpu.enqueue_dma source(%dma_start3A_63 : memref<77x128xi32, #tpu.memory_space<hbm>>) target(%arg6 : memref<77x128xi32, #tpu.memory_space<vmem>>) target_semaphore(%run_scoped3A : memref<!tpu.dma_semaphore, #tpu.memory_space<semaphore_mem>>)
      %dma_wait3A_64 = arith.constant 0 : i32
      %dma_wait3A_65 = tpu.memref_slice %arg2[%dma_wait3A_64, %mul3A_2] : memref<77x4096xi32, #tpu.memory_space<hbm>> -> memref<77x128xi32, #tpu.memory_space<hbm>>
      %dma_wait3A_66 = arith.constant 0 : i32
      %dma_wait3A_67 = tpu.memref_slice %arg2[%dma_wait3A_66, %mul3A_2] : memref<77x4096xi32, #tpu.memory_space<hbm>> -> memref<77x128xi32, #tpu.memory_space<hbm>>
      tpu.wait_dma2 semaphore(%run_scoped3A : memref<!tpu.dma_semaphore, #tpu.memory_space<semaphore_mem>>) src(%dma_wait3A_67 : memref<77x128xi32, #tpu.memory_space<hbm>>) dst(%arg6 : memref<77x128xi32, #tpu.memory_space<vmem>>)
      tpu.yield
    }) : () -> ()
    %dma_start3A = arith.constant 0 : i32
    %dma_start3A_3 = arith.constant 0 : i32
    %dma_start3A_4 = arith.constant 0 : i32
    %dma_start3A_5 = arith.constant 0 : i32
    %dma_start3A_6 = tpu.memref_slice %arg8[%dma_start3A_3, %dma_start3A_4, %dma_start3A_5] : memref<4x32x512xf32, #tpu.memory_space<vmem>> -> memref<1x32x512xf32, #tpu.memory_space<vmem>>
    %dma_start3A_7 = tpu.memref_squeeze %dma_start3A_6 : memref<1x32x512xf32, #tpu.memory_space<vmem>> -> memref<32x512xf32, #tpu.memory_space<vmem>>
    %dma_start3A_8 = arith.constant 0 : i32
    %dma_start3A_9 = tpu.memref_slice %arg6[%dma_start3A, %dma_start3A_8] : memref<77x128xi32, #tpu.memory_space<vmem>> -> memref<1x32xi32, #tpu.memory_space<vmem>>
    %dma_start3A_10 = tpu.memref_squeeze %dma_start3A_9 : memref<1x32xi32, #tpu.memory_space<vmem>> -> memref<32xi32, #tpu.memory_space<vmem>>
    %dma_start3A_11 = arith.constant 0 : i32
    %dma_start3A_12 = arith.constant 0 : i32
    %dma_start3A_13 = tpu.memref_slice %arg3[%dma_start3A_11, %dma_start3A_12] : memref<49408x512xf32, #tpu.memory_space<hbm>> -> memref<49408x512xf32, #tpu.memory_space<hbm>>
    tpu.enqueue_indirect_dma source(%dma_start3A_13 : memref<49408x512xf32, #tpu.memory_space<hbm>>) target(%dma_start3A_7 : memref<32x512xf32, #tpu.memory_space<vmem>>) offsets(%dma_start3A_10 : memref<32xi32, #tpu.memory_space<vmem>>) semaphore(%arg9 : memref<!tpu.dma_semaphore, #tpu.memory_space<semaphore_mem>>)
    %dma_start3A_14 = arith.constant 0 : i32
    %dma_start3A_15 = arith.constant 1 : i32
    %dma_start3A_16 = arith.constant 0 : i32
    %dma_start3A_17 = arith.constant 0 : i32
    %dma_start3A_18 = tpu.memref_slice %arg8[%dma_start3A_15, %dma_start3A_16, %dma_start3A_17] : memref<4x32x512xf32, #tpu.memory_space<vmem>> -> memref<1x32x512xf32, #tpu.memory_space<vmem>>
    %dma_start3A_19 = tpu.memref_squeeze %dma_start3A_18 : memref<1x32x512xf32, #tpu.memory_space<vmem>> -> memref<32x512xf32, #tpu.memory_space<vmem>>
    %dma_start3A_20 = arith.constant 32 : i32
    %dma_start3A_21 = tpu.memref_slice %arg6[%dma_start3A_14, %dma_start3A_20] : memref<77x128xi32, #tpu.memory_space<vmem>> -> memref<1x32xi32, #tpu.memory_space<vmem>>
    %dma_start3A_22 = tpu.memref_squeeze %dma_start3A_21 : memref<1x32xi32, #tpu.memory_space<vmem>> -> memref<32xi32, #tpu.memory_space<vmem>>
    %dma_start3A_23 = arith.constant 0 : i32
    %dma_start3A_24 = arith.constant 0 : i32
    %dma_start3A_25 = tpu.memref_slice %arg3[%dma_start3A_23, %dma_start3A_24] : memref<49408x512xf32, #tpu.memory_space<hbm>> -> memref<49408x512xf32, #tpu.memory_space<hbm>>
    tpu.enqueue_indirect_dma source(%dma_start3A_25 : memref<49408x512xf32, #tpu.memory_space<hbm>>) target(%dma_start3A_19 : memref<32x512xf32, #tpu.memory_space<vmem>>) offsets(%dma_start3A_22 : memref<32xi32, #tpu.memory_space<vmem>>) semaphore(%arg10 : memref<!tpu.dma_semaphore, #tpu.memory_space<semaphore_mem>>)
    %dma_start3A_26 = arith.constant 0 : i32
    %dma_start3A_27 = arith.constant 2 : i32
    %dma_start3A_28 = arith.constant 0 : i32
    %dma_start3A_29 = arith.constant 0 : i32
    %dma_start3A_30 = tpu.memref_slice %arg8[%dma_start3A_27, %dma_start3A_28, %dma_start3A_29] : memref<4x32x512xf32, #tpu.memory_space<vmem>> -> memref<1x32x512xf32, #tpu.memory_space<vmem>>
    %dma_start3A_31 = tpu.memref_squeeze %dma_start3A_30 : memref<1x32x512xf32, #tpu.memory_space<vmem>> -> memref<32x512xf32, #tpu.memory_space<vmem>>
    %dma_start3A_32 = arith.constant 64 : i32
    %dma_start3A_33 = tpu.memref_slice %arg6[%dma_start3A_26, %dma_start3A_32] : memref<77x128xi32, #tpu.memory_space<vmem>> -> memref<1x32xi32, #tpu.memory_space<vmem>>
    %dma_start3A_34 = tpu.memref_squeeze %dma_start3A_33 : memref<1x32xi32, #tpu.memory_space<vmem>> -> memref<32xi32, #tpu.memory_space<vmem>>
    %dma_start3A_35 = arith.constant 0 : i32
    %dma_start3A_36 = arith.constant 0 : i32
    %dma_start3A_37 = tpu.memref_slice %arg3[%dma_start3A_35, %dma_start3A_36] : memref<49408x512xf32, #tpu.memory_space<hbm>> -> memref<49408x512xf32, #tpu.memory_space<hbm>>
    tpu.enqueue_indirect_dma source(%dma_start3A_37 : memref<49408x512xf32, #tpu.memory_space<hbm>>) target(%dma_start3A_31 : memref<32x512xf32, #tpu.memory_space<vmem>>) offsets(%dma_start3A_34 : memref<32xi32, #tpu.memory_space<vmem>>) semaphore(%arg11 : memref<!tpu.dma_semaphore, #tpu.memory_space<semaphore_mem>>)
    %scan3A = arith.constant 0 : i32
    %scan3A_38 = arith.constant 0 : i32
    %scan3A_39 = arith.constant 77 : i32
    %scan3A_40 = arith.addi %scan3A_38, %scan3A_39 : i32
    %scan3A_41 = arith.constant 1 : i32
    scf.for %scan3A_60 = %scan3A_38 to %scan3A_40 step %scan3A_41  : i32 {
      %dma_wait3A_61 = arith.constant 0 : i32
      %dma_wait3A_62 = arith.constant 0 : i32
      %dma_wait3A_63 = arith.constant 0 : i32
      %dma_wait3A_64 = tpu.memref_slice %arg8[%dma_wait3A_61, %dma_wait3A_62, %dma_wait3A_63] : memref<4x32x512xf32, #tpu.memory_space<vmem>> -> memref<1x32x512xf32, #tpu.memory_space<vmem>>
      %dma_wait3A_65 = tpu.memref_squeeze %dma_wait3A_64 : memref<1x32x512xf32, #tpu.memory_space<vmem>> -> memref<32x512xf32, #tpu.memory_space<vmem>>
      %dma_wait3A_66 = arith.constant 0 : i32
      %dma_wait3A_67 = arith.constant 0 : i32
      %dma_wait3A_68 = tpu.memref_slice %arg3[%dma_wait3A_66, %dma_wait3A_67] : memref<49408x512xf32, #tpu.memory_space<hbm>> -> memref<32x512xf32, #tpu.memory_space<hbm>>
      %dma_wait3A_69 = arith.constant 0 : i32
      %dma_wait3A_70 = arith.constant 0 : i32
      %dma_wait3A_71 = tpu.memref_slice %arg8[%dma_wait3A_61, %dma_wait3A_69, %dma_wait3A_70] : memref<4x32x512xf32, #tpu.memory_space<vmem>> -> memref<1x32x512xf32, #tpu.memory_space<vmem>>
      %dma_wait3A_72 = tpu.memref_squeeze %dma_wait3A_71 : memref<1x32x512xf32, #tpu.memory_space<vmem>> -> memref<32x512xf32, #tpu.memory_space<vmem>>
      %dma_wait3A_73 = arith.constant 0 : i32
      %dma_wait3A_74 = arith.constant 0 : i32
      %dma_wait3A_75 = tpu.memref_slice %arg3[%dma_wait3A_73, %dma_wait3A_74] : memref<49408x512xf32, #tpu.memory_space<hbm>> -> memref<32x512xf32, #tpu.memory_space<hbm>>
      tpu.wait_dma2 semaphore(%arg9 : memref<!tpu.dma_semaphore, #tpu.memory_space<semaphore_mem>>) src(%dma_wait3A_75 : memref<32x512xf32, #tpu.memory_space<hbm>>) dst(%dma_wait3A_72 : memref<32x512xf32, #tpu.memory_space<vmem>>)
      %get3A = arith.index_cast %scan3A_60 : i32 to index
      %get3A_76 = arith.constant 0 : index
      %get3A_77 = tpu.vector_load %arg7[%get3A, %get3A_76] {strides = array<i32>} : memref<77x512xf32, #tpu.memory_space<vmem>>, vector<1x16xf32>,
      %get3A_78 = vector.shape_cast %get3A_77 : vector<1x16xf32> to vector<16xf32>
      %get3A_79 = arith.index_cast %scan3A_60 : i32 to index
      %get3A_80 = arith.constant 16 : index
      %get3A_81 = tpu.vector_load %arg7[%get3A_79, %get3A_80] {strides = array<i32>} : memref<77x512xf32, #tpu.memory_space<vmem>>, vector<1x16xf32>,
      %get3A_82 = vector.shape_cast %get3A_81 : vector<1x16xf32> to vector<16xf32>
      %get3A_83 = arith.index_cast %scan3A_60 : i32 to index
      %get3A_84 = arith.constant 32 : index
      %get3A_85 = tpu.vector_load %arg7[%get3A_83, %get3A_84] {strides = array<i32>} : memref<77x512xf32, #tpu.memory_space<vmem>>, vector<1x16xf32>,
      %get3A_86 = vector.shape_cast %get3A_85 : vector<1x16xf32> to vector<16xf32>
      %get3A_87 = arith.index_cast %scan3A_60 : i32 to index
      %get3A_88 = arith.constant 48 : index
      %get3A_89 = tpu.vector_load %arg7[%get3A_87, %get3A_88] {strides = array<i32>} : memref<77x512xf32, #tpu.memory_space<vmem>>, vector<1x16xf32>,
      %get3A_90 = vector.shape_cast %get3A_89 : vector<1x16xf32> to vector<16xf32>
      %get3A_91 = arith.index_cast %scan3A_60 : i32 to index
      %get3A_92 = arith.constant 64 : index
      %get3A_93 = tpu.vector_load %arg7[%get3A_91, %get3A_92] {strides = array<i32>} : memref<77x512xf32, #tpu.memory_space<vmem>>, vector<1x16xf32>,
      %get3A_94 = vector.shape_cast %get3A_93 : vector<1x16xf32> to vector<16xf32>
      %get3A_95 = arith.index_cast %scan3A_60 : i32 to index
      %get3A_96 = arith.constant 80 : index
      %get3A_97 = tpu.vector_load %arg7[%get3A_95, %get3A_96] {strides = array<i32>} : memref<77x512xf32, #tpu.memory_space<vmem>>, vector<1x16xf32>,
      %get3A_98 = vector.shape_cast %get3A_97 : vector<1x16xf32> to vector<16xf32>
      %get3A_99 = arith.index_cast %scan3A_60 : i32 to index
      %get3A_100 = arith.constant 96 : index
      %get3A_101 = tpu.vector_load %arg7[%get3A_99, %get3A_100] {strides = array<i32>} : memref<77x512xf32, #tpu.memory_space<vmem>>, vector<1x16xf32>,
      %get3A_102 = vector.shape_cast %get3A_101 : vector<1x16xf32> to vector<16xf32>
      %get3A_103 = arith.index_cast %scan3A_60 : i32 to index
      %get3A_104 = arith.constant 112 : index
      %get3A_105 = tpu.vector_load %arg7[%get3A_103, %get3A_104] {strides = array<i32>} : memref<77x512xf32, #tpu.memory_space<vmem>>, vector<1x16xf32>,
      %get3A_106 = vector.shape_cast %get3A_105 : vector<1x16xf32> to vector<16xf32>
      %scan3A_107 = arith.constant 0 : i32
      %scan3A_108 = arith.constant 0 : i32
      %scan3A_109 = arith.constant 32 : i32
      %scan3A_110 = arith.addi %scan3A_108, %scan3A_109 : i32
      %scan3A_111 = arith.constant 1 : i32
      scf.for %scan3A_877 = %scan3A_108 to %scan3A_110 step %scan3A_111  : i32 {
        %get3A_878 = arith.constant 0 : i32
        %get3A_879 = arith.index_cast %get3A_878 : i32 to index
        %get3A_880 = arith.index_cast %scan3A_877 : i32 to index
        %get3A_881 = arith.constant 0 : index
        %get3A_882 = tpu.vector_load %arg8[%get3A_879, %get3A_880, %get3A_881] {strides = array<i32>} : memref<4x32x512xf32, #tpu.memory_space<vmem>>, vector<1x1x16xf32>,
        %get3A_883 = vector.shape_cast %get3A_882 : vector<1x1x16xf32> to vector<16xf32>
        %add3A_884 = arith.addf %get3A_883, %get3A_78 : vector<16xf32>
        %swap3A = arith.constant 0 : i32
        %swap3A_885 = arith.index_cast %swap3A : i32 to index
        %swap3A_886 = arith.index_cast %scan3A_877 : i32 to index
        %swap3A_887 = arith.constant 0 : index
        %swap3A_888 = tpu.vector_load %arg8[%swap3A_885, %swap3A_886, %swap3A_887] {strides = array<i32>} : memref<4x32x512xf32, #tpu.memory_space<vmem>>, vector<1x1x16xf32>,
        %swap3A_889 = vector.shape_cast %swap3A_888 : vector<1x1x16xf32> to vector<16xf32>
        %swap3A_890 = vector.shape_cast %add3A_884 : vector<16xf32> to vector<1x1x16xf32>
        tpu.vector_store %arg8[%swap3A_885, %swap3A_886, %swap3A_887], %swap3A_890 {strides = array<i32>} : memref<4x32x512xf32, #tpu.memory_space<vmem>>, vector<1x1x16xf32>,
        %get3A_891 = arith.constant 0 : i32
        %get3A_892 = arith.index_cast %get3A_891 : i32 to index
        %get3A_893 = arith.index_cast %scan3A_877 : i32 to index
        %get3A_894 = arith.constant 16 : index
        %get3A_895 = tpu.vector_load %arg8[%get3A_892, %get3A_893, %get3A_894] {strides = array<i32>} : memref<4x32x512xf32, #tpu.memory_space<vmem>>, vector<1x1x16xf32>,
        %get3A_896 = vector.shape_cast %get3A_895 : vector<1x1x16xf32> to vector<16xf32>
        %add3A_897 = arith.addf %get3A_896, %get3A_82 : vector<16xf32>
        %swap3A_898 = arith.constant 0 : i32
        %swap3A_899 = arith.index_cast %swap3A_898 : i32 to index
        %swap3A_900 = arith.index_cast %scan3A_877 : i32 to index
        %swap3A_901 = arith.constant 16 : index
        %swap3A_902 = tpu.vector_load %arg8[%swap3A_899, %swap3A_900, %swap3A_901] {strides = array<i32>} : memref<4x32x512xf32, #tpu.memory_space<vmem>>, vector<1x1x16xf32>,
        %swap3A_903 = vector.shape_cast %swap3A_902 : vector<1x1x16xf32> to vector<16xf32>
        %swap3A_904 = vector.shape_cast %add3A_897 : vector<16xf32> to vector<1x1x16xf32>
        tpu.vector_store %arg8[%swap3A_899, %swap3A_900, %swap3A_901], %swap3A_904 {strides = array<i32>} : memref<4x32x512xf32, #tpu.memory_space<vmem>>, vector<1x1x16xf32>,
        %get3A_905 = arith.constant 0 : i32
        %get3A_906 = arith.index_cast %get3A_905 : i32 to index
        %get3A_907 = arith.index_cast %scan3A_877 : i32 to index
        %get3A_908 = arith.constant 32 : index
        %get3A_909 = tpu.vector_load %arg8[%get3A_906, %get3A_907, %get3A_908] {strides = array<i32>} : memref<4x32x512xf32, #tpu.memory_space<vmem>>, vector<1x1x16xf32>,
        %get3A_910 = vector.shape_cast %get3A_909 : vector<1x1x16xf32> to vector<16xf32>
        %add3A_911 = arith.addf %get3A_910, %get3A_86 : vector<16xf32>
        %swap3A_912 = arith.constant 0 : i32
        %swap3A_913 = arith.index_cast %swap3A_912 : i32 to index
        %swap3A_914 = arith.index_cast %scan3A_877 : i32 to index
        %swap3A_915 = arith.constant 32 : index
        %swap3A_916 = tpu.vector_load %arg8[%swap3A_913, %swap3A_914, %swap3A_915] {strides = array<i32>} : memref<4x32x512xf32, #tpu.memory_space<vmem>>, vector<1x1x16xf32>,
        %swap3A_917 = vector.shape_cast %swap3A_916 : vector<1x1x16xf32> to vector<16xf32>
        %swap3A_918 = vector.shape_cast %add3A_911 : vector<16xf32> to vector<1x1x16xf32>
        tpu.vector_store %arg8[%swap3A_913, %swap3A_914, %swap3A_915], %swap3A_918 {strides = array<i32>} : memref<4x32x512xf32, #tpu.memory_space<vmem>>, vector<1x1x16xf32>,
        %get3A_919 = arith.constant 0 : i32
        %get3A_920 = arith.index_cast %get3A_919 : i32 to index
        %get3A_921 = arith.index_cast %scan3A_877 : i32 to index
        %get3A_922 = arith.constant 48 : index
        %get3A_923 = tpu.vector_load %arg8[%get3A_920, %get3A_921, %get3A_922] {strides = array<i32>} : memref<4x32x512xf32, #tpu.memory_space<vmem>>, vector<1x1x16xf32>,
        %get3A_924 = vector.shape_cast %get3A_923 : vector<1x1x16xf32> to vector<16xf32>
        %add3A_925 = arith.addf %get3A_924, %get3A_90 : vector<16xf32>
        %swap3A_926 = arith.constant 0 : i32
        %swap3A_927 = arith.index_cast %swap3A_926 : i32 to index
        %swap3A_928 = arith.index_cast %scan3A_877 : i32 to index
        %swap3A_929 = arith.constant 48 : index
        %swap3A_930 = tpu.vector_load %arg8[%swap3A_927, %swap3A_928, %swap3A_929] {strides = array<i32>} : memref<4x32x512xf32, #tpu.memory_space<vmem>>, vector<1x1x16xf32>,
        %swap3A_931 = vector.shape_cast %swap3A_930 : vector<1x1x16xf32> to vector<16xf32>
        %swap3A_932 = vector.shape_cast %add3A_925 : vector<16xf32> to vector<1x1x16xf32>
        tpu.vector_store %arg8[%swap3A_927, %swap3A_928, %swap3A_929], %swap3A_932 {strides = array<i32>} : memref<4x32x512xf32, #tpu.memory_space<vmem>>, vector<1x1x16xf32>,
        %get3A_933 = arith.constant 0 : i32
        %get3A_934 = arith.index_cast %get3A_933 : i32 to index
        %get3A_935 = arith.index_cast %scan3A_877 : i32 to index
        %get3A_936 = arith.constant 64 : index
        %get3A_937 = tpu.vector_load %arg8[%get3A_934, %get3A_935, %get3A_936] {strides = array<i32>} : memref<4x32x512xf32, #tpu.memory_space<vmem>>, vector<1x1x16xf32>,
        %get3A_938 = vector.shape_cast %get3A_937 : vector<1x1x16xf32> to vector<16xf32>
        %add3A_939 = arith.addf %get3A_938, %get3A_94 : vector<16xf32>
        %swap3A_940 = arith.constant 0 : i32
        %swap3A_941 = arith.index_cast %swap3A_940 : i32 to index
        %swap3A_942 = arith.index_cast %scan3A_877 : i32 to index
        %swap3A_943 = arith.constant 64 : index
        %swap3A_944 = tpu.vector_load %arg8[%swap3A_941, %swap3A_942, %swap3A_943] {strides = array<i32>} : memref<4x32x512xf32, #tpu.memory_space<vmem>>, vector<1x1x16xf32>,
        %swap3A_945 = vector.shape_cast %swap3A_944 : vector<1x1x16xf32> to vector<16xf32>
        %swap3A_946 = vector.shape_cast %add3A_939 : vector<16xf32> to vector<1x1x16xf32>
        tpu.vector_store %arg8[%swap3A_941, %swap3A_942, %swap3A_943], %swap3A_946 {strides = array<i32>} : memref<4x32x512xf32, #tpu.memory_space<vmem>>, vector<1x1x16xf32>,
        %get3A_947 = arith.constant 0 : i32
        %get3A_948 = arith.index_cast %get3A_947 : i32 to index
        %get3A_949 = arith.index_cast %scan3A_877 : i32 to index
        %get3A_950 = arith.constant 80 : index
        %get3A_951 = tpu.vector_load %arg8[%get3A_948, %get3A_949, %get3A_950] {strides = array<i32>} : memref<4x32x512xf32, #tpu.memory_space<vmem>>, vector<1x1x16xf32>,
        %get3A_952 = vector.shape_cast %get3A_951 : vector<1x1x16xf32> to vector<16xf32>
        %add3A_953 = arith.addf %get3A_952, %get3A_98 : vector<16xf32>
        %swap3A_954 = arith.constant 0 : i32
        %swap3A_955 = arith.index_cast %swap3A_954 : i32 to index
        %swap3A_956 = arith.index_cast %scan3A_877 : i32 to index
        %swap3A_957 = arith.constant 80 : index
        %swap3A_958 = tpu.vector_load %arg8[%swap3A_955, %swap3A_956, %swap3A_957] {strides = array<i32>} : memref<4x32x512xf32, #tpu.memory_space<vmem>>, vector<1x1x16xf32>,
        %swap3A_959 = vector.shape_cast %swap3A_958 : vector<1x1x16xf32> to vector<16xf32>
        %swap3A_960 = vector.shape_cast %add3A_953 : vector<16xf32> to vector<1x1x16xf32>
        tpu.vector_store %arg8[%swap3A_955, %swap3A_956, %swap3A_957], %swap3A_960 {strides = array<i32>} : memref<4x32x512xf32, #tpu.memory_space<vmem>>, vector<1x1x16xf32>,
        %get3A_961 = arith.constant 0 : i32
        %get3A_962 = arith.index_cast %get3A_961 : i32 to index
        %get3A_963 = arith.index_cast %scan3A_877 : i32 to index
        %get3A_964 = arith.constant 96 : index
        %get3A_965 = tpu.vector_load %arg8[%get3A_962, %get3A_963, %get3A_964] {strides = array<i32>} : memref<4x32x512xf32, #tpu.memory_space<vmem>>, vector<1x1x16xf32>,
        %get3A_966 = vector.shape_cast %get3A_965 : vector<1x1x16xf32> to vector<16xf32>
        %add3A_967 = arith.addf %get3A_966, %get3A_102 : vector<16xf32>
        %swap3A_968 = arith.constant 0 : i32
        %swap3A_969 = arith.index_cast %swap3A_968 : i32 to index
        %swap3A_970 = arith.index_cast %scan3A_877 : i32 to index
        %swap3A_971 = arith.constant 96 : index
        %swap3A_972 = tpu.vector_load %arg8[%swap3A_969, %swap3A_970, %swap3A_971] {strides = array<i32>} : memref<4x32x512xf32, #tpu.memory_space<vmem>>, vector<1x1x16xf32>,
        %swap3A_973 = vector.shape_cast %swap3A_972 : vector<1x1x16xf32> to vector<16xf32>
        %swap3A_974 = vector.shape_cast %add3A_967 : vector<16xf32> to vector<1x1x16xf32>
        tpu.vector_store %arg8[%swap3A_969, %swap3A_970, %swap3A_971], %swap3A_974 {strides = array<i32>} : memref<4x32x512xf32, #tpu.memory_space<vmem>>, vector<1x1x16xf32>,
        %get3A_975 = arith.constant 0 : i32
        %get3A_976 = arith.index_cast %get3A_975 : i32 to index
        %get3A_977 = arith.index_cast %scan3A_877 : i32 to index
        %get3A_978 = arith.constant 112 : index
        %get3A_979 = tpu.vector_load %arg8[%get3A_976, %get3A_977, %get3A_978] {strides = array<i32>} : memref<4x32x512xf32, #tpu.memory_space<vmem>>, vector<1x1x16xf32>,
        %get3A_980 = vector.shape_cast %get3A_979 : vector<1x1x16xf32> to vector<16xf32>
        %add3A_981 = arith.addf %get3A_980, %get3A_106 : vector<16xf32>
        %swap3A_982 = arith.constant 0 : i32
        %swap3A_983 = arith.index_cast %swap3A_982 : i32 to index
        %swap3A_984 = arith.index_cast %scan3A_877 : i32 to index
        %swap3A_985 = arith.constant 112 : index
        %swap3A_986 = tpu.vector_load %arg8[%swap3A_983, %swap3A_984, %swap3A_985] {strides = array<i32>} : memref<4x32x512xf32, #tpu.memory_space<vmem>>, vector<1x1x16xf32>,
        %swap3A_987 = vector.shape_cast %swap3A_986 : vector<1x1x16xf32> to vector<16xf32>
        %swap3A_988 = vector.shape_cast %add3A_981 : vector<16xf32> to vector<1x1x16xf32>
        tpu.vector_store %arg8[%swap3A_983, %swap3A_984, %swap3A_985], %swap3A_988 {strides = array<i32>} : memref<4x32x512xf32, #tpu.memory_space<vmem>>, vector<1x1x16xf32>,
      }
      %scan3A_112 = arith.constant 32 : i32
      %get3A_113 = arith.index_cast %scan3A_60 : i32 to index
      %get3A_114 = arith.constant 128 : index
      %get3A_115 = tpu.vector_load %arg7[%get3A_113, %get3A_114] {strides = array<i32>} : memref<77x512xf32, #tpu.memory_space<vmem>>, vector<1x16xf32>,
      %get3A_116 = vector.shape_cast %get3A_115 : vector<1x16xf32> to vector<16xf32>
      %get3A_117 = arith.index_cast %scan3A_60 : i32 to index
      %get3A_118 = arith.constant 144 : index
      %get3A_119 = tpu.vector_load %arg7[%get3A_117, %get3A_118] {strides = array<i32>} : memref<77x512xf32, #tpu.memory_space<vmem>>, vector<1x16xf32>,
      %get3A_120 = vector.shape_cast %get3A_119 : vector<1x16xf32> to vector<16xf32>
      %get3A_121 = arith.index_cast %scan3A_60 : i32 to index
      %get3A_122 = arith.constant 160 : index
      %get3A_123 = tpu.vector_load %arg7[%get3A_121, %get3A_122] {strides = array<i32>} : memref<77x512xf32, #tpu.memory_space<vmem>>, vector<1x16xf32>,
      %get3A_124 = vector.shape_cast %get3A_123 : vector<1x16xf32> to vector<16xf32>
      %get3A_125 = arith.index_cast %scan3A_60 : i32 to index
      %get3A_126 = arith.constant 176 : index
      %get3A_127 = tpu.vector_load %arg7[%get3A_125, %get3A_126] {strides = array<i32>} : memref<77x512xf32, #tpu.memory_space<vmem>>, vector<1x16xf32>,
      %get3A_128 = vector.shape_cast %get3A_127 : vector<1x16xf32> to vector<16xf32>
      %get3A_129 = arith.index_cast %scan3A_60 : i32 to index
      %get3A_130 = arith.constant 192 : index
      %get3A_131 = tpu.vector_load %arg7[%get3A_129, %get3A_130] {strides = array<i32>} : memref<77x512xf32, #tpu.memory_space<vmem>>, vector<1x16xf32>,
      %get3A_132 = vector.shape_cast %get3A_131 : vector<1x16xf32> to vector<16xf32>
      %get3A_133 = arith.index_cast %scan3A_60 : i32 to index
      %get3A_134 = arith.constant 208 : index
      %get3A_135 = tpu.vector_load %arg7[%get3A_133, %get3A_134] {strides = array<i32>} : memref<77x512xf32, #tpu.memory_space<vmem>>, vector<1x16xf32>,
      %get3A_136 = vector.shape_cast %get3A_135 : vector<1x16xf32> to vector<16xf32>
      %get3A_137 = arith.index_cast %scan3A_60 : i32 to index
      %get3A_138 = arith.constant 224 : index
      %get3A_139 = tpu.vector_load %arg7[%get3A_137, %get3A_138] {strides = array<i32>} : memref<77x512xf32, #tpu.memory_space<vmem>>, vector<1x16xf32>,
      %get3A_140 = vector.shape_cast %get3A_139 : vector<1x16xf32> to vector<16xf32>
      %get3A_141 = arith.index_cast %scan3A_60 : i32 to index
      %get3A_142 = arith.constant 240 : index
      %get3A_143 = tpu.vector_load %arg7[%get3A_141, %get3A_142] {strides = array<i32>} : memref<77x512xf32, #tpu.memory_space<vmem>>, vector<1x16xf32>,
      %get3A_144 = vector.shape_cast %get3A_143 : vector<1x16xf32> to vector<16xf32>
      %scan3A_145 = arith.constant 0 : i32
      %scan3A_146 = arith.constant 0 : i32
      %scan3A_147 = arith.constant 32 : i32
      %scan3A_148 = arith.addi %scan3A_146, %scan3A_147 : i32
      %scan3A_149 = arith.constant 1 : i32
      scf.for %scan3A_877 = %scan3A_146 to %scan3A_148 step %scan3A_149  : i32 {
        %get3A_878 = arith.constant 0 : i32
        %get3A_879 = arith.index_cast %get3A_878 : i32 to index
        %get3A_880 = arith.index_cast %scan3A_877 : i32 to index
        %get3A_881 = arith.constant 128 : index
        %get3A_882 = tpu.vector_load %arg8[%get3A_879, %get3A_880, %get3A_881] {strides = array<i32>} : memref<4x32x512xf32, #tpu.memory_space<vmem>>, vector<1x1x16xf32>,
        %get3A_883 = vector.shape_cast %get3A_882 : vector<1x1x16xf32> to vector<16xf32>
        %add3A_884 = arith.addf %get3A_883, %get3A_116 : vector<16xf32>
        %swap3A = arith.constant 0 : i32
        %swap3A_885 = arith.index_cast %swap3A : i32 to index
        %swap3A_886 = arith.index_cast %scan3A_877 : i32 to index
        %swap3A_887 = arith.constant 128 : index
        %swap3A_888 = tpu.vector_load %arg8[%swap3A_885, %swap3A_886, %swap3A_887] {strides = array<i32>} : memref<4x32x512xf32, #tpu.memory_space<vmem>>, vector<1x1x16xf32>,
        %swap3A_889 = vector.shape_cast %swap3A_888 : vector<1x1x16xf32> to vector<16xf32>
        %swap3A_890 = vector.shape_cast %add3A_884 : vector<16xf32> to vector<1x1x16xf32>
        tpu.vector_store %arg8[%swap3A_885, %swap3A_886, %swap3A_887], %swap3A_890 {strides = array<i32>} : memref<4x32x512xf32, #tpu.memory_space<vmem>>, vector<1x1x16xf32>,
        %get3A_891 = arith.constant 0 : i32
        %get3A_892 = arith.index_cast %get3A_891 : i32 to index
        %get3A_893 = arith.index_cast %scan3A_877 : i32 to index
        %get3A_894 = arith.constant 144 : index
        %get3A_895 = tpu.vector_load %arg8[%get3A_892, %get3A_893, %get3A_894] {strides = array<i32>} : memref<4x32x512xf32, #tpu.memory_space<vmem>>, vector<1x1x16xf32>,
        %get3A_896 = vector.shape_cast %get3A_895 : vector<1x1x16xf32> to vector<16xf32>
        %add3A_897 = arith.addf %get3A_896, %get3A_120 : vector<16xf32>
        %swap3A_898 = arith.constant 0 : i32
        %swap3A_899 = arith.index_cast %swap3A_898 : i32 to index
        %swap3A_900 = arith.index_cast %scan3A_877 : i32 to index
        %swap3A_901 = arith.constant 144 : index
        %swap3A_902 = tpu.vector_load %arg8[%swap3A_899, %swap3A_900, %swap3A_901] {strides = array<i32>} : memref<4x32x512xf32, #tpu.memory_space<vmem>>, vector<1x1x16xf32>,
        %swap3A_903 = vector.shape_cast %swap3A_902 : vector<1x1x16xf32> to vector<16xf32>
        %swap3A_904 = vector.shape_cast %add3A_897 : vector<16xf32> to vector<1x1x16xf32>
        tpu.vector_store %arg8[%swap3A_899, %swap3A_900, %swap3A_901], %swap3A_904 {strides = array<i32>} : memref<4x32x512xf32, #tpu.memory_space<vmem>>, vector<1x1x16xf32>,
        %get3A_905 = arith.constant 0 : i32
        %get3A_906 = arith.index_cast %get3A_905 : i32 to index
        %get3A_907 = arith.index_cast %scan3A_877 : i32 to index
        %get3A_908 = arith.constant 160 : index
        %get3A_909 = tpu.vector_load %arg8[%get3A_906, %get3A_907, %get3A_908] {strides = array<i32>} : memref<4x32x512xf32, #tpu.memory_space<vmem>>, vector<1x1x16xf32>,
        %get3A_910 = vector.shape_cast %get3A_909 : vector<1x1x16xf32> to vector<16xf32>
        %add3A_911 = arith.addf %get3A_910, %get3A_124 : vector<16xf32>
        %swap3A_912 = arith.constant 0 : i32
        %swap3A_913 = arith.index_cast %swap3A_912 : i32 to index
        %swap3A_914 = arith.index_cast %scan3A_877 : i32 to index
        %swap3A_915 = arith.constant 160 : index
        %swap3A_916 = tpu.vector_load %arg8[%swap3A_913, %swap3A_914, %swap3A_915] {strides = array<i32>} : memref<4x32x512xf32, #tpu.memory_space<vmem>>, vector<1x1x16xf32>,
        %swap3A_917 = vector.shape_cast %swap3A_916 : vector<1x1x16xf32> to vector<16xf32>
        %swap3A_918 = vector.shape_cast %add3A_911 : vector<16xf32> to vector<1x1x16xf32>
        tpu.vector_store %arg8[%swap3A_913, %swap3A_914, %swap3A_915], %swap3A_918 {strides = array<i32>} : memref<4x32x512xf32, #tpu.memory_space<vmem>>, vector<1x1x16xf32>,
        %get3A_919 = arith.constant 0 : i32
        %get3A_920 = arith.index_cast %get3A_919 : i32 to index
        %get3A_921 = arith.index_cast %scan3A_877 : i32 to index
        %get3A_922 = arith.constant 176 : index
        %get3A_923 = tpu.vector_load %arg8[%get3A_920, %get3A_921, %get3A_922] {strides = array<i32>} : memref<4x32x512xf32, #tpu.memory_space<vmem>>, vector<1x1x16xf32>,
        %get3A_924 = vector.shape_cast %get3A_923 : vector<1x1x16xf32> to vector<16xf32>
        %add3A_925 = arith.addf %get3A_924, %get3A_128 : vector<16xf32>
        %swap3A_926 = arith.constant 0 : i32
        %swap3A_927 = arith.index_cast %swap3A_926 : i32 to index
        %swap3A_928 = arith.index_cast %scan3A_877 : i32 to index
        %swap3A_929 = arith.constant 176 : index
        %swap3A_930 = tpu.vector_load %arg8[%swap3A_927, %swap3A_928, %swap3A_929] {strides = array<i32>} : memref<4x32x512xf32, #tpu.memory_space<vmem>>, vector<1x1x16xf32>,
        %swap3A_931 = vector.shape_cast %swap3A_930 : vector<1x1x16xf32> to vector<16xf32>
        %swap3A_932 = vector.shape_cast %add3A_925 : vector<16xf32> to vector<1x1x16xf32>
        tpu.vector_store %arg8[%swap3A_927, %swap3A_928, %swap3A_929], %swap3A_932 {strides = array<i32>} : memref<4x32x512xf32, #tpu.memory_space<vmem>>, vector<1x1x16xf32>,
        %get3A_933 = arith.constant 0 : i32
        %get3A_934 = arith.index_cast %get3A_933 : i32 to index
        %get3A_935 = arith.index_cast %scan3A_877 : i32 to index
        %get3A_936 = arith.constant 192 : index
        %get3A_937 = tpu.vector_load %arg8[%get3A_934, %get3A_935, %get3A_936] {strides = array<i32>} : memref<4x32x512xf32, #tpu.memory_space<vmem>>, vector<1x1x16xf32>,
        %get3A_938 = vector.shape_cast %get3A_937 : vector<1x1x16xf32> to vector<16xf32>
        %add3A_939 = arith.addf %get3A_938, %get3A_132 : vector<16xf32>
        %swap3A_940 = arith.constant 0 : i32
        %swap3A_941 = arith.index_cast %swap3A_940 : i32 to index
        %swap3A_942 = arith.index_cast %scan3A_877 : i32 to index
        %swap3A_943 = arith.constant 192 : index
        %swap3A_944 = tpu.vector_load %arg8[%swap3A_941, %swap3A_942, %swap3A_943] {strides = array<i32>} : memref<4x32x512xf32, #tpu.memory_space<vmem>>, vector<1x1x16xf32>,
        %swap3A_945 = vector.shape_cast %swap3A_944 : vector<1x1x16xf32> to vector<16xf32>
        %swap3A_946 = vector.shape_cast %add3A_939 : vector<16xf32> to vector<1x1x16xf32>
        tpu.vector_store %arg8[%swap3A_941, %swap3A_942, %swap3A_943], %swap3A_946 {strides = array<i32>} : memref<4x32x512xf32, #tpu.memory_space<vmem>>, vector<1x1x16xf32>,
        %get3A_947 = arith.constant 0 : i32
        %get3A_948 = arith.index_cast %get3A_947 : i32 to index
        %get3A_949 = arith.index_cast %scan3A_877 : i32 to index
        %get3A_950 = arith.constant 208 : index
        %get3A_951 = tpu.vector_load %arg8[%get3A_948, %get3A_949, %get3A_950] {strides = array<i32>} : memref<4x32x512xf32, #tpu.memory_space<vmem>>, vector<1x1x16xf32>,
        %get3A_952 = vector.shape_cast %get3A_951 : vector<1x1x16xf32> to vector<16xf32>
        %add3A_953 = arith.addf %get3A_952, %get3A_136 : vector<16xf32>
        %swap3A_954 = arith.constant 0 : i32
        %swap3A_955 = arith.index_cast %swap3A_954 : i32 to index
        %swap3A_956 = arith.index_cast %scan3A_877 : i32 to index
        %swap3A_957 = arith.constant 208 : index
        %swap3A_958 = tpu.vector_load %arg8[%swap3A_955, %swap3A_956, %swap3A_957] {strides = array<i32>} : memref<4x32x512xf32, #tpu.memory_space<vmem>>, vector<1x1x16xf32>,
        %swap3A_959 = vector.shape_cast %swap3A_958 : vector<1x1x16xf32> to vector<16xf32>
        %swap3A_960 = vector.shape_cast %add3A_953 : vector<16xf32> to vector<1x1x16xf32>
        tpu.vector_store %arg8[%swap3A_955, %swap3A_956, %swap3A_957], %swap3A_960 {strides = array<i32>} : memref<4x32x512xf32, #tpu.memory_space<vmem>>, vector<1x1x16xf32>,
        %get3A_961 = arith.constant 0 : i32
        %get3A_962 = arith.index_cast %get3A_961 : i32 to index
        %get3A_963 = arith.index_cast %scan3A_877 : i32 to index
        %get3A_964 = arith.constant 224 : index
        %get3A_965 = tpu.vector_load %arg8[%get3A_962, %get3A_963, %get3A_964] {strides = array<i32>} : memref<4x32x512xf32, #tpu.memory_space<vmem>>, vector<1x1x16xf32>,
        %get3A_966 = vector.shape_cast %get3A_965 : vector<1x1x16xf32> to vector<16xf32>
        %add3A_967 = arith.addf %get3A_966, %get3A_140 : vector<16xf32>
        %swap3A_968 = arith.constant 0 : i32
        %swap3A_969 = arith.index_cast %swap3A_968 : i32 to index
        %swap3A_970 = arith.index_cast %scan3A_877 : i32 to index
        %swap3A_971 = arith.constant 224 : index
        %swap3A_972 = tpu.vector_load %arg8[%swap3A_969, %swap3A_970, %swap3A_971] {strides = array<i32>} : memref<4x32x512xf32, #tpu.memory_space<vmem>>, vector<1x1x16xf32>,
        %swap3A_973 = vector.shape_cast %swap3A_972 : vector<1x1x16xf32> to vector<16xf32>
        %swap3A_974 = vector.shape_cast %add3A_967 : vector<16xf32> to vector<1x1x16xf32>
        tpu.vector_store %arg8[%swap3A_969, %swap3A_970, %swap3A_971], %swap3A_974 {strides = array<i32>} : memref<4x32x512xf32, #tpu.memory_space<vmem>>, vector<1x1x16xf32>,
        %get3A_975 = arith.constant 0 : i32
        %get3A_976 = arith.index_cast %get3A_975 : i32 to index
        %get3A_977 = arith.index_cast %scan3A_877 : i32 to index
        %get3A_978 = arith.constant 240 : index
        %get3A_979 = tpu.vector_load %arg8[%get3A_976, %get3A_977, %get3A_978] {strides = array<i32>} : memref<4x32x512xf32, #tpu.memory_space<vmem>>, vector<1x1x16xf32>,
        %get3A_980 = vector.shape_cast %get3A_979 : vector<1x1x16xf32> to vector<16xf32>
        %add3A_981 = arith.addf %get3A_980, %get3A_144 : vector<16xf32>
        %swap3A_982 = arith.constant 0 : i32
        %swap3A_983 = arith.index_cast %swap3A_982 : i32 to index
        %swap3A_984 = arith.index_cast %scan3A_877 : i32 to index
        %swap3A_985 = arith.constant 240 : index
        %swap3A_986 = tpu.vector_load %arg8[%swap3A_983, %swap3A_984, %swap3A_985] {strides = array<i32>} : memref<4x32x512xf32, #tpu.memory_space<vmem>>, vector<1x1x16xf32>,
        %swap3A_987 = vector.shape_cast %swap3A_986 : vector<1x1x16xf32> to vector<16xf32>
        %swap3A_988 = vector.shape_cast %add3A_981 : vector<16xf32> to vector<1x1x16xf32>
        tpu.vector_store %arg8[%swap3A_983, %swap3A_984, %swap3A_985], %swap3A_988 {strides = array<i32>} : memref<4x32x512xf32, #tpu.memory_space<vmem>>, vector<1x1x16xf32>,
      }
      %scan3A_150 = arith.constant 32 : i32
      %get3A_151 = arith.index_cast %scan3A_60 : i32 to index
      %get3A_152 = arith.constant 256 : index
      %get3A_153 = tpu.vector_load %arg7[%get3A_151, %get3A_152] {strides = array<i32>} : memref<77x512xf32, #tpu.memory_space<vmem>>, vector<1x16xf32>,
      %get3A_154 = vector.shape_cast %get3A_153 : vector<1x16xf32> to vector<16xf32>
      %get3A_155 = arith.index_cast %scan3A_60 : i32 to index
      %get3A_156 = arith.constant 272 : index
      %get3A_157 = tpu.vector_load %arg7[%get3A_155, %get3A_156] {strides = array<i32>} : memref<77x512xf32, #tpu.memory_space<vmem>>, vector<1x16xf32>,
      %get3A_158 = vector.shape_cast %get3A_157 : vector<1x16xf32> to vector<16xf32>
      %get3A_159 = arith.index_cast %scan3A_60 : i32 to index
      %get3A_160 = arith.constant 288 : index
      %get3A_161 = tpu.vector_load %arg7[%get3A_159, %get3A_160] {strides = array<i32>} : memref<77x512xf32, #tpu.memory_space<vmem>>, vector<1x16xf32>,
      %get3A_162 = vector.shape_cast %get3A_161 : vector<1x16xf32> to vector<16xf32>
      %get3A_163 = arith.index_cast %scan3A_60 : i32 to index
      %get3A_164 = arith.constant 304 : index
      %get3A_165 = tpu.vector_load %arg7[%get3A_163, %get3A_164] {strides = array<i32>} : memref<77x512xf32, #tpu.memory_space<vmem>>, vector<1x16xf32>,
      %get3A_166 = vector.shape_cast %get3A_165 : vector<1x16xf32> to vector<16xf32>
      %get3A_167 = arith.index_cast %scan3A_60 : i32 to index
      %get3A_168 = arith.constant 320 : index
      %get3A_169 = tpu.vector_load %arg7[%get3A_167, %get3A_168] {strides = array<i32>} : memref<77x512xf32, #tpu.memory_space<vmem>>, vector<1x16xf32>,
      %get3A_170 = vector.shape_cast %get3A_169 : vector<1x16xf32> to vector<16xf32>
      %get3A_171 = arith.index_cast %scan3A_60 : i32 to index
      %get3A_172 = arith.constant 336 : index
      %get3A_173 = tpu.vector_load %arg7[%get3A_171, %get3A_172] {strides = array<i32>} : memref<77x512xf32, #tpu.memory_space<vmem>>, vector<1x16xf32>,
      %get3A_174 = vector.shape_cast %get3A_173 : vector<1x16xf32> to vector<16xf32>
      %get3A_175 = arith.index_cast %scan3A_60 : i32 to index
      %get3A_176 = arith.constant 352 : index
      %get3A_177 = tpu.vector_load %arg7[%get3A_175, %get3A_176] {strides = array<i32>} : memref<77x512xf32, #tpu.memory_space<vmem>>, vector<1x16xf32>,
      %get3A_178 = vector.shape_cast %get3A_177 : vector<1x16xf32> to vector<16xf32>
      %get3A_179 = arith.index_cast %scan3A_60 : i32 to index
      %get3A_180 = arith.constant 368 : index
      %get3A_181 = tpu.vector_load %arg7[%get3A_179, %get3A_180] {strides = array<i32>} : memref<77x512xf32, #tpu.memory_space<vmem>>, vector<1x16xf32>,
      %get3A_182 = vector.shape_cast %get3A_181 : vector<1x16xf32> to vector<16xf32>
      %scan3A_183 = arith.constant 0 : i32
      %scan3A_184 = arith.constant 0 : i32
      %scan3A_185 = arith.constant 32 : i32
      %scan3A_186 = arith.addi %scan3A_184, %scan3A_185 : i32
      %scan3A_187 = arith.constant 1 : i32
      scf.for %scan3A_877 = %scan3A_184 to %scan3A_186 step %scan3A_187  : i32 {
        %get3A_878 = arith.constant 0 : i32
        %get3A_879 = arith.index_cast %get3A_878 : i32 to index
        %get3A_880 = arith.index_cast %scan3A_877 : i32 to index
        %get3A_881 = arith.constant 256 : index
        %get3A_882 = tpu.vector_load %arg8[%get3A_879, %get3A_880, %get3A_881] {strides = array<i32>} : memref<4x32x512xf32, #tpu.memory_space<vmem>>, vector<1x1x16xf32>,
        %get3A_883 = vector.shape_cast %get3A_882 : vector<1x1x16xf32> to vector<16xf32>
        %add3A_884 = arith.addf %get3A_883, %get3A_154 : vector<16xf32>
        %swap3A = arith.constant 0 : i32
        %swap3A_885 = arith.index_cast %swap3A : i32 to index
        %swap3A_886 = arith.index_cast %scan3A_877 : i32 to index
        %swap3A_887 = arith.constant 256 : index
        %swap3A_888 = tpu.vector_load %arg8[%swap3A_885, %swap3A_886, %swap3A_887] {strides = array<i32>} : memref<4x32x512xf32, #tpu.memory_space<vmem>>, vector<1x1x16xf32>,
        %swap3A_889 = vector.shape_cast %swap3A_888 : vector<1x1x16xf32> to vector<16xf32>
        %swap3A_890 = vector.shape_cast %add3A_884 : vector<16xf32> to vector<1x1x16xf32>
        tpu.vector_store %arg8[%swap3A_885, %swap3A_886, %swap3A_887], %swap3A_890 {strides = array<i32>} : memref<4x32x512xf32, #tpu.memory_space<vmem>>, vector<1x1x16xf32>,
        %get3A_891 = arith.constant 0 : i32
        %get3A_892 = arith.index_cast %get3A_891 : i32 to index
        %get3A_893 = arith.index_cast %scan3A_877 : i32 to index
        %get3A_894 = arith.constant 272 : index
        %get3A_895 = tpu.vector_load %arg8[%get3A_892, %get3A_893, %get3A_894] {strides = array<i32>} : memref<4x32x512xf32, #tpu.memory_space<vmem>>, vector<1x1x16xf32>,
        %get3A_896 = vector.shape_cast %get3A_895 : vector<1x1x16xf32> to vector<16xf32>
        %add3A_897 = arith.addf %get3A_896, %get3A_158 : vector<16xf32>
        %swap3A_898 = arith.constant 0 : i32
        %swap3A_899 = arith.index_cast %swap3A_898 : i32 to index
        %swap3A_900 = arith.index_cast %scan3A_877 : i32 to index
        %swap3A_901 = arith.constant 272 : index
        %swap3A_902 = tpu.vector_load %arg8[%swap3A_899, %swap3A_900, %swap3A_901] {strides = array<i32>} : memref<4x32x512xf32, #tpu.memory_space<vmem>>, vector<1x1x16xf32>,
        %swap3A_903 = vector.shape_cast %swap3A_902 : vector<1x1x16xf32> to vector<16xf32>
        %swap3A_904 = vector.shape_cast %add3A_897 : vector<16xf32> to vector<1x1x16xf32>
        tpu.vector_store %arg8[%swap3A_899, %swap3A_900, %swap3A_901], %swap3A_904 {strides = array<i32>} : memref<4x32x512xf32, #tpu.memory_space<vmem>>, vector<1x1x16xf32>,
        %get3A_905 = arith.constant 0 : i32
        %get3A_906 = arith.index_cast %get3A_905 : i32 to index
        %get3A_907 = arith.index_cast %scan3A_877 : i32 to index
        %get3A_908 = arith.constant 288 : index
        %get3A_909 = tpu.vector_load %arg8[%get3A_906, %get3A_907, %get3A_908] {strides = array<i32>} : memref<4x32x512xf32, #tpu.memory_space<vmem>>, vector<1x1x16xf32>,
        %get3A_910 = vector.shape_cast %get3A_909 : vector<1x1x16xf32> to vector<16xf32>
        %add3A_911 = arith.addf %get3A_910, %get3A_162 : vector<16xf32>
        %swap3A_912 = arith.constant 0 : i32
        %swap3A_913 = arith.index_cast %swap3A_912 : i32 to index
        %swap3A_914 = arith.index_cast %scan3A_877 : i32 to index
        %swap3A_915 = arith.constant 288 : index
        %swap3A_916 = tpu.vector_load %arg8[%swap3A_913, %swap3A_914, %swap3A_915] {strides = array<i32>} : memref<4x32x512xf32, #tpu.memory_space<vmem>>, vector<1x1x16xf32>,
        %swap3A_917 = vector.shape_cast %swap3A_916 : vector<1x1x16xf32> to vector<16xf32>
        %swap3A_918 = vector.shape_cast %add3A_911 : vector<16xf32> to vector<1x1x16xf32>
        tpu.vector_store %arg8[%swap3A_913, %swap3A_914, %swap3A_915], %swap3A_918 {strides = array<i32>} : memref<4x32x512xf32, #tpu.memory_space<vmem>>, vector<1x1x16xf32>,
        %get3A_919 = arith.constant 0 : i32
        %get3A_920 = arith.index_cast %get3A_919 : i32 to index
        %get3A_921 = arith.index_cast %scan3A_877 : i32 to index
        %get3A_922 = arith.constant 304 : index
        %get3A_923 = tpu.vector_load %arg8[%get3A_920, %get3A_921, %get3A_922] {strides = array<i32>} : memref<4x32x512xf32, #tpu.memory_space<vmem>>, vector<1x1x16xf32>,
        %get3A_924 = vector.shape_cast %get3A_923 : vector<1x1x16xf32> to vector<16xf32>
        %add3A_925 = arith.addf %get3A_924, %get3A_166 : vector<16xf32>
        %swap3A_926 = arith.constant 0 : i32
        %swap3A_927 = arith.index_cast %swap3A_926 : i32 to index
        %swap3A_928 = arith.index_cast %scan3A_877 : i32 to index
        %swap3A_929 = arith.constant 304 : index
        %swap3A_930 = tpu.vector_load %arg8[%swap3A_927, %swap3A_928, %swap3A_929] {strides = array<i32>} : memref<4x32x512xf32, #tpu.memory_space<vmem>>, vector<1x1x16xf32>,
        %swap3A_931 = vector.shape_cast %swap3A_930 : vector<1x1x16xf32> to vector<16xf32>
        %swap3A_932 = vector.shape_cast %add3A_925 : vector<16xf32> to vector<1x1x16xf32>
        tpu.vector_store %arg8[%swap3A_927, %swap3A_928, %swap3A_929], %swap3A_932 {strides = array<i32>} : memref<4x32x512xf32, #tpu.memory_space<vmem>>, vector<1x1x16xf32>,
        %get3A_933 = arith.constant 0 : i32
        %get3A_934 = arith.index_cast %get3A_933 : i32 to index
        %get3A_935 = arith.index_cast %scan3A_877 : i32 to index
        %get3A_936 = arith.constant 320 : index
        %get3A_937 = tpu.vector_load %arg8[%get3A_934, %get3A_935, %get3A_936] {strides = array<i32>} : memref<4x32x512xf32, #tpu.memory_space<vmem>>, vector<1x1x16xf32>,
        %get3A_938 = vector.shape_cast %get3A_937 : vector<1x1x16xf32> to vector<16xf32>
        %add3A_939 = arith.addf %get3A_938, %get3A_170 : vector<16xf32>
        %swap3A_940 = arith.constant 0 : i32
        %swap3A_941 = arith.index_cast %swap3A_940 : i32 to index
        %swap3A_942 = arith.index_cast %scan3A_877 : i32 to index
        %swap3A_943 = arith.constant 320 : index
        %swap3A_944 = tpu.vector_load %arg8[%swap3A_941, %swap3A_942, %swap3A_943] {strides = array<i32>} : memref<4x32x512xf32, #tpu.memory_space<vmem>>, vector<1x1x16xf32>,
        %swap3A_945 = vector.shape_cast %swap3A_944 : vector<1x1x16xf32> to vector<16xf32>
        %swap3A_946 = vector.shape_cast %add3A_939 : vector<16xf32> to vector<1x1x16xf32>
        tpu.vector_store %arg8[%swap3A_941, %swap3A_942, %swap3A_943], %swap3A_946 {strides = array<i32>} : memref<4x32x512xf32, #tpu.memory_space<vmem>>, vector<1x1x16xf32>,
        %get3A_947 = arith.constant 0 : i32
        %get3A_948 = arith.index_cast %get3A_947 : i32 to index
        %get3A_949 = arith.index_cast %scan3A_877 : i32 to index
        %get3A_950 = arith.constant 336 : index
        %get3A_951 = tpu.vector_load %arg8[%get3A_948, %get3A_949, %get3A_950] {strides = array<i32>} : memref<4x32x512xf32, #tpu.memory_space<vmem>>, vector<1x1x16xf32>,
        %get3A_952 = vector.shape_cast %get3A_951 : vector<1x1x16xf32> to vector<16xf32>
        %add3A_953 = arith.addf %get3A_952, %get3A_174 : vector<16xf32>
        %swap3A_954 = arith.constant 0 : i32
        %swap3A_955 = arith.index_cast %swap3A_954 : i32 to index
        %swap3A_956 = arith.index_cast %scan3A_877 : i32 to index
        %swap3A_957 = arith.constant 336 : index
        %swap3A_958 = tpu.vector_load %arg8[%swap3A_955, %swap3A_956, %swap3A_957] {strides = array<i32>} : memref<4x32x512xf32, #tpu.memory_space<vmem>>, vector<1x1x16xf32>,
        %swap3A_959 = vector.shape_cast %swap3A_958 : vector<1x1x16xf32> to vector<16xf32>
        %swap3A_960 = vector.shape_cast %add3A_953 : vector<16xf32> to vector<1x1x16xf32>
        tpu.vector_store %arg8[%swap3A_955, %swap3A_956, %swap3A_957], %swap3A_960 {strides = array<i32>} : memref<4x32x512xf32, #tpu.memory_space<vmem>>, vector<1x1x16xf32>,
        %get3A_961 = arith.constant 0 : i32
        %get3A_962 = arith.index_cast %get3A_961 : i32 to index
        %get3A_963 = arith.index_cast %scan3A_877 : i32 to index
        %get3A_964 = arith.constant 352 : index
        %get3A_965 = tpu.vector_load %arg8[%get3A_962, %get3A_963, %get3A_964] {strides = array<i32>} : memref<4x32x512xf32, #tpu.memory_space<vmem>>, vector<1x1x16xf32>,
        %get3A_966 = vector.shape_cast %get3A_965 : vector<1x1x16xf32> to vector<16xf32>
        %add3A_967 = arith.addf %get3A_966, %get3A_178 : vector<16xf32>
        %swap3A_968 = arith.constant 0 : i32
        %swap3A_969 = arith.index_cast %swap3A_968 : i32 to index
        %swap3A_970 = arith.index_cast %scan3A_877 : i32 to index
        %swap3A_971 = arith.constant 352 : index
        %swap3A_972 = tpu.vector_load %arg8[%swap3A_969, %swap3A_970, %swap3A_971] {strides = array<i32>} : memref<4x32x512xf32, #tpu.memory_space<vmem>>, vector<1x1x16xf32>,
        %swap3A_973 = vector.shape_cast %swap3A_972 : vector<1x1x16xf32> to vector<16xf32>
        %swap3A_974 = vector.shape_cast %add3A_967 : vector<16xf32> to vector<1x1x16xf32>
        tpu.vector_store %arg8[%swap3A_969, %swap3A_970, %swap3A_971], %swap3A_974 {strides = array<i32>} : memref<4x32x512xf32, #tpu.memory_space<vmem>>, vector<1x1x16xf32>,
        %get3A_975 = arith.constant 0 : i32
        %get3A_976 = arith.index_cast %get3A_975 : i32 to index
        %get3A_977 = arith.index_cast %scan3A_877 : i32 to index
        %get3A_978 = arith.constant 368 : index
        %get3A_979 = tpu.vector_load %arg8[%get3A_976, %get3A_977, %get3A_978] {strides = array<i32>} : memref<4x32x512xf32, #tpu.memory_space<vmem>>, vector<1x1x16xf32>,
        %get3A_980 = vector.shape_cast %get3A_979 : vector<1x1x16xf32> to vector<16xf32>
        %add3A_981 = arith.addf %get3A_980, %get3A_182 : vector<16xf32>
        %swap3A_982 = arith.constant 0 : i32
        %swap3A_983 = arith.index_cast %swap3A_982 : i32 to index
        %swap3A_984 = arith.index_cast %scan3A_877 : i32 to index
        %swap3A_985 = arith.constant 368 : index
        %swap3A_986 = tpu.vector_load %arg8[%swap3A_983, %swap3A_984, %swap3A_985] {strides = array<i32>} : memref<4x32x512xf32, #tpu.memory_space<vmem>>, vector<1x1x16xf32>,
        %swap3A_987 = vector.shape_cast %swap3A_986 : vector<1x1x16xf32> to vector<16xf32>
        %swap3A_988 = vector.shape_cast %add3A_981 : vector<16xf32> to vector<1x1x16xf32>
        tpu.vector_store %arg8[%swap3A_983, %swap3A_984, %swap3A_985], %swap3A_988 {strides = array<i32>} : memref<4x32x512xf32, #tpu.memory_space<vmem>>, vector<1x1x16xf32>,
      }
      %scan3A_188 = arith.constant 32 : i32
      %get3A_189 = arith.index_cast %scan3A_60 : i32 to index
      %get3A_190 = arith.constant 384 : index
      %get3A_191 = tpu.vector_load %arg7[%get3A_189, %get3A_190] {strides = array<i32>} : memref<77x512xf32, #tpu.memory_space<vmem>>, vector<1x16xf32>,
      %get3A_192 = vector.shape_cast %get3A_191 : vector<1x16xf32> to vector<16xf32>
      %get3A_193 = arith.index_cast %scan3A_60 : i32 to index
      %get3A_194 = arith.constant 400 : index
      %get3A_195 = tpu.vector_load %arg7[%get3A_193, %get3A_194] {strides = array<i32>} : memref<77x512xf32, #tpu.memory_space<vmem>>, vector<1x16xf32>,
      %get3A_196 = vector.shape_cast %get3A_195 : vector<1x16xf32> to vector<16xf32>
      %get3A_197 = arith.index_cast %scan3A_60 : i32 to index
      %get3A_198 = arith.constant 416 : index
      %get3A_199 = tpu.vector_load %arg7[%get3A_197, %get3A_198] {strides = array<i32>} : memref<77x512xf32, #tpu.memory_space<vmem>>, vector<1x16xf32>,
      %get3A_200 = vector.shape_cast %get3A_199 : vector<1x16xf32> to vector<16xf32>
      %get3A_201 = arith.index_cast %scan3A_60 : i32 to index
      %get3A_202 = arith.constant 432 : index
      %get3A_203 = tpu.vector_load %arg7[%get3A_201, %get3A_202] {strides = array<i32>} : memref<77x512xf32, #tpu.memory_space<vmem>>, vector<1x16xf32>,
      %get3A_204 = vector.shape_cast %get3A_203 : vector<1x16xf32> to vector<16xf32>
      %get3A_205 = arith.index_cast %scan3A_60 : i32 to index
      %get3A_206 = arith.constant 448 : index
      %get3A_207 = tpu.vector_load %arg7[%get3A_205, %get3A_206] {strides = array<i32>} : memref<77x512xf32, #tpu.memory_space<vmem>>, vector<1x16xf32>,
      %get3A_208 = vector.shape_cast %get3A_207 : vector<1x16xf32> to vector<16xf32>
      %get3A_209 = arith.index_cast %scan3A_60 : i32 to index
      %get3A_210 = arith.constant 464 : index
      %get3A_211 = tpu.vector_load %arg7[%get3A_209, %get3A_210] {strides = array<i32>} : memref<77x512xf32, #tpu.memory_space<vmem>>, vector<1x16xf32>,
      %get3A_212 = vector.shape_cast %get3A_211 : vector<1x16xf32> to vector<16xf32>
      %get3A_213 = arith.index_cast %scan3A_60 : i32 to index
      %get3A_214 = arith.constant 480 : index
      %get3A_215 = tpu.vector_load %arg7[%get3A_213, %get3A_214] {strides = array<i32>} : memref<77x512xf32, #tpu.memory_space<vmem>>, vector<1x16xf32>,
      %get3A_216 = vector.shape_cast %get3A_215 : vector<1x16xf32> to vector<16xf32>
      %get3A_217 = arith.index_cast %scan3A_60 : i32 to index
      %get3A_218 = arith.constant 496 : index
      %get3A_219 = tpu.vector_load %arg7[%get3A_217, %get3A_218] {strides = array<i32>} : memref<77x512xf32, #tpu.memory_space<vmem>>, vector<1x16xf32>,
      %get3A_220 = vector.shape_cast %get3A_219 : vector<1x16xf32> to vector<16xf32>
      %scan3A_221 = arith.constant 0 : i32
      %scan3A_222 = arith.constant 0 : i32
      %scan3A_223 = arith.constant 32 : i32
      %scan3A_224 = arith.addi %scan3A_222, %scan3A_223 : i32
      %scan3A_225 = arith.constant 1 : i32
      scf.for %scan3A_877 = %scan3A_222 to %scan3A_224 step %scan3A_225  : i32 {
        %get3A_878 = arith.constant 0 : i32
        %get3A_879 = arith.index_cast %get3A_878 : i32 to index
        %get3A_880 = arith.index_cast %scan3A_877 : i32 to index
        %get3A_881 = arith.constant 384 : index
        %get3A_882 = tpu.vector_load %arg8[%get3A_879, %get3A_880, %get3A_881] {strides = array<i32>} : memref<4x32x512xf32, #tpu.memory_space<vmem>>, vector<1x1x16xf32>,
        %get3A_883 = vector.shape_cast %get3A_882 : vector<1x1x16xf32> to vector<16xf32>
        %add3A_884 = arith.addf %get3A_883, %get3A_192 : vector<16xf32>
        %swap3A = arith.constant 0 : i32
        %swap3A_885 = arith.index_cast %swap3A : i32 to index
        %swap3A_886 = arith.index_cast %scan3A_877 : i32 to index
        %swap3A_887 = arith.constant 384 : index
        %swap3A_888 = tpu.vector_load %arg8[%swap3A_885, %swap3A_886, %swap3A_887] {strides = array<i32>} : memref<4x32x512xf32, #tpu.memory_space<vmem>>, vector<1x1x16xf32>,
        %swap3A_889 = vector.shape_cast %swap3A_888 : vector<1x1x16xf32> to vector<16xf32>
        %swap3A_890 = vector.shape_cast %add3A_884 : vector<16xf32> to vector<1x1x16xf32>
        tpu.vector_store %arg8[%swap3A_885, %swap3A_886, %swap3A_887], %swap3A_890 {strides = array<i32>} : memref<4x32x512xf32, #tpu.memory_space<vmem>>, vector<1x1x16xf32>,
        %get3A_891 = arith.constant 0 : i32
        %get3A_892 = arith.index_cast %get3A_891 : i32 to index
        %get3A_893 = arith.index_cast %scan3A_877 : i32 to index
        %get3A_894 = arith.constant 400 : index
        %get3A_895 = tpu.vector_load %arg8[%get3A_892, %get3A_893, %get3A_894] {strides = array<i32>} : memref<4x32x512xf32, #tpu.memory_space<vmem>>, vector<1x1x16xf32>,
        %get3A_896 = vector.shape_cast %get3A_895 : vector<1x1x16xf32> to vector<16xf32>
        %add3A_897 = arith.addf %get3A_896, %get3A_196 : vector<16xf32>
        %swap3A_898 = arith.constant 0 : i32
        %swap3A_899 = arith.index_cast %swap3A_898 : i32 to index
        %swap3A_900 = arith.index_cast %scan3A_877 : i32 to index
        %swap3A_901 = arith.constant 400 : index
        %swap3A_902 = tpu.vector_load %arg8[%swap3A_899, %swap3A_900, %swap3A_901] {strides = array<i32>} : memref<4x32x512xf32, #tpu.memory_space<vmem>>, vector<1x1x16xf32>,
        %swap3A_903 = vector.shape_cast %swap3A_902 : vector<1x1x16xf32> to vector<16xf32>
        %swap3A_904 = vector.shape_cast %add3A_897 : vector<16xf32> to vector<1x1x16xf32>
        tpu.vector_store %arg8[%swap3A_899, %swap3A_900, %swap3A_901], %swap3A_904 {strides = array<i32>} : memref<4x32x512xf32, #tpu.memory_space<vmem>>, vector<1x1x16xf32>,
        %get3A_905 = arith.constant 0 : i32
        %get3A_906 = arith.index_cast %get3A_905 : i32 to index
        %get3A_907 = arith.index_cast %scan3A_877 : i32 to index
        %get3A_908 = arith.constant 416 : index
        %get3A_909 = tpu.vector_load %arg8[%get3A_906, %get3A_907, %get3A_908] {strides = array<i32>} : memref<4x32x512xf32, #tpu.memory_space<vmem>>, vector<1x1x16xf32>,
        %get3A_910 = vector.shape_cast %get3A_909 : vector<1x1x16xf32> to vector<16xf32>
        %add3A_911 = arith.addf %get3A_910, %get3A_200 : vector<16xf32>
        %swap3A_912 = arith.constant 0 : i32
        %swap3A_913 = arith.index_cast %swap3A_912 : i32 to index
        %swap3A_914 = arith.index_cast %scan3A_877 : i32 to index
        %swap3A_915 = arith.constant 416 : index
        %swap3A_916 = tpu.vector_load %arg8[%swap3A_913, %swap3A_914, %swap3A_915] {strides = array<i32>} : memref<4x32x512xf32, #tpu.memory_space<vmem>>, vector<1x1x16xf32>,
        %swap3A_917 = vector.shape_cast %swap3A_916 : vector<1x1x16xf32> to vector<16xf32>
        %swap3A_918 = vector.shape_cast %add3A_911 : vector<16xf32> to vector<1x1x16xf32>
        tpu.vector_store %arg8[%swap3A_913, %swap3A_914, %swap3A_915], %swap3A_918 {strides = array<i32>} : memref<4x32x512xf32, #tpu.memory_space<vmem>>, vector<1x1x16xf32>,
        %get3A_919 = arith.constant 0 : i32
        %get3A_920 = arith.index_cast %get3A_919 : i32 to index
        %get3A_921 = arith.index_cast %scan3A_877 : i32 to index
        %get3A_922 = arith.constant 432 : index
        %get3A_923 = tpu.vector_load %arg8[%get3A_920, %get3A_921, %get3A_922] {strides = array<i32>} : memref<4x32x512xf32, #tpu.memory_space<vmem>>, vector<1x1x16xf32>,
        %get3A_924 = vector.shape_cast %get3A_923 : vector<1x1x16xf32> to vector<16xf32>
        %add3A_925 = arith.addf %get3A_924, %get3A_204 : vector<16xf32>
        %swap3A_926 = arith.constant 0 : i32
        %swap3A_927 = arith.index_cast %swap3A_926 : i32 to index
        %swap3A_928 = arith.index_cast %scan3A_877 : i32 to index
        %swap3A_929 = arith.constant 432 : index
        %swap3A_930 = tpu.vector_load %arg8[%swap3A_927, %swap3A_928, %swap3A_929] {strides = array<i32>} : memref<4x32x512xf32, #tpu.memory_space<vmem>>, vector<1x1x16xf32>,
        %swap3A_931 = vector.shape_cast %swap3A_930 : vector<1x1x16xf32> to vector<16xf32>
        %swap3A_932 = vector.shape_cast %add3A_925 : vector<16xf32> to vector<1x1x16xf32>
        tpu.vector_store %arg8[%swap3A_927, %swap3A_928, %swap3A_929], %swap3A_932 {strides = array<i32>} : memref<4x32x512xf32, #tpu.memory_space<vmem>>, vector<1x1x16xf32>,
        %get3A_933 = arith.constant 0 : i32
        %get3A_934 = arith.index_cast %get3A_933 : i32 to index
        %get3A_935 = arith.index_cast %scan3A_877 : i32 to index
        %get3A_936 = arith.constant 448 : index
        %get3A_937 = tpu.vector_load %arg8[%get3A_934, %get3A_935, %get3A_936] {strides = array<i32>} : memref<4x32x512xf32, #tpu.memory_space<vmem>>, vector<1x1x16xf32>,
        %get3A_938 = vector.shape_cast %get3A_937 : vector<1x1x16xf32> to vector<16xf32>
        %add3A_939 = arith.addf %get3A_938, %get3A_208 : vector<16xf32>
        %swap3A_940 = arith.constant 0 : i32
        %swap3A_941 = arith.index_cast %swap3A_940 : i32 to index
        %swap3A_942 = arith.index_cast %scan3A_877 : i32 to index
        %swap3A_943 = arith.constant 448 : index
        %swap3A_944 = tpu.vector_load %arg8[%swap3A_941, %swap3A_942, %swap3A_943] {strides = array<i32>} : memref<4x32x512xf32, #tpu.memory_space<vmem>>, vector<1x1x16xf32>,
        %swap3A_945 = vector.shape_cast %swap3A_944 : vector<1x1x16xf32> to vector<16xf32>
        %swap3A_946 = vector.shape_cast %add3A_939 : vector<16xf32> to vector<1x1x16xf32>
        tpu.vector_store %arg8[%swap3A_941, %swap3A_942, %swap3A_943], %swap3A_946 {strides = array<i32>} : memref<4x32x512xf32, #tpu.memory_space<vmem>>, vector<1x1x16xf32>,
        %get3A_947 = arith.constant 0 : i32
        %get3A_948 = arith.index_cast %get3A_947 : i32 to index
        %get3A_949 = arith.index_cast %scan3A_877 : i32 to index
        %get3A_950 = arith.constant 464 : index
        %get3A_951 = tpu.vector_load %arg8[%get3A_948, %get3A_949, %get3A_950] {strides = array<i32>} : memref<4x32x512xf32, #tpu.memory_space<vmem>>, vector<1x1x16xf32>,
        %get3A_952 = vector.shape_cast %get3A_951 : vector<1x1x16xf32> to vector<16xf32>
        %add3A_953 = arith.addf %get3A_952, %get3A_212 : vector<16xf32>
        %swap3A_954 = arith.constant 0 : i32
        %swap3A_955 = arith.index_cast %swap3A_954 : i32 to index
        %swap3A_956 = arith.index_cast %scan3A_877 : i32 to index
        %swap3A_957 = arith.constant 464 : index
        %swap3A_958 = tpu.vector_load %arg8[%swap3A_955, %swap3A_956, %swap3A_957] {strides = array<i32>} : memref<4x32x512xf32, #tpu.memory_space<vmem>>, vector<1x1x16xf32>,
        %swap3A_959 = vector.shape_cast %swap3A_958 : vector<1x1x16xf32> to vector<16xf32>
        %swap3A_960 = vector.shape_cast %add3A_953 : vector<16xf32> to vector<1x1x16xf32>
        tpu.vector_store %arg8[%swap3A_955, %swap3A_956, %swap3A_957], %swap3A_960 {strides = array<i32>} : memref<4x32x512xf32, #tpu.memory_space<vmem>>, vector<1x1x16xf32>,
        %get3A_961 = arith.constant 0 : i32
        %get3A_962 = arith.index_cast %get3A_961 : i32 to index
        %get3A_963 = arith.index_cast %scan3A_877 : i32 to index
        %get3A_964 = arith.constant 480 : index
        %get3A_965 = tpu.vector_load %arg8[%get3A_962, %get3A_963, %get3A_964] {strides = array<i32>} : memref<4x32x512xf32, #tpu.memory_space<vmem>>, vector<1x1x16xf32>,
        %get3A_966 = vector.shape_cast %get3A_965 : vector<1x1x16xf32> to vector<16xf32>
        %add3A_967 = arith.addf %get3A_966, %get3A_216 : vector<16xf32>
        %swap3A_968 = arith.constant 0 : i32
        %swap3A_969 = arith.index_cast %swap3A_968 : i32 to index
        %swap3A_970 = arith.index_cast %scan3A_877 : i32 to index
        %swap3A_971 = arith.constant 480 : index
        %swap3A_972 = tpu.vector_load %arg8[%swap3A_969, %swap3A_970, %swap3A_971] {strides = array<i32>} : memref<4x32x512xf32, #tpu.memory_space<vmem>>, vector<1x1x16xf32>,
        %swap3A_973 = vector.shape_cast %swap3A_972 : vector<1x1x16xf32> to vector<16xf32>
        %swap3A_974 = vector.shape_cast %add3A_967 : vector<16xf32> to vector<1x1x16xf32>
        tpu.vector_store %arg8[%swap3A_969, %swap3A_970, %swap3A_971], %swap3A_974 {strides = array<i32>} : memref<4x32x512xf32, #tpu.memory_space<vmem>>, vector<1x1x16xf32>,
        %get3A_975 = arith.constant 0 : i32
        %get3A_976 = arith.index_cast %get3A_975 : i32 to index
        %get3A_977 = arith.index_cast %scan3A_877 : i32 to index
        %get3A_978 = arith.constant 496 : index
        %get3A_979 = tpu.vector_load %arg8[%get3A_976, %get3A_977, %get3A_978] {strides = array<i32>} : memref<4x32x512xf32, #tpu.memory_space<vmem>>, vector<1x1x16xf32>,
        %get3A_980 = vector.shape_cast %get3A_979 : vector<1x1x16xf32> to vector<16xf32>
        %add3A_981 = arith.addf %get3A_980, %get3A_220 : vector<16xf32>
        %swap3A_982 = arith.constant 0 : i32
        %swap3A_983 = arith.index_cast %swap3A_982 : i32 to index
        %swap3A_984 = arith.index_cast %scan3A_877 : i32 to index
        %swap3A_985 = arith.constant 496 : index
        %swap3A_986 = tpu.vector_load %arg8[%swap3A_983, %swap3A_984, %swap3A_985] {strides = array<i32>} : memref<4x32x512xf32, #tpu.memory_space<vmem>>, vector<1x1x16xf32>,
        %swap3A_987 = vector.shape_cast %swap3A_986 : vector<1x1x16xf32> to vector<16xf32>
        %swap3A_988 = vector.shape_cast %add3A_981 : vector<16xf32> to vector<1x1x16xf32>
        tpu.vector_store %arg8[%swap3A_983, %swap3A_984, %swap3A_985], %swap3A_988 {strides = array<i32>} : memref<4x32x512xf32, #tpu.memory_space<vmem>>, vector<1x1x16xf32>,
      }
      %scan3A_226 = arith.constant 32 : i32
      %add3A_227 = arith.constant 0 : i32
      %add3A_228 = arith.addi %mul3A_2, %add3A_227 : i32
      %dma_start3A_229 = arith.constant 0 : i32
      %dma_start3A_230 = arith.constant 0 : i32
      %dma_start3A_231 = arith.constant 0 : i32
      %dma_start3A_232 = tpu.memref_slice %arg8[%dma_start3A_229, %dma_start3A_230, %dma_start3A_231] : memref<4x32x512xf32, #tpu.memory_space<vmem>> -> memref<1x32x512xf32, #tpu.memory_space<vmem>>
      %dma_start3A_233 = tpu.memref_squeeze %dma_start3A_232 : memref<1x32x512xf32, #tpu.memory_space<vmem>> -> memref<32x512xf32, #tpu.memory_space<vmem>>
      %dma_start3A_234 = arith.constant 0 : i32
      %dma_start3A_235 = tpu.memref_slice %arg5[%scan3A_60, %add3A_228, %dma_start3A_234] : memref<77x4096x512xf32, #tpu.memory_space<hbm>> -> memref<1x32x512xf32, #tpu.memory_space<hbm>>
      %dma_start3A_236 = tpu.memref_squeeze %dma_start3A_235 : memref<1x32x512xf32, #tpu.memory_space<hbm>> -> memref<32x512xf32, #tpu.memory_space<hbm>>
      %dma_start3A_237 = arith.constant 0 : i32
      %dma_start3A_238 = tpu.memref_slice %arg5[%scan3A_60, %add3A_228, %dma_start3A_237] : memref<77x4096x512xf32, #tpu.memory_space<hbm>> -> memref<1x32x512xf32, #tpu.memory_space<hbm>>
      %dma_start3A_239 = tpu.memref_squeeze %dma_start3A_238 : memref<1x32x512xf32, #tpu.memory_space<hbm>> -> memref<32x512xf32, #tpu.memory_space<hbm>>
      %dma_start3A_240 = arith.constant 0 : i32
      %dma_start3A_241 = arith.constant 0 : i32
      %dma_start3A_242 = tpu.memref_slice %arg8[%dma_start3A_229, %dma_start3A_240, %dma_start3A_241] : memref<4x32x512xf32, #tpu.memory_space<vmem>> -> memref<1x32x512xf32, #tpu.memory_space<vmem>>
      %dma_start3A_243 = tpu.memref_squeeze %dma_start3A_242 : memref<1x32x512xf32, #tpu.memory_space<vmem>> -> memref<32x512xf32, #tpu.memory_space<vmem>>
      tpu.enqueue_dma source(%dma_start3A_243 : memref<32x512xf32, #tpu.memory_space<vmem>>) target(%dma_start3A_239 : memref<32x512xf32, #tpu.memory_space<hbm>>) target_semaphore(%arg13 : memref<!tpu.dma_semaphore, #tpu.memory_space<semaphore_mem>>)
      %gt3A = arith.constant 0 : i32
      %gt3A_244 = arith.cmpi sgt, %scan3A_60, %gt3A : i32
      %convert_element_type3A = arith.extui %gt3A_244 : i1 to i32
      %cond3A = arith.constant 0 : i32
      %cond3A_245 = arith.cmpi ne, %convert_element_type3A, %cond3A : i32
      scf.if %cond3A_245 {
        %dma_wait3A_877 = arith.constant 0 : i32
        %dma_wait3A_878 = arith.constant 0 : i32
        %dma_wait3A_879 = arith.constant 0 : i32
        %dma_wait3A_880 = arith.constant 0 : i32
        %dma_wait3A_881 = tpu.memref_slice %arg8[%dma_wait3A_877, %dma_wait3A_879, %dma_wait3A_880] : memref<4x32x512xf32, #tpu.memory_space<vmem>> -> memref<1x32x512xf32, #tpu.memory_space<vmem>>
        %dma_wait3A_882 = tpu.memref_squeeze %dma_wait3A_881 : memref<1x32x512xf32, #tpu.memory_space<vmem>> -> memref<32x512xf32, #tpu.memory_space<vmem>>
        %dma_wait3A_883 = arith.constant 0 : i32
        %dma_wait3A_884 = arith.constant 0 : i32
        %dma_wait3A_885 = tpu.memref_slice %arg5[%dma_wait3A_878, %dma_wait3A_883, %dma_wait3A_884] : memref<77x4096x512xf32, #tpu.memory_space<hbm>> -> memref<1x32x512xf32, #tpu.memory_space<hbm>>
        %dma_wait3A_886 = tpu.memref_squeeze %dma_wait3A_885 : memref<1x32x512xf32, #tpu.memory_space<hbm>> -> memref<32x512xf32, #tpu.memory_space<hbm>>
        %dma_wait3A_887 = arith.constant 0 : i32
        %dma_wait3A_888 = arith.constant 0 : i32
        %dma_wait3A_889 = tpu.memref_slice %arg5[%dma_wait3A_878, %dma_wait3A_887, %dma_wait3A_888] : memref<77x4096x512xf32, #tpu.memory_space<hbm>> -> memref<1x32x512xf32, #tpu.memory_space<hbm>>
        %dma_wait3A_890 = tpu.memref_squeeze %dma_wait3A_889 : memref<1x32x512xf32, #tpu.memory_space<hbm>> -> memref<32x512xf32, #tpu.memory_space<hbm>>
        %dma_wait3A_891 = arith.constant 0 : i32
        %dma_wait3A_892 = arith.constant 0 : i32
        %dma_wait3A_893 = tpu.memref_slice %arg8[%dma_wait3A_877, %dma_wait3A_891, %dma_wait3A_892] : memref<4x32x512xf32, #tpu.memory_space<vmem>> -> memref<1x32x512xf32, #tpu.memory_space<vmem>>
        %dma_wait3A_894 = tpu.memref_squeeze %dma_wait3A_893 : memref<1x32x512xf32, #tpu.memory_space<vmem>> -> memref<32x512xf32, #tpu.memory_space<vmem>>
        tpu.wait_dma2 semaphore(%arg16 : memref<!tpu.dma_semaphore, #tpu.memory_space<semaphore_mem>>) src(%dma_wait3A_894 : memref<32x512xf32, #tpu.memory_space<vmem>>) dst(%dma_wait3A_890 : memref<32x512xf32, #tpu.memory_space<hbm>>)
      } else {
      }
      %dma_start3A_246 = arith.constant 3 : i32
      %dma_start3A_247 = arith.constant 0 : i32
      %dma_start3A_248 = arith.constant 0 : i32
      %dma_start3A_249 = tpu.memref_slice %arg8[%dma_start3A_246, %dma_start3A_247, %dma_start3A_248] : memref<4x32x512xf32, #tpu.memory_space<vmem>> -> memref<1x32x512xf32, #tpu.memory_space<vmem>>
      %dma_start3A_250 = tpu.memref_squeeze %dma_start3A_249 : memref<1x32x512xf32, #tpu.memory_space<vmem>> -> memref<32x512xf32, #tpu.memory_space<vmem>>
      %dma_start3A_251 = arith.constant 96 : i32
      %dma_start3A_252 = tpu.memref_slice %arg6[%scan3A_60, %dma_start3A_251] : memref<77x128xi32, #tpu.memory_space<vmem>> -> memref<1x32xi32, #tpu.memory_space<vmem>>
      %dma_start3A_253 = tpu.memref_squeeze %dma_start3A_252 : memref<1x32xi32, #tpu.memory_space<vmem>> -> memref<32xi32, #tpu.memory_space<vmem>>
      %dma_start3A_254 = arith.constant 0 : i32
      %dma_start3A_255 = arith.constant 0 : i32
      %dma_start3A_256 = tpu.memref_slice %arg3[%dma_start3A_254, %dma_start3A_255] : memref<49408x512xf32, #tpu.memory_space<hbm>> -> memref<49408x512xf32, #tpu.memory_space<hbm>>
      tpu.enqueue_indirect_dma source(%dma_start3A_256 : memref<49408x512xf32, #tpu.memory_space<hbm>>) target(%dma_start3A_250 : memref<32x512xf32, #tpu.memory_space<vmem>>) offsets(%dma_start3A_253 : memref<32xi32, #tpu.memory_space<vmem>>) semaphore(%arg12 : memref<!tpu.dma_semaphore, #tpu.memory_space<semaphore_mem>>)
      %dma_wait3A_257 = arith.constant 1 : i32
      %dma_wait3A_258 = arith.constant 0 : i32
      %dma_wait3A_259 = arith.constant 0 : i32
      %dma_wait3A_260 = tpu.memref_slice %arg8[%dma_wait3A_257, %dma_wait3A_258, %dma_wait3A_259] : memref<4x32x512xf32, #tpu.memory_space<vmem>> -> memref<1x32x512xf32, #tpu.memory_space<vmem>>
      %dma_wait3A_261 = tpu.memref_squeeze %dma_wait3A_260 : memref<1x32x512xf32, #tpu.memory_space<vmem>> -> memref<32x512xf32, #tpu.memory_space<vmem>>
      %dma_wait3A_262 = arith.constant 0 : i32
      %dma_wait3A_263 = arith.constant 0 : i32
      %dma_wait3A_264 = tpu.memref_slice %arg3[%dma_wait3A_262, %dma_wait3A_263] : memref<49408x512xf32, #tpu.memory_space<hbm>> -> memref<32x512xf32, #tpu.memory_space<hbm>>
      %dma_wait3A_265 = arith.constant 0 : i32
      %dma_wait3A_266 = arith.constant 0 : i32
      %dma_wait3A_267 = tpu.memref_slice %arg8[%dma_wait3A_257, %dma_wait3A_265, %dma_wait3A_266] : memref<4x32x512xf32, #tpu.memory_space<vmem>> -> memref<1x32x512xf32, #tpu.memory_space<vmem>>
      %dma_wait3A_268 = tpu.memref_squeeze %dma_wait3A_267 : memref<1x32x512xf32, #tpu.memory_space<vmem>> -> memref<32x512xf32, #tpu.memory_space<vmem>>
      %dma_wait3A_269 = arith.constant 0 : i32
      %dma_wait3A_270 = arith.constant 0 : i32
      %dma_wait3A_271 = tpu.memref_slice %arg3[%dma_wait3A_269, %dma_wait3A_270] : memref<49408x512xf32, #tpu.memory_space<hbm>> -> memref<32x512xf32, #tpu.memory_space<hbm>>
      tpu.wait_dma2 semaphore(%arg10 : memref<!tpu.dma_semaphore, #tpu.memory_space<semaphore_mem>>) src(%dma_wait3A_271 : memref<32x512xf32, #tpu.memory_space<hbm>>) dst(%dma_wait3A_268 : memref<32x512xf32, #tpu.memory_space<vmem>>)
      %get3A_272 = arith.index_cast %scan3A_60 : i32 to index
      %get3A_273 = arith.constant 0 : index
      %get3A_274 = tpu.vector_load %arg7[%get3A_272, %get3A_273] {strides = array<i32>} : memref<77x512xf32, #tpu.memory_space<vmem>>, vector<1x16xf32>,
      %get3A_275 = vector.shape_cast %get3A_274 : vector<1x16xf32> to vector<16xf32>
      %get3A_276 = arith.index_cast %scan3A_60 : i32 to index
      %get3A_277 = arith.constant 16 : index
      %get3A_278 = tpu.vector_load %arg7[%get3A_276, %get3A_277] {strides = array<i32>} : memref<77x512xf32, #tpu.memory_space<vmem>>, vector<1x16xf32>,
      %get3A_279 = vector.shape_cast %get3A_278 : vector<1x16xf32> to vector<16xf32>
      %get3A_280 = arith.index_cast %scan3A_60 : i32 to index
      %get3A_281 = arith.constant 32 : index
      %get3A_282 = tpu.vector_load %arg7[%get3A_280, %get3A_281] {strides = array<i32>} : memref<77x512xf32, #tpu.memory_space<vmem>>, vector<1x16xf32>,
      %get3A_283 = vector.shape_cast %get3A_282 : vector<1x16xf32> to vector<16xf32>
      %get3A_284 = arith.index_cast %scan3A_60 : i32 to index
      %get3A_285 = arith.constant 48 : index
      %get3A_286 = tpu.vector_load %arg7[%get3A_284, %get3A_285] {strides = array<i32>} : memref<77x512xf32, #tpu.memory_space<vmem>>, vector<1x16xf32>,
      %get3A_287 = vector.shape_cast %get3A_286 : vector<1x16xf32> to vector<16xf32>
      %get3A_288 = arith.index_cast %scan3A_60 : i32 to index
      %get3A_289 = arith.constant 64 : index
      %get3A_290 = tpu.vector_load %arg7[%get3A_288, %get3A_289] {strides = array<i32>} : memref<77x512xf32, #tpu.memory_space<vmem>>, vector<1x16xf32>,
      %get3A_291 = vector.shape_cast %get3A_290 : vector<1x16xf32> to vector<16xf32>
      %get3A_292 = arith.index_cast %scan3A_60 : i32 to index
      %get3A_293 = arith.constant 80 : index
      %get3A_294 = tpu.vector_load %arg7[%get3A_292, %get3A_293] {strides = array<i32>} : memref<77x512xf32, #tpu.memory_space<vmem>>, vector<1x16xf32>,
      %get3A_295 = vector.shape_cast %get3A_294 : vector<1x16xf32> to vector<16xf32>
      %get3A_296 = arith.index_cast %scan3A_60 : i32 to index
      %get3A_297 = arith.constant 96 : index
      %get3A_298 = tpu.vector_load %arg7[%get3A_296, %get3A_297] {strides = array<i32>} : memref<77x512xf32, #tpu.memory_space<vmem>>, vector<1x16xf32>,
      %get3A_299 = vector.shape_cast %get3A_298 : vector<1x16xf32> to vector<16xf32>
      %get3A_300 = arith.index_cast %scan3A_60 : i32 to index
      %get3A_301 = arith.constant 112 : index
      %get3A_302 = tpu.vector_load %arg7[%get3A_300, %get3A_301] {strides = array<i32>} : memref<77x512xf32, #tpu.memory_space<vmem>>, vector<1x16xf32>,
      %get3A_303 = vector.shape_cast %get3A_302 : vector<1x16xf32> to vector<16xf32>
      %scan3A_304 = arith.constant 0 : i32
      %scan3A_305 = arith.constant 0 : i32
      %scan3A_306 = arith.constant 32 : i32
      %scan3A_307 = arith.addi %scan3A_305, %scan3A_306 : i32
      %scan3A_308 = arith.constant 1 : i32
      scf.for %scan3A_877 = %scan3A_305 to %scan3A_307 step %scan3A_308  : i32 {
        %get3A_878 = arith.constant 1 : i32
        %get3A_879 = arith.index_cast %get3A_878 : i32 to index
        %get3A_880 = arith.index_cast %scan3A_877 : i32 to index
        %get3A_881 = arith.constant 0 : index
        %get3A_882 = tpu.vector_load %arg8[%get3A_879, %get3A_880, %get3A_881] {strides = array<i32>} : memref<4x32x512xf32, #tpu.memory_space<vmem>>, vector<1x1x16xf32>,
        %get3A_883 = vector.shape_cast %get3A_882 : vector<1x1x16xf32> to vector<16xf32>
        %add3A_884 = arith.addf %get3A_883, %get3A_275 : vector<16xf32>
        %swap3A = arith.constant 1 : i32
        %swap3A_885 = arith.index_cast %swap3A : i32 to index
        %swap3A_886 = arith.index_cast %scan3A_877 : i32 to index
        %swap3A_887 = arith.constant 0 : index
        %swap3A_888 = tpu.vector_load %arg8[%swap3A_885, %swap3A_886, %swap3A_887] {strides = array<i32>} : memref<4x32x512xf32, #tpu.memory_space<vmem>>, vector<1x1x16xf32>,
        %swap3A_889 = vector.shape_cast %swap3A_888 : vector<1x1x16xf32> to vector<16xf32>
        %swap3A_890 = vector.shape_cast %add3A_884 : vector<16xf32> to vector<1x1x16xf32>
        tpu.vector_store %arg8[%swap3A_885, %swap3A_886, %swap3A_887], %swap3A_890 {strides = array<i32>} : memref<4x32x512xf32, #tpu.memory_space<vmem>>, vector<1x1x16xf32>,
        %get3A_891 = arith.constant 1 : i32
        %get3A_892 = arith.index_cast %get3A_891 : i32 to index
        %get3A_893 = arith.index_cast %scan3A_877 : i32 to index
        %get3A_894 = arith.constant 16 : index
        %get3A_895 = tpu.vector_load %arg8[%get3A_892, %get3A_893, %get3A_894] {strides = array<i32>} : memref<4x32x512xf32, #tpu.memory_space<vmem>>, vector<1x1x16xf32>,
        %get3A_896 = vector.shape_cast %get3A_895 : vector<1x1x16xf32> to vector<16xf32>
        %add3A_897 = arith.addf %get3A_896, %get3A_279 : vector<16xf32>
        %swap3A_898 = arith.constant 1 : i32
        %swap3A_899 = arith.index_cast %swap3A_898 : i32 to index
        %swap3A_900 = arith.index_cast %scan3A_877 : i32 to index
        %swap3A_901 = arith.constant 16 : index
        %swap3A_902 = tpu.vector_load %arg8[%swap3A_899, %swap3A_900, %swap3A_901] {strides = array<i32>} : memref<4x32x512xf32, #tpu.memory_space<vmem>>, vector<1x1x16xf32>,
        %swap3A_903 = vector.shape_cast %swap3A_902 : vector<1x1x16xf32> to vector<16xf32>
        %swap3A_904 = vector.shape_cast %add3A_897 : vector<16xf32> to vector<1x1x16xf32>
        tpu.vector_store %arg8[%swap3A_899, %swap3A_900, %swap3A_901], %swap3A_904 {strides = array<i32>} : memref<4x32x512xf32, #tpu.memory_space<vmem>>, vector<1x1x16xf32>,
        %get3A_905 = arith.constant 1 : i32
        %get3A_906 = arith.index_cast %get3A_905 : i32 to index
        %get3A_907 = arith.index_cast %scan3A_877 : i32 to index
        %get3A_908 = arith.constant 32 : index
        %get3A_909 = tpu.vector_load %arg8[%get3A_906, %get3A_907, %get3A_908] {strides = array<i32>} : memref<4x32x512xf32, #tpu.memory_space<vmem>>, vector<1x1x16xf32>,
        %get3A_910 = vector.shape_cast %get3A_909 : vector<1x1x16xf32> to vector<16xf32>
        %add3A_911 = arith.addf %get3A_910, %get3A_283 : vector<16xf32>
        %swap3A_912 = arith.constant 1 : i32
        %swap3A_913 = arith.index_cast %swap3A_912 : i32 to index
        %swap3A_914 = arith.index_cast %scan3A_877 : i32 to index
        %swap3A_915 = arith.constant 32 : index
        %swap3A_916 = tpu.vector_load %arg8[%swap3A_913, %swap3A_914, %swap3A_915] {strides = array<i32>} : memref<4x32x512xf32, #tpu.memory_space<vmem>>, vector<1x1x16xf32>,
        %swap3A_917 = vector.shape_cast %swap3A_916 : vector<1x1x16xf32> to vector<16xf32>
        %swap3A_918 = vector.shape_cast %add3A_911 : vector<16xf32> to vector<1x1x16xf32>
        tpu.vector_store %arg8[%swap3A_913, %swap3A_914, %swap3A_915], %swap3A_918 {strides = array<i32>} : memref<4x32x512xf32, #tpu.memory_space<vmem>>, vector<1x1x16xf32>,
        %get3A_919 = arith.constant 1 : i32
        %get3A_920 = arith.index_cast %get3A_919 : i32 to index
        %get3A_921 = arith.index_cast %scan3A_877 : i32 to index
        %get3A_922 = arith.constant 48 : index
        %get3A_923 = tpu.vector_load %arg8[%get3A_920, %get3A_921, %get3A_922] {strides = array<i32>} : memref<4x32x512xf32, #tpu.memory_space<vmem>>, vector<1x1x16xf32>,
        %get3A_924 = vector.shape_cast %get3A_923 : vector<1x1x16xf32> to vector<16xf32>
        %add3A_925 = arith.addf %get3A_924, %get3A_287 : vector<16xf32>
        %swap3A_926 = arith.constant 1 : i32
        %swap3A_927 = arith.index_cast %swap3A_926 : i32 to index
        %swap3A_928 = arith.index_cast %scan3A_877 : i32 to index
        %swap3A_929 = arith.constant 48 : index
        %swap3A_930 = tpu.vector_load %arg8[%swap3A_927, %swap3A_928, %swap3A_929] {strides = array<i32>} : memref<4x32x512xf32, #tpu.memory_space<vmem>>, vector<1x1x16xf32>,
        %swap3A_931 = vector.shape_cast %swap3A_930 : vector<1x1x16xf32> to vector<16xf32>
        %swap3A_932 = vector.shape_cast %add3A_925 : vector<16xf32> to vector<1x1x16xf32>
        tpu.vector_store %arg8[%swap3A_927, %swap3A_928, %swap3A_929], %swap3A_932 {strides = array<i32>} : memref<4x32x512xf32, #tpu.memory_space<vmem>>, vector<1x1x16xf32>,
        %get3A_933 = arith.constant 1 : i32
        %get3A_934 = arith.index_cast %get3A_933 : i32 to index
        %get3A_935 = arith.index_cast %scan3A_877 : i32 to index
        %get3A_936 = arith.constant 64 : index
        %get3A_937 = tpu.vector_load %arg8[%get3A_934, %get3A_935, %get3A_936] {strides = array<i32>} : memref<4x32x512xf32, #tpu.memory_space<vmem>>, vector<1x1x16xf32>,
        %get3A_938 = vector.shape_cast %get3A_937 : vector<1x1x16xf32> to vector<16xf32>
        %add3A_939 = arith.addf %get3A_938, %get3A_291 : vector<16xf32>
        %swap3A_940 = arith.constant 1 : i32
        %swap3A_941 = arith.index_cast %swap3A_940 : i32 to index
        %swap3A_942 = arith.index_cast %scan3A_877 : i32 to index
        %swap3A_943 = arith.constant 64 : index
        %swap3A_944 = tpu.vector_load %arg8[%swap3A_941, %swap3A_942, %swap3A_943] {strides = array<i32>} : memref<4x32x512xf32, #tpu.memory_space<vmem>>, vector<1x1x16xf32>,
        %swap3A_945 = vector.shape_cast %swap3A_944 : vector<1x1x16xf32> to vector<16xf32>
        %swap3A_946 = vector.shape_cast %add3A_939 : vector<16xf32> to vector<1x1x16xf32>
        tpu.vector_store %arg8[%swap3A_941, %swap3A_942, %swap3A_943], %swap3A_946 {strides = array<i32>} : memref<4x32x512xf32, #tpu.memory_space<vmem>>, vector<1x1x16xf32>,
        %get3A_947 = arith.constant 1 : i32
        %get3A_948 = arith.index_cast %get3A_947 : i32 to index
        %get3A_949 = arith.index_cast %scan3A_877 : i32 to index
        %get3A_950 = arith.constant 80 : index
        %get3A_951 = tpu.vector_load %arg8[%get3A_948, %get3A_949, %get3A_950] {strides = array<i32>} : memref<4x32x512xf32, #tpu.memory_space<vmem>>, vector<1x1x16xf32>,
        %get3A_952 = vector.shape_cast %get3A_951 : vector<1x1x16xf32> to vector<16xf32>
        %add3A_953 = arith.addf %get3A_952, %get3A_295 : vector<16xf32>
        %swap3A_954 = arith.constant 1 : i32
        %swap3A_955 = arith.index_cast %swap3A_954 : i32 to index
        %swap3A_956 = arith.index_cast %scan3A_877 : i32 to index
        %swap3A_957 = arith.constant 80 : index
        %swap3A_958 = tpu.vector_load %arg8[%swap3A_955, %swap3A_956, %swap3A_957] {strides = array<i32>} : memref<4x32x512xf32, #tpu.memory_space<vmem>>, vector<1x1x16xf32>,
        %swap3A_959 = vector.shape_cast %swap3A_958 : vector<1x1x16xf32> to vector<16xf32>
        %swap3A_960 = vector.shape_cast %add3A_953 : vector<16xf32> to vector<1x1x16xf32>
        tpu.vector_store %arg8[%swap3A_955, %swap3A_956, %swap3A_957], %swap3A_960 {strides = array<i32>} : memref<4x32x512xf32, #tpu.memory_space<vmem>>, vector<1x1x16xf32>,
        %get3A_961 = arith.constant 1 : i32
        %get3A_962 = arith.index_cast %get3A_961 : i32 to index
        %get3A_963 = arith.index_cast %scan3A_877 : i32 to index
        %get3A_964 = arith.constant 96 : index
        %get3A_965 = tpu.vector_load %arg8[%get3A_962, %get3A_963, %get3A_964] {strides = array<i32>} : memref<4x32x512xf32, #tpu.memory_space<vmem>>, vector<1x1x16xf32>,
        %get3A_966 = vector.shape_cast %get3A_965 : vector<1x1x16xf32> to vector<16xf32>
        %add3A_967 = arith.addf %get3A_966, %get3A_299 : vector<16xf32>
        %swap3A_968 = arith.constant 1 : i32
        %swap3A_969 = arith.index_cast %swap3A_968 : i32 to index
        %swap3A_970 = arith.index_cast %scan3A_877 : i32 to index
        %swap3A_971 = arith.constant 96 : index
        %swap3A_972 = tpu.vector_load %arg8[%swap3A_969, %swap3A_970, %swap3A_971] {strides = array<i32>} : memref<4x32x512xf32, #tpu.memory_space<vmem>>, vector<1x1x16xf32>,
        %swap3A_973 = vector.shape_cast %swap3A_972 : vector<1x1x16xf32> to vector<16xf32>
        %swap3A_974 = vector.shape_cast %add3A_967 : vector<16xf32> to vector<1x1x16xf32>
        tpu.vector_store %arg8[%swap3A_969, %swap3A_970, %swap3A_971], %swap3A_974 {strides = array<i32>} : memref<4x32x512xf32, #tpu.memory_space<vmem>>, vector<1x1x16xf32>,
        %get3A_975 = arith.constant 1 : i32
        %get3A_976 = arith.index_cast %get3A_975 : i32 to index
        %get3A_977 = arith.index_cast %scan3A_877 : i32 to index
        %get3A_978 = arith.constant 112 : index
        %get3A_979 = tpu.vector_load %arg8[%get3A_976, %get3A_977, %get3A_978] {strides = array<i32>} : memref<4x32x512xf32, #tpu.memory_space<vmem>>, vector<1x1x16xf32>,
        %get3A_980 = vector.shape_cast %get3A_979 : vector<1x1x16xf32> to vector<16xf32>
        %add3A_981 = arith.addf %get3A_980, %get3A_303 : vector<16xf32>
        %swap3A_982 = arith.constant 1 : i32
        %swap3A_983 = arith.index_cast %swap3A_982 : i32 to index
        %swap3A_984 = arith.index_cast %scan3A_877 : i32 to index
        %swap3A_985 = arith.constant 112 : index
        %swap3A_986 = tpu.vector_load %arg8[%swap3A_983, %swap3A_984, %swap3A_985] {strides = array<i32>} : memref<4x32x512xf32, #tpu.memory_space<vmem>>, vector<1x1x16xf32>,
        %swap3A_987 = vector.shape_cast %swap3A_986 : vector<1x1x16xf32> to vector<16xf32>
        %swap3A_988 = vector.shape_cast %add3A_981 : vector<16xf32> to vector<1x1x16xf32>
        tpu.vector_store %arg8[%swap3A_983, %swap3A_984, %swap3A_985], %swap3A_988 {strides = array<i32>} : memref<4x32x512xf32, #tpu.memory_space<vmem>>, vector<1x1x16xf32>,
      }
      %scan3A_309 = arith.constant 32 : i32
      %get3A_310 = arith.index_cast %scan3A_60 : i32 to index
      %get3A_311 = arith.constant 128 : index
      %get3A_312 = tpu.vector_load %arg7[%get3A_310, %get3A_311] {strides = array<i32>} : memref<77x512xf32, #tpu.memory_space<vmem>>, vector<1x16xf32>,
      %get3A_313 = vector.shape_cast %get3A_312 : vector<1x16xf32> to vector<16xf32>
      %get3A_314 = arith.index_cast %scan3A_60 : i32 to index
      %get3A_315 = arith.constant 144 : index
      %get3A_316 = tpu.vector_load %arg7[%get3A_314, %get3A_315] {strides = array<i32>} : memref<77x512xf32, #tpu.memory_space<vmem>>, vector<1x16xf32>,
      %get3A_317 = vector.shape_cast %get3A_316 : vector<1x16xf32> to vector<16xf32>
      %get3A_318 = arith.index_cast %scan3A_60 : i32 to index
      %get3A_319 = arith.constant 160 : index
      %get3A_320 = tpu.vector_load %arg7[%get3A_318, %get3A_319] {strides = array<i32>} : memref<77x512xf32, #tpu.memory_space<vmem>>, vector<1x16xf32>,
      %get3A_321 = vector.shape_cast %get3A_320 : vector<1x16xf32> to vector<16xf32>
      %get3A_322 = arith.index_cast %scan3A_60 : i32 to index
      %get3A_323 = arith.constant 176 : index
      %get3A_324 = tpu.vector_load %arg7[%get3A_322, %get3A_323] {strides = array<i32>} : memref<77x512xf32, #tpu.memory_space<vmem>>, vector<1x16xf32>,
      %get3A_325 = vector.shape_cast %get3A_324 : vector<1x16xf32> to vector<16xf32>
      %get3A_326 = arith.index_cast %scan3A_60 : i32 to index
      %get3A_327 = arith.constant 192 : index
      %get3A_328 = tpu.vector_load %arg7[%get3A_326, %get3A_327] {strides = array<i32>} : memref<77x512xf32, #tpu.memory_space<vmem>>, vector<1x16xf32>,
      %get3A_329 = vector.shape_cast %get3A_328 : vector<1x16xf32> to vector<16xf32>
      %get3A_330 = arith.index_cast %scan3A_60 : i32 to index
      %get3A_331 = arith.constant 208 : index
      %get3A_332 = tpu.vector_load %arg7[%get3A_330, %get3A_331] {strides = array<i32>} : memref<77x512xf32, #tpu.memory_space<vmem>>, vector<1x16xf32>,
      %get3A_333 = vector.shape_cast %get3A_332 : vector<1x16xf32> to vector<16xf32>
      %get3A_334 = arith.index_cast %scan3A_60 : i32 to index
      %get3A_335 = arith.constant 224 : index
      %get3A_336 = tpu.vector_load %arg7[%get3A_334, %get3A_335] {strides = array<i32>} : memref<77x512xf32, #tpu.memory_space<vmem>>, vector<1x16xf32>,
      %get3A_337 = vector.shape_cast %get3A_336 : vector<1x16xf32> to vector<16xf32>
      %get3A_338 = arith.index_cast %scan3A_60 : i32 to index
      %get3A_339 = arith.constant 240 : index
      %get3A_340 = tpu.vector_load %arg7[%get3A_338, %get3A_339] {strides = array<i32>} : memref<77x512xf32, #tpu.memory_space<vmem>>, vector<1x16xf32>,
      %get3A_341 = vector.shape_cast %get3A_340 : vector<1x16xf32> to vector<16xf32>
      %scan3A_342 = arith.constant 0 : i32
      %scan3A_343 = arith.constant 0 : i32
      %scan3A_344 = arith.constant 32 : i32
      %scan3A_345 = arith.addi %scan3A_343, %scan3A_344 : i32
      %scan3A_346 = arith.constant 1 : i32
      scf.for %scan3A_877 = %scan3A_343 to %scan3A_345 step %scan3A_346  : i32 {
        %get3A_878 = arith.constant 1 : i32
        %get3A_879 = arith.index_cast %get3A_878 : i32 to index
        %get3A_880 = arith.index_cast %scan3A_877 : i32 to index
        %get3A_881 = arith.constant 128 : index
        %get3A_882 = tpu.vector_load %arg8[%get3A_879, %get3A_880, %get3A_881] {strides = array<i32>} : memref<4x32x512xf32, #tpu.memory_space<vmem>>, vector<1x1x16xf32>,
        %get3A_883 = vector.shape_cast %get3A_882 : vector<1x1x16xf32> to vector<16xf32>
        %add3A_884 = arith.addf %get3A_883, %get3A_313 : vector<16xf32>
        %swap3A = arith.constant 1 : i32
        %swap3A_885 = arith.index_cast %swap3A : i32 to index
        %swap3A_886 = arith.index_cast %scan3A_877 : i32 to index
        %swap3A_887 = arith.constant 128 : index
        %swap3A_888 = tpu.vector_load %arg8[%swap3A_885, %swap3A_886, %swap3A_887] {strides = array<i32>} : memref<4x32x512xf32, #tpu.memory_space<vmem>>, vector<1x1x16xf32>,
        %swap3A_889 = vector.shape_cast %swap3A_888 : vector<1x1x16xf32> to vector<16xf32>
        %swap3A_890 = vector.shape_cast %add3A_884 : vector<16xf32> to vector<1x1x16xf32>
        tpu.vector_store %arg8[%swap3A_885, %swap3A_886, %swap3A_887], %swap3A_890 {strides = array<i32>} : memref<4x32x512xf32, #tpu.memory_space<vmem>>, vector<1x1x16xf32>,
        %get3A_891 = arith.constant 1 : i32
        %get3A_892 = arith.index_cast %get3A_891 : i32 to index
        %get3A_893 = arith.index_cast %scan3A_877 : i32 to index
        %get3A_894 = arith.constant 144 : index
        %get3A_895 = tpu.vector_load %arg8[%get3A_892, %get3A_893, %get3A_894] {strides = array<i32>} : memref<4x32x512xf32, #tpu.memory_space<vmem>>, vector<1x1x16xf32>,
        %get3A_896 = vector.shape_cast %get3A_895 : vector<1x1x16xf32> to vector<16xf32>
        %add3A_897 = arith.addf %get3A_896, %get3A_317 : vector<16xf32>
        %swap3A_898 = arith.constant 1 : i32
        %swap3A_899 = arith.index_cast %swap3A_898 : i32 to index
        %swap3A_900 = arith.index_cast %scan3A_877 : i32 to index
        %swap3A_901 = arith.constant 144 : index
        %swap3A_902 = tpu.vector_load %arg8[%swap3A_899, %swap3A_900, %swap3A_901] {strides = array<i32>} : memref<4x32x512xf32, #tpu.memory_space<vmem>>, vector<1x1x16xf32>,
        %swap3A_903 = vector.shape_cast %swap3A_902 : vector<1x1x16xf32> to vector<16xf32>
        %swap3A_904 = vector.shape_cast %add3A_897 : vector<16xf32> to vector<1x1x16xf32>
        tpu.vector_store %arg8[%swap3A_899, %swap3A_900, %swap3A_901], %swap3A_904 {strides = array<i32>} : memref<4x32x512xf32, #tpu.memory_space<vmem>>, vector<1x1x16xf32>,
        %get3A_905 = arith.constant 1 : i32
        %get3A_906 = arith.index_cast %get3A_905 : i32 to index
        %get3A_907 = arith.index_cast %scan3A_877 : i32 to index
        %get3A_908 = arith.constant 160 : index
        %get3A_909 = tpu.vector_load %arg8[%get3A_906, %get3A_907, %get3A_908] {strides = array<i32>} : memref<4x32x512xf32, #tpu.memory_space<vmem>>, vector<1x1x16xf32>,
        %get3A_910 = vector.shape_cast %get3A_909 : vector<1x1x16xf32> to vector<16xf32>
        %add3A_911 = arith.addf %get3A_910, %get3A_321 : vector<16xf32>
        %swap3A_912 = arith.constant 1 : i32
        %swap3A_913 = arith.index_cast %swap3A_912 : i32 to index
        %swap3A_914 = arith.index_cast %scan3A_877 : i32 to index
        %swap3A_915 = arith.constant 160 : index
        %swap3A_916 = tpu.vector_load %arg8[%swap3A_913, %swap3A_914, %swap3A_915] {strides = array<i32>} : memref<4x32x512xf32, #tpu.memory_space<vmem>>, vector<1x1x16xf32>,
        %swap3A_917 = vector.shape_cast %swap3A_916 : vector<1x1x16xf32> to vector<16xf32>
        %swap3A_918 = vector.shape_cast %add3A_911 : vector<16xf32> to vector<1x1x16xf32>
        tpu.vector_store %arg8[%swap3A_913, %swap3A_914, %swap3A_915], %swap3A_918 {strides = array<i32>} : memref<4x32x512xf32, #tpu.memory_space<vmem>>, vector<1x1x16xf32>,
        %get3A_919 = arith.constant 1 : i32
        %get3A_920 = arith.index_cast %get3A_919 : i32 to index
        %get3A_921 = arith.index_cast %scan3A_877 : i32 to index
        %get3A_922 = arith.constant 176 : index
        %get3A_923 = tpu.vector_load %arg8[%get3A_920, %get3A_921, %get3A_922] {strides = array<i32>} : memref<4x32x512xf32, #tpu.memory_space<vmem>>, vector<1x1x16xf32>,
        %get3A_924 = vector.shape_cast %get3A_923 : vector<1x1x16xf32> to vector<16xf32>
        %add3A_925 = arith.addf %get3A_924, %get3A_325 : vector<16xf32>
        %swap3A_926 = arith.constant 1 : i32
        %swap3A_927 = arith.index_cast %swap3A_926 : i32 to index
        %swap3A_928 = arith.index_cast %scan3A_877 : i32 to index
        %swap3A_929 = arith.constant 176 : index
        %swap3A_930 = tpu.vector_load %arg8[%swap3A_927, %swap3A_928, %swap3A_929] {strides = array<i32>} : memref<4x32x512xf32, #tpu.memory_space<vmem>>, vector<1x1x16xf32>,
        %swap3A_931 = vector.shape_cast %swap3A_930 : vector<1x1x16xf32> to vector<16xf32>
        %swap3A_932 = vector.shape_cast %add3A_925 : vector<16xf32> to vector<1x1x16xf32>
        tpu.vector_store %arg8[%swap3A_927, %swap3A_928, %swap3A_929], %swap3A_932 {strides = array<i32>} : memref<4x32x512xf32, #tpu.memory_space<vmem>>, vector<1x1x16xf32>,
        %get3A_933 = arith.constant 1 : i32
        %get3A_934 = arith.index_cast %get3A_933 : i32 to index
        %get3A_935 = arith.index_cast %scan3A_877 : i32 to index
        %get3A_936 = arith.constant 192 : index
        %get3A_937 = tpu.vector_load %arg8[%get3A_934, %get3A_935, %get3A_936] {strides = array<i32>} : memref<4x32x512xf32, #tpu.memory_space<vmem>>, vector<1x1x16xf32>,
        %get3A_938 = vector.shape_cast %get3A_937 : vector<1x1x16xf32> to vector<16xf32>
        %add3A_939 = arith.addf %get3A_938, %get3A_329 : vector<16xf32>
        %swap3A_940 = arith.constant 1 : i32
        %swap3A_941 = arith.index_cast %swap3A_940 : i32 to index
        %swap3A_942 = arith.index_cast %scan3A_877 : i32 to index
        %swap3A_943 = arith.constant 192 : index
        %swap3A_944 = tpu.vector_load %arg8[%swap3A_941, %swap3A_942, %swap3A_943] {strides = array<i32>} : memref<4x32x512xf32, #tpu.memory_space<vmem>>, vector<1x1x16xf32>,
        %swap3A_945 = vector.shape_cast %swap3A_944 : vector<1x1x16xf32> to vector<16xf32>
        %swap3A_946 = vector.shape_cast %add3A_939 : vector<16xf32> to vector<1x1x16xf32>
        tpu.vector_store %arg8[%swap3A_941, %swap3A_942, %swap3A_943], %swap3A_946 {strides = array<i32>} : memref<4x32x512xf32, #tpu.memory_space<vmem>>, vector<1x1x16xf32>,
        %get3A_947 = arith.constant 1 : i32
        %get3A_948 = arith.index_cast %get3A_947 : i32 to index
        %get3A_949 = arith.index_cast %scan3A_877 : i32 to index
        %get3A_950 = arith.constant 208 : index
        %get3A_951 = tpu.vector_load %arg8[%get3A_948, %get3A_949, %get3A_950] {strides = array<i32>} : memref<4x32x512xf32, #tpu.memory_space<vmem>>, vector<1x1x16xf32>,
        %get3A_952 = vector.shape_cast %get3A_951 : vector<1x1x16xf32> to vector<16xf32>
        %add3A_953 = arith.addf %get3A_952, %get3A_333 : vector<16xf32>
        %swap3A_954 = arith.constant 1 : i32
        %swap3A_955 = arith.index_cast %swap3A_954 : i32 to index
        %swap3A_956 = arith.index_cast %scan3A_877 : i32 to index
        %swap3A_957 = arith.constant 208 : index
        %swap3A_958 = tpu.vector_load %arg8[%swap3A_955, %swap3A_956, %swap3A_957] {strides = array<i32>} : memref<4x32x512xf32, #tpu.memory_space<vmem>>, vector<1x1x16xf32>,
        %swap3A_959 = vector.shape_cast %swap3A_958 : vector<1x1x16xf32> to vector<16xf32>
        %swap3A_960 = vector.shape_cast %add3A_953 : vector<16xf32> to vector<1x1x16xf32>
        tpu.vector_store %arg8[%swap3A_955, %swap3A_956, %swap3A_957], %swap3A_960 {strides = array<i32>} : memref<4x32x512xf32, #tpu.memory_space<vmem>>, vector<1x1x16xf32>,
        %get3A_961 = arith.constant 1 : i32
        %get3A_962 = arith.index_cast %get3A_961 : i32 to index
        %get3A_963 = arith.index_cast %scan3A_877 : i32 to index
        %get3A_964 = arith.constant 224 : index
        %get3A_965 = tpu.vector_load %arg8[%get3A_962, %get3A_963, %get3A_964] {strides = array<i32>} : memref<4x32x512xf32, #tpu.memory_space<vmem>>, vector<1x1x16xf32>,
        %get3A_966 = vector.shape_cast %get3A_965 : vector<1x1x16xf32> to vector<16xf32>
        %add3A_967 = arith.addf %get3A_966, %get3A_337 : vector<16xf32>
        %swap3A_968 = arith.constant 1 : i32
        %swap3A_969 = arith.index_cast %swap3A_968 : i32 to index
        %swap3A_970 = arith.index_cast %scan3A_877 : i32 to index
        %swap3A_971 = arith.constant 224 : index
        %swap3A_972 = tpu.vector_load %arg8[%swap3A_969, %swap3A_970, %swap3A_971] {strides = array<i32>} : memref<4x32x512xf32, #tpu.memory_space<vmem>>, vector<1x1x16xf32>,
        %swap3A_973 = vector.shape_cast %swap3A_972 : vector<1x1x16xf32> to vector<16xf32>
        %swap3A_974 = vector.shape_cast %add3A_967 : vector<16xf32> to vector<1x1x16xf32>
        tpu.vector_store %arg8[%swap3A_969, %swap3A_970, %swap3A_971], %swap3A_974 {strides = array<i32>} : memref<4x32x512xf32, #tpu.memory_space<vmem>>, vector<1x1x16xf32>,
        %get3A_975 = arith.constant 1 : i32
        %get3A_976 = arith.index_cast %get3A_975 : i32 to index
        %get3A_977 = arith.index_cast %scan3A_877 : i32 to index
        %get3A_978 = arith.constant 240 : index
        %get3A_979 = tpu.vector_load %arg8[%get3A_976, %get3A_977, %get3A_978] {strides = array<i32>} : memref<4x32x512xf32, #tpu.memory_space<vmem>>, vector<1x1x16xf32>,
        %get3A_980 = vector.shape_cast %get3A_979 : vector<1x1x16xf32> to vector<16xf32>
        %add3A_981 = arith.addf %get3A_980, %get3A_341 : vector<16xf32>
        %swap3A_982 = arith.constant 1 : i32
        %swap3A_983 = arith.index_cast %swap3A_982 : i32 to index
        %swap3A_984 = arith.index_cast %scan3A_877 : i32 to index
        %swap3A_985 = arith.constant 240 : index
        %swap3A_986 = tpu.vector_load %arg8[%swap3A_983, %swap3A_984, %swap3A_985] {strides = array<i32>} : memref<4x32x512xf32, #tpu.memory_space<vmem>>, vector<1x1x16xf32>,
        %swap3A_987 = vector.shape_cast %swap3A_986 : vector<1x1x16xf32> to vector<16xf32>
        %swap3A_988 = vector.shape_cast %add3A_981 : vector<16xf32> to vector<1x1x16xf32>
        tpu.vector_store %arg8[%swap3A_983, %swap3A_984, %swap3A_985], %swap3A_988 {strides = array<i32>} : memref<4x32x512xf32, #tpu.memory_space<vmem>>, vector<1x1x16xf32>,
      }
      %scan3A_347 = arith.constant 32 : i32
      %get3A_348 = arith.index_cast %scan3A_60 : i32 to index
      %get3A_349 = arith.constant 256 : index
      %get3A_350 = tpu.vector_load %arg7[%get3A_348, %get3A_349] {strides = array<i32>} : memref<77x512xf32, #tpu.memory_space<vmem>>, vector<1x16xf32>,
      %get3A_351 = vector.shape_cast %get3A_350 : vector<1x16xf32> to vector<16xf32>
      %get3A_352 = arith.index_cast %scan3A_60 : i32 to index
      %get3A_353 = arith.constant 272 : index
      %get3A_354 = tpu.vector_load %arg7[%get3A_352, %get3A_353] {strides = array<i32>} : memref<77x512xf32, #tpu.memory_space<vmem>>, vector<1x16xf32>,
      %get3A_355 = vector.shape_cast %get3A_354 : vector<1x16xf32> to vector<16xf32>
      %get3A_356 = arith.index_cast %scan3A_60 : i32 to index
      %get3A_357 = arith.constant 288 : index
      %get3A_358 = tpu.vector_load %arg7[%get3A_356, %get3A_357] {strides = array<i32>} : memref<77x512xf32, #tpu.memory_space<vmem>>, vector<1x16xf32>,
      %get3A_359 = vector.shape_cast %get3A_358 : vector<1x16xf32> to vector<16xf32>
      %get3A_360 = arith.index_cast %scan3A_60 : i32 to index
      %get3A_361 = arith.constant 304 : index
      %get3A_362 = tpu.vector_load %arg7[%get3A_360, %get3A_361] {strides = array<i32>} : memref<77x512xf32, #tpu.memory_space<vmem>>, vector<1x16xf32>,
      %get3A_363 = vector.shape_cast %get3A_362 : vector<1x16xf32> to vector<16xf32>
      %get3A_364 = arith.index_cast %scan3A_60 : i32 to index
      %get3A_365 = arith.constant 320 : index
      %get3A_366 = tpu.vector_load %arg7[%get3A_364, %get3A_365] {strides = array<i32>} : memref<77x512xf32, #tpu.memory_space<vmem>>, vector<1x16xf32>,
      %get3A_367 = vector.shape_cast %get3A_366 : vector<1x16xf32> to vector<16xf32>
      %get3A_368 = arith.index_cast %scan3A_60 : i32 to index
      %get3A_369 = arith.constant 336 : index
      %get3A_370 = tpu.vector_load %arg7[%get3A_368, %get3A_369] {strides = array<i32>} : memref<77x512xf32, #tpu.memory_space<vmem>>, vector<1x16xf32>,
      %get3A_371 = vector.shape_cast %get3A_370 : vector<1x16xf32> to vector<16xf32>
      %get3A_372 = arith.index_cast %scan3A_60 : i32 to index
      %get3A_373 = arith.constant 352 : index
      %get3A_374 = tpu.vector_load %arg7[%get3A_372, %get3A_373] {strides = array<i32>} : memref<77x512xf32, #tpu.memory_space<vmem>>, vector<1x16xf32>,
      %get3A_375 = vector.shape_cast %get3A_374 : vector<1x16xf32> to vector<16xf32>
      %get3A_376 = arith.index_cast %scan3A_60 : i32 to index
      %get3A_377 = arith.constant 368 : index
      %get3A_378 = tpu.vector_load %arg7[%get3A_376, %get3A_377] {strides = array<i32>} : memref<77x512xf32, #tpu.memory_space<vmem>>, vector<1x16xf32>,
      %get3A_379 = vector.shape_cast %get3A_378 : vector<1x16xf32> to vector<16xf32>
      %scan3A_380 = arith.constant 0 : i32
      %scan3A_381 = arith.constant 0 : i32
      %scan3A_382 = arith.constant 32 : i32
      %scan3A_383 = arith.addi %scan3A_381, %scan3A_382 : i32
      %scan3A_384 = arith.constant 1 : i32
      scf.for %scan3A_877 = %scan3A_381 to %scan3A_383 step %scan3A_384  : i32 {
        %get3A_878 = arith.constant 1 : i32
        %get3A_879 = arith.index_cast %get3A_878 : i32 to index
        %get3A_880 = arith.index_cast %scan3A_877 : i32 to index
        %get3A_881 = arith.constant 256 : index
        %get3A_882 = tpu.vector_load %arg8[%get3A_879, %get3A_880, %get3A_881] {strides = array<i32>} : memref<4x32x512xf32, #tpu.memory_space<vmem>>, vector<1x1x16xf32>,
        %get3A_883 = vector.shape_cast %get3A_882 : vector<1x1x16xf32> to vector<16xf32>
        %add3A_884 = arith.addf %get3A_883, %get3A_351 : vector<16xf32>
        %swap3A = arith.constant 1 : i32
        %swap3A_885 = arith.index_cast %swap3A : i32 to index
        %swap3A_886 = arith.index_cast %scan3A_877 : i32 to index
        %swap3A_887 = arith.constant 256 : index
        %swap3A_888 = tpu.vector_load %arg8[%swap3A_885, %swap3A_886, %swap3A_887] {strides = array<i32>} : memref<4x32x512xf32, #tpu.memory_space<vmem>>, vector<1x1x16xf32>,
        %swap3A_889 = vector.shape_cast %swap3A_888 : vector<1x1x16xf32> to vector<16xf32>
        %swap3A_890 = vector.shape_cast %add3A_884 : vector<16xf32> to vector<1x1x16xf32>
        tpu.vector_store %arg8[%swap3A_885, %swap3A_886, %swap3A_887], %swap3A_890 {strides = array<i32>} : memref<4x32x512xf32, #tpu.memory_space<vmem>>, vector<1x1x16xf32>,
        %get3A_891 = arith.constant 1 : i32
        %get3A_892 = arith.index_cast %get3A_891 : i32 to index
        %get3A_893 = arith.index_cast %scan3A_877 : i32 to index
        %get3A_894 = arith.constant 272 : index
        %get3A_895 = tpu.vector_load %arg8[%get3A_892, %get3A_893, %get3A_894] {strides = array<i32>} : memref<4x32x512xf32, #tpu.memory_space<vmem>>, vector<1x1x16xf32>,
        %get3A_896 = vector.shape_cast %get3A_895 : vector<1x1x16xf32> to vector<16xf32>
        %add3A_897 = arith.addf %get3A_896, %get3A_355 : vector<16xf32>
        %swap3A_898 = arith.constant 1 : i32
        %swap3A_899 = arith.index_cast %swap3A_898 : i32 to index
        %swap3A_900 = arith.index_cast %scan3A_877 : i32 to index
        %swap3A_901 = arith.constant 272 : index
        %swap3A_902 = tpu.vector_load %arg8[%swap3A_899, %swap3A_900, %swap3A_901] {strides = array<i32>} : memref<4x32x512xf32, #tpu.memory_space<vmem>>, vector<1x1x16xf32>,
        %swap3A_903 = vector.shape_cast %swap3A_902 : vector<1x1x16xf32> to vector<16xf32>
        %swap3A_904 = vector.shape_cast %add3A_897 : vector<16xf32> to vector<1x1x16xf32>
        tpu.vector_store %arg8[%swap3A_899, %swap3A_900, %swap3A_901], %swap3A_904 {strides = array<i32>} : memref<4x32x512xf32, #tpu.memory_space<vmem>>, vector<1x1x16xf32>,
        %get3A_905 = arith.constant 1 : i32
        %get3A_906 = arith.index_cast %get3A_905 : i32 to index
        %get3A_907 = arith.index_cast %scan3A_877 : i32 to index
        %get3A_908 = arith.constant 288 : index
        %get3A_909 = tpu.vector_load %arg8[%get3A_906, %get3A_907, %get3A_908] {strides = array<i32>} : memref<4x32x512xf32, #tpu.memory_space<vmem>>, vector<1x1x16xf32>,
        %get3A_910 = vector.shape_cast %get3A_909 : vector<1x1x16xf32> to vector<16xf32>
        %add3A_911 = arith.addf %get3A_910, %get3A_359 : vector<16xf32>
        %swap3A_912 = arith.constant 1 : i32
        %swap3A_913 = arith.index_cast %swap3A_912 : i32 to index
        %swap3A_914 = arith.index_cast %scan3A_877 : i32 to index
        %swap3A_915 = arith.constant 288 : index
        %swap3A_916 = tpu.vector_load %arg8[%swap3A_913, %swap3A_914, %swap3A_915] {strides = array<i32>} : memref<4x32x512xf32, #tpu.memory_space<vmem>>, vector<1x1x16xf32>,
        %swap3A_917 = vector.shape_cast %swap3A_916 : vector<1x1x16xf32> to vector<16xf32>
        %swap3A_918 = vector.shape_cast %add3A_911 : vector<16xf32> to vector<1x1x16xf32>
        tpu.vector_store %arg8[%swap3A_913, %swap3A_914, %swap3A_915], %swap3A_918 {strides = array<i32>} : memref<4x32x512xf32, #tpu.memory_space<vmem>>, vector<1x1x16xf32>,
        %get3A_919 = arith.constant 1 : i32
        %get3A_920 = arith.index_cast %get3A_919 : i32 to index
        %get3A_921 = arith.index_cast %scan3A_877 : i32 to index
        %get3A_922 = arith.constant 304 : index
        %get3A_923 = tpu.vector_load %arg8[%get3A_920, %get3A_921, %get3A_922] {strides = array<i32>} : memref<4x32x512xf32, #tpu.memory_space<vmem>>, vector<1x1x16xf32>,
        %get3A_924 = vector.shape_cast %get3A_923 : vector<1x1x16xf32> to vector<16xf32>
        %add3A_925 = arith.addf %get3A_924, %get3A_363 : vector<16xf32>
        %swap3A_926 = arith.constant 1 : i32
        %swap3A_927 = arith.index_cast %swap3A_926 : i32 to index
        %swap3A_928 = arith.index_cast %scan3A_877 : i32 to index
        %swap3A_929 = arith.constant 304 : index
        %swap3A_930 = tpu.vector_load %arg8[%swap3A_927, %swap3A_928, %swap3A_929] {strides = array<i32>} : memref<4x32x512xf32, #tpu.memory_space<vmem>>, vector<1x1x16xf32>,
        %swap3A_931 = vector.shape_cast %swap3A_930 : vector<1x1x16xf32> to vector<16xf32>
        %swap3A_932 = vector.shape_cast %add3A_925 : vector<16xf32> to vector<1x1x16xf32>
        tpu.vector_store %arg8[%swap3A_927, %swap3A_928, %swap3A_929], %swap3A_932 {strides = array<i32>} : memref<4x32x512xf32, #tpu.memory_space<vmem>>, vector<1x1x16xf32>,
        %get3A_933 = arith.constant 1 : i32
        %get3A_934 = arith.index_cast %get3A_933 : i32 to index
        %get3A_935 = arith.index_cast %scan3A_877 : i32 to index
        %get3A_936 = arith.constant 320 : index
        %get3A_937 = tpu.vector_load %arg8[%get3A_934, %get3A_935, %get3A_936] {strides = array<i32>} : memref<4x32x512xf32, #tpu.memory_space<vmem>>, vector<1x1x16xf32>,
        %get3A_938 = vector.shape_cast %get3A_937 : vector<1x1x16xf32> to vector<16xf32>
        %add3A_939 = arith.addf %get3A_938, %get3A_367 : vector<16xf32>
        %swap3A_940 = arith.constant 1 : i32
        %swap3A_941 = arith.index_cast %swap3A_940 : i32 to index
        %swap3A_942 = arith.index_cast %scan3A_877 : i32 to index
        %swap3A_943 = arith.constant 320 : index
        %swap3A_944 = tpu.vector_load %arg8[%swap3A_941, %swap3A_942, %swap3A_943] {strides = array<i32>} : memref<4x32x512xf32, #tpu.memory_space<vmem>>, vector<1x1x16xf32>,
        %swap3A_945 = vector.shape_cast %swap3A_944 : vector<1x1x16xf32> to vector<16xf32>
        %swap3A_946 = vector.shape_cast %add3A_939 : vector<16xf32> to vector<1x1x16xf32>
        tpu.vector_store %arg8[%swap3A_941, %swap3A_942, %swap3A_943], %swap3A_946 {strides = array<i32>} : memref<4x32x512xf32, #tpu.memory_space<vmem>>, vector<1x1x16xf32>,
        %get3A_947 = arith.constant 1 : i32
        %get3A_948 = arith.index_cast %get3A_947 : i32 to index
        %get3A_949 = arith.index_cast %scan3A_877 : i32 to index
        %get3A_950 = arith.constant 336 : index
        %get3A_951 = tpu.vector_load %arg8[%get3A_948, %get3A_949, %get3A_950] {strides = array<i32>} : memref<4x32x512xf32, #tpu.memory_space<vmem>>, vector<1x1x16xf32>,
        %get3A_952 = vector.shape_cast %get3A_951 : vector<1x1x16xf32> to vector<16xf32>
        %add3A_953 = arith.addf %get3A_952, %get3A_371 : vector<16xf32>
        %swap3A_954 = arith.constant 1 : i32
        %swap3A_955 = arith.index_cast %swap3A_954 : i32 to index
        %swap3A_956 = arith.index_cast %scan3A_877 : i32 to index
        %swap3A_957 = arith.constant 336 : index
        %swap3A_958 = tpu.vector_load %arg8[%swap3A_955, %swap3A_956, %swap3A_957] {strides = array<i32>} : memref<4x32x512xf32, #tpu.memory_space<vmem>>, vector<1x1x16xf32>,
        %swap3A_959 = vector.shape_cast %swap3A_958 : vector<1x1x16xf32> to vector<16xf32>
        %swap3A_960 = vector.shape_cast %add3A_953 : vector<16xf32> to vector<1x1x16xf32>
        tpu.vector_store %arg8[%swap3A_955, %swap3A_956, %swap3A_957], %swap3A_960 {strides = array<i32>} : memref<4x32x512xf32, #tpu.memory_space<vmem>>, vector<1x1x16xf32>,
        %get3A_961 = arith.constant 1 : i32
        %get3A_962 = arith.index_cast %get3A_961 : i32 to index
        %get3A_963 = arith.index_cast %scan3A_877 : i32 to index
        %get3A_964 = arith.constant 352 : index
        %get3A_965 = tpu.vector_load %arg8[%get3A_962, %get3A_963, %get3A_964] {strides = array<i32>} : memref<4x32x512xf32, #tpu.memory_space<vmem>>, vector<1x1x16xf32>,
        %get3A_966 = vector.shape_cast %get3A_965 : vector<1x1x16xf32> to vector<16xf32>
        %add3A_967 = arith.addf %get3A_966, %get3A_375 : vector<16xf32>
        %swap3A_968 = arith.constant 1 : i32
        %swap3A_969 = arith.index_cast %swap3A_968 : i32 to index
        %swap3A_970 = arith.index_cast %scan3A_877 : i32 to index
        %swap3A_971 = arith.constant 352 : index
        %swap3A_972 = tpu.vector_load %arg8[%swap3A_969, %swap3A_970, %swap3A_971] {strides = array<i32>} : memref<4x32x512xf32, #tpu.memory_space<vmem>>, vector<1x1x16xf32>,
        %swap3A_973 = vector.shape_cast %swap3A_972 : vector<1x1x16xf32> to vector<16xf32>
        %swap3A_974 = vector.shape_cast %add3A_967 : vector<16xf32> to vector<1x1x16xf32>
        tpu.vector_store %arg8[%swap3A_969, %swap3A_970, %swap3A_971], %swap3A_974 {strides = array<i32>} : memref<4x32x512xf32, #tpu.memory_space<vmem>>, vector<1x1x16xf32>,
        %get3A_975 = arith.constant 1 : i32
        %get3A_976 = arith.index_cast %get3A_975 : i32 to index
        %get3A_977 = arith.index_cast %scan3A_877 : i32 to index
        %get3A_978 = arith.constant 368 : index
        %get3A_979 = tpu.vector_load %arg8[%get3A_976, %get3A_977, %get3A_978] {strides = array<i32>} : memref<4x32x512xf32, #tpu.memory_space<vmem>>, vector<1x1x16xf32>,
        %get3A_980 = vector.shape_cast %get3A_979 : vector<1x1x16xf32> to vector<16xf32>
        %add3A_981 = arith.addf %get3A_980, %get3A_379 : vector<16xf32>
        %swap3A_982 = arith.constant 1 : i32
        %swap3A_983 = arith.index_cast %swap3A_982 : i32 to index
        %swap3A_984 = arith.index_cast %scan3A_877 : i32 to index
        %swap3A_985 = arith.constant 368 : index
        %swap3A_986 = tpu.vector_load %arg8[%swap3A_983, %swap3A_984, %swap3A_985] {strides = array<i32>} : memref<4x32x512xf32, #tpu.memory_space<vmem>>, vector<1x1x16xf32>,
        %swap3A_987 = vector.shape_cast %swap3A_986 : vector<1x1x16xf32> to vector<16xf32>
        %swap3A_988 = vector.shape_cast %add3A_981 : vector<16xf32> to vector<1x1x16xf32>
        tpu.vector_store %arg8[%swap3A_983, %swap3A_984, %swap3A_985], %swap3A_988 {strides = array<i32>} : memref<4x32x512xf32, #tpu.memory_space<vmem>>, vector<1x1x16xf32>,
      }
      %scan3A_385 = arith.constant 32 : i32
      %get3A_386 = arith.index_cast %scan3A_60 : i32 to index
      %get3A_387 = arith.constant 384 : index
      %get3A_388 = tpu.vector_load %arg7[%get3A_386, %get3A_387] {strides = array<i32>} : memref<77x512xf32, #tpu.memory_space<vmem>>, vector<1x16xf32>,
      %get3A_389 = vector.shape_cast %get3A_388 : vector<1x16xf32> to vector<16xf32>
      %get3A_390 = arith.index_cast %scan3A_60 : i32 to index
      %get3A_391 = arith.constant 400 : index
      %get3A_392 = tpu.vector_load %arg7[%get3A_390, %get3A_391] {strides = array<i32>} : memref<77x512xf32, #tpu.memory_space<vmem>>, vector<1x16xf32>,
      %get3A_393 = vector.shape_cast %get3A_392 : vector<1x16xf32> to vector<16xf32>
      %get3A_394 = arith.index_cast %scan3A_60 : i32 to index
      %get3A_395 = arith.constant 416 : index
      %get3A_396 = tpu.vector_load %arg7[%get3A_394, %get3A_395] {strides = array<i32>} : memref<77x512xf32, #tpu.memory_space<vmem>>, vector<1x16xf32>,
      %get3A_397 = vector.shape_cast %get3A_396 : vector<1x16xf32> to vector<16xf32>
      %get3A_398 = arith.index_cast %scan3A_60 : i32 to index
      %get3A_399 = arith.constant 432 : index
      %get3A_400 = tpu.vector_load %arg7[%get3A_398, %get3A_399] {strides = array<i32>} : memref<77x512xf32, #tpu.memory_space<vmem>>, vector<1x16xf32>,
      %get3A_401 = vector.shape_cast %get3A_400 : vector<1x16xf32> to vector<16xf32>
      %get3A_402 = arith.index_cast %scan3A_60 : i32 to index
      %get3A_403 = arith.constant 448 : index
      %get3A_404 = tpu.vector_load %arg7[%get3A_402, %get3A_403] {strides = array<i32>} : memref<77x512xf32, #tpu.memory_space<vmem>>, vector<1x16xf32>,
      %get3A_405 = vector.shape_cast %get3A_404 : vector<1x16xf32> to vector<16xf32>
      %get3A_406 = arith.index_cast %scan3A_60 : i32 to index
      %get3A_407 = arith.constant 464 : index
      %get3A_408 = tpu.vector_load %arg7[%get3A_406, %get3A_407] {strides = array<i32>} : memref<77x512xf32, #tpu.memory_space<vmem>>, vector<1x16xf32>,
      %get3A_409 = vector.shape_cast %get3A_408 : vector<1x16xf32> to vector<16xf32>
      %get3A_410 = arith.index_cast %scan3A_60 : i32 to index
      %get3A_411 = arith.constant 480 : index
      %get3A_412 = tpu.vector_load %arg7[%get3A_410, %get3A_411] {strides = array<i32>} : memref<77x512xf32, #tpu.memory_space<vmem>>, vector<1x16xf32>,
      %get3A_413 = vector.shape_cast %get3A_412 : vector<1x16xf32> to vector<16xf32>
      %get3A_414 = arith.index_cast %scan3A_60 : i32 to index
      %get3A_415 = arith.constant 496 : index
      %get3A_416 = tpu.vector_load %arg7[%get3A_414, %get3A_415] {strides = array<i32>} : memref<77x512xf32, #tpu.memory_space<vmem>>, vector<1x16xf32>,
      %get3A_417 = vector.shape_cast %get3A_416 : vector<1x16xf32> to vector<16xf32>
      %scan3A_418 = arith.constant 0 : i32
      %scan3A_419 = arith.constant 0 : i32
      %scan3A_420 = arith.constant 32 : i32
      %scan3A_421 = arith.addi %scan3A_419, %scan3A_420 : i32
      %scan3A_422 = arith.constant 1 : i32
      scf.for %scan3A_877 = %scan3A_419 to %scan3A_421 step %scan3A_422  : i32 {
        %get3A_878 = arith.constant 1 : i32
        %get3A_879 = arith.index_cast %get3A_878 : i32 to index
        %get3A_880 = arith.index_cast %scan3A_877 : i32 to index
        %get3A_881 = arith.constant 384 : index
        %get3A_882 = tpu.vector_load %arg8[%get3A_879, %get3A_880, %get3A_881] {strides = array<i32>} : memref<4x32x512xf32, #tpu.memory_space<vmem>>, vector<1x1x16xf32>,
        %get3A_883 = vector.shape_cast %get3A_882 : vector<1x1x16xf32> to vector<16xf32>
        %add3A_884 = arith.addf %get3A_883, %get3A_389 : vector<16xf32>
        %swap3A = arith.constant 1 : i32
        %swap3A_885 = arith.index_cast %swap3A : i32 to index
        %swap3A_886 = arith.index_cast %scan3A_877 : i32 to index
        %swap3A_887 = arith.constant 384 : index
        %swap3A_888 = tpu.vector_load %arg8[%swap3A_885, %swap3A_886, %swap3A_887] {strides = array<i32>} : memref<4x32x512xf32, #tpu.memory_space<vmem>>, vector<1x1x16xf32>,
        %swap3A_889 = vector.shape_cast %swap3A_888 : vector<1x1x16xf32> to vector<16xf32>
        %swap3A_890 = vector.shape_cast %add3A_884 : vector<16xf32> to vector<1x1x16xf32>
        tpu.vector_store %arg8[%swap3A_885, %swap3A_886, %swap3A_887], %swap3A_890 {strides = array<i32>} : memref<4x32x512xf32, #tpu.memory_space<vmem>>, vector<1x1x16xf32>,
        %get3A_891 = arith.constant 1 : i32
        %get3A_892 = arith.index_cast %get3A_891 : i32 to index
        %get3A_893 = arith.index_cast %scan3A_877 : i32 to index
        %get3A_894 = arith.constant 400 : index
        %get3A_895 = tpu.vector_load %arg8[%get3A_892, %get3A_893, %get3A_894] {strides = array<i32>} : memref<4x32x512xf32, #tpu.memory_space<vmem>>, vector<1x1x16xf32>,
        %get3A_896 = vector.shape_cast %get3A_895 : vector<1x1x16xf32> to vector<16xf32>
        %add3A_897 = arith.addf %get3A_896, %get3A_393 : vector<16xf32>
        %swap3A_898 = arith.constant 1 : i32
        %swap3A_899 = arith.index_cast %swap3A_898 : i32 to index
        %swap3A_900 = arith.index_cast %scan3A_877 : i32 to index
        %swap3A_901 = arith.constant 400 : index
        %swap3A_902 = tpu.vector_load %arg8[%swap3A_899, %swap3A_900, %swap3A_901] {strides = array<i32>} : memref<4x32x512xf32, #tpu.memory_space<vmem>>, vector<1x1x16xf32>,
        %swap3A_903 = vector.shape_cast %swap3A_902 : vector<1x1x16xf32> to vector<16xf32>
        %swap3A_904 = vector.shape_cast %add3A_897 : vector<16xf32> to vector<1x1x16xf32>
        tpu.vector_store %arg8[%swap3A_899, %swap3A_900, %swap3A_901], %swap3A_904 {strides = array<i32>} : memref<4x32x512xf32, #tpu.memory_space<vmem>>, vector<1x1x16xf32>,
        %get3A_905 = arith.constant 1 : i32
        %get3A_906 = arith.index_cast %get3A_905 : i32 to index
        %get3A_907 = arith.index_cast %scan3A_877 : i32 to index
        %get3A_908 = arith.constant 416 : index
        %get3A_909 = tpu.vector_load %arg8[%get3A_906, %get3A_907, %get3A_908] {strides = array<i32>} : memref<4x32x512xf32, #tpu.memory_space<vmem>>, vector<1x1x16xf32>,
        %get3A_910 = vector.shape_cast %get3A_909 : vector<1x1x16xf32> to vector<16xf32>
        %add3A_911 = arith.addf %get3A_910, %get3A_397 : vector<16xf32>
        %swap3A_912 = arith.constant 1 : i32
        %swap3A_913 = arith.index_cast %swap3A_912 : i32 to index
        %swap3A_914 = arith.index_cast %scan3A_877 : i32 to index
        %swap3A_915 = arith.constant 416 : index
        %swap3A_916 = tpu.vector_load %arg8[%swap3A_913, %swap3A_914, %swap3A_915] {strides = array<i32>} : memref<4x32x512xf32, #tpu.memory_space<vmem>>, vector<1x1x16xf32>,
        %swap3A_917 = vector.shape_cast %swap3A_916 : vector<1x1x16xf32> to vector<16xf32>
        %swap3A_918 = vector.shape_cast %add3A_911 : vector<16xf32> to vector<1x1x16xf32>
        tpu.vector_store %arg8[%swap3A_913, %swap3A_914, %swap3A_915], %swap3A_918 {strides = array<i32>} : memref<4x32x512xf32, #tpu.memory_space<vmem>>, vector<1x1x16xf32>,
        %get3A_919 = arith.constant 1 : i32
        %get3A_920 = arith.index_cast %get3A_919 : i32 to index
        %get3A_921 = arith.index_cast %scan3A_877 : i32 to index
        %get3A_922 = arith.constant 432 : index
        %get3A_923 = tpu.vector_load %arg8[%get3A_920, %get3A_921, %get3A_922] {strides = array<i32>} : memref<4x32x512xf32, #tpu.memory_space<vmem>>, vector<1x1x16xf32>,
        %get3A_924 = vector.shape_cast %get3A_923 : vector<1x1x16xf32> to vector<16xf32>
        %add3A_925 = arith.addf %get3A_924, %get3A_401 : vector<16xf32>
        %swap3A_926 = arith.constant 1 : i32
        %swap3A_927 = arith.index_cast %swap3A_926 : i32 to index
        %swap3A_928 = arith.index_cast %scan3A_877 : i32 to index
        %swap3A_929 = arith.constant 432 : index
        %swap3A_930 = tpu.vector_load %arg8[%swap3A_927, %swap3A_928, %swap3A_929] {strides = array<i32>} : memref<4x32x512xf32, #tpu.memory_space<vmem>>, vector<1x1x16xf32>,
        %swap3A_931 = vector.shape_cast %swap3A_930 : vector<1x1x16xf32> to vector<16xf32>
        %swap3A_932 = vector.shape_cast %add3A_925 : vector<16xf32> to vector<1x1x16xf32>
        tpu.vector_store %arg8[%swap3A_927, %swap3A_928, %swap3A_929], %swap3A_932 {strides = array<i32>} : memref<4x32x512xf32, #tpu.memory_space<vmem>>, vector<1x1x16xf32>,
        %get3A_933 = arith.constant 1 : i32
        %get3A_934 = arith.index_cast %get3A_933 : i32 to index
        %get3A_935 = arith.index_cast %scan3A_877 : i32 to index
        %get3A_936 = arith.constant 448 : index
        %get3A_937 = tpu.vector_load %arg8[%get3A_934, %get3A_935, %get3A_936] {strides = array<i32>} : memref<4x32x512xf32, #tpu.memory_space<vmem>>, vector<1x1x16xf32>,
        %get3A_938 = vector.shape_cast %get3A_937 : vector<1x1x16xf32> to vector<16xf32>
        %add3A_939 = arith.addf %get3A_938, %get3A_405 : vector<16xf32>
        %swap3A_940 = arith.constant 1 : i32
        %swap3A_941 = arith.index_cast %swap3A_940 : i32 to index
        %swap3A_942 = arith.index_cast %scan3A_877 : i32 to index
        %swap3A_943 = arith.constant 448 : index
        %swap3A_944 = tpu.vector_load %arg8[%swap3A_941, %swap3A_942, %swap3A_943] {strides = array<i32>} : memref<4x32x512xf32, #tpu.memory_space<vmem>>, vector<1x1x16xf32>,
        %swap3A_945 = vector.shape_cast %swap3A_944 : vector<1x1x16xf32> to vector<16xf32>
        %swap3A_946 = vector.shape_cast %add3A_939 : vector<16xf32> to vector<1x1x16xf32>
        tpu.vector_store %arg8[%swap3A_941, %swap3A_942, %swap3A_943], %swap3A_946 {strides = array<i32>} : memref<4x32x512xf32, #tpu.memory_space<vmem>>, vector<1x1x16xf32>,
        %get3A_947 = arith.constant 1 : i32
        %get3A_948 = arith.index_cast %get3A_947 : i32 to index
        %get3A_949 = arith.index_cast %scan3A_877 : i32 to index
        %get3A_950 = arith.constant 464 : index
        %get3A_951 = tpu.vector_load %arg8[%get3A_948, %get3A_949, %get3A_950] {strides = array<i32>} : memref<4x32x512xf32, #tpu.memory_space<vmem>>, vector<1x1x16xf32>,
        %get3A_952 = vector.shape_cast %get3A_951 : vector<1x1x16xf32> to vector<16xf32>
        %add3A_953 = arith.addf %get3A_952, %get3A_409 : vector<16xf32>
        %swap3A_954 = arith.constant 1 : i32
        %swap3A_955 = arith.index_cast %swap3A_954 : i32 to index
        %swap3A_956 = arith.index_cast %scan3A_877 : i32 to index
        %swap3A_957 = arith.constant 464 : index
        %swap3A_958 = tpu.vector_load %arg8[%swap3A_955, %swap3A_956, %swap3A_957] {strides = array<i32>} : memref<4x32x512xf32, #tpu.memory_space<vmem>>, vector<1x1x16xf32>,
        %swap3A_959 = vector.shape_cast %swap3A_958 : vector<1x1x16xf32> to vector<16xf32>
        %swap3A_960 = vector.shape_cast %add3A_953 : vector<16xf32> to vector<1x1x16xf32>
        tpu.vector_store %arg8[%swap3A_955, %swap3A_956, %swap3A_957], %swap3A_960 {strides = array<i32>} : memref<4x32x512xf32, #tpu.memory_space<vmem>>, vector<1x1x16xf32>,
        %get3A_961 = arith.constant 1 : i32
        %get3A_962 = arith.index_cast %get3A_961 : i32 to index
        %get3A_963 = arith.index_cast %scan3A_877 : i32 to index
        %get3A_964 = arith.constant 480 : index
        %get3A_965 = tpu.vector_load %arg8[%get3A_962, %get3A_963, %get3A_964] {strides = array<i32>} : memref<4x32x512xf32, #tpu.memory_space<vmem>>, vector<1x1x16xf32>,
        %get3A_966 = vector.shape_cast %get3A_965 : vector<1x1x16xf32> to vector<16xf32>
        %add3A_967 = arith.addf %get3A_966, %get3A_413 : vector<16xf32>
        %swap3A_968 = arith.constant 1 : i32
        %swap3A_969 = arith.index_cast %swap3A_968 : i32 to index
        %swap3A_970 = arith.index_cast %scan3A_877 : i32 to index
        %swap3A_971 = arith.constant 480 : index
        %swap3A_972 = tpu.vector_load %arg8[%swap3A_969, %swap3A_970, %swap3A_971] {strides = array<i32>} : memref<4x32x512xf32, #tpu.memory_space<vmem>>, vector<1x1x16xf32>,
        %swap3A_973 = vector.shape_cast %swap3A_972 : vector<1x1x16xf32> to vector<16xf32>
        %swap3A_974 = vector.shape_cast %add3A_967 : vector<16xf32> to vector<1x1x16xf32>
        tpu.vector_store %arg8[%swap3A_969, %swap3A_970, %swap3A_971], %swap3A_974 {strides = array<i32>} : memref<4x32x512xf32, #tpu.memory_space<vmem>>, vector<1x1x16xf32>,
        %get3A_975 = arith.constant 1 : i32
        %get3A_976 = arith.index_cast %get3A_975 : i32 to index
        %get3A_977 = arith.index_cast %scan3A_877 : i32 to index
        %get3A_978 = arith.constant 496 : index
        %get3A_979 = tpu.vector_load %arg8[%get3A_976, %get3A_977, %get3A_978] {strides = array<i32>} : memref<4x32x512xf32, #tpu.memory_space<vmem>>, vector<1x1x16xf32>,
        %get3A_980 = vector.shape_cast %get3A_979 : vector<1x1x16xf32> to vector<16xf32>
        %add3A_981 = arith.addf %get3A_980, %get3A_417 : vector<16xf32>
        %swap3A_982 = arith.constant 1 : i32
        %swap3A_983 = arith.index_cast %swap3A_982 : i32 to index
        %swap3A_984 = arith.index_cast %scan3A_877 : i32 to index
        %swap3A_985 = arith.constant 496 : index
        %swap3A_986 = tpu.vector_load %arg8[%swap3A_983, %swap3A_984, %swap3A_985] {strides = array<i32>} : memref<4x32x512xf32, #tpu.memory_space<vmem>>, vector<1x1x16xf32>,
        %swap3A_987 = vector.shape_cast %swap3A_986 : vector<1x1x16xf32> to vector<16xf32>
        %swap3A_988 = vector.shape_cast %add3A_981 : vector<16xf32> to vector<1x1x16xf32>
        tpu.vector_store %arg8[%swap3A_983, %swap3A_984, %swap3A_985], %swap3A_988 {strides = array<i32>} : memref<4x32x512xf32, #tpu.memory_space<vmem>>, vector<1x1x16xf32>,
      }
      %scan3A_423 = arith.constant 32 : i32
      %add3A_424 = arith.constant 32 : i32
      %add3A_425 = arith.addi %mul3A_2, %add3A_424 : i32
      %dma_start3A_426 = arith.constant 1 : i32
      %dma_start3A_427 = arith.constant 0 : i32
      %dma_start3A_428 = arith.constant 0 : i32
      %dma_start3A_429 = tpu.memref_slice %arg8[%dma_start3A_426, %dma_start3A_427, %dma_start3A_428] : memref<4x32x512xf32, #tpu.memory_space<vmem>> -> memref<1x32x512xf32, #tpu.memory_space<vmem>>
      %dma_start3A_430 = tpu.memref_squeeze %dma_start3A_429 : memref<1x32x512xf32, #tpu.memory_space<vmem>> -> memref<32x512xf32, #tpu.memory_space<vmem>>
      %dma_start3A_431 = arith.constant 0 : i32
      %dma_start3A_432 = tpu.memref_slice %arg5[%scan3A_60, %add3A_425, %dma_start3A_431] : memref<77x4096x512xf32, #tpu.memory_space<hbm>> -> memref<1x32x512xf32, #tpu.memory_space<hbm>>
      %dma_start3A_433 = tpu.memref_squeeze %dma_start3A_432 : memref<1x32x512xf32, #tpu.memory_space<hbm>> -> memref<32x512xf32, #tpu.memory_space<hbm>>
      %dma_start3A_434 = arith.constant 0 : i32
      %dma_start3A_435 = tpu.memref_slice %arg5[%scan3A_60, %add3A_425, %dma_start3A_434] : memref<77x4096x512xf32, #tpu.memory_space<hbm>> -> memref<1x32x512xf32, #tpu.memory_space<hbm>>
      %dma_start3A_436 = tpu.memref_squeeze %dma_start3A_435 : memref<1x32x512xf32, #tpu.memory_space<hbm>> -> memref<32x512xf32, #tpu.memory_space<hbm>>
      %dma_start3A_437 = arith.constant 0 : i32
      %dma_start3A_438 = arith.constant 0 : i32
      %dma_start3A_439 = tpu.memref_slice %arg8[%dma_start3A_426, %dma_start3A_437, %dma_start3A_438] : memref<4x32x512xf32, #tpu.memory_space<vmem>> -> memref<1x32x512xf32, #tpu.memory_space<vmem>>
      %dma_start3A_440 = tpu.memref_squeeze %dma_start3A_439 : memref<1x32x512xf32, #tpu.memory_space<vmem>> -> memref<32x512xf32, #tpu.memory_space<vmem>>
      tpu.enqueue_dma source(%dma_start3A_440 : memref<32x512xf32, #tpu.memory_space<vmem>>) target(%dma_start3A_436 : memref<32x512xf32, #tpu.memory_space<hbm>>) target_semaphore(%arg14 : memref<!tpu.dma_semaphore, #tpu.memory_space<semaphore_mem>>)
      %dma_wait3A_441 = arith.constant 0 : i32
      %dma_wait3A_442 = arith.constant 0 : i32
      %dma_wait3A_443 = arith.constant 0 : i32
      %dma_wait3A_444 = arith.constant 0 : i32
      %dma_wait3A_445 = tpu.memref_slice %arg8[%dma_wait3A_441, %dma_wait3A_443, %dma_wait3A_444] : memref<4x32x512xf32, #tpu.memory_space<vmem>> -> memref<1x32x512xf32, #tpu.memory_space<vmem>>
      %dma_wait3A_446 = tpu.memref_squeeze %dma_wait3A_445 : memref<1x32x512xf32, #tpu.memory_space<vmem>> -> memref<32x512xf32, #tpu.memory_space<vmem>>
      %dma_wait3A_447 = arith.constant 0 : i32
      %dma_wait3A_448 = arith.constant 0 : i32
      %dma_wait3A_449 = tpu.memref_slice %arg5[%dma_wait3A_442, %dma_wait3A_447, %dma_wait3A_448] : memref<77x4096x512xf32, #tpu.memory_space<hbm>> -> memref<1x32x512xf32, #tpu.memory_space<hbm>>
      %dma_wait3A_450 = tpu.memref_squeeze %dma_wait3A_449 : memref<1x32x512xf32, #tpu.memory_space<hbm>> -> memref<32x512xf32, #tpu.memory_space<hbm>>
      %dma_wait3A_451 = arith.constant 0 : i32
      %dma_wait3A_452 = arith.constant 0 : i32
      %dma_wait3A_453 = tpu.memref_slice %arg5[%dma_wait3A_442, %dma_wait3A_451, %dma_wait3A_452] : memref<77x4096x512xf32, #tpu.memory_space<hbm>> -> memref<1x32x512xf32, #tpu.memory_space<hbm>>
      %dma_wait3A_454 = tpu.memref_squeeze %dma_wait3A_453 : memref<1x32x512xf32, #tpu.memory_space<hbm>> -> memref<32x512xf32, #tpu.memory_space<hbm>>
      %dma_wait3A_455 = arith.constant 0 : i32
      %dma_wait3A_456 = arith.constant 0 : i32
      %dma_wait3A_457 = tpu.memref_slice %arg8[%dma_wait3A_441, %dma_wait3A_455, %dma_wait3A_456] : memref<4x32x512xf32, #tpu.memory_space<vmem>> -> memref<1x32x512xf32, #tpu.memory_space<vmem>>
      %dma_wait3A_458 = tpu.memref_squeeze %dma_wait3A_457 : memref<1x32x512xf32, #tpu.memory_space<vmem>> -> memref<32x512xf32, #tpu.memory_space<vmem>>
      tpu.wait_dma2 semaphore(%arg13 : memref<!tpu.dma_semaphore, #tpu.memory_space<semaphore_mem>>) src(%dma_wait3A_458 : memref<32x512xf32, #tpu.memory_space<vmem>>) dst(%dma_wait3A_454 : memref<32x512xf32, #tpu.memory_space<hbm>>)
      %lt3A = arith.constant 76 : i32
      %lt3A_459 = arith.cmpi slt, %scan3A_60, %lt3A : i32
      %convert_element_type3A_460 = arith.extui %lt3A_459 : i1 to i32
      %cond3A_461 = arith.constant 0 : i32
      %cond3A_462 = arith.cmpi ne, %convert_element_type3A_460, %cond3A_461 : i32
      scf.if %cond3A_462 {
        %add3A_877 = arith.constant 1 : i32
        %add3A_878 = arith.addi %scan3A_60, %add3A_877 : i32
        %dma_start3A_879 = arith.constant 0 : i32
        %dma_start3A_880 = arith.constant 0 : i32
        %dma_start3A_881 = arith.constant 0 : i32
        %dma_start3A_882 = tpu.memref_slice %arg8[%dma_start3A_879, %dma_start3A_880, %dma_start3A_881] : memref<4x32x512xf32, #tpu.memory_space<vmem>> -> memref<1x32x512xf32, #tpu.memory_space<vmem>>
        %dma_start3A_883 = tpu.memref_squeeze %dma_start3A_882 : memref<1x32x512xf32, #tpu.memory_space<vmem>> -> memref<32x512xf32, #tpu.memory_space<vmem>>
        %dma_start3A_884 = arith.constant 0 : i32
        %dma_start3A_885 = tpu.memref_slice %arg6[%add3A_878, %dma_start3A_884] : memref<77x128xi32, #tpu.memory_space<vmem>> -> memref<1x32xi32, #tpu.memory_space<vmem>>
        %dma_start3A_886 = tpu.memref_squeeze %dma_start3A_885 : memref<1x32xi32, #tpu.memory_space<vmem>> -> memref<32xi32, #tpu.memory_space<vmem>>
        %dma_start3A_887 = arith.constant 0 : i32
        %dma_start3A_888 = arith.constant 0 : i32
        %dma_start3A_889 = tpu.memref_slice %arg3[%dma_start3A_887, %dma_start3A_888] : memref<49408x512xf32, #tpu.memory_space<hbm>> -> memref<49408x512xf32, #tpu.memory_space<hbm>>
        tpu.enqueue_indirect_dma source(%dma_start3A_889 : memref<49408x512xf32, #tpu.memory_space<hbm>>) target(%dma_start3A_883 : memref<32x512xf32, #tpu.memory_space<vmem>>) offsets(%dma_start3A_886 : memref<32xi32, #tpu.memory_space<vmem>>) semaphore(%arg9 : memref<!tpu.dma_semaphore, #tpu.memory_space<semaphore_mem>>)
      } else {
      }
      %dma_wait3A_463 = arith.constant 2 : i32
      %dma_wait3A_464 = arith.constant 0 : i32
      %dma_wait3A_465 = arith.constant 0 : i32
      %dma_wait3A_466 = tpu.memref_slice %arg8[%dma_wait3A_463, %dma_wait3A_464, %dma_wait3A_465] : memref<4x32x512xf32, #tpu.memory_space<vmem>> -> memref<1x32x512xf32, #tpu.memory_space<vmem>>
      %dma_wait3A_467 = tpu.memref_squeeze %dma_wait3A_466 : memref<1x32x512xf32, #tpu.memory_space<vmem>> -> memref<32x512xf32, #tpu.memory_space<vmem>>
      %dma_wait3A_468 = arith.constant 0 : i32
      %dma_wait3A_469 = arith.constant 0 : i32
      %dma_wait3A_470 = tpu.memref_slice %arg3[%dma_wait3A_468, %dma_wait3A_469] : memref<49408x512xf32, #tpu.memory_space<hbm>> -> memref<32x512xf32, #tpu.memory_space<hbm>>
      %dma_wait3A_471 = arith.constant 0 : i32
      %dma_wait3A_472 = arith.constant 0 : i32
      %dma_wait3A_473 = tpu.memref_slice %arg8[%dma_wait3A_463, %dma_wait3A_471, %dma_wait3A_472] : memref<4x32x512xf32, #tpu.memory_space<vmem>> -> memref<1x32x512xf32, #tpu.memory_space<vmem>>
      %dma_wait3A_474 = tpu.memref_squeeze %dma_wait3A_473 : memref<1x32x512xf32, #tpu.memory_space<vmem>> -> memref<32x512xf32, #tpu.memory_space<vmem>>
      %dma_wait3A_475 = arith.constant 0 : i32
      %dma_wait3A_476 = arith.constant 0 : i32
      %dma_wait3A_477 = tpu.memref_slice %arg3[%dma_wait3A_475, %dma_wait3A_476] : memref<49408x512xf32, #tpu.memory_space<hbm>> -> memref<32x512xf32, #tpu.memory_space<hbm>>
      tpu.wait_dma2 semaphore(%arg11 : memref<!tpu.dma_semaphore, #tpu.memory_space<semaphore_mem>>) src(%dma_wait3A_477 : memref<32x512xf32, #tpu.memory_space<hbm>>) dst(%dma_wait3A_474 : memref<32x512xf32, #tpu.memory_space<vmem>>)
      %get3A_478 = arith.index_cast %scan3A_60 : i32 to index
      %get3A_479 = arith.constant 0 : index
      %get3A_480 = tpu.vector_load %arg7[%get3A_478, %get3A_479] {strides = array<i32>} : memref<77x512xf32, #tpu.memory_space<vmem>>, vector<1x16xf32>,
      %get3A_481 = vector.shape_cast %get3A_480 : vector<1x16xf32> to vector<16xf32>
      %get3A_482 = arith.index_cast %scan3A_60 : i32 to index
      %get3A_483 = arith.constant 16 : index
      %get3A_484 = tpu.vector_load %arg7[%get3A_482, %get3A_483] {strides = array<i32>} : memref<77x512xf32, #tpu.memory_space<vmem>>, vector<1x16xf32>,
      %get3A_485 = vector.shape_cast %get3A_484 : vector<1x16xf32> to vector<16xf32>
      %get3A_486 = arith.index_cast %scan3A_60 : i32 to index
      %get3A_487 = arith.constant 32 : index
      %get3A_488 = tpu.vector_load %arg7[%get3A_486, %get3A_487] {strides = array<i32>} : memref<77x512xf32, #tpu.memory_space<vmem>>, vector<1x16xf32>,
      %get3A_489 = vector.shape_cast %get3A_488 : vector<1x16xf32> to vector<16xf32>
      %get3A_490 = arith.index_cast %scan3A_60 : i32 to index
      %get3A_491 = arith.constant 48 : index
      %get3A_492 = tpu.vector_load %arg7[%get3A_490, %get3A_491] {strides = array<i32>} : memref<77x512xf32, #tpu.memory_space<vmem>>, vector<1x16xf32>,
      %get3A_493 = vector.shape_cast %get3A_492 : vector<1x16xf32> to vector<16xf32>
      %get3A_494 = arith.index_cast %scan3A_60 : i32 to index
      %get3A_495 = arith.constant 64 : index
      %get3A_496 = tpu.vector_load %arg7[%get3A_494, %get3A_495] {strides = array<i32>} : memref<77x512xf32, #tpu.memory_space<vmem>>, vector<1x16xf32>,
      %get3A_497 = vector.shape_cast %get3A_496 : vector<1x16xf32> to vector<16xf32>
      %get3A_498 = arith.index_cast %scan3A_60 : i32 to index
      %get3A_499 = arith.constant 80 : index
      %get3A_500 = tpu.vector_load %arg7[%get3A_498, %get3A_499] {strides = array<i32>} : memref<77x512xf32, #tpu.memory_space<vmem>>, vector<1x16xf32>,
      %get3A_501 = vector.shape_cast %get3A_500 : vector<1x16xf32> to vector<16xf32>
      %get3A_502 = arith.index_cast %scan3A_60 : i32 to index
      %get3A_503 = arith.constant 96 : index
      %get3A_504 = tpu.vector_load %arg7[%get3A_502, %get3A_503] {strides = array<i32>} : memref<77x512xf32, #tpu.memory_space<vmem>>, vector<1x16xf32>,
      %get3A_505 = vector.shape_cast %get3A_504 : vector<1x16xf32> to vector<16xf32>
      %get3A_506 = arith.index_cast %scan3A_60 : i32 to index
      %get3A_507 = arith.constant 112 : index
      %get3A_508 = tpu.vector_load %arg7[%get3A_506, %get3A_507] {strides = array<i32>} : memref<77x512xf32, #tpu.memory_space<vmem>>, vector<1x16xf32>,
      %get3A_509 = vector.shape_cast %get3A_508 : vector<1x16xf32> to vector<16xf32>
      %scan3A_510 = arith.constant 0 : i32
      %scan3A_511 = arith.constant 0 : i32
      %scan3A_512 = arith.constant 32 : i32
      %scan3A_513 = arith.addi %scan3A_511, %scan3A_512 : i32
      %scan3A_514 = arith.constant 1 : i32
      scf.for %scan3A_877 = %scan3A_511 to %scan3A_513 step %scan3A_514  : i32 {
        %get3A_878 = arith.constant 2 : i32
        %get3A_879 = arith.index_cast %get3A_878 : i32 to index
        %get3A_880 = arith.index_cast %scan3A_877 : i32 to index
        %get3A_881 = arith.constant 0 : index
        %get3A_882 = tpu.vector_load %arg8[%get3A_879, %get3A_880, %get3A_881] {strides = array<i32>} : memref<4x32x512xf32, #tpu.memory_space<vmem>>, vector<1x1x16xf32>,
        %get3A_883 = vector.shape_cast %get3A_882 : vector<1x1x16xf32> to vector<16xf32>
        %add3A_884 = arith.addf %get3A_883, %get3A_481 : vector<16xf32>
        %swap3A = arith.constant 2 : i32
        %swap3A_885 = arith.index_cast %swap3A : i32 to index
        %swap3A_886 = arith.index_cast %scan3A_877 : i32 to index
        %swap3A_887 = arith.constant 0 : index
        %swap3A_888 = tpu.vector_load %arg8[%swap3A_885, %swap3A_886, %swap3A_887] {strides = array<i32>} : memref<4x32x512xf32, #tpu.memory_space<vmem>>, vector<1x1x16xf32>,
        %swap3A_889 = vector.shape_cast %swap3A_888 : vector<1x1x16xf32> to vector<16xf32>
        %swap3A_890 = vector.shape_cast %add3A_884 : vector<16xf32> to vector<1x1x16xf32>
        tpu.vector_store %arg8[%swap3A_885, %swap3A_886, %swap3A_887], %swap3A_890 {strides = array<i32>} : memref<4x32x512xf32, #tpu.memory_space<vmem>>, vector<1x1x16xf32>,
        %get3A_891 = arith.constant 2 : i32
        %get3A_892 = arith.index_cast %get3A_891 : i32 to index
        %get3A_893 = arith.index_cast %scan3A_877 : i32 to index
        %get3A_894 = arith.constant 16 : index
        %get3A_895 = tpu.vector_load %arg8[%get3A_892, %get3A_893, %get3A_894] {strides = array<i32>} : memref<4x32x512xf32, #tpu.memory_space<vmem>>, vector<1x1x16xf32>,
        %get3A_896 = vector.shape_cast %get3A_895 : vector<1x1x16xf32> to vector<16xf32>
        %add3A_897 = arith.addf %get3A_896, %get3A_485 : vector<16xf32>
        %swap3A_898 = arith.constant 2 : i32
        %swap3A_899 = arith.index_cast %swap3A_898 : i32 to index
        %swap3A_900 = arith.index_cast %scan3A_877 : i32 to index
        %swap3A_901 = arith.constant 16 : index
        %swap3A_902 = tpu.vector_load %arg8[%swap3A_899, %swap3A_900, %swap3A_901] {strides = array<i32>} : memref<4x32x512xf32, #tpu.memory_space<vmem>>, vector<1x1x16xf32>,
        %swap3A_903 = vector.shape_cast %swap3A_902 : vector<1x1x16xf32> to vector<16xf32>
        %swap3A_904 = vector.shape_cast %add3A_897 : vector<16xf32> to vector<1x1x16xf32>
        tpu.vector_store %arg8[%swap3A_899, %swap3A_900, %swap3A_901], %swap3A_904 {strides = array<i32>} : memref<4x32x512xf32, #tpu.memory_space<vmem>>, vector<1x1x16xf32>,
        %get3A_905 = arith.constant 2 : i32
        %get3A_906 = arith.index_cast %get3A_905 : i32 to index
        %get3A_907 = arith.index_cast %scan3A_877 : i32 to index
        %get3A_908 = arith.constant 32 : index
        %get3A_909 = tpu.vector_load %arg8[%get3A_906, %get3A_907, %get3A_908] {strides = array<i32>} : memref<4x32x512xf32, #tpu.memory_space<vmem>>, vector<1x1x16xf32>,
        %get3A_910 = vector.shape_cast %get3A_909 : vector<1x1x16xf32> to vector<16xf32>
        %add3A_911 = arith.addf %get3A_910, %get3A_489 : vector<16xf32>
        %swap3A_912 = arith.constant 2 : i32
        %swap3A_913 = arith.index_cast %swap3A_912 : i32 to index
        %swap3A_914 = arith.index_cast %scan3A_877 : i32 to index
        %swap3A_915 = arith.constant 32 : index
        %swap3A_916 = tpu.vector_load %arg8[%swap3A_913, %swap3A_914, %swap3A_915] {strides = array<i32>} : memref<4x32x512xf32, #tpu.memory_space<vmem>>, vector<1x1x16xf32>,
        %swap3A_917 = vector.shape_cast %swap3A_916 : vector<1x1x16xf32> to vector<16xf32>
        %swap3A_918 = vector.shape_cast %add3A_911 : vector<16xf32> to vector<1x1x16xf32>
        tpu.vector_store %arg8[%swap3A_913, %swap3A_914, %swap3A_915], %swap3A_918 {strides = array<i32>} : memref<4x32x512xf32, #tpu.memory_space<vmem>>, vector<1x1x16xf32>,
        %get3A_919 = arith.constant 2 : i32
        %get3A_920 = arith.index_cast %get3A_919 : i32 to index
        %get3A_921 = arith.index_cast %scan3A_877 : i32 to index
        %get3A_922 = arith.constant 48 : index
        %get3A_923 = tpu.vector_load %arg8[%get3A_920, %get3A_921, %get3A_922] {strides = array<i32>} : memref<4x32x512xf32, #tpu.memory_space<vmem>>, vector<1x1x16xf32>,
        %get3A_924 = vector.shape_cast %get3A_923 : vector<1x1x16xf32> to vector<16xf32>
        %add3A_925 = arith.addf %get3A_924, %get3A_493 : vector<16xf32>
        %swap3A_926 = arith.constant 2 : i32
        %swap3A_927 = arith.index_cast %swap3A_926 : i32 to index
        %swap3A_928 = arith.index_cast %scan3A_877 : i32 to index
        %swap3A_929 = arith.constant 48 : index
        %swap3A_930 = tpu.vector_load %arg8[%swap3A_927, %swap3A_928, %swap3A_929] {strides = array<i32>} : memref<4x32x512xf32, #tpu.memory_space<vmem>>, vector<1x1x16xf32>,
        %swap3A_931 = vector.shape_cast %swap3A_930 : vector<1x1x16xf32> to vector<16xf32>
        %swap3A_932 = vector.shape_cast %add3A_925 : vector<16xf32> to vector<1x1x16xf32>
        tpu.vector_store %arg8[%swap3A_927, %swap3A_928, %swap3A_929], %swap3A_932 {strides = array<i32>} : memref<4x32x512xf32, #tpu.memory_space<vmem>>, vector<1x1x16xf32>,
        %get3A_933 = arith.constant 2 : i32
        %get3A_934 = arith.index_cast %get3A_933 : i32 to index
        %get3A_935 = arith.index_cast %scan3A_877 : i32 to index
        %get3A_936 = arith.constant 64 : index
        %get3A_937 = tpu.vector_load %arg8[%get3A_934, %get3A_935, %get3A_936] {strides = array<i32>} : memref<4x32x512xf32, #tpu.memory_space<vmem>>, vector<1x1x16xf32>,
        %get3A_938 = vector.shape_cast %get3A_937 : vector<1x1x16xf32> to vector<16xf32>
        %add3A_939 = arith.addf %get3A_938, %get3A_497 : vector<16xf32>
        %swap3A_940 = arith.constant 2 : i32
        %swap3A_941 = arith.index_cast %swap3A_940 : i32 to index
        %swap3A_942 = arith.index_cast %scan3A_877 : i32 to index
        %swap3A_943 = arith.constant 64 : index
        %swap3A_944 = tpu.vector_load %arg8[%swap3A_941, %swap3A_942, %swap3A_943] {strides = array<i32>} : memref<4x32x512xf32, #tpu.memory_space<vmem>>, vector<1x1x16xf32>,
        %swap3A_945 = vector.shape_cast %swap3A_944 : vector<1x1x16xf32> to vector<16xf32>
        %swap3A_946 = vector.shape_cast %add3A_939 : vector<16xf32> to vector<1x1x16xf32>
        tpu.vector_store %arg8[%swap3A_941, %swap3A_942, %swap3A_943], %swap3A_946 {strides = array<i32>} : memref<4x32x512xf32, #tpu.memory_space<vmem>>, vector<1x1x16xf32>,
        %get3A_947 = arith.constant 2 : i32
        %get3A_948 = arith.index_cast %get3A_947 : i32 to index
        %get3A_949 = arith.index_cast %scan3A_877 : i32 to index
        %get3A_950 = arith.constant 80 : index
        %get3A_951 = tpu.vector_load %arg8[%get3A_948, %get3A_949, %get3A_950] {strides = array<i32>} : memref<4x32x512xf32, #tpu.memory_space<vmem>>, vector<1x1x16xf32>,
        %get3A_952 = vector.shape_cast %get3A_951 : vector<1x1x16xf32> to vector<16xf32>
        %add3A_953 = arith.addf %get3A_952, %get3A_501 : vector<16xf32>
        %swap3A_954 = arith.constant 2 : i32
        %swap3A_955 = arith.index_cast %swap3A_954 : i32 to index
        %swap3A_956 = arith.index_cast %scan3A_877 : i32 to index
        %swap3A_957 = arith.constant 80 : index
        %swap3A_958 = tpu.vector_load %arg8[%swap3A_955, %swap3A_956, %swap3A_957] {strides = array<i32>} : memref<4x32x512xf32, #tpu.memory_space<vmem>>, vector<1x1x16xf32>,
        %swap3A_959 = vector.shape_cast %swap3A_958 : vector<1x1x16xf32> to vector<16xf32>
        %swap3A_960 = vector.shape_cast %add3A_953 : vector<16xf32> to vector<1x1x16xf32>
        tpu.vector_store %arg8[%swap3A_955, %swap3A_956, %swap3A_957], %swap3A_960 {strides = array<i32>} : memref<4x32x512xf32, #tpu.memory_space<vmem>>, vector<1x1x16xf32>,
        %get3A_961 = arith.constant 2 : i32
        %get3A_962 = arith.index_cast %get3A_961 : i32 to index
        %get3A_963 = arith.index_cast %scan3A_877 : i32 to index
        %get3A_964 = arith.constant 96 : index
        %get3A_965 = tpu.vector_load %arg8[%get3A_962, %get3A_963, %get3A_964] {strides = array<i32>} : memref<4x32x512xf32, #tpu.memory_space<vmem>>, vector<1x1x16xf32>,
        %get3A_966 = vector.shape_cast %get3A_965 : vector<1x1x16xf32> to vector<16xf32>
        %add3A_967 = arith.addf %get3A_966, %get3A_505 : vector<16xf32>
        %swap3A_968 = arith.constant 2 : i32
        %swap3A_969 = arith.index_cast %swap3A_968 : i32 to index
        %swap3A_970 = arith.index_cast %scan3A_877 : i32 to index
        %swap3A_971 = arith.constant 96 : index
        %swap3A_972 = tpu.vector_load %arg8[%swap3A_969, %swap3A_970, %swap3A_971] {strides = array<i32>} : memref<4x32x512xf32, #tpu.memory_space<vmem>>, vector<1x1x16xf32>,
        %swap3A_973 = vector.shape_cast %swap3A_972 : vector<1x1x16xf32> to vector<16xf32>
        %swap3A_974 = vector.shape_cast %add3A_967 : vector<16xf32> to vector<1x1x16xf32>
        tpu.vector_store %arg8[%swap3A_969, %swap3A_970, %swap3A_971], %swap3A_974 {strides = array<i32>} : memref<4x32x512xf32, #tpu.memory_space<vmem>>, vector<1x1x16xf32>,
        %get3A_975 = arith.constant 2 : i32
        %get3A_976 = arith.index_cast %get3A_975 : i32 to index
        %get3A_977 = arith.index_cast %scan3A_877 : i32 to index
        %get3A_978 = arith.constant 112 : index
        %get3A_979 = tpu.vector_load %arg8[%get3A_976, %get3A_977, %get3A_978] {strides = array<i32>} : memref<4x32x512xf32, #tpu.memory_space<vmem>>, vector<1x1x16xf32>,
        %get3A_980 = vector.shape_cast %get3A_979 : vector<1x1x16xf32> to vector<16xf32>
        %add3A_981 = arith.addf %get3A_980, %get3A_509 : vector<16xf32>
        %swap3A_982 = arith.constant 2 : i32
        %swap3A_983 = arith.index_cast %swap3A_982 : i32 to index
        %swap3A_984 = arith.index_cast %scan3A_877 : i32 to index
        %swap3A_985 = arith.constant 112 : index
        %swap3A_986 = tpu.vector_load %arg8[%swap3A_983, %swap3A_984, %swap3A_985] {strides = array<i32>} : memref<4x32x512xf32, #tpu.memory_space<vmem>>, vector<1x1x16xf32>,
        %swap3A_987 = vector.shape_cast %swap3A_986 : vector<1x1x16xf32> to vector<16xf32>
        %swap3A_988 = vector.shape_cast %add3A_981 : vector<16xf32> to vector<1x1x16xf32>
        tpu.vector_store %arg8[%swap3A_983, %swap3A_984, %swap3A_985], %swap3A_988 {strides = array<i32>} : memref<4x32x512xf32, #tpu.memory_space<vmem>>, vector<1x1x16xf32>,
      }
      %scan3A_515 = arith.constant 32 : i32
      %get3A_516 = arith.index_cast %scan3A_60 : i32 to index
      %get3A_517 = arith.constant 128 : index
      %get3A_518 = tpu.vector_load %arg7[%get3A_516, %get3A_517] {strides = array<i32>} : memref<77x512xf32, #tpu.memory_space<vmem>>, vector<1x16xf32>,
      %get3A_519 = vector.shape_cast %get3A_518 : vector<1x16xf32> to vector<16xf32>
      %get3A_520 = arith.index_cast %scan3A_60 : i32 to index
      %get3A_521 = arith.constant 144 : index
      %get3A_522 = tpu.vector_load %arg7[%get3A_520, %get3A_521] {strides = array<i32>} : memref<77x512xf32, #tpu.memory_space<vmem>>, vector<1x16xf32>,
      %get3A_523 = vector.shape_cast %get3A_522 : vector<1x16xf32> to vector<16xf32>
      %get3A_524 = arith.index_cast %scan3A_60 : i32 to index
      %get3A_525 = arith.constant 160 : index
      %get3A_526 = tpu.vector_load %arg7[%get3A_524, %get3A_525] {strides = array<i32>} : memref<77x512xf32, #tpu.memory_space<vmem>>, vector<1x16xf32>,
      %get3A_527 = vector.shape_cast %get3A_526 : vector<1x16xf32> to vector<16xf32>
      %get3A_528 = arith.index_cast %scan3A_60 : i32 to index
      %get3A_529 = arith.constant 176 : index
      %get3A_530 = tpu.vector_load %arg7[%get3A_528, %get3A_529] {strides = array<i32>} : memref<77x512xf32, #tpu.memory_space<vmem>>, vector<1x16xf32>,
      %get3A_531 = vector.shape_cast %get3A_530 : vector<1x16xf32> to vector<16xf32>
      %get3A_532 = arith.index_cast %scan3A_60 : i32 to index
      %get3A_533 = arith.constant 192 : index
      %get3A_534 = tpu.vector_load %arg7[%get3A_532, %get3A_533] {strides = array<i32>} : memref<77x512xf32, #tpu.memory_space<vmem>>, vector<1x16xf32>,
      %get3A_535 = vector.shape_cast %get3A_534 : vector<1x16xf32> to vector<16xf32>
      %get3A_536 = arith.index_cast %scan3A_60 : i32 to index
      %get3A_537 = arith.constant 208 : index
      %get3A_538 = tpu.vector_load %arg7[%get3A_536, %get3A_537] {strides = array<i32>} : memref<77x512xf32, #tpu.memory_space<vmem>>, vector<1x16xf32>,
      %get3A_539 = vector.shape_cast %get3A_538 : vector<1x16xf32> to vector<16xf32>
      %get3A_540 = arith.index_cast %scan3A_60 : i32 to index
      %get3A_541 = arith.constant 224 : index
      %get3A_542 = tpu.vector_load %arg7[%get3A_540, %get3A_541] {strides = array<i32>} : memref<77x512xf32, #tpu.memory_space<vmem>>, vector<1x16xf32>,
      %get3A_543 = vector.shape_cast %get3A_542 : vector<1x16xf32> to vector<16xf32>
      %get3A_544 = arith.index_cast %scan3A_60 : i32 to index
      %get3A_545 = arith.constant 240 : index
      %get3A_546 = tpu.vector_load %arg7[%get3A_544, %get3A_545] {strides = array<i32>} : memref<77x512xf32, #tpu.memory_space<vmem>>, vector<1x16xf32>,
      %get3A_547 = vector.shape_cast %get3A_546 : vector<1x16xf32> to vector<16xf32>
      %scan3A_548 = arith.constant 0 : i32
      %scan3A_549 = arith.constant 0 : i32
      %scan3A_550 = arith.constant 32 : i32
      %scan3A_551 = arith.addi %scan3A_549, %scan3A_550 : i32
      %scan3A_552 = arith.constant 1 : i32
      scf.for %scan3A_877 = %scan3A_549 to %scan3A_551 step %scan3A_552  : i32 {
        %get3A_878 = arith.constant 2 : i32
        %get3A_879 = arith.index_cast %get3A_878 : i32 to index
        %get3A_880 = arith.index_cast %scan3A_877 : i32 to index
        %get3A_881 = arith.constant 128 : index
        %get3A_882 = tpu.vector_load %arg8[%get3A_879, %get3A_880, %get3A_881] {strides = array<i32>} : memref<4x32x512xf32, #tpu.memory_space<vmem>>, vector<1x1x16xf32>,
        %get3A_883 = vector.shape_cast %get3A_882 : vector<1x1x16xf32> to vector<16xf32>
        %add3A_884 = arith.addf %get3A_883, %get3A_519 : vector<16xf32>
        %swap3A = arith.constant 2 : i32
        %swap3A_885 = arith.index_cast %swap3A : i32 to index
        %swap3A_886 = arith.index_cast %scan3A_877 : i32 to index
        %swap3A_887 = arith.constant 128 : index
        %swap3A_888 = tpu.vector_load %arg8[%swap3A_885, %swap3A_886, %swap3A_887] {strides = array<i32>} : memref<4x32x512xf32, #tpu.memory_space<vmem>>, vector<1x1x16xf32>,
        %swap3A_889 = vector.shape_cast %swap3A_888 : vector<1x1x16xf32> to vector<16xf32>
        %swap3A_890 = vector.shape_cast %add3A_884 : vector<16xf32> to vector<1x1x16xf32>
        tpu.vector_store %arg8[%swap3A_885, %swap3A_886, %swap3A_887], %swap3A_890 {strides = array<i32>} : memref<4x32x512xf32, #tpu.memory_space<vmem>>, vector<1x1x16xf32>,
        %get3A_891 = arith.constant 2 : i32
        %get3A_892 = arith.index_cast %get3A_891 : i32 to index
        %get3A_893 = arith.index_cast %scan3A_877 : i32 to index
        %get3A_894 = arith.constant 144 : index
        %get3A_895 = tpu.vector_load %arg8[%get3A_892, %get3A_893, %get3A_894] {strides = array<i32>} : memref<4x32x512xf32, #tpu.memory_space<vmem>>, vector<1x1x16xf32>,
        %get3A_896 = vector.shape_cast %get3A_895 : vector<1x1x16xf32> to vector<16xf32>
        %add3A_897 = arith.addf %get3A_896, %get3A_523 : vector<16xf32>
        %swap3A_898 = arith.constant 2 : i32
        %swap3A_899 = arith.index_cast %swap3A_898 : i32 to index
        %swap3A_900 = arith.index_cast %scan3A_877 : i32 to index
        %swap3A_901 = arith.constant 144 : index
        %swap3A_902 = tpu.vector_load %arg8[%swap3A_899, %swap3A_900, %swap3A_901] {strides = array<i32>} : memref<4x32x512xf32, #tpu.memory_space<vmem>>, vector<1x1x16xf32>,
        %swap3A_903 = vector.shape_cast %swap3A_902 : vector<1x1x16xf32> to vector<16xf32>
        %swap3A_904 = vector.shape_cast %add3A_897 : vector<16xf32> to vector<1x1x16xf32>
        tpu.vector_store %arg8[%swap3A_899, %swap3A_900, %swap3A_901], %swap3A_904 {strides = array<i32>} : memref<4x32x512xf32, #tpu.memory_space<vmem>>, vector<1x1x16xf32>,
        %get3A_905 = arith.constant 2 : i32
        %get3A_906 = arith.index_cast %get3A_905 : i32 to index
        %get3A_907 = arith.index_cast %scan3A_877 : i32 to index
        %get3A_908 = arith.constant 160 : index
        %get3A_909 = tpu.vector_load %arg8[%get3A_906, %get3A_907, %get3A_908] {strides = array<i32>} : memref<4x32x512xf32, #tpu.memory_space<vmem>>, vector<1x1x16xf32>,
        %get3A_910 = vector.shape_cast %get3A_909 : vector<1x1x16xf32> to vector<16xf32>
        %add3A_911 = arith.addf %get3A_910, %get3A_527 : vector<16xf32>
        %swap3A_912 = arith.constant 2 : i32
        %swap3A_913 = arith.index_cast %swap3A_912 : i32 to index
        %swap3A_914 = arith.index_cast %scan3A_877 : i32 to index
        %swap3A_915 = arith.constant 160 : index
        %swap3A_916 = tpu.vector_load %arg8[%swap3A_913, %swap3A_914, %swap3A_915] {strides = array<i32>} : memref<4x32x512xf32, #tpu.memory_space<vmem>>, vector<1x1x16xf32>,
        %swap3A_917 = vector.shape_cast %swap3A_916 : vector<1x1x16xf32> to vector<16xf32>
        %swap3A_918 = vector.shape_cast %add3A_911 : vector<16xf32> to vector<1x1x16xf32>
        tpu.vector_store %arg8[%swap3A_913, %swap3A_914, %swap3A_915], %swap3A_918 {strides = array<i32>} : memref<4x32x512xf32, #tpu.memory_space<vmem>>, vector<1x1x16xf32>,
        %get3A_919 = arith.constant 2 : i32
        %get3A_920 = arith.index_cast %get3A_919 : i32 to index
        %get3A_921 = arith.index_cast %scan3A_877 : i32 to index
        %get3A_922 = arith.constant 176 : index
        %get3A_923 = tpu.vector_load %arg8[%get3A_920, %get3A_921, %get3A_922] {strides = array<i32>} : memref<4x32x512xf32, #tpu.memory_space<vmem>>, vector<1x1x16xf32>,
        %get3A_924 = vector.shape_cast %get3A_923 : vector<1x1x16xf32> to vector<16xf32>
        %add3A_925 = arith.addf %get3A_924, %get3A_531 : vector<16xf32>
        %swap3A_926 = arith.constant 2 : i32
        %swap3A_927 = arith.index_cast %swap3A_926 : i32 to index
        %swap3A_928 = arith.index_cast %scan3A_877 : i32 to index
        %swap3A_929 = arith.constant 176 : index
        %swap3A_930 = tpu.vector_load %arg8[%swap3A_927, %swap3A_928, %swap3A_929] {strides = array<i32>} : memref<4x32x512xf32, #tpu.memory_space<vmem>>, vector<1x1x16xf32>,
        %swap3A_931 = vector.shape_cast %swap3A_930 : vector<1x1x16xf32> to vector<16xf32>
        %swap3A_932 = vector.shape_cast %add3A_925 : vector<16xf32> to vector<1x1x16xf32>
        tpu.vector_store %arg8[%swap3A_927, %swap3A_928, %swap3A_929], %swap3A_932 {strides = array<i32>} : memref<4x32x512xf32, #tpu.memory_space<vmem>>, vector<1x1x16xf32>,
        %get3A_933 = arith.constant 2 : i32
        %get3A_934 = arith.index_cast %get3A_933 : i32 to index
        %get3A_935 = arith.index_cast %scan3A_877 : i32 to index
        %get3A_936 = arith.constant 192 : index
        %get3A_937 = tpu.vector_load %arg8[%get3A_934, %get3A_935, %get3A_936] {strides = array<i32>} : memref<4x32x512xf32, #tpu.memory_space<vmem>>, vector<1x1x16xf32>,
        %get3A_938 = vector.shape_cast %get3A_937 : vector<1x1x16xf32> to vector<16xf32>
        %add3A_939 = arith.addf %get3A_938, %get3A_535 : vector<16xf32>
        %swap3A_940 = arith.constant 2 : i32
        %swap3A_941 = arith.index_cast %swap3A_940 : i32 to index
        %swap3A_942 = arith.index_cast %scan3A_877 : i32 to index
        %swap3A_943 = arith.constant 192 : index
        %swap3A_944 = tpu.vector_load %arg8[%swap3A_941, %swap3A_942, %swap3A_943] {strides = array<i32>} : memref<4x32x512xf32, #tpu.memory_space<vmem>>, vector<1x1x16xf32>,
        %swap3A_945 = vector.shape_cast %swap3A_944 : vector<1x1x16xf32> to vector<16xf32>
        %swap3A_946 = vector.shape_cast %add3A_939 : vector<16xf32> to vector<1x1x16xf32>
        tpu.vector_store %arg8[%swap3A_941, %swap3A_942, %swap3A_943], %swap3A_946 {strides = array<i32>} : memref<4x32x512xf32, #tpu.memory_space<vmem>>, vector<1x1x16xf32>,
        %get3A_947 = arith.constant 2 : i32
        %get3A_948 = arith.index_cast %get3A_947 : i32 to index
        %get3A_949 = arith.index_cast %scan3A_877 : i32 to index
        %get3A_950 = arith.constant 208 : index
        %get3A_951 = tpu.vector_load %arg8[%get3A_948, %get3A_949, %get3A_950] {strides = array<i32>} : memref<4x32x512xf32, #tpu.memory_space<vmem>>, vector<1x1x16xf32>,
        %get3A_952 = vector.shape_cast %get3A_951 : vector<1x1x16xf32> to vector<16xf32>
        %add3A_953 = arith.addf %get3A_952, %get3A_539 : vector<16xf32>
        %swap3A_954 = arith.constant 2 : i32
        %swap3A_955 = arith.index_cast %swap3A_954 : i32 to index
        %swap3A_956 = arith.index_cast %scan3A_877 : i32 to index
        %swap3A_957 = arith.constant 208 : index
        %swap3A_958 = tpu.vector_load %arg8[%swap3A_955, %swap3A_956, %swap3A_957] {strides = array<i32>} : memref<4x32x512xf32, #tpu.memory_space<vmem>>, vector<1x1x16xf32>,
        %swap3A_959 = vector.shape_cast %swap3A_958 : vector<1x1x16xf32> to vector<16xf32>
        %swap3A_960 = vector.shape_cast %add3A_953 : vector<16xf32> to vector<1x1x16xf32>
        tpu.vector_store %arg8[%swap3A_955, %swap3A_956, %swap3A_957], %swap3A_960 {strides = array<i32>} : memref<4x32x512xf32, #tpu.memory_space<vmem>>, vector<1x1x16xf32>,
        %get3A_961 = arith.constant 2 : i32
        %get3A_962 = arith.index_cast %get3A_961 : i32 to index
        %get3A_963 = arith.index_cast %scan3A_877 : i32 to index
        %get3A_964 = arith.constant 224 : index
        %get3A_965 = tpu.vector_load %arg8[%get3A_962, %get3A_963, %get3A_964] {strides = array<i32>} : memref<4x32x512xf32, #tpu.memory_space<vmem>>, vector<1x1x16xf32>,
        %get3A_966 = vector.shape_cast %get3A_965 : vector<1x1x16xf32> to vector<16xf32>
        %add3A_967 = arith.addf %get3A_966, %get3A_543 : vector<16xf32>
        %swap3A_968 = arith.constant 2 : i32
        %swap3A_969 = arith.index_cast %swap3A_968 : i32 to index
        %swap3A_970 = arith.index_cast %scan3A_877 : i32 to index
        %swap3A_971 = arith.constant 224 : index
        %swap3A_972 = tpu.vector_load %arg8[%swap3A_969, %swap3A_970, %swap3A_971] {strides = array<i32>} : memref<4x32x512xf32, #tpu.memory_space<vmem>>, vector<1x1x16xf32>,
        %swap3A_973 = vector.shape_cast %swap3A_972 : vector<1x1x16xf32> to vector<16xf32>
        %swap3A_974 = vector.shape_cast %add3A_967 : vector<16xf32> to vector<1x1x16xf32>
        tpu.vector_store %arg8[%swap3A_969, %swap3A_970, %swap3A_971], %swap3A_974 {strides = array<i32>} : memref<4x32x512xf32, #tpu.memory_space<vmem>>, vector<1x1x16xf32>,
        %get3A_975 = arith.constant 2 : i32
        %get3A_976 = arith.index_cast %get3A_975 : i32 to index
        %get3A_977 = arith.index_cast %scan3A_877 : i32 to index
        %get3A_978 = arith.constant 240 : index
        %get3A_979 = tpu.vector_load %arg8[%get3A_976, %get3A_977, %get3A_978] {strides = array<i32>} : memref<4x32x512xf32, #tpu.memory_space<vmem>>, vector<1x1x16xf32>,
        %get3A_980 = vector.shape_cast %get3A_979 : vector<1x1x16xf32> to vector<16xf32>
        %add3A_981 = arith.addf %get3A_980, %get3A_547 : vector<16xf32>
        %swap3A_982 = arith.constant 2 : i32
        %swap3A_983 = arith.index_cast %swap3A_982 : i32 to index
        %swap3A_984 = arith.index_cast %scan3A_877 : i32 to index
        %swap3A_985 = arith.constant 240 : index
        %swap3A_986 = tpu.vector_load %arg8[%swap3A_983, %swap3A_984, %swap3A_985] {strides = array<i32>} : memref<4x32x512xf32, #tpu.memory_space<vmem>>, vector<1x1x16xf32>,
        %swap3A_987 = vector.shape_cast %swap3A_986 : vector<1x1x16xf32> to vector<16xf32>
        %swap3A_988 = vector.shape_cast %add3A_981 : vector<16xf32> to vector<1x1x16xf32>
        tpu.vector_store %arg8[%swap3A_983, %swap3A_984, %swap3A_985], %swap3A_988 {strides = array<i32>} : memref<4x32x512xf32, #tpu.memory_space<vmem>>, vector<1x1x16xf32>,
      }
      %scan3A_553 = arith.constant 32 : i32
      %get3A_554 = arith.index_cast %scan3A_60 : i32 to index
      %get3A_555 = arith.constant 256 : index
      %get3A_556 = tpu.vector_load %arg7[%get3A_554, %get3A_555] {strides = array<i32>} : memref<77x512xf32, #tpu.memory_space<vmem>>, vector<1x16xf32>,
      %get3A_557 = vector.shape_cast %get3A_556 : vector<1x16xf32> to vector<16xf32>
      %get3A_558 = arith.index_cast %scan3A_60 : i32 to index
      %get3A_559 = arith.constant 272 : index
      %get3A_560 = tpu.vector_load %arg7[%get3A_558, %get3A_559] {strides = array<i32>} : memref<77x512xf32, #tpu.memory_space<vmem>>, vector<1x16xf32>,
      %get3A_561 = vector.shape_cast %get3A_560 : vector<1x16xf32> to vector<16xf32>
      %get3A_562 = arith.index_cast %scan3A_60 : i32 to index
      %get3A_563 = arith.constant 288 : index
      %get3A_564 = tpu.vector_load %arg7[%get3A_562, %get3A_563] {strides = array<i32>} : memref<77x512xf32, #tpu.memory_space<vmem>>, vector<1x16xf32>,
      %get3A_565 = vector.shape_cast %get3A_564 : vector<1x16xf32> to vector<16xf32>
      %get3A_566 = arith.index_cast %scan3A_60 : i32 to index
      %get3A_567 = arith.constant 304 : index
      %get3A_568 = tpu.vector_load %arg7[%get3A_566, %get3A_567] {strides = array<i32>} : memref<77x512xf32, #tpu.memory_space<vmem>>, vector<1x16xf32>,
      %get3A_569 = vector.shape_cast %get3A_568 : vector<1x16xf32> to vector<16xf32>
      %get3A_570 = arith.index_cast %scan3A_60 : i32 to index
      %get3A_571 = arith.constant 320 : index
      %get3A_572 = tpu.vector_load %arg7[%get3A_570, %get3A_571] {strides = array<i32>} : memref<77x512xf32, #tpu.memory_space<vmem>>, vector<1x16xf32>,
      %get3A_573 = vector.shape_cast %get3A_572 : vector<1x16xf32> to vector<16xf32>
      %get3A_574 = arith.index_cast %scan3A_60 : i32 to index
      %get3A_575 = arith.constant 336 : index
      %get3A_576 = tpu.vector_load %arg7[%get3A_574, %get3A_575] {strides = array<i32>} : memref<77x512xf32, #tpu.memory_space<vmem>>, vector<1x16xf32>,
      %get3A_577 = vector.shape_cast %get3A_576 : vector<1x16xf32> to vector<16xf32>
      %get3A_578 = arith.index_cast %scan3A_60 : i32 to index
      %get3A_579 = arith.constant 352 : index
      %get3A_580 = tpu.vector_load %arg7[%get3A_578, %get3A_579] {strides = array<i32>} : memref<77x512xf32, #tpu.memory_space<vmem>>, vector<1x16xf32>,
      %get3A_581 = vector.shape_cast %get3A_580 : vector<1x16xf32> to vector<16xf32>
      %get3A_582 = arith.index_cast %scan3A_60 : i32 to index
      %get3A_583 = arith.constant 368 : index
      %get3A_584 = tpu.vector_load %arg7[%get3A_582, %get3A_583] {strides = array<i32>} : memref<77x512xf32, #tpu.memory_space<vmem>>, vector<1x16xf32>,
      %get3A_585 = vector.shape_cast %get3A_584 : vector<1x16xf32> to vector<16xf32>
      %scan3A_586 = arith.constant 0 : i32
      %scan3A_587 = arith.constant 0 : i32
      %scan3A_588 = arith.constant 32 : i32
      %scan3A_589 = arith.addi %scan3A_587, %scan3A_588 : i32
      %scan3A_590 = arith.constant 1 : i32
      scf.for %scan3A_877 = %scan3A_587 to %scan3A_589 step %scan3A_590  : i32 {
        %get3A_878 = arith.constant 2 : i32
        %get3A_879 = arith.index_cast %get3A_878 : i32 to index
        %get3A_880 = arith.index_cast %scan3A_877 : i32 to index
        %get3A_881 = arith.constant 256 : index
        %get3A_882 = tpu.vector_load %arg8[%get3A_879, %get3A_880, %get3A_881] {strides = array<i32>} : memref<4x32x512xf32, #tpu.memory_space<vmem>>, vector<1x1x16xf32>,
        %get3A_883 = vector.shape_cast %get3A_882 : vector<1x1x16xf32> to vector<16xf32>
        %add3A_884 = arith.addf %get3A_883, %get3A_557 : vector<16xf32>
        %swap3A = arith.constant 2 : i32
        %swap3A_885 = arith.index_cast %swap3A : i32 to index
        %swap3A_886 = arith.index_cast %scan3A_877 : i32 to index
        %swap3A_887 = arith.constant 256 : index
        %swap3A_888 = tpu.vector_load %arg8[%swap3A_885, %swap3A_886, %swap3A_887] {strides = array<i32>} : memref<4x32x512xf32, #tpu.memory_space<vmem>>, vector<1x1x16xf32>,
        %swap3A_889 = vector.shape_cast %swap3A_888 : vector<1x1x16xf32> to vector<16xf32>
        %swap3A_890 = vector.shape_cast %add3A_884 : vector<16xf32> to vector<1x1x16xf32>
        tpu.vector_store %arg8[%swap3A_885, %swap3A_886, %swap3A_887], %swap3A_890 {strides = array<i32>} : memref<4x32x512xf32, #tpu.memory_space<vmem>>, vector<1x1x16xf32>,
        %get3A_891 = arith.constant 2 : i32
        %get3A_892 = arith.index_cast %get3A_891 : i32 to index
        %get3A_893 = arith.index_cast %scan3A_877 : i32 to index
        %get3A_894 = arith.constant 272 : index
        %get3A_895 = tpu.vector_load %arg8[%get3A_892, %get3A_893, %get3A_894] {strides = array<i32>} : memref<4x32x512xf32, #tpu.memory_space<vmem>>, vector<1x1x16xf32>,
        %get3A_896 = vector.shape_cast %get3A_895 : vector<1x1x16xf32> to vector<16xf32>
        %add3A_897 = arith.addf %get3A_896, %get3A_561 : vector<16xf32>
        %swap3A_898 = arith.constant 2 : i32
        %swap3A_899 = arith.index_cast %swap3A_898 : i32 to index
        %swap3A_900 = arith.index_cast %scan3A_877 : i32 to index
        %swap3A_901 = arith.constant 272 : index
        %swap3A_902 = tpu.vector_load %arg8[%swap3A_899, %swap3A_900, %swap3A_901] {strides = array<i32>} : memref<4x32x512xf32, #tpu.memory_space<vmem>>, vector<1x1x16xf32>,
        %swap3A_903 = vector.shape_cast %swap3A_902 : vector<1x1x16xf32> to vector<16xf32>
        %swap3A_904 = vector.shape_cast %add3A_897 : vector<16xf32> to vector<1x1x16xf32>
        tpu.vector_store %arg8[%swap3A_899, %swap3A_900, %swap3A_901], %swap3A_904 {strides = array<i32>} : memref<4x32x512xf32, #tpu.memory_space<vmem>>, vector<1x1x16xf32>,
        %get3A_905 = arith.constant 2 : i32
        %get3A_906 = arith.index_cast %get3A_905 : i32 to index
        %get3A_907 = arith.index_cast %scan3A_877 : i32 to index
        %get3A_908 = arith.constant 288 : index
        %get3A_909 = tpu.vector_load %arg8[%get3A_906, %get3A_907, %get3A_908] {strides = array<i32>} : memref<4x32x512xf32, #tpu.memory_space<vmem>>, vector<1x1x16xf32>,
        %get3A_910 = vector.shape_cast %get3A_909 : vector<1x1x16xf32> to vector<16xf32>
        %add3A_911 = arith.addf %get3A_910, %get3A_565 : vector<16xf32>
        %swap3A_912 = arith.constant 2 : i32
        %swap3A_913 = arith.index_cast %swap3A_912 : i32 to index
        %swap3A_914 = arith.index_cast %scan3A_877 : i32 to index
        %swap3A_915 = arith.constant 288 : index
        %swap3A_916 = tpu.vector_load %arg8[%swap3A_913, %swap3A_914, %swap3A_915] {strides = array<i32>} : memref<4x32x512xf32, #tpu.memory_space<vmem>>, vector<1x1x16xf32>,
        %swap3A_917 = vector.shape_cast %swap3A_916 : vector<1x1x16xf32> to vector<16xf32>
        %swap3A_918 = vector.shape_cast %add3A_911 : vector<16xf32> to vector<1x1x16xf32>
        tpu.vector_store %arg8[%swap3A_913, %swap3A_914, %swap3A_915], %swap3A_918 {strides = array<i32>} : memref<4x32x512xf32, #tpu.memory_space<vmem>>, vector<1x1x16xf32>,
        %get3A_919 = arith.constant 2 : i32
        %get3A_920 = arith.index_cast %get3A_919 : i32 to index
        %get3A_921 = arith.index_cast %scan3A_877 : i32 to index
        %get3A_922 = arith.constant 304 : index
        %get3A_923 = tpu.vector_load %arg8[%get3A_920, %get3A_921, %get3A_922] {strides = array<i32>} : memref<4x32x512xf32, #tpu.memory_space<vmem>>, vector<1x1x16xf32>,
        %get3A_924 = vector.shape_cast %get3A_923 : vector<1x1x16xf32> to vector<16xf32>
        %add3A_925 = arith.addf %get3A_924, %get3A_569 : vector<16xf32>
        %swap3A_926 = arith.constant 2 : i32
        %swap3A_927 = arith.index_cast %swap3A_926 : i32 to index
        %swap3A_928 = arith.index_cast %scan3A_877 : i32 to index
        %swap3A_929 = arith.constant 304 : index
        %swap3A_930 = tpu.vector_load %arg8[%swap3A_927, %swap3A_928, %swap3A_929] {strides = array<i32>} : memref<4x32x512xf32, #tpu.memory_space<vmem>>, vector<1x1x16xf32>,
        %swap3A_931 = vector.shape_cast %swap3A_930 : vector<1x1x16xf32> to vector<16xf32>
        %swap3A_932 = vector.shape_cast %add3A_925 : vector<16xf32> to vector<1x1x16xf32>
        tpu.vector_store %arg8[%swap3A_927, %swap3A_928, %swap3A_929], %swap3A_932 {strides = array<i32>} : memref<4x32x512xf32, #tpu.memory_space<vmem>>, vector<1x1x16xf32>,
        %get3A_933 = arith.constant 2 : i32
        %get3A_934 = arith.index_cast %get3A_933 : i32 to index
        %get3A_935 = arith.index_cast %scan3A_877 : i32 to index
        %get3A_936 = arith.constant 320 : index
        %get3A_937 = tpu.vector_load %arg8[%get3A_934, %get3A_935, %get3A_936] {strides = array<i32>} : memref<4x32x512xf32, #tpu.memory_space<vmem>>, vector<1x1x16xf32>,
        %get3A_938 = vector.shape_cast %get3A_937 : vector<1x1x16xf32> to vector<16xf32>
        %add3A_939 = arith.addf %get3A_938, %get3A_573 : vector<16xf32>
        %swap3A_940 = arith.constant 2 : i32
        %swap3A_941 = arith.index_cast %swap3A_940 : i32 to index
        %swap3A_942 = arith.index_cast %scan3A_877 : i32 to index
        %swap3A_943 = arith.constant 320 : index
        %swap3A_944 = tpu.vector_load %arg8[%swap3A_941, %swap3A_942, %swap3A_943] {strides = array<i32>} : memref<4x32x512xf32, #tpu.memory_space<vmem>>, vector<1x1x16xf32>,
        %swap3A_945 = vector.shape_cast %swap3A_944 : vector<1x1x16xf32> to vector<16xf32>
        %swap3A_946 = vector.shape_cast %add3A_939 : vector<16xf32> to vector<1x1x16xf32>
        tpu.vector_store %arg8[%swap3A_941, %swap3A_942, %swap3A_943], %swap3A_946 {strides = array<i32>} : memref<4x32x512xf32, #tpu.memory_space<vmem>>, vector<1x1x16xf32>,
        %get3A_947 = arith.constant 2 : i32
        %get3A_948 = arith.index_cast %get3A_947 : i32 to index
        %get3A_949 = arith.index_cast %scan3A_877 : i32 to index
        %get3A_950 = arith.constant 336 : index
        %get3A_951 = tpu.vector_load %arg8[%get3A_948, %get3A_949, %get3A_950] {strides = array<i32>} : memref<4x32x512xf32, #tpu.memory_space<vmem>>, vector<1x1x16xf32>,
        %get3A_952 = vector.shape_cast %get3A_951 : vector<1x1x16xf32> to vector<16xf32>
        %add3A_953 = arith.addf %get3A_952, %get3A_577 : vector<16xf32>
        %swap3A_954 = arith.constant 2 : i32
        %swap3A_955 = arith.index_cast %swap3A_954 : i32 to index
        %swap3A_956 = arith.index_cast %scan3A_877 : i32 to index
        %swap3A_957 = arith.constant 336 : index
        %swap3A_958 = tpu.vector_load %arg8[%swap3A_955, %swap3A_956, %swap3A_957] {strides = array<i32>} : memref<4x32x512xf32, #tpu.memory_space<vmem>>, vector<1x1x16xf32>,
        %swap3A_959 = vector.shape_cast %swap3A_958 : vector<1x1x16xf32> to vector<16xf32>
        %swap3A_960 = vector.shape_cast %add3A_953 : vector<16xf32> to vector<1x1x16xf32>
        tpu.vector_store %arg8[%swap3A_955, %swap3A_956, %swap3A_957], %swap3A_960 {strides = array<i32>} : memref<4x32x512xf32, #tpu.memory_space<vmem>>, vector<1x1x16xf32>,
        %get3A_961 = arith.constant 2 : i32
        %get3A_962 = arith.index_cast %get3A_961 : i32 to index
        %get3A_963 = arith.index_cast %scan3A_877 : i32 to index
        %get3A_964 = arith.constant 352 : index
        %get3A_965 = tpu.vector_load %arg8[%get3A_962, %get3A_963, %get3A_964] {strides = array<i32>} : memref<4x32x512xf32, #tpu.memory_space<vmem>>, vector<1x1x16xf32>,
        %get3A_966 = vector.shape_cast %get3A_965 : vector<1x1x16xf32> to vector<16xf32>
        %add3A_967 = arith.addf %get3A_966, %get3A_581 : vector<16xf32>
        %swap3A_968 = arith.constant 2 : i32
        %swap3A_969 = arith.index_cast %swap3A_968 : i32 to index
        %swap3A_970 = arith.index_cast %scan3A_877 : i32 to index
        %swap3A_971 = arith.constant 352 : index
        %swap3A_972 = tpu.vector_load %arg8[%swap3A_969, %swap3A_970, %swap3A_971] {strides = array<i32>} : memref<4x32x512xf32, #tpu.memory_space<vmem>>, vector<1x1x16xf32>,
        %swap3A_973 = vector.shape_cast %swap3A_972 : vector<1x1x16xf32> to vector<16xf32>
        %swap3A_974 = vector.shape_cast %add3A_967 : vector<16xf32> to vector<1x1x16xf32>
        tpu.vector_store %arg8[%swap3A_969, %swap3A_970, %swap3A_971], %swap3A_974 {strides = array<i32>} : memref<4x32x512xf32, #tpu.memory_space<vmem>>, vector<1x1x16xf32>,
        %get3A_975 = arith.constant 2 : i32
        %get3A_976 = arith.index_cast %get3A_975 : i32 to index
        %get3A_977 = arith.index_cast %scan3A_877 : i32 to index
        %get3A_978 = arith.constant 368 : index
        %get3A_979 = tpu.vector_load %arg8[%get3A_976, %get3A_977, %get3A_978] {strides = array<i32>} : memref<4x32x512xf32, #tpu.memory_space<vmem>>, vector<1x1x16xf32>,
        %get3A_980 = vector.shape_cast %get3A_979 : vector<1x1x16xf32> to vector<16xf32>
        %add3A_981 = arith.addf %get3A_980, %get3A_585 : vector<16xf32>
        %swap3A_982 = arith.constant 2 : i32
        %swap3A_983 = arith.index_cast %swap3A_982 : i32 to index
        %swap3A_984 = arith.index_cast %scan3A_877 : i32 to index
        %swap3A_985 = arith.constant 368 : index
        %swap3A_986 = tpu.vector_load %arg8[%swap3A_983, %swap3A_984, %swap3A_985] {strides = array<i32>} : memref<4x32x512xf32, #tpu.memory_space<vmem>>, vector<1x1x16xf32>,
        %swap3A_987 = vector.shape_cast %swap3A_986 : vector<1x1x16xf32> to vector<16xf32>
        %swap3A_988 = vector.shape_cast %add3A_981 : vector<16xf32> to vector<1x1x16xf32>
        tpu.vector_store %arg8[%swap3A_983, %swap3A_984, %swap3A_985], %swap3A_988 {strides = array<i32>} : memref<4x32x512xf32, #tpu.memory_space<vmem>>, vector<1x1x16xf32>,
      }
      %scan3A_591 = arith.constant 32 : i32
      %get3A_592 = arith.index_cast %scan3A_60 : i32 to index
      %get3A_593 = arith.constant 384 : index
      %get3A_594 = tpu.vector_load %arg7[%get3A_592, %get3A_593] {strides = array<i32>} : memref<77x512xf32, #tpu.memory_space<vmem>>, vector<1x16xf32>,
      %get3A_595 = vector.shape_cast %get3A_594 : vector<1x16xf32> to vector<16xf32>
      %get3A_596 = arith.index_cast %scan3A_60 : i32 to index
      %get3A_597 = arith.constant 400 : index
      %get3A_598 = tpu.vector_load %arg7[%get3A_596, %get3A_597] {strides = array<i32>} : memref<77x512xf32, #tpu.memory_space<vmem>>, vector<1x16xf32>,
      %get3A_599 = vector.shape_cast %get3A_598 : vector<1x16xf32> to vector<16xf32>
      %get3A_600 = arith.index_cast %scan3A_60 : i32 to index
      %get3A_601 = arith.constant 416 : index
      %get3A_602 = tpu.vector_load %arg7[%get3A_600, %get3A_601] {strides = array<i32>} : memref<77x512xf32, #tpu.memory_space<vmem>>, vector<1x16xf32>,
      %get3A_603 = vector.shape_cast %get3A_602 : vector<1x16xf32> to vector<16xf32>
      %get3A_604 = arith.index_cast %scan3A_60 : i32 to index
      %get3A_605 = arith.constant 432 : index
      %get3A_606 = tpu.vector_load %arg7[%get3A_604, %get3A_605] {strides = array<i32>} : memref<77x512xf32, #tpu.memory_space<vmem>>, vector<1x16xf32>,
      %get3A_607 = vector.shape_cast %get3A_606 : vector<1x16xf32> to vector<16xf32>
      %get3A_608 = arith.index_cast %scan3A_60 : i32 to index
      %get3A_609 = arith.constant 448 : index
      %get3A_610 = tpu.vector_load %arg7[%get3A_608, %get3A_609] {strides = array<i32>} : memref<77x512xf32, #tpu.memory_space<vmem>>, vector<1x16xf32>,
      %get3A_611 = vector.shape_cast %get3A_610 : vector<1x16xf32> to vector<16xf32>
      %get3A_612 = arith.index_cast %scan3A_60 : i32 to index
      %get3A_613 = arith.constant 464 : index
      %get3A_614 = tpu.vector_load %arg7[%get3A_612, %get3A_613] {strides = array<i32>} : memref<77x512xf32, #tpu.memory_space<vmem>>, vector<1x16xf32>,
      %get3A_615 = vector.shape_cast %get3A_614 : vector<1x16xf32> to vector<16xf32>
      %get3A_616 = arith.index_cast %scan3A_60 : i32 to index
      %get3A_617 = arith.constant 480 : index
      %get3A_618 = tpu.vector_load %arg7[%get3A_616, %get3A_617] {strides = array<i32>} : memref<77x512xf32, #tpu.memory_space<vmem>>, vector<1x16xf32>,
      %get3A_619 = vector.shape_cast %get3A_618 : vector<1x16xf32> to vector<16xf32>
      %get3A_620 = arith.index_cast %scan3A_60 : i32 to index
      %get3A_621 = arith.constant 496 : index
      %get3A_622 = tpu.vector_load %arg7[%get3A_620, %get3A_621] {strides = array<i32>} : memref<77x512xf32, #tpu.memory_space<vmem>>, vector<1x16xf32>,
      %get3A_623 = vector.shape_cast %get3A_622 : vector<1x16xf32> to vector<16xf32>
      %scan3A_624 = arith.constant 0 : i32
      %scan3A_625 = arith.constant 0 : i32
      %scan3A_626 = arith.constant 32 : i32
      %scan3A_627 = arith.addi %scan3A_625, %scan3A_626 : i32
      %scan3A_628 = arith.constant 1 : i32
      scf.for %scan3A_877 = %scan3A_625 to %scan3A_627 step %scan3A_628  : i32 {
        %get3A_878 = arith.constant 2 : i32
        %get3A_879 = arith.index_cast %get3A_878 : i32 to index
        %get3A_880 = arith.index_cast %scan3A_877 : i32 to index
        %get3A_881 = arith.constant 384 : index
        %get3A_882 = tpu.vector_load %arg8[%get3A_879, %get3A_880, %get3A_881] {strides = array<i32>} : memref<4x32x512xf32, #tpu.memory_space<vmem>>, vector<1x1x16xf32>,
        %get3A_883 = vector.shape_cast %get3A_882 : vector<1x1x16xf32> to vector<16xf32>
        %add3A_884 = arith.addf %get3A_883, %get3A_595 : vector<16xf32>
        %swap3A = arith.constant 2 : i32
        %swap3A_885 = arith.index_cast %swap3A : i32 to index
        %swap3A_886 = arith.index_cast %scan3A_877 : i32 to index
        %swap3A_887 = arith.constant 384 : index
        %swap3A_888 = tpu.vector_load %arg8[%swap3A_885, %swap3A_886, %swap3A_887] {strides = array<i32>} : memref<4x32x512xf32, #tpu.memory_space<vmem>>, vector<1x1x16xf32>,
        %swap3A_889 = vector.shape_cast %swap3A_888 : vector<1x1x16xf32> to vector<16xf32>
        %swap3A_890 = vector.shape_cast %add3A_884 : vector<16xf32> to vector<1x1x16xf32>
        tpu.vector_store %arg8[%swap3A_885, %swap3A_886, %swap3A_887], %swap3A_890 {strides = array<i32>} : memref<4x32x512xf32, #tpu.memory_space<vmem>>, vector<1x1x16xf32>,
        %get3A_891 = arith.constant 2 : i32
        %get3A_892 = arith.index_cast %get3A_891 : i32 to index
        %get3A_893 = arith.index_cast %scan3A_877 : i32 to index
        %get3A_894 = arith.constant 400 : index
        %get3A_895 = tpu.vector_load %arg8[%get3A_892, %get3A_893, %get3A_894] {strides = array<i32>} : memref<4x32x512xf32, #tpu.memory_space<vmem>>, vector<1x1x16xf32>,
        %get3A_896 = vector.shape_cast %get3A_895 : vector<1x1x16xf32> to vector<16xf32>
        %add3A_897 = arith.addf %get3A_896, %get3A_599 : vector<16xf32>
        %swap3A_898 = arith.constant 2 : i32
        %swap3A_899 = arith.index_cast %swap3A_898 : i32 to index
        %swap3A_900 = arith.index_cast %scan3A_877 : i32 to index
        %swap3A_901 = arith.constant 400 : index
        %swap3A_902 = tpu.vector_load %arg8[%swap3A_899, %swap3A_900, %swap3A_901] {strides = array<i32>} : memref<4x32x512xf32, #tpu.memory_space<vmem>>, vector<1x1x16xf32>,
        %swap3A_903 = vector.shape_cast %swap3A_902 : vector<1x1x16xf32> to vector<16xf32>
        %swap3A_904 = vector.shape_cast %add3A_897 : vector<16xf32> to vector<1x1x16xf32>
        tpu.vector_store %arg8[%swap3A_899, %swap3A_900, %swap3A_901], %swap3A_904 {strides = array<i32>} : memref<4x32x512xf32, #tpu.memory_space<vmem>>, vector<1x1x16xf32>,
        %get3A_905 = arith.constant 2 : i32
        %get3A_906 = arith.index_cast %get3A_905 : i32 to index
        %get3A_907 = arith.index_cast %scan3A_877 : i32 to index
        %get3A_908 = arith.constant 416 : index
        %get3A_909 = tpu.vector_load %arg8[%get3A_906, %get3A_907, %get3A_908] {strides = array<i32>} : memref<4x32x512xf32, #tpu.memory_space<vmem>>, vector<1x1x16xf32>,
        %get3A_910 = vector.shape_cast %get3A_909 : vector<1x1x16xf32> to vector<16xf32>
        %add3A_911 = arith.addf %get3A_910, %get3A_603 : vector<16xf32>
        %swap3A_912 = arith.constant 2 : i32
        %swap3A_913 = arith.index_cast %swap3A_912 : i32 to index
        %swap3A_914 = arith.index_cast %scan3A_877 : i32 to index
        %swap3A_915 = arith.constant 416 : index
        %swap3A_916 = tpu.vector_load %arg8[%swap3A_913, %swap3A_914, %swap3A_915] {strides = array<i32>} : memref<4x32x512xf32, #tpu.memory_space<vmem>>, vector<1x1x16xf32>,
        %swap3A_917 = vector.shape_cast %swap3A_916 : vector<1x1x16xf32> to vector<16xf32>
        %swap3A_918 = vector.shape_cast %add3A_911 : vector<16xf32> to vector<1x1x16xf32>
        tpu.vector_store %arg8[%swap3A_913, %swap3A_914, %swap3A_915], %swap3A_918 {strides = array<i32>} : memref<4x32x512xf32, #tpu.memory_space<vmem>>, vector<1x1x16xf32>,
        %get3A_919 = arith.constant 2 : i32
        %get3A_920 = arith.index_cast %get3A_919 : i32 to index
        %get3A_921 = arith.index_cast %scan3A_877 : i32 to index
        %get3A_922 = arith.constant 432 : index
        %get3A_923 = tpu.vector_load %arg8[%get3A_920, %get3A_921, %get3A_922] {strides = array<i32>} : memref<4x32x512xf32, #tpu.memory_space<vmem>>, vector<1x1x16xf32>,
        %get3A_924 = vector.shape_cast %get3A_923 : vector<1x1x16xf32> to vector<16xf32>
        %add3A_925 = arith.addf %get3A_924, %get3A_607 : vector<16xf32>
        %swap3A_926 = arith.constant 2 : i32
        %swap3A_927 = arith.index_cast %swap3A_926 : i32 to index
        %swap3A_928 = arith.index_cast %scan3A_877 : i32 to index
        %swap3A_929 = arith.constant 432 : index
        %swap3A_930 = tpu.vector_load %arg8[%swap3A_927, %swap3A_928, %swap3A_929] {strides = array<i32>} : memref<4x32x512xf32, #tpu.memory_space<vmem>>, vector<1x1x16xf32>,
        %swap3A_931 = vector.shape_cast %swap3A_930 : vector<1x1x16xf32> to vector<16xf32>
        %swap3A_932 = vector.shape_cast %add3A_925 : vector<16xf32> to vector<1x1x16xf32>
        tpu.vector_store %arg8[%swap3A_927, %swap3A_928, %swap3A_929], %swap3A_932 {strides = array<i32>} : memref<4x32x512xf32, #tpu.memory_space<vmem>>, vector<1x1x16xf32>,
        %get3A_933 = arith.constant 2 : i32
        %get3A_934 = arith.index_cast %get3A_933 : i32 to index
        %get3A_935 = arith.index_cast %scan3A_877 : i32 to index
        %get3A_936 = arith.constant 448 : index
        %get3A_937 = tpu.vector_load %arg8[%get3A_934, %get3A_935, %get3A_936] {strides = array<i32>} : memref<4x32x512xf32, #tpu.memory_space<vmem>>, vector<1x1x16xf32>,
        %get3A_938 = vector.shape_cast %get3A_937 : vector<1x1x16xf32> to vector<16xf32>
        %add3A_939 = arith.addf %get3A_938, %get3A_611 : vector<16xf32>
        %swap3A_940 = arith.constant 2 : i32
        %swap3A_941 = arith.index_cast %swap3A_940 : i32 to index
        %swap3A_942 = arith.index_cast %scan3A_877 : i32 to index
        %swap3A_943 = arith.constant 448 : index
        %swap3A_944 = tpu.vector_load %arg8[%swap3A_941, %swap3A_942, %swap3A_943] {strides = array<i32>} : memref<4x32x512xf32, #tpu.memory_space<vmem>>, vector<1x1x16xf32>,
        %swap3A_945 = vector.shape_cast %swap3A_944 : vector<1x1x16xf32> to vector<16xf32>
        %swap3A_946 = vector.shape_cast %add3A_939 : vector<16xf32> to vector<1x1x16xf32>
        tpu.vector_store %arg8[%swap3A_941, %swap3A_942, %swap3A_943], %swap3A_946 {strides = array<i32>} : memref<4x32x512xf32, #tpu.memory_space<vmem>>, vector<1x1x16xf32>,
        %get3A_947 = arith.constant 2 : i32
        %get3A_948 = arith.index_cast %get3A_947 : i32 to index
        %get3A_949 = arith.index_cast %scan3A_877 : i32 to index
        %get3A_950 = arith.constant 464 : index
        %get3A_951 = tpu.vector_load %arg8[%get3A_948, %get3A_949, %get3A_950] {strides = array<i32>} : memref<4x32x512xf32, #tpu.memory_space<vmem>>, vector<1x1x16xf32>,
        %get3A_952 = vector.shape_cast %get3A_951 : vector<1x1x16xf32> to vector<16xf32>
        %add3A_953 = arith.addf %get3A_952, %get3A_615 : vector<16xf32>
        %swap3A_954 = arith.constant 2 : i32
        %swap3A_955 = arith.index_cast %swap3A_954 : i32 to index
        %swap3A_956 = arith.index_cast %scan3A_877 : i32 to index
        %swap3A_957 = arith.constant 464 : index
        %swap3A_958 = tpu.vector_load %arg8[%swap3A_955, %swap3A_956, %swap3A_957] {strides = array<i32>} : memref<4x32x512xf32, #tpu.memory_space<vmem>>, vector<1x1x16xf32>,
        %swap3A_959 = vector.shape_cast %swap3A_958 : vector<1x1x16xf32> to vector<16xf32>
        %swap3A_960 = vector.shape_cast %add3A_953 : vector<16xf32> to vector<1x1x16xf32>
        tpu.vector_store %arg8[%swap3A_955, %swap3A_956, %swap3A_957], %swap3A_960 {strides = array<i32>} : memref<4x32x512xf32, #tpu.memory_space<vmem>>, vector<1x1x16xf32>,
        %get3A_961 = arith.constant 2 : i32
        %get3A_962 = arith.index_cast %get3A_961 : i32 to index
        %get3A_963 = arith.index_cast %scan3A_877 : i32 to index
        %get3A_964 = arith.constant 480 : index
        %get3A_965 = tpu.vector_load %arg8[%get3A_962, %get3A_963, %get3A_964] {strides = array<i32>} : memref<4x32x512xf32, #tpu.memory_space<vmem>>, vector<1x1x16xf32>,
        %get3A_966 = vector.shape_cast %get3A_965 : vector<1x1x16xf32> to vector<16xf32>
        %add3A_967 = arith.addf %get3A_966, %get3A_619 : vector<16xf32>
        %swap3A_968 = arith.constant 2 : i32
        %swap3A_969 = arith.index_cast %swap3A_968 : i32 to index
        %swap3A_970 = arith.index_cast %scan3A_877 : i32 to index
        %swap3A_971 = arith.constant 480 : index
        %swap3A_972 = tpu.vector_load %arg8[%swap3A_969, %swap3A_970, %swap3A_971] {strides = array<i32>} : memref<4x32x512xf32, #tpu.memory_space<vmem>>, vector<1x1x16xf32>,
        %swap3A_973 = vector.shape_cast %swap3A_972 : vector<1x1x16xf32> to vector<16xf32>
        %swap3A_974 = vector.shape_cast %add3A_967 : vector<16xf32> to vector<1x1x16xf32>
        tpu.vector_store %arg8[%swap3A_969, %swap3A_970, %swap3A_971], %swap3A_974 {strides = array<i32>} : memref<4x32x512xf32, #tpu.memory_space<vmem>>, vector<1x1x16xf32>,
        %get3A_975 = arith.constant 2 : i32
        %get3A_976 = arith.index_cast %get3A_975 : i32 to index
        %get3A_977 = arith.index_cast %scan3A_877 : i32 to index
        %get3A_978 = arith.constant 496 : index
        %get3A_979 = tpu.vector_load %arg8[%get3A_976, %get3A_977, %get3A_978] {strides = array<i32>} : memref<4x32x512xf32, #tpu.memory_space<vmem>>, vector<1x1x16xf32>,
        %get3A_980 = vector.shape_cast %get3A_979 : vector<1x1x16xf32> to vector<16xf32>
        %add3A_981 = arith.addf %get3A_980, %get3A_623 : vector<16xf32>
        %swap3A_982 = arith.constant 2 : i32
        %swap3A_983 = arith.index_cast %swap3A_982 : i32 to index
        %swap3A_984 = arith.index_cast %scan3A_877 : i32 to index
        %swap3A_985 = arith.constant 496 : index
        %swap3A_986 = tpu.vector_load %arg8[%swap3A_983, %swap3A_984, %swap3A_985] {strides = array<i32>} : memref<4x32x512xf32, #tpu.memory_space<vmem>>, vector<1x1x16xf32>,
        %swap3A_987 = vector.shape_cast %swap3A_986 : vector<1x1x16xf32> to vector<16xf32>
        %swap3A_988 = vector.shape_cast %add3A_981 : vector<16xf32> to vector<1x1x16xf32>
        tpu.vector_store %arg8[%swap3A_983, %swap3A_984, %swap3A_985], %swap3A_988 {strides = array<i32>} : memref<4x32x512xf32, #tpu.memory_space<vmem>>, vector<1x1x16xf32>,
      }
      %scan3A_629 = arith.constant 32 : i32
      %add3A_630 = arith.constant 64 : i32
      %add3A_631 = arith.addi %mul3A_2, %add3A_630 : i32
      %dma_start3A_632 = arith.constant 2 : i32
      %dma_start3A_633 = arith.constant 0 : i32
      %dma_start3A_634 = arith.constant 0 : i32
      %dma_start3A_635 = tpu.memref_slice %arg8[%dma_start3A_632, %dma_start3A_633, %dma_start3A_634] : memref<4x32x512xf32, #tpu.memory_space<vmem>> -> memref<1x32x512xf32, #tpu.memory_space<vmem>>
      %dma_start3A_636 = tpu.memref_squeeze %dma_start3A_635 : memref<1x32x512xf32, #tpu.memory_space<vmem>> -> memref<32x512xf32, #tpu.memory_space<vmem>>
      %dma_start3A_637 = arith.constant 0 : i32
      %dma_start3A_638 = tpu.memref_slice %arg5[%scan3A_60, %add3A_631, %dma_start3A_637] : memref<77x4096x512xf32, #tpu.memory_space<hbm>> -> memref<1x32x512xf32, #tpu.memory_space<hbm>>
      %dma_start3A_639 = tpu.memref_squeeze %dma_start3A_638 : memref<1x32x512xf32, #tpu.memory_space<hbm>> -> memref<32x512xf32, #tpu.memory_space<hbm>>
      %dma_start3A_640 = arith.constant 0 : i32
      %dma_start3A_641 = tpu.memref_slice %arg5[%scan3A_60, %add3A_631, %dma_start3A_640] : memref<77x4096x512xf32, #tpu.memory_space<hbm>> -> memref<1x32x512xf32, #tpu.memory_space<hbm>>
      %dma_start3A_642 = tpu.memref_squeeze %dma_start3A_641 : memref<1x32x512xf32, #tpu.memory_space<hbm>> -> memref<32x512xf32, #tpu.memory_space<hbm>>
      %dma_start3A_643 = arith.constant 0 : i32
      %dma_start3A_644 = arith.constant 0 : i32
      %dma_start3A_645 = tpu.memref_slice %arg8[%dma_start3A_632, %dma_start3A_643, %dma_start3A_644] : memref<4x32x512xf32, #tpu.memory_space<vmem>> -> memref<1x32x512xf32, #tpu.memory_space<vmem>>
      %dma_start3A_646 = tpu.memref_squeeze %dma_start3A_645 : memref<1x32x512xf32, #tpu.memory_space<vmem>> -> memref<32x512xf32, #tpu.memory_space<vmem>>
      tpu.enqueue_dma source(%dma_start3A_646 : memref<32x512xf32, #tpu.memory_space<vmem>>) target(%dma_start3A_642 : memref<32x512xf32, #tpu.memory_space<hbm>>) target_semaphore(%arg15 : memref<!tpu.dma_semaphore, #tpu.memory_space<semaphore_mem>>)
      %dma_wait3A_647 = arith.constant 0 : i32
      %dma_wait3A_648 = arith.constant 0 : i32
      %dma_wait3A_649 = arith.constant 0 : i32
      %dma_wait3A_650 = arith.constant 0 : i32
      %dma_wait3A_651 = tpu.memref_slice %arg8[%dma_wait3A_647, %dma_wait3A_649, %dma_wait3A_650] : memref<4x32x512xf32, #tpu.memory_space<vmem>> -> memref<1x32x512xf32, #tpu.memory_space<vmem>>
      %dma_wait3A_652 = tpu.memref_squeeze %dma_wait3A_651 : memref<1x32x512xf32, #tpu.memory_space<vmem>> -> memref<32x512xf32, #tpu.memory_space<vmem>>
      %dma_wait3A_653 = arith.constant 0 : i32
      %dma_wait3A_654 = arith.constant 0 : i32
      %dma_wait3A_655 = tpu.memref_slice %arg5[%dma_wait3A_648, %dma_wait3A_653, %dma_wait3A_654] : memref<77x4096x512xf32, #tpu.memory_space<hbm>> -> memref<1x32x512xf32, #tpu.memory_space<hbm>>
      %dma_wait3A_656 = tpu.memref_squeeze %dma_wait3A_655 : memref<1x32x512xf32, #tpu.memory_space<hbm>> -> memref<32x512xf32, #tpu.memory_space<hbm>>
      %dma_wait3A_657 = arith.constant 0 : i32
      %dma_wait3A_658 = arith.constant 0 : i32
      %dma_wait3A_659 = tpu.memref_slice %arg5[%dma_wait3A_648, %dma_wait3A_657, %dma_wait3A_658] : memref<77x4096x512xf32, #tpu.memory_space<hbm>> -> memref<1x32x512xf32, #tpu.memory_space<hbm>>
      %dma_wait3A_660 = tpu.memref_squeeze %dma_wait3A_659 : memref<1x32x512xf32, #tpu.memory_space<hbm>> -> memref<32x512xf32, #tpu.memory_space<hbm>>
      %dma_wait3A_661 = arith.constant 0 : i32
      %dma_wait3A_662 = arith.constant 0 : i32
      %dma_wait3A_663 = tpu.memref_slice %arg8[%dma_wait3A_647, %dma_wait3A_661, %dma_wait3A_662] : memref<4x32x512xf32, #tpu.memory_space<vmem>> -> memref<1x32x512xf32, #tpu.memory_space<vmem>>
      %dma_wait3A_664 = tpu.memref_squeeze %dma_wait3A_663 : memref<1x32x512xf32, #tpu.memory_space<vmem>> -> memref<32x512xf32, #tpu.memory_space<vmem>>
      tpu.wait_dma2 semaphore(%arg14 : memref<!tpu.dma_semaphore, #tpu.memory_space<semaphore_mem>>) src(%dma_wait3A_664 : memref<32x512xf32, #tpu.memory_space<vmem>>) dst(%dma_wait3A_660 : memref<32x512xf32, #tpu.memory_space<hbm>>)
      %lt3A_665 = arith.constant 76 : i32
      %lt3A_666 = arith.cmpi slt, %scan3A_60, %lt3A_665 : i32
      %convert_element_type3A_667 = arith.extui %lt3A_666 : i1 to i32
      %cond3A_668 = arith.constant 0 : i32
      %cond3A_669 = arith.cmpi ne, %convert_element_type3A_667, %cond3A_668 : i32
      scf.if %cond3A_669 {
        %add3A_877 = arith.constant 1 : i32
        %add3A_878 = arith.addi %scan3A_60, %add3A_877 : i32
        %dma_start3A_879 = arith.constant 1 : i32
        %dma_start3A_880 = arith.constant 0 : i32
        %dma_start3A_881 = arith.constant 0 : i32
        %dma_start3A_882 = tpu.memref_slice %arg8[%dma_start3A_879, %dma_start3A_880, %dma_start3A_881] : memref<4x32x512xf32, #tpu.memory_space<vmem>> -> memref<1x32x512xf32, #tpu.memory_space<vmem>>
        %dma_start3A_883 = tpu.memref_squeeze %dma_start3A_882 : memref<1x32x512xf32, #tpu.memory_space<vmem>> -> memref<32x512xf32, #tpu.memory_space<vmem>>
        %dma_start3A_884 = arith.constant 32 : i32
        %dma_start3A_885 = tpu.memref_slice %arg6[%add3A_878, %dma_start3A_884] : memref<77x128xi32, #tpu.memory_space<vmem>> -> memref<1x32xi32, #tpu.memory_space<vmem>>
        %dma_start3A_886 = tpu.memref_squeeze %dma_start3A_885 : memref<1x32xi32, #tpu.memory_space<vmem>> -> memref<32xi32, #tpu.memory_space<vmem>>
        %dma_start3A_887 = arith.constant 0 : i32
        %dma_start3A_888 = arith.constant 0 : i32
        %dma_start3A_889 = tpu.memref_slice %arg3[%dma_start3A_887, %dma_start3A_888] : memref<49408x512xf32, #tpu.memory_space<hbm>> -> memref<49408x512xf32, #tpu.memory_space<hbm>>
        tpu.enqueue_indirect_dma source(%dma_start3A_889 : memref<49408x512xf32, #tpu.memory_space<hbm>>) target(%dma_start3A_883 : memref<32x512xf32, #tpu.memory_space<vmem>>) offsets(%dma_start3A_886 : memref<32xi32, #tpu.memory_space<vmem>>) semaphore(%arg10 : memref<!tpu.dma_semaphore, #tpu.memory_space<semaphore_mem>>)
      } else {
      }
      %dma_wait3A_670 = arith.constant 3 : i32
      %dma_wait3A_671 = arith.constant 0 : i32
      %dma_wait3A_672 = arith.constant 0 : i32
      %dma_wait3A_673 = tpu.memref_slice %arg8[%dma_wait3A_670, %dma_wait3A_671, %dma_wait3A_672] : memref<4x32x512xf32, #tpu.memory_space<vmem>> -> memref<1x32x512xf32, #tpu.memory_space<vmem>>
      %dma_wait3A_674 = tpu.memref_squeeze %dma_wait3A_673 : memref<1x32x512xf32, #tpu.memory_space<vmem>> -> memref<32x512xf32, #tpu.memory_space<vmem>>
      %dma_wait3A_675 = arith.constant 0 : i32
      %dma_wait3A_676 = arith.constant 0 : i32
      %dma_wait3A_677 = tpu.memref_slice %arg3[%dma_wait3A_675, %dma_wait3A_676] : memref<49408x512xf32, #tpu.memory_space<hbm>> -> memref<32x512xf32, #tpu.memory_space<hbm>>
      %dma_wait3A_678 = arith.constant 0 : i32
      %dma_wait3A_679 = arith.constant 0 : i32
      %dma_wait3A_680 = tpu.memref_slice %arg8[%dma_wait3A_670, %dma_wait3A_678, %dma_wait3A_679] : memref<4x32x512xf32, #tpu.memory_space<vmem>> -> memref<1x32x512xf32, #tpu.memory_space<vmem>>
      %dma_wait3A_681 = tpu.memref_squeeze %dma_wait3A_680 : memref<1x32x512xf32, #tpu.memory_space<vmem>> -> memref<32x512xf32, #tpu.memory_space<vmem>>
      %dma_wait3A_682 = arith.constant 0 : i32
      %dma_wait3A_683 = arith.constant 0 : i32
      %dma_wait3A_684 = tpu.memref_slice %arg3[%dma_wait3A_682, %dma_wait3A_683] : memref<49408x512xf32, #tpu.memory_space<hbm>> -> memref<32x512xf32, #tpu.memory_space<hbm>>
      tpu.wait_dma2 semaphore(%arg12 : memref<!tpu.dma_semaphore, #tpu.memory_space<semaphore_mem>>) src(%dma_wait3A_684 : memref<32x512xf32, #tpu.memory_space<hbm>>) dst(%dma_wait3A_681 : memref<32x512xf32, #tpu.memory_space<vmem>>)
      %get3A_685 = arith.index_cast %scan3A_60 : i32 to index
      %get3A_686 = arith.constant 0 : index
      %get3A_687 = tpu.vector_load %arg7[%get3A_685, %get3A_686] {strides = array<i32>} : memref<77x512xf32, #tpu.memory_space<vmem>>, vector<1x16xf32>,
      %get3A_688 = vector.shape_cast %get3A_687 : vector<1x16xf32> to vector<16xf32>
      %get3A_689 = arith.index_cast %scan3A_60 : i32 to index
      %get3A_690 = arith.constant 16 : index
      %get3A_691 = tpu.vector_load %arg7[%get3A_689, %get3A_690] {strides = array<i32>} : memref<77x512xf32, #tpu.memory_space<vmem>>, vector<1x16xf32>,
      %get3A_692 = vector.shape_cast %get3A_691 : vector<1x16xf32> to vector<16xf32>
      %get3A_693 = arith.index_cast %scan3A_60 : i32 to index
      %get3A_694 = arith.constant 32 : index
      %get3A_695 = tpu.vector_load %arg7[%get3A_693, %get3A_694] {strides = array<i32>} : memref<77x512xf32, #tpu.memory_space<vmem>>, vector<1x16xf32>,
      %get3A_696 = vector.shape_cast %get3A_695 : vector<1x16xf32> to vector<16xf32>
      %get3A_697 = arith.index_cast %scan3A_60 : i32 to index
      %get3A_698 = arith.constant 48 : index
      %get3A_699 = tpu.vector_load %arg7[%get3A_697, %get3A_698] {strides = array<i32>} : memref<77x512xf32, #tpu.memory_space<vmem>>, vector<1x16xf32>,
      %get3A_700 = vector.shape_cast %get3A_699 : vector<1x16xf32> to vector<16xf32>
      %get3A_701 = arith.index_cast %scan3A_60 : i32 to index
      %get3A_702 = arith.constant 64 : index
      %get3A_703 = tpu.vector_load %arg7[%get3A_701, %get3A_702] {strides = array<i32>} : memref<77x512xf32, #tpu.memory_space<vmem>>, vector<1x16xf32>,
      %get3A_704 = vector.shape_cast %get3A_703 : vector<1x16xf32> to vector<16xf32>
      %get3A_705 = arith.index_cast %scan3A_60 : i32 to index
      %get3A_706 = arith.constant 80 : index
      %get3A_707 = tpu.vector_load %arg7[%get3A_705, %get3A_706] {strides = array<i32>} : memref<77x512xf32, #tpu.memory_space<vmem>>, vector<1x16xf32>,
      %get3A_708 = vector.shape_cast %get3A_707 : vector<1x16xf32> to vector<16xf32>
      %get3A_709 = arith.index_cast %scan3A_60 : i32 to index
      %get3A_710 = arith.constant 96 : index
      %get3A_711 = tpu.vector_load %arg7[%get3A_709, %get3A_710] {strides = array<i32>} : memref<77x512xf32, #tpu.memory_space<vmem>>, vector<1x16xf32>,
      %get3A_712 = vector.shape_cast %get3A_711 : vector<1x16xf32> to vector<16xf32>
      %get3A_713 = arith.index_cast %scan3A_60 : i32 to index
      %get3A_714 = arith.constant 112 : index
      %get3A_715 = tpu.vector_load %arg7[%get3A_713, %get3A_714] {strides = array<i32>} : memref<77x512xf32, #tpu.memory_space<vmem>>, vector<1x16xf32>,
      %get3A_716 = vector.shape_cast %get3A_715 : vector<1x16xf32> to vector<16xf32>
      %scan3A_717 = arith.constant 0 : i32
      %scan3A_718 = arith.constant 0 : i32
      %scan3A_719 = arith.constant 32 : i32
      %scan3A_720 = arith.addi %scan3A_718, %scan3A_719 : i32
      %scan3A_721 = arith.constant 1 : i32
      scf.for %scan3A_877 = %scan3A_718 to %scan3A_720 step %scan3A_721  : i32 {
        %get3A_878 = arith.constant 3 : i32
        %get3A_879 = arith.index_cast %get3A_878 : i32 to index
        %get3A_880 = arith.index_cast %scan3A_877 : i32 to index
        %get3A_881 = arith.constant 0 : index
        %get3A_882 = tpu.vector_load %arg8[%get3A_879, %get3A_880, %get3A_881] {strides = array<i32>} : memref<4x32x512xf32, #tpu.memory_space<vmem>>, vector<1x1x16xf32>,
        %get3A_883 = vector.shape_cast %get3A_882 : vector<1x1x16xf32> to vector<16xf32>
        %add3A_884 = arith.addf %get3A_883, %get3A_688 : vector<16xf32>
        %swap3A = arith.constant 3 : i32
        %swap3A_885 = arith.index_cast %swap3A : i32 to index
        %swap3A_886 = arith.index_cast %scan3A_877 : i32 to index
        %swap3A_887 = arith.constant 0 : index
        %swap3A_888 = tpu.vector_load %arg8[%swap3A_885, %swap3A_886, %swap3A_887] {strides = array<i32>} : memref<4x32x512xf32, #tpu.memory_space<vmem>>, vector<1x1x16xf32>,
        %swap3A_889 = vector.shape_cast %swap3A_888 : vector<1x1x16xf32> to vector<16xf32>
        %swap3A_890 = vector.shape_cast %add3A_884 : vector<16xf32> to vector<1x1x16xf32>
        tpu.vector_store %arg8[%swap3A_885, %swap3A_886, %swap3A_887], %swap3A_890 {strides = array<i32>} : memref<4x32x512xf32, #tpu.memory_space<vmem>>, vector<1x1x16xf32>,
        %get3A_891 = arith.constant 3 : i32
        %get3A_892 = arith.index_cast %get3A_891 : i32 to index
        %get3A_893 = arith.index_cast %scan3A_877 : i32 to index
        %get3A_894 = arith.constant 16 : index
        %get3A_895 = tpu.vector_load %arg8[%get3A_892, %get3A_893, %get3A_894] {strides = array<i32>} : memref<4x32x512xf32, #tpu.memory_space<vmem>>, vector<1x1x16xf32>,
        %get3A_896 = vector.shape_cast %get3A_895 : vector<1x1x16xf32> to vector<16xf32>
        %add3A_897 = arith.addf %get3A_896, %get3A_692 : vector<16xf32>
        %swap3A_898 = arith.constant 3 : i32
        %swap3A_899 = arith.index_cast %swap3A_898 : i32 to index
        %swap3A_900 = arith.index_cast %scan3A_877 : i32 to index
        %swap3A_901 = arith.constant 16 : index
        %swap3A_902 = tpu.vector_load %arg8[%swap3A_899, %swap3A_900, %swap3A_901] {strides = array<i32>} : memref<4x32x512xf32, #tpu.memory_space<vmem>>, vector<1x1x16xf32>,
        %swap3A_903 = vector.shape_cast %swap3A_902 : vector<1x1x16xf32> to vector<16xf32>
        %swap3A_904 = vector.shape_cast %add3A_897 : vector<16xf32> to vector<1x1x16xf32>
        tpu.vector_store %arg8[%swap3A_899, %swap3A_900, %swap3A_901], %swap3A_904 {strides = array<i32>} : memref<4x32x512xf32, #tpu.memory_space<vmem>>, vector<1x1x16xf32>,
        %get3A_905 = arith.constant 3 : i32
        %get3A_906 = arith.index_cast %get3A_905 : i32 to index
        %get3A_907 = arith.index_cast %scan3A_877 : i32 to index
        %get3A_908 = arith.constant 32 : index
        %get3A_909 = tpu.vector_load %arg8[%get3A_906, %get3A_907, %get3A_908] {strides = array<i32>} : memref<4x32x512xf32, #tpu.memory_space<vmem>>, vector<1x1x16xf32>,
        %get3A_910 = vector.shape_cast %get3A_909 : vector<1x1x16xf32> to vector<16xf32>
        %add3A_911 = arith.addf %get3A_910, %get3A_696 : vector<16xf32>
        %swap3A_912 = arith.constant 3 : i32
        %swap3A_913 = arith.index_cast %swap3A_912 : i32 to index
        %swap3A_914 = arith.index_cast %scan3A_877 : i32 to index
        %swap3A_915 = arith.constant 32 : index
        %swap3A_916 = tpu.vector_load %arg8[%swap3A_913, %swap3A_914, %swap3A_915] {strides = array<i32>} : memref<4x32x512xf32, #tpu.memory_space<vmem>>, vector<1x1x16xf32>,
        %swap3A_917 = vector.shape_cast %swap3A_916 : vector<1x1x16xf32> to vector<16xf32>
        %swap3A_918 = vector.shape_cast %add3A_911 : vector<16xf32> to vector<1x1x16xf32>
        tpu.vector_store %arg8[%swap3A_913, %swap3A_914, %swap3A_915], %swap3A_918 {strides = array<i32>} : memref<4x32x512xf32, #tpu.memory_space<vmem>>, vector<1x1x16xf32>,
        %get3A_919 = arith.constant 3 : i32
        %get3A_920 = arith.index_cast %get3A_919 : i32 to index
        %get3A_921 = arith.index_cast %scan3A_877 : i32 to index
        %get3A_922 = arith.constant 48 : index
        %get3A_923 = tpu.vector_load %arg8[%get3A_920, %get3A_921, %get3A_922] {strides = array<i32>} : memref<4x32x512xf32, #tpu.memory_space<vmem>>, vector<1x1x16xf32>,
        %get3A_924 = vector.shape_cast %get3A_923 : vector<1x1x16xf32> to vector<16xf32>
        %add3A_925 = arith.addf %get3A_924, %get3A_700 : vector<16xf32>
        %swap3A_926 = arith.constant 3 : i32
        %swap3A_927 = arith.index_cast %swap3A_926 : i32 to index
        %swap3A_928 = arith.index_cast %scan3A_877 : i32 to index
        %swap3A_929 = arith.constant 48 : index
        %swap3A_930 = tpu.vector_load %arg8[%swap3A_927, %swap3A_928, %swap3A_929] {strides = array<i32>} : memref<4x32x512xf32, #tpu.memory_space<vmem>>, vector<1x1x16xf32>,
        %swap3A_931 = vector.shape_cast %swap3A_930 : vector<1x1x16xf32> to vector<16xf32>
        %swap3A_932 = vector.shape_cast %add3A_925 : vector<16xf32> to vector<1x1x16xf32>
        tpu.vector_store %arg8[%swap3A_927, %swap3A_928, %swap3A_929], %swap3A_932 {strides = array<i32>} : memref<4x32x512xf32, #tpu.memory_space<vmem>>, vector<1x1x16xf32>,
        %get3A_933 = arith.constant 3 : i32
        %get3A_934 = arith.index_cast %get3A_933 : i32 to index
        %get3A_935 = arith.index_cast %scan3A_877 : i32 to index
        %get3A_936 = arith.constant 64 : index
        %get3A_937 = tpu.vector_load %arg8[%get3A_934, %get3A_935, %get3A_936] {strides = array<i32>} : memref<4x32x512xf32, #tpu.memory_space<vmem>>, vector<1x1x16xf32>,
        %get3A_938 = vector.shape_cast %get3A_937 : vector<1x1x16xf32> to vector<16xf32>
        %add3A_939 = arith.addf %get3A_938, %get3A_704 : vector<16xf32>
        %swap3A_940 = arith.constant 3 : i32
        %swap3A_941 = arith.index_cast %swap3A_940 : i32 to index
        %swap3A_942 = arith.index_cast %scan3A_877 : i32 to index
        %swap3A_943 = arith.constant 64 : index
        %swap3A_944 = tpu.vector_load %arg8[%swap3A_941, %swap3A_942, %swap3A_943] {strides = array<i32>} : memref<4x32x512xf32, #tpu.memory_space<vmem>>, vector<1x1x16xf32>,
        %swap3A_945 = vector.shape_cast %swap3A_944 : vector<1x1x16xf32> to vector<16xf32>
        %swap3A_946 = vector.shape_cast %add3A_939 : vector<16xf32> to vector<1x1x16xf32>
        tpu.vector_store %arg8[%swap3A_941, %swap3A_942, %swap3A_943], %swap3A_946 {strides = array<i32>} : memref<4x32x512xf32, #tpu.memory_space<vmem>>, vector<1x1x16xf32>,
        %get3A_947 = arith.constant 3 : i32
        %get3A_948 = arith.index_cast %get3A_947 : i32 to index
        %get3A_949 = arith.index_cast %scan3A_877 : i32 to index
        %get3A_950 = arith.constant 80 : index
        %get3A_951 = tpu.vector_load %arg8[%get3A_948, %get3A_949, %get3A_950] {strides = array<i32>} : memref<4x32x512xf32, #tpu.memory_space<vmem>>, vector<1x1x16xf32>,
        %get3A_952 = vector.shape_cast %get3A_951 : vector<1x1x16xf32> to vector<16xf32>
        %add3A_953 = arith.addf %get3A_952, %get3A_708 : vector<16xf32>
        %swap3A_954 = arith.constant 3 : i32
        %swap3A_955 = arith.index_cast %swap3A_954 : i32 to index
        %swap3A_956 = arith.index_cast %scan3A_877 : i32 to index
        %swap3A_957 = arith.constant 80 : index
        %swap3A_958 = tpu.vector_load %arg8[%swap3A_955, %swap3A_956, %swap3A_957] {strides = array<i32>} : memref<4x32x512xf32, #tpu.memory_space<vmem>>, vector<1x1x16xf32>,
        %swap3A_959 = vector.shape_cast %swap3A_958 : vector<1x1x16xf32> to vector<16xf32>
        %swap3A_960 = vector.shape_cast %add3A_953 : vector<16xf32> to vector<1x1x16xf32>
        tpu.vector_store %arg8[%swap3A_955, %swap3A_956, %swap3A_957], %swap3A_960 {strides = array<i32>} : memref<4x32x512xf32, #tpu.memory_space<vmem>>, vector<1x1x16xf32>,
        %get3A_961 = arith.constant 3 : i32
        %get3A_962 = arith.index_cast %get3A_961 : i32 to index
        %get3A_963 = arith.index_cast %scan3A_877 : i32 to index
        %get3A_964 = arith.constant 96 : index
        %get3A_965 = tpu.vector_load %arg8[%get3A_962, %get3A_963, %get3A_964] {strides = array<i32>} : memref<4x32x512xf32, #tpu.memory_space<vmem>>, vector<1x1x16xf32>,
        %get3A_966 = vector.shape_cast %get3A_965 : vector<1x1x16xf32> to vector<16xf32>
        %add3A_967 = arith.addf %get3A_966, %get3A_712 : vector<16xf32>
        %swap3A_968 = arith.constant 3 : i32
        %swap3A_969 = arith.index_cast %swap3A_968 : i32 to index
        %swap3A_970 = arith.index_cast %scan3A_877 : i32 to index
        %swap3A_971 = arith.constant 96 : index
        %swap3A_972 = tpu.vector_load %arg8[%swap3A_969, %swap3A_970, %swap3A_971] {strides = array<i32>} : memref<4x32x512xf32, #tpu.memory_space<vmem>>, vector<1x1x16xf32>,
        %swap3A_973 = vector.shape_cast %swap3A_972 : vector<1x1x16xf32> to vector<16xf32>
        %swap3A_974 = vector.shape_cast %add3A_967 : vector<16xf32> to vector<1x1x16xf32>
        tpu.vector_store %arg8[%swap3A_969, %swap3A_970, %swap3A_971], %swap3A_974 {strides = array<i32>} : memref<4x32x512xf32, #tpu.memory_space<vmem>>, vector<1x1x16xf32>,
        %get3A_975 = arith.constant 3 : i32
        %get3A_976 = arith.index_cast %get3A_975 : i32 to index
        %get3A_977 = arith.index_cast %scan3A_877 : i32 to index
        %get3A_978 = arith.constant 112 : index
        %get3A_979 = tpu.vector_load %arg8[%get3A_976, %get3A_977, %get3A_978] {strides = array<i32>} : memref<4x32x512xf32, #tpu.memory_space<vmem>>, vector<1x1x16xf32>,
        %get3A_980 = vector.shape_cast %get3A_979 : vector<1x1x16xf32> to vector<16xf32>
        %add3A_981 = arith.addf %get3A_980, %get3A_716 : vector<16xf32>
        %swap3A_982 = arith.constant 3 : i32
        %swap3A_983 = arith.index_cast %swap3A_982 : i32 to index
        %swap3A_984 = arith.index_cast %scan3A_877 : i32 to index
        %swap3A_985 = arith.constant 112 : index
        %swap3A_986 = tpu.vector_load %arg8[%swap3A_983, %swap3A_984, %swap3A_985] {strides = array<i32>} : memref<4x32x512xf32, #tpu.memory_space<vmem>>, vector<1x1x16xf32>,
        %swap3A_987 = vector.shape_cast %swap3A_986 : vector<1x1x16xf32> to vector<16xf32>
        %swap3A_988 = vector.shape_cast %add3A_981 : vector<16xf32> to vector<1x1x16xf32>
        tpu.vector_store %arg8[%swap3A_983, %swap3A_984, %swap3A_985], %swap3A_988 {strides = array<i32>} : memref<4x32x512xf32, #tpu.memory_space<vmem>>, vector<1x1x16xf32>,
      }
      %scan3A_722 = arith.constant 32 : i32
      %get3A_723 = arith.index_cast %scan3A_60 : i32 to index
      %get3A_724 = arith.constant 128 : index
      %get3A_725 = tpu.vector_load %arg7[%get3A_723, %get3A_724] {strides = array<i32>} : memref<77x512xf32, #tpu.memory_space<vmem>>, vector<1x16xf32>,
      %get3A_726 = vector.shape_cast %get3A_725 : vector<1x16xf32> to vector<16xf32>
      %get3A_727 = arith.index_cast %scan3A_60 : i32 to index
      %get3A_728 = arith.constant 144 : index
      %get3A_729 = tpu.vector_load %arg7[%get3A_727, %get3A_728] {strides = array<i32>} : memref<77x512xf32, #tpu.memory_space<vmem>>, vector<1x16xf32>,
      %get3A_730 = vector.shape_cast %get3A_729 : vector<1x16xf32> to vector<16xf32>
      %get3A_731 = arith.index_cast %scan3A_60 : i32 to index
      %get3A_732 = arith.constant 160 : index
      %get3A_733 = tpu.vector_load %arg7[%get3A_731, %get3A_732] {strides = array<i32>} : memref<77x512xf32, #tpu.memory_space<vmem>>, vector<1x16xf32>,
      %get3A_734 = vector.shape_cast %get3A_733 : vector<1x16xf32> to vector<16xf32>
      %get3A_735 = arith.index_cast %scan3A_60 : i32 to index
      %get3A_736 = arith.constant 176 : index
      %get3A_737 = tpu.vector_load %arg7[%get3A_735, %get3A_736] {strides = array<i32>} : memref<77x512xf32, #tpu.memory_space<vmem>>, vector<1x16xf32>,
      %get3A_738 = vector.shape_cast %get3A_737 : vector<1x16xf32> to vector<16xf32>
      %get3A_739 = arith.index_cast %scan3A_60 : i32 to index
      %get3A_740 = arith.constant 192 : index
      %get3A_741 = tpu.vector_load %arg7[%get3A_739, %get3A_740] {strides = array<i32>} : memref<77x512xf32, #tpu.memory_space<vmem>>, vector<1x16xf32>,
      %get3A_742 = vector.shape_cast %get3A_741 : vector<1x16xf32> to vector<16xf32>
      %get3A_743 = arith.index_cast %scan3A_60 : i32 to index
      %get3A_744 = arith.constant 208 : index
      %get3A_745 = tpu.vector_load %arg7[%get3A_743, %get3A_744] {strides = array<i32>} : memref<77x512xf32, #tpu.memory_space<vmem>>, vector<1x16xf32>,
      %get3A_746 = vector.shape_cast %get3A_745 : vector<1x16xf32> to vector<16xf32>
      %get3A_747 = arith.index_cast %scan3A_60 : i32 to index
      %get3A_748 = arith.constant 224 : index
      %get3A_749 = tpu.vector_load %arg7[%get3A_747, %get3A_748] {strides = array<i32>} : memref<77x512xf32, #tpu.memory_space<vmem>>, vector<1x16xf32>,
      %get3A_750 = vector.shape_cast %get3A_749 : vector<1x16xf32> to vector<16xf32>
      %get3A_751 = arith.index_cast %scan3A_60 : i32 to index
      %get3A_752 = arith.constant 240 : index
      %get3A_753 = tpu.vector_load %arg7[%get3A_751, %get3A_752] {strides = array<i32>} : memref<77x512xf32, #tpu.memory_space<vmem>>, vector<1x16xf32>,
      %get3A_754 = vector.shape_cast %get3A_753 : vector<1x16xf32> to vector<16xf32>
      %scan3A_755 = arith.constant 0 : i32
      %scan3A_756 = arith.constant 0 : i32
      %scan3A_757 = arith.constant 32 : i32
      %scan3A_758 = arith.addi %scan3A_756, %scan3A_757 : i32
      %scan3A_759 = arith.constant 1 : i32
      scf.for %scan3A_877 = %scan3A_756 to %scan3A_758 step %scan3A_759  : i32 {
        %get3A_878 = arith.constant 3 : i32
        %get3A_879 = arith.index_cast %get3A_878 : i32 to index
        %get3A_880 = arith.index_cast %scan3A_877 : i32 to index
        %get3A_881 = arith.constant 128 : index
        %get3A_882 = tpu.vector_load %arg8[%get3A_879, %get3A_880, %get3A_881] {strides = array<i32>} : memref<4x32x512xf32, #tpu.memory_space<vmem>>, vector<1x1x16xf32>,
        %get3A_883 = vector.shape_cast %get3A_882 : vector<1x1x16xf32> to vector<16xf32>
        %add3A_884 = arith.addf %get3A_883, %get3A_726 : vector<16xf32>
        %swap3A = arith.constant 3 : i32
        %swap3A_885 = arith.index_cast %swap3A : i32 to index
        %swap3A_886 = arith.index_cast %scan3A_877 : i32 to index
        %swap3A_887 = arith.constant 128 : index
        %swap3A_888 = tpu.vector_load %arg8[%swap3A_885, %swap3A_886, %swap3A_887] {strides = array<i32>} : memref<4x32x512xf32, #tpu.memory_space<vmem>>, vector<1x1x16xf32>,
        %swap3A_889 = vector.shape_cast %swap3A_888 : vector<1x1x16xf32> to vector<16xf32>
        %swap3A_890 = vector.shape_cast %add3A_884 : vector<16xf32> to vector<1x1x16xf32>
        tpu.vector_store %arg8[%swap3A_885, %swap3A_886, %swap3A_887], %swap3A_890 {strides = array<i32>} : memref<4x32x512xf32, #tpu.memory_space<vmem>>, vector<1x1x16xf32>,
        %get3A_891 = arith.constant 3 : i32
        %get3A_892 = arith.index_cast %get3A_891 : i32 to index
        %get3A_893 = arith.index_cast %scan3A_877 : i32 to index
        %get3A_894 = arith.constant 144 : index
        %get3A_895 = tpu.vector_load %arg8[%get3A_892, %get3A_893, %get3A_894] {strides = array<i32>} : memref<4x32x512xf32, #tpu.memory_space<vmem>>, vector<1x1x16xf32>,
        %get3A_896 = vector.shape_cast %get3A_895 : vector<1x1x16xf32> to vector<16xf32>
        %add3A_897 = arith.addf %get3A_896, %get3A_730 : vector<16xf32>
        %swap3A_898 = arith.constant 3 : i32
        %swap3A_899 = arith.index_cast %swap3A_898 : i32 to index
        %swap3A_900 = arith.index_cast %scan3A_877 : i32 to index
        %swap3A_901 = arith.constant 144 : index
        %swap3A_902 = tpu.vector_load %arg8[%swap3A_899, %swap3A_900, %swap3A_901] {strides = array<i32>} : memref<4x32x512xf32, #tpu.memory_space<vmem>>, vector<1x1x16xf32>,
        %swap3A_903 = vector.shape_cast %swap3A_902 : vector<1x1x16xf32> to vector<16xf32>
        %swap3A_904 = vector.shape_cast %add3A_897 : vector<16xf32> to vector<1x1x16xf32>
        tpu.vector_store %arg8[%swap3A_899, %swap3A_900, %swap3A_901], %swap3A_904 {strides = array<i32>} : memref<4x32x512xf32, #tpu.memory_space<vmem>>, vector<1x1x16xf32>,
        %get3A_905 = arith.constant 3 : i32
        %get3A_906 = arith.index_cast %get3A_905 : i32 to index
        %get3A_907 = arith.index_cast %scan3A_877 : i32 to index
        %get3A_908 = arith.constant 160 : index
        %get3A_909 = tpu.vector_load %arg8[%get3A_906, %get3A_907, %get3A_908] {strides = array<i32>} : memref<4x32x512xf32, #tpu.memory_space<vmem>>, vector<1x1x16xf32>,
        %get3A_910 = vector.shape_cast %get3A_909 : vector<1x1x16xf32> to vector<16xf32>
        %add3A_911 = arith.addf %get3A_910, %get3A_734 : vector<16xf32>
        %swap3A_912 = arith.constant 3 : i32
        %swap3A_913 = arith.index_cast %swap3A_912 : i32 to index
        %swap3A_914 = arith.index_cast %scan3A_877 : i32 to index
        %swap3A_915 = arith.constant 160 : index
        %swap3A_916 = tpu.vector_load %arg8[%swap3A_913, %swap3A_914, %swap3A_915] {strides = array<i32>} : memref<4x32x512xf32, #tpu.memory_space<vmem>>, vector<1x1x16xf32>,
        %swap3A_917 = vector.shape_cast %swap3A_916 : vector<1x1x16xf32> to vector<16xf32>
        %swap3A_918 = vector.shape_cast %add3A_911 : vector<16xf32> to vector<1x1x16xf32>
        tpu.vector_store %arg8[%swap3A_913, %swap3A_914, %swap3A_915], %swap3A_918 {strides = array<i32>} : memref<4x32x512xf32, #tpu.memory_space<vmem>>, vector<1x1x16xf32>,
        %get3A_919 = arith.constant 3 : i32
        %get3A_920 = arith.index_cast %get3A_919 : i32 to index
        %get3A_921 = arith.index_cast %scan3A_877 : i32 to index
        %get3A_922 = arith.constant 176 : index
        %get3A_923 = tpu.vector_load %arg8[%get3A_920, %get3A_921, %get3A_922] {strides = array<i32>} : memref<4x32x512xf32, #tpu.memory_space<vmem>>, vector<1x1x16xf32>,
        %get3A_924 = vector.shape_cast %get3A_923 : vector<1x1x16xf32> to vector<16xf32>
        %add3A_925 = arith.addf %get3A_924, %get3A_738 : vector<16xf32>
        %swap3A_926 = arith.constant 3 : i32
        %swap3A_927 = arith.index_cast %swap3A_926 : i32 to index
        %swap3A_928 = arith.index_cast %scan3A_877 : i32 to index
        %swap3A_929 = arith.constant 176 : index
        %swap3A_930 = tpu.vector_load %arg8[%swap3A_927, %swap3A_928, %swap3A_929] {strides = array<i32>} : memref<4x32x512xf32, #tpu.memory_space<vmem>>, vector<1x1x16xf32>,
        %swap3A_931 = vector.shape_cast %swap3A_930 : vector<1x1x16xf32> to vector<16xf32>
        %swap3A_932 = vector.shape_cast %add3A_925 : vector<16xf32> to vector<1x1x16xf32>
        tpu.vector_store %arg8[%swap3A_927, %swap3A_928, %swap3A_929], %swap3A_932 {strides = array<i32>} : memref<4x32x512xf32, #tpu.memory_space<vmem>>, vector<1x1x16xf32>,
        %get3A_933 = arith.constant 3 : i32
        %get3A_934 = arith.index_cast %get3A_933 : i32 to index
        %get3A_935 = arith.index_cast %scan3A_877 : i32 to index
        %get3A_936 = arith.constant 192 : index
        %get3A_937 = tpu.vector_load %arg8[%get3A_934, %get3A_935, %get3A_936] {strides = array<i32>} : memref<4x32x512xf32, #tpu.memory_space<vmem>>, vector<1x1x16xf32>,
        %get3A_938 = vector.shape_cast %get3A_937 : vector<1x1x16xf32> to vector<16xf32>
        %add3A_939 = arith.addf %get3A_938, %get3A_742 : vector<16xf32>
        %swap3A_940 = arith.constant 3 : i32
        %swap3A_941 = arith.index_cast %swap3A_940 : i32 to index
        %swap3A_942 = arith.index_cast %scan3A_877 : i32 to index
        %swap3A_943 = arith.constant 192 : index
        %swap3A_944 = tpu.vector_load %arg8[%swap3A_941, %swap3A_942, %swap3A_943] {strides = array<i32>} : memref<4x32x512xf32, #tpu.memory_space<vmem>>, vector<1x1x16xf32>,
        %swap3A_945 = vector.shape_cast %swap3A_944 : vector<1x1x16xf32> to vector<16xf32>
        %swap3A_946 = vector.shape_cast %add3A_939 : vector<16xf32> to vector<1x1x16xf32>
        tpu.vector_store %arg8[%swap3A_941, %swap3A_942, %swap3A_943], %swap3A_946 {strides = array<i32>} : memref<4x32x512xf32, #tpu.memory_space<vmem>>, vector<1x1x16xf32>,
        %get3A_947 = arith.constant 3 : i32
        %get3A_948 = arith.index_cast %get3A_947 : i32 to index
        %get3A_949 = arith.index_cast %scan3A_877 : i32 to index
        %get3A_950 = arith.constant 208 : index
        %get3A_951 = tpu.vector_load %arg8[%get3A_948, %get3A_949, %get3A_950] {strides = array<i32>} : memref<4x32x512xf32, #tpu.memory_space<vmem>>, vector<1x1x16xf32>,
        %get3A_952 = vector.shape_cast %get3A_951 : vector<1x1x16xf32> to vector<16xf32>
        %add3A_953 = arith.addf %get3A_952, %get3A_746 : vector<16xf32>
        %swap3A_954 = arith.constant 3 : i32
        %swap3A_955 = arith.index_cast %swap3A_954 : i32 to index
        %swap3A_956 = arith.index_cast %scan3A_877 : i32 to index
        %swap3A_957 = arith.constant 208 : index
        %swap3A_958 = tpu.vector_load %arg8[%swap3A_955, %swap3A_956, %swap3A_957] {strides = array<i32>} : memref<4x32x512xf32, #tpu.memory_space<vmem>>, vector<1x1x16xf32>,
        %swap3A_959 = vector.shape_cast %swap3A_958 : vector<1x1x16xf32> to vector<16xf32>
        %swap3A_960 = vector.shape_cast %add3A_953 : vector<16xf32> to vector<1x1x16xf32>
        tpu.vector_store %arg8[%swap3A_955, %swap3A_956, %swap3A_957], %swap3A_960 {strides = array<i32>} : memref<4x32x512xf32, #tpu.memory_space<vmem>>, vector<1x1x16xf32>,
        %get3A_961 = arith.constant 3 : i32
        %get3A_962 = arith.index_cast %get3A_961 : i32 to index
        %get3A_963 = arith.index_cast %scan3A_877 : i32 to index
        %get3A_964 = arith.constant 224 : index
        %get3A_965 = tpu.vector_load %arg8[%get3A_962, %get3A_963, %get3A_964] {strides = array<i32>} : memref<4x32x512xf32, #tpu.memory_space<vmem>>, vector<1x1x16xf32>,
        %get3A_966 = vector.shape_cast %get3A_965 : vector<1x1x16xf32> to vector<16xf32>
        %add3A_967 = arith.addf %get3A_966, %get3A_750 : vector<16xf32>
        %swap3A_968 = arith.constant 3 : i32
        %swap3A_969 = arith.index_cast %swap3A_968 : i32 to index
        %swap3A_970 = arith.index_cast %scan3A_877 : i32 to index
        %swap3A_971 = arith.constant 224 : index
        %swap3A_972 = tpu.vector_load %arg8[%swap3A_969, %swap3A_970, %swap3A_971] {strides = array<i32>} : memref<4x32x512xf32, #tpu.memory_space<vmem>>, vector<1x1x16xf32>,
        %swap3A_973 = vector.shape_cast %swap3A_972 : vector<1x1x16xf32> to vector<16xf32>
        %swap3A_974 = vector.shape_cast %add3A_967 : vector<16xf32> to vector<1x1x16xf32>
        tpu.vector_store %arg8[%swap3A_969, %swap3A_970, %swap3A_971], %swap3A_974 {strides = array<i32>} : memref<4x32x512xf32, #tpu.memory_space<vmem>>, vector<1x1x16xf32>,
        %get3A_975 = arith.constant 3 : i32
        %get3A_976 = arith.index_cast %get3A_975 : i32 to index
        %get3A_977 = arith.index_cast %scan3A_877 : i32 to index
        %get3A_978 = arith.constant 240 : index
        %get3A_979 = tpu.vector_load %arg8[%get3A_976, %get3A_977, %get3A_978] {strides = array<i32>} : memref<4x32x512xf32, #tpu.memory_space<vmem>>, vector<1x1x16xf32>,
        %get3A_980 = vector.shape_cast %get3A_979 : vector<1x1x16xf32> to vector<16xf32>
        %add3A_981 = arith.addf %get3A_980, %get3A_754 : vector<16xf32>
        %swap3A_982 = arith.constant 3 : i32
        %swap3A_983 = arith.index_cast %swap3A_982 : i32 to index
        %swap3A_984 = arith.index_cast %scan3A_877 : i32 to index
        %swap3A_985 = arith.constant 240 : index
        %swap3A_986 = tpu.vector_load %arg8[%swap3A_983, %swap3A_984, %swap3A_985] {strides = array<i32>} : memref<4x32x512xf32, #tpu.memory_space<vmem>>, vector<1x1x16xf32>,
        %swap3A_987 = vector.shape_cast %swap3A_986 : vector<1x1x16xf32> to vector<16xf32>
        %swap3A_988 = vector.shape_cast %add3A_981 : vector<16xf32> to vector<1x1x16xf32>
        tpu.vector_store %arg8[%swap3A_983, %swap3A_984, %swap3A_985], %swap3A_988 {strides = array<i32>} : memref<4x32x512xf32, #tpu.memory_space<vmem>>, vector<1x1x16xf32>,
      }
      %scan3A_760 = arith.constant 32 : i32
      %get3A_761 = arith.index_cast %scan3A_60 : i32 to index
      %get3A_762 = arith.constant 256 : index
      %get3A_763 = tpu.vector_load %arg7[%get3A_761, %get3A_762] {strides = array<i32>} : memref<77x512xf32, #tpu.memory_space<vmem>>, vector<1x16xf32>,
      %get3A_764 = vector.shape_cast %get3A_763 : vector<1x16xf32> to vector<16xf32>
      %get3A_765 = arith.index_cast %scan3A_60 : i32 to index
      %get3A_766 = arith.constant 272 : index
      %get3A_767 = tpu.vector_load %arg7[%get3A_765, %get3A_766] {strides = array<i32>} : memref<77x512xf32, #tpu.memory_space<vmem>>, vector<1x16xf32>,
      %get3A_768 = vector.shape_cast %get3A_767 : vector<1x16xf32> to vector<16xf32>
      %get3A_769 = arith.index_cast %scan3A_60 : i32 to index
      %get3A_770 = arith.constant 288 : index
      %get3A_771 = tpu.vector_load %arg7[%get3A_769, %get3A_770] {strides = array<i32>} : memref<77x512xf32, #tpu.memory_space<vmem>>, vector<1x16xf32>,
      %get3A_772 = vector.shape_cast %get3A_771 : vector<1x16xf32> to vector<16xf32>
      %get3A_773 = arith.index_cast %scan3A_60 : i32 to index
      %get3A_774 = arith.constant 304 : index
      %get3A_775 = tpu.vector_load %arg7[%get3A_773, %get3A_774] {strides = array<i32>} : memref<77x512xf32, #tpu.memory_space<vmem>>, vector<1x16xf32>,
      %get3A_776 = vector.shape_cast %get3A_775 : vector<1x16xf32> to vector<16xf32>
      %get3A_777 = arith.index_cast %scan3A_60 : i32 to index
      %get3A_778 = arith.constant 320 : index
      %get3A_779 = tpu.vector_load %arg7[%get3A_777, %get3A_778] {strides = array<i32>} : memref<77x512xf32, #tpu.memory_space<vmem>>, vector<1x16xf32>,
      %get3A_780 = vector.shape_cast %get3A_779 : vector<1x16xf32> to vector<16xf32>
      %get3A_781 = arith.index_cast %scan3A_60 : i32 to index
      %get3A_782 = arith.constant 336 : index
      %get3A_783 = tpu.vector_load %arg7[%get3A_781, %get3A_782] {strides = array<i32>} : memref<77x512xf32, #tpu.memory_space<vmem>>, vector<1x16xf32>,
      %get3A_784 = vector.shape_cast %get3A_783 : vector<1x16xf32> to vector<16xf32>
      %get3A_785 = arith.index_cast %scan3A_60 : i32 to index
      %get3A_786 = arith.constant 352 : index
      %get3A_787 = tpu.vector_load %arg7[%get3A_785, %get3A_786] {strides = array<i32>} : memref<77x512xf32, #tpu.memory_space<vmem>>, vector<1x16xf32>,
      %get3A_788 = vector.shape_cast %get3A_787 : vector<1x16xf32> to vector<16xf32>
      %get3A_789 = arith.index_cast %scan3A_60 : i32 to index
      %get3A_790 = arith.constant 368 : index
      %get3A_791 = tpu.vector_load %arg7[%get3A_789, %get3A_790] {strides = array<i32>} : memref<77x512xf32, #tpu.memory_space<vmem>>, vector<1x16xf32>,
      %get3A_792 = vector.shape_cast %get3A_791 : vector<1x16xf32> to vector<16xf32>
      %scan3A_793 = arith.constant 0 : i32
      %scan3A_794 = arith.constant 0 : i32
      %scan3A_795 = arith.constant 32 : i32
      %scan3A_796 = arith.addi %scan3A_794, %scan3A_795 : i32
      %scan3A_797 = arith.constant 1 : i32
      scf.for %scan3A_877 = %scan3A_794 to %scan3A_796 step %scan3A_797  : i32 {
        %get3A_878 = arith.constant 3 : i32
        %get3A_879 = arith.index_cast %get3A_878 : i32 to index
        %get3A_880 = arith.index_cast %scan3A_877 : i32 to index
        %get3A_881 = arith.constant 256 : index
        %get3A_882 = tpu.vector_load %arg8[%get3A_879, %get3A_880, %get3A_881] {strides = array<i32>} : memref<4x32x512xf32, #tpu.memory_space<vmem>>, vector<1x1x16xf32>,
        %get3A_883 = vector.shape_cast %get3A_882 : vector<1x1x16xf32> to vector<16xf32>
        %add3A_884 = arith.addf %get3A_883, %get3A_764 : vector<16xf32>
        %swap3A = arith.constant 3 : i32
        %swap3A_885 = arith.index_cast %swap3A : i32 to index
        %swap3A_886 = arith.index_cast %scan3A_877 : i32 to index
        %swap3A_887 = arith.constant 256 : index
        %swap3A_888 = tpu.vector_load %arg8[%swap3A_885, %swap3A_886, %swap3A_887] {strides = array<i32>} : memref<4x32x512xf32, #tpu.memory_space<vmem>>, vector<1x1x16xf32>,
        %swap3A_889 = vector.shape_cast %swap3A_888 : vector<1x1x16xf32> to vector<16xf32>
        %swap3A_890 = vector.shape_cast %add3A_884 : vector<16xf32> to vector<1x1x16xf32>
        tpu.vector_store %arg8[%swap3A_885, %swap3A_886, %swap3A_887], %swap3A_890 {strides = array<i32>} : memref<4x32x512xf32, #tpu.memory_space<vmem>>, vector<1x1x16xf32>,
        %get3A_891 = arith.constant 3 : i32
        %get3A_892 = arith.index_cast %get3A_891 : i32 to index
        %get3A_893 = arith.index_cast %scan3A_877 : i32 to index
        %get3A_894 = arith.constant 272 : index
        %get3A_895 = tpu.vector_load %arg8[%get3A_892, %get3A_893, %get3A_894] {strides = array<i32>} : memref<4x32x512xf32, #tpu.memory_space<vmem>>, vector<1x1x16xf32>,
        %get3A_896 = vector.shape_cast %get3A_895 : vector<1x1x16xf32> to vector<16xf32>
        %add3A_897 = arith.addf %get3A_896, %get3A_768 : vector<16xf32>
        %swap3A_898 = arith.constant 3 : i32
        %swap3A_899 = arith.index_cast %swap3A_898 : i32 to index
        %swap3A_900 = arith.index_cast %scan3A_877 : i32 to index
        %swap3A_901 = arith.constant 272 : index
        %swap3A_902 = tpu.vector_load %arg8[%swap3A_899, %swap3A_900, %swap3A_901] {strides = array<i32>} : memref<4x32x512xf32, #tpu.memory_space<vmem>>, vector<1x1x16xf32>,
        %swap3A_903 = vector.shape_cast %swap3A_902 : vector<1x1x16xf32> to vector<16xf32>
        %swap3A_904 = vector.shape_cast %add3A_897 : vector<16xf32> to vector<1x1x16xf32>
        tpu.vector_store %arg8[%swap3A_899, %swap3A_900, %swap3A_901], %swap3A_904 {strides = array<i32>} : memref<4x32x512xf32, #tpu.memory_space<vmem>>, vector<1x1x16xf32>,
        %get3A_905 = arith.constant 3 : i32
        %get3A_906 = arith.index_cast %get3A_905 : i32 to index
        %get3A_907 = arith.index_cast %scan3A_877 : i32 to index
        %get3A_908 = arith.constant 288 : index
        %get3A_909 = tpu.vector_load %arg8[%get3A_906, %get3A_907, %get3A_908] {strides = array<i32>} : memref<4x32x512xf32, #tpu.memory_space<vmem>>, vector<1x1x16xf32>,
        %get3A_910 = vector.shape_cast %get3A_909 : vector<1x1x16xf32> to vector<16xf32>
        %add3A_911 = arith.addf %get3A_910, %get3A_772 : vector<16xf32>
        %swap3A_912 = arith.constant 3 : i32
        %swap3A_913 = arith.index_cast %swap3A_912 : i32 to index
        %swap3A_914 = arith.index_cast %scan3A_877 : i32 to index
        %swap3A_915 = arith.constant 288 : index
        %swap3A_916 = tpu.vector_load %arg8[%swap3A_913, %swap3A_914, %swap3A_915] {strides = array<i32>} : memref<4x32x512xf32, #tpu.memory_space<vmem>>, vector<1x1x16xf32>,
        %swap3A_917 = vector.shape_cast %swap3A_916 : vector<1x1x16xf32> to vector<16xf32>
        %swap3A_918 = vector.shape_cast %add3A_911 : vector<16xf32> to vector<1x1x16xf32>
        tpu.vector_store %arg8[%swap3A_913, %swap3A_914, %swap3A_915], %swap3A_918 {strides = array<i32>} : memref<4x32x512xf32, #tpu.memory_space<vmem>>, vector<1x1x16xf32>,
        %get3A_919 = arith.constant 3 : i32
        %get3A_920 = arith.index_cast %get3A_919 : i32 to index
        %get3A_921 = arith.index_cast %scan3A_877 : i32 to index
        %get3A_922 = arith.constant 304 : index
        %get3A_923 = tpu.vector_load %arg8[%get3A_920, %get3A_921, %get3A_922] {strides = array<i32>} : memref<4x32x512xf32, #tpu.memory_space<vmem>>, vector<1x1x16xf32>,
        %get3A_924 = vector.shape_cast %get3A_923 : vector<1x1x16xf32> to vector<16xf32>
        %add3A_925 = arith.addf %get3A_924, %get3A_776 : vector<16xf32>
        %swap3A_926 = arith.constant 3 : i32
        %swap3A_927 = arith.index_cast %swap3A_926 : i32 to index
        %swap3A_928 = arith.index_cast %scan3A_877 : i32 to index
        %swap3A_929 = arith.constant 304 : index
        %swap3A_930 = tpu.vector_load %arg8[%swap3A_927, %swap3A_928, %swap3A_929] {strides = array<i32>} : memref<4x32x512xf32, #tpu.memory_space<vmem>>, vector<1x1x16xf32>,
        %swap3A_931 = vector.shape_cast %swap3A_930 : vector<1x1x16xf32> to vector<16xf32>
        %swap3A_932 = vector.shape_cast %add3A_925 : vector<16xf32> to vector<1x1x16xf32>
        tpu.vector_store %arg8[%swap3A_927, %swap3A_928, %swap3A_929], %swap3A_932 {strides = array<i32>} : memref<4x32x512xf32, #tpu.memory_space<vmem>>, vector<1x1x16xf32>,
        %get3A_933 = arith.constant 3 : i32
        %get3A_934 = arith.index_cast %get3A_933 : i32 to index
        %get3A_935 = arith.index_cast %scan3A_877 : i32 to index
        %get3A_936 = arith.constant 320 : index
        %get3A_937 = tpu.vector_load %arg8[%get3A_934, %get3A_935, %get3A_936] {strides = array<i32>} : memref<4x32x512xf32, #tpu.memory_space<vmem>>, vector<1x1x16xf32>,
        %get3A_938 = vector.shape_cast %get3A_937 : vector<1x1x16xf32> to vector<16xf32>
        %add3A_939 = arith.addf %get3A_938, %get3A_780 : vector<16xf32>
        %swap3A_940 = arith.constant 3 : i32
        %swap3A_941 = arith.index_cast %swap3A_940 : i32 to index
        %swap3A_942 = arith.index_cast %scan3A_877 : i32 to index
        %swap3A_943 = arith.constant 320 : index
        %swap3A_944 = tpu.vector_load %arg8[%swap3A_941, %swap3A_942, %swap3A_943] {strides = array<i32>} : memref<4x32x512xf32, #tpu.memory_space<vmem>>, vector<1x1x16xf32>,
        %swap3A_945 = vector.shape_cast %swap3A_944 : vector<1x1x16xf32> to vector<16xf32>
        %swap3A_946 = vector.shape_cast %add3A_939 : vector<16xf32> to vector<1x1x16xf32>
        tpu.vector_store %arg8[%swap3A_941, %swap3A_942, %swap3A_943], %swap3A_946 {strides = array<i32>} : memref<4x32x512xf32, #tpu.memory_space<vmem>>, vector<1x1x16xf32>,
        %get3A_947 = arith.constant 3 : i32
        %get3A_948 = arith.index_cast %get3A_947 : i32 to index
        %get3A_949 = arith.index_cast %scan3A_877 : i32 to index
        %get3A_950 = arith.constant 336 : index
        %get3A_951 = tpu.vector_load %arg8[%get3A_948, %get3A_949, %get3A_950] {strides = array<i32>} : memref<4x32x512xf32, #tpu.memory_space<vmem>>, vector<1x1x16xf32>,
        %get3A_952 = vector.shape_cast %get3A_951 : vector<1x1x16xf32> to vector<16xf32>
        %add3A_953 = arith.addf %get3A_952, %get3A_784 : vector<16xf32>
        %swap3A_954 = arith.constant 3 : i32
        %swap3A_955 = arith.index_cast %swap3A_954 : i32 to index
        %swap3A_956 = arith.index_cast %scan3A_877 : i32 to index
        %swap3A_957 = arith.constant 336 : index
        %swap3A_958 = tpu.vector_load %arg8[%swap3A_955, %swap3A_956, %swap3A_957] {strides = array<i32>} : memref<4x32x512xf32, #tpu.memory_space<vmem>>, vector<1x1x16xf32>,
        %swap3A_959 = vector.shape_cast %swap3A_958 : vector<1x1x16xf32> to vector<16xf32>
        %swap3A_960 = vector.shape_cast %add3A_953 : vector<16xf32> to vector<1x1x16xf32>
        tpu.vector_store %arg8[%swap3A_955, %swap3A_956, %swap3A_957], %swap3A_960 {strides = array<i32>} : memref<4x32x512xf32, #tpu.memory_space<vmem>>, vector<1x1x16xf32>,
        %get3A_961 = arith.constant 3 : i32
        %get3A_962 = arith.index_cast %get3A_961 : i32 to index
        %get3A_963 = arith.index_cast %scan3A_877 : i32 to index
        %get3A_964 = arith.constant 352 : index
        %get3A_965 = tpu.vector_load %arg8[%get3A_962, %get3A_963, %get3A_964] {strides = array<i32>} : memref<4x32x512xf32, #tpu.memory_space<vmem>>, vector<1x1x16xf32>,
        %get3A_966 = vector.shape_cast %get3A_965 : vector<1x1x16xf32> to vector<16xf32>
        %add3A_967 = arith.addf %get3A_966, %get3A_788 : vector<16xf32>
        %swap3A_968 = arith.constant 3 : i32
        %swap3A_969 = arith.index_cast %swap3A_968 : i32 to index
        %swap3A_970 = arith.index_cast %scan3A_877 : i32 to index
        %swap3A_971 = arith.constant 352 : index
        %swap3A_972 = tpu.vector_load %arg8[%swap3A_969, %swap3A_970, %swap3A_971] {strides = array<i32>} : memref<4x32x512xf32, #tpu.memory_space<vmem>>, vector<1x1x16xf32>,
        %swap3A_973 = vector.shape_cast %swap3A_972 : vector<1x1x16xf32> to vector<16xf32>
        %swap3A_974 = vector.shape_cast %add3A_967 : vector<16xf32> to vector<1x1x16xf32>
        tpu.vector_store %arg8[%swap3A_969, %swap3A_970, %swap3A_971], %swap3A_974 {strides = array<i32>} : memref<4x32x512xf32, #tpu.memory_space<vmem>>, vector<1x1x16xf32>,
        %get3A_975 = arith.constant 3 : i32
        %get3A_976 = arith.index_cast %get3A_975 : i32 to index
        %get3A_977 = arith.index_cast %scan3A_877 : i32 to index
        %get3A_978 = arith.constant 368 : index
        %get3A_979 = tpu.vector_load %arg8[%get3A_976, %get3A_977, %get3A_978] {strides = array<i32>} : memref<4x32x512xf32, #tpu.memory_space<vmem>>, vector<1x1x16xf32>,
        %get3A_980 = vector.shape_cast %get3A_979 : vector<1x1x16xf32> to vector<16xf32>
        %add3A_981 = arith.addf %get3A_980, %get3A_792 : vector<16xf32>
        %swap3A_982 = arith.constant 3 : i32
        %swap3A_983 = arith.index_cast %swap3A_982 : i32 to index
        %swap3A_984 = arith.index_cast %scan3A_877 : i32 to index
        %swap3A_985 = arith.constant 368 : index
        %swap3A_986 = tpu.vector_load %arg8[%swap3A_983, %swap3A_984, %swap3A_985] {strides = array<i32>} : memref<4x32x512xf32, #tpu.memory_space<vmem>>, vector<1x1x16xf32>,
        %swap3A_987 = vector.shape_cast %swap3A_986 : vector<1x1x16xf32> to vector<16xf32>
        %swap3A_988 = vector.shape_cast %add3A_981 : vector<16xf32> to vector<1x1x16xf32>
        tpu.vector_store %arg8[%swap3A_983, %swap3A_984, %swap3A_985], %swap3A_988 {strides = array<i32>} : memref<4x32x512xf32, #tpu.memory_space<vmem>>, vector<1x1x16xf32>,
      }
      %scan3A_798 = arith.constant 32 : i32
      %get3A_799 = arith.index_cast %scan3A_60 : i32 to index
      %get3A_800 = arith.constant 384 : index
      %get3A_801 = tpu.vector_load %arg7[%get3A_799, %get3A_800] {strides = array<i32>} : memref<77x512xf32, #tpu.memory_space<vmem>>, vector<1x16xf32>,
      %get3A_802 = vector.shape_cast %get3A_801 : vector<1x16xf32> to vector<16xf32>
      %get3A_803 = arith.index_cast %scan3A_60 : i32 to index
      %get3A_804 = arith.constant 400 : index
      %get3A_805 = tpu.vector_load %arg7[%get3A_803, %get3A_804] {strides = array<i32>} : memref<77x512xf32, #tpu.memory_space<vmem>>, vector<1x16xf32>,
      %get3A_806 = vector.shape_cast %get3A_805 : vector<1x16xf32> to vector<16xf32>
      %get3A_807 = arith.index_cast %scan3A_60 : i32 to index
      %get3A_808 = arith.constant 416 : index
      %get3A_809 = tpu.vector_load %arg7[%get3A_807, %get3A_808] {strides = array<i32>} : memref<77x512xf32, #tpu.memory_space<vmem>>, vector<1x16xf32>,
      %get3A_810 = vector.shape_cast %get3A_809 : vector<1x16xf32> to vector<16xf32>
      %get3A_811 = arith.index_cast %scan3A_60 : i32 to index
      %get3A_812 = arith.constant 432 : index
      %get3A_813 = tpu.vector_load %arg7[%get3A_811, %get3A_812] {strides = array<i32>} : memref<77x512xf32, #tpu.memory_space<vmem>>, vector<1x16xf32>,
      %get3A_814 = vector.shape_cast %get3A_813 : vector<1x16xf32> to vector<16xf32>
      %get3A_815 = arith.index_cast %scan3A_60 : i32 to index
      %get3A_816 = arith.constant 448 : index
      %get3A_817 = tpu.vector_load %arg7[%get3A_815, %get3A_816] {strides = array<i32>} : memref<77x512xf32, #tpu.memory_space<vmem>>, vector<1x16xf32>,
      %get3A_818 = vector.shape_cast %get3A_817 : vector<1x16xf32> to vector<16xf32>
      %get3A_819 = arith.index_cast %scan3A_60 : i32 to index
      %get3A_820 = arith.constant 464 : index
      %get3A_821 = tpu.vector_load %arg7[%get3A_819, %get3A_820] {strides = array<i32>} : memref<77x512xf32, #tpu.memory_space<vmem>>, vector<1x16xf32>,
      %get3A_822 = vector.shape_cast %get3A_821 : vector<1x16xf32> to vector<16xf32>
      %get3A_823 = arith.index_cast %scan3A_60 : i32 to index
      %get3A_824 = arith.constant 480 : index
      %get3A_825 = tpu.vector_load %arg7[%get3A_823, %get3A_824] {strides = array<i32>} : memref<77x512xf32, #tpu.memory_space<vmem>>, vector<1x16xf32>,
      %get3A_826 = vector.shape_cast %get3A_825 : vector<1x16xf32> to vector<16xf32>
      %get3A_827 = arith.index_cast %scan3A_60 : i32 to index
      %get3A_828 = arith.constant 496 : index
      %get3A_829 = tpu.vector_load %arg7[%get3A_827, %get3A_828] {strides = array<i32>} : memref<77x512xf32, #tpu.memory_space<vmem>>, vector<1x16xf32>,
      %get3A_830 = vector.shape_cast %get3A_829 : vector<1x16xf32> to vector<16xf32>
      %scan3A_831 = arith.constant 0 : i32
      %scan3A_832 = arith.constant 0 : i32
      %scan3A_833 = arith.constant 32 : i32
      %scan3A_834 = arith.addi %scan3A_832, %scan3A_833 : i32
      %scan3A_835 = arith.constant 1 : i32
      scf.for %scan3A_877 = %scan3A_832 to %scan3A_834 step %scan3A_835  : i32 {
        %get3A_878 = arith.constant 3 : i32
        %get3A_879 = arith.index_cast %get3A_878 : i32 to index
        %get3A_880 = arith.index_cast %scan3A_877 : i32 to index
        %get3A_881 = arith.constant 384 : index
        %get3A_882 = tpu.vector_load %arg8[%get3A_879, %get3A_880, %get3A_881] {strides = array<i32>} : memref<4x32x512xf32, #tpu.memory_space<vmem>>, vector<1x1x16xf32>,
        %get3A_883 = vector.shape_cast %get3A_882 : vector<1x1x16xf32> to vector<16xf32>
        %add3A_884 = arith.addf %get3A_883, %get3A_802 : vector<16xf32>
        %swap3A = arith.constant 3 : i32
        %swap3A_885 = arith.index_cast %swap3A : i32 to index
        %swap3A_886 = arith.index_cast %scan3A_877 : i32 to index
        %swap3A_887 = arith.constant 384 : index
        %swap3A_888 = tpu.vector_load %arg8[%swap3A_885, %swap3A_886, %swap3A_887] {strides = array<i32>} : memref<4x32x512xf32, #tpu.memory_space<vmem>>, vector<1x1x16xf32>,
        %swap3A_889 = vector.shape_cast %swap3A_888 : vector<1x1x16xf32> to vector<16xf32>
        %swap3A_890 = vector.shape_cast %add3A_884 : vector<16xf32> to vector<1x1x16xf32>
        tpu.vector_store %arg8[%swap3A_885, %swap3A_886, %swap3A_887], %swap3A_890 {strides = array<i32>} : memref<4x32x512xf32, #tpu.memory_space<vmem>>, vector<1x1x16xf32>,
        %get3A_891 = arith.constant 3 : i32
        %get3A_892 = arith.index_cast %get3A_891 : i32 to index
        %get3A_893 = arith.index_cast %scan3A_877 : i32 to index
        %get3A_894 = arith.constant 400 : index
        %get3A_895 = tpu.vector_load %arg8[%get3A_892, %get3A_893, %get3A_894] {strides = array<i32>} : memref<4x32x512xf32, #tpu.memory_space<vmem>>, vector<1x1x16xf32>,
        %get3A_896 = vector.shape_cast %get3A_895 : vector<1x1x16xf32> to vector<16xf32>
        %add3A_897 = arith.addf %get3A_896, %get3A_806 : vector<16xf32>
        %swap3A_898 = arith.constant 3 : i32
        %swap3A_899 = arith.index_cast %swap3A_898 : i32 to index
        %swap3A_900 = arith.index_cast %scan3A_877 : i32 to index
        %swap3A_901 = arith.constant 400 : index
        %swap3A_902 = tpu.vector_load %arg8[%swap3A_899, %swap3A_900, %swap3A_901] {strides = array<i32>} : memref<4x32x512xf32, #tpu.memory_space<vmem>>, vector<1x1x16xf32>,
        %swap3A_903 = vector.shape_cast %swap3A_902 : vector<1x1x16xf32> to vector<16xf32>
        %swap3A_904 = vector.shape_cast %add3A_897 : vector<16xf32> to vector<1x1x16xf32>
        tpu.vector_store %arg8[%swap3A_899, %swap3A_900, %swap3A_901], %swap3A_904 {strides = array<i32>} : memref<4x32x512xf32, #tpu.memory_space<vmem>>, vector<1x1x16xf32>,
        %get3A_905 = arith.constant 3 : i32
        %get3A_906 = arith.index_cast %get3A_905 : i32 to index
        %get3A_907 = arith.index_cast %scan3A_877 : i32 to index
        %get3A_908 = arith.constant 416 : index
        %get3A_909 = tpu.vector_load %arg8[%get3A_906, %get3A_907, %get3A_908] {strides = array<i32>} : memref<4x32x512xf32, #tpu.memory_space<vmem>>, vector<1x1x16xf32>,
        %get3A_910 = vector.shape_cast %get3A_909 : vector<1x1x16xf32> to vector<16xf32>
        %add3A_911 = arith.addf %get3A_910, %get3A_810 : vector<16xf32>
        %swap3A_912 = arith.constant 3 : i32
        %swap3A_913 = arith.index_cast %swap3A_912 : i32 to index
        %swap3A_914 = arith.index_cast %scan3A_877 : i32 to index
        %swap3A_915 = arith.constant 416 : index
        %swap3A_916 = tpu.vector_load %arg8[%swap3A_913, %swap3A_914, %swap3A_915] {strides = array<i32>} : memref<4x32x512xf32, #tpu.memory_space<vmem>>, vector<1x1x16xf32>,
        %swap3A_917 = vector.shape_cast %swap3A_916 : vector<1x1x16xf32> to vector<16xf32>
        %swap3A_918 = vector.shape_cast %add3A_911 : vector<16xf32> to vector<1x1x16xf32>
        tpu.vector_store %arg8[%swap3A_913, %swap3A_914, %swap3A_915], %swap3A_918 {strides = array<i32>} : memref<4x32x512xf32, #tpu.memory_space<vmem>>, vector<1x1x16xf32>,
        %get3A_919 = arith.constant 3 : i32
        %get3A_920 = arith.index_cast %get3A_919 : i32 to index
        %get3A_921 = arith.index_cast %scan3A_877 : i32 to index
        %get3A_922 = arith.constant 432 : index
        %get3A_923 = tpu.vector_load %arg8[%get3A_920, %get3A_921, %get3A_922] {strides = array<i32>} : memref<4x32x512xf32, #tpu.memory_space<vmem>>, vector<1x1x16xf32>,
        %get3A_924 = vector.shape_cast %get3A_923 : vector<1x1x16xf32> to vector<16xf32>
        %add3A_925 = arith.addf %get3A_924, %get3A_814 : vector<16xf32>
        %swap3A_926 = arith.constant 3 : i32
        %swap3A_927 = arith.index_cast %swap3A_926 : i32 to index
        %swap3A_928 = arith.index_cast %scan3A_877 : i32 to index
        %swap3A_929 = arith.constant 432 : index
        %swap3A_930 = tpu.vector_load %arg8[%swap3A_927, %swap3A_928, %swap3A_929] {strides = array<i32>} : memref<4x32x512xf32, #tpu.memory_space<vmem>>, vector<1x1x16xf32>,
        %swap3A_931 = vector.shape_cast %swap3A_930 : vector<1x1x16xf32> to vector<16xf32>
        %swap3A_932 = vector.shape_cast %add3A_925 : vector<16xf32> to vector<1x1x16xf32>
        tpu.vector_store %arg8[%swap3A_927, %swap3A_928, %swap3A_929], %swap3A_932 {strides = array<i32>} : memref<4x32x512xf32, #tpu.memory_space<vmem>>, vector<1x1x16xf32>,
        %get3A_933 = arith.constant 3 : i32
        %get3A_934 = arith.index_cast %get3A_933 : i32 to index
        %get3A_935 = arith.index_cast %scan3A_877 : i32 to index
        %get3A_936 = arith.constant 448 : index
        %get3A_937 = tpu.vector_load %arg8[%get3A_934, %get3A_935, %get3A_936] {strides = array<i32>} : memref<4x32x512xf32, #tpu.memory_space<vmem>>, vector<1x1x16xf32>,
        %get3A_938 = vector.shape_cast %get3A_937 : vector<1x1x16xf32> to vector<16xf32>
        %add3A_939 = arith.addf %get3A_938, %get3A_818 : vector<16xf32>
        %swap3A_940 = arith.constant 3 : i32
        %swap3A_941 = arith.index_cast %swap3A_940 : i32 to index
        %swap3A_942 = arith.index_cast %scan3A_877 : i32 to index
        %swap3A_943 = arith.constant 448 : index
        %swap3A_944 = tpu.vector_load %arg8[%swap3A_941, %swap3A_942, %swap3A_943] {strides = array<i32>} : memref<4x32x512xf32, #tpu.memory_space<vmem>>, vector<1x1x16xf32>,
        %swap3A_945 = vector.shape_cast %swap3A_944 : vector<1x1x16xf32> to vector<16xf32>
        %swap3A_946 = vector.shape_cast %add3A_939 : vector<16xf32> to vector<1x1x16xf32>
        tpu.vector_store %arg8[%swap3A_941, %swap3A_942, %swap3A_943], %swap3A_946 {strides = array<i32>} : memref<4x32x512xf32, #tpu.memory_space<vmem>>, vector<1x1x16xf32>,
        %get3A_947 = arith.constant 3 : i32
        %get3A_948 = arith.index_cast %get3A_947 : i32 to index
        %get3A_949 = arith.index_cast %scan3A_877 : i32 to index
        %get3A_950 = arith.constant 464 : index
        %get3A_951 = tpu.vector_load %arg8[%get3A_948, %get3A_949, %get3A_950] {strides = array<i32>} : memref<4x32x512xf32, #tpu.memory_space<vmem>>, vector<1x1x16xf32>,
        %get3A_952 = vector.shape_cast %get3A_951 : vector<1x1x16xf32> to vector<16xf32>
        %add3A_953 = arith.addf %get3A_952, %get3A_822 : vector<16xf32>
        %swap3A_954 = arith.constant 3 : i32
        %swap3A_955 = arith.index_cast %swap3A_954 : i32 to index
        %swap3A_956 = arith.index_cast %scan3A_877 : i32 to index
        %swap3A_957 = arith.constant 464 : index
        %swap3A_958 = tpu.vector_load %arg8[%swap3A_955, %swap3A_956, %swap3A_957] {strides = array<i32>} : memref<4x32x512xf32, #tpu.memory_space<vmem>>, vector<1x1x16xf32>,
        %swap3A_959 = vector.shape_cast %swap3A_958 : vector<1x1x16xf32> to vector<16xf32>
        %swap3A_960 = vector.shape_cast %add3A_953 : vector<16xf32> to vector<1x1x16xf32>
        tpu.vector_store %arg8[%swap3A_955, %swap3A_956, %swap3A_957], %swap3A_960 {strides = array<i32>} : memref<4x32x512xf32, #tpu.memory_space<vmem>>, vector<1x1x16xf32>,
        %get3A_961 = arith.constant 3 : i32
        %get3A_962 = arith.index_cast %get3A_961 : i32 to index
        %get3A_963 = arith.index_cast %scan3A_877 : i32 to index
        %get3A_964 = arith.constant 480 : index
        %get3A_965 = tpu.vector_load %arg8[%get3A_962, %get3A_963, %get3A_964] {strides = array<i32>} : memref<4x32x512xf32, #tpu.memory_space<vmem>>, vector<1x1x16xf32>,
        %get3A_966 = vector.shape_cast %get3A_965 : vector<1x1x16xf32> to vector<16xf32>
        %add3A_967 = arith.addf %get3A_966, %get3A_826 : vector<16xf32>
        %swap3A_968 = arith.constant 3 : i32
        %swap3A_969 = arith.index_cast %swap3A_968 : i32 to index
        %swap3A_970 = arith.index_cast %scan3A_877 : i32 to index
        %swap3A_971 = arith.constant 480 : index
        %swap3A_972 = tpu.vector_load %arg8[%swap3A_969, %swap3A_970, %swap3A_971] {strides = array<i32>} : memref<4x32x512xf32, #tpu.memory_space<vmem>>, vector<1x1x16xf32>,
        %swap3A_973 = vector.shape_cast %swap3A_972 : vector<1x1x16xf32> to vector<16xf32>
        %swap3A_974 = vector.shape_cast %add3A_967 : vector<16xf32> to vector<1x1x16xf32>
        tpu.vector_store %arg8[%swap3A_969, %swap3A_970, %swap3A_971], %swap3A_974 {strides = array<i32>} : memref<4x32x512xf32, #tpu.memory_space<vmem>>, vector<1x1x16xf32>,
        %get3A_975 = arith.constant 3 : i32
        %get3A_976 = arith.index_cast %get3A_975 : i32 to index
        %get3A_977 = arith.index_cast %scan3A_877 : i32 to index
        %get3A_978 = arith.constant 496 : index
        %get3A_979 = tpu.vector_load %arg8[%get3A_976, %get3A_977, %get3A_978] {strides = array<i32>} : memref<4x32x512xf32, #tpu.memory_space<vmem>>, vector<1x1x16xf32>,
        %get3A_980 = vector.shape_cast %get3A_979 : vector<1x1x16xf32> to vector<16xf32>
        %add3A_981 = arith.addf %get3A_980, %get3A_830 : vector<16xf32>
        %swap3A_982 = arith.constant 3 : i32
        %swap3A_983 = arith.index_cast %swap3A_982 : i32 to index
        %swap3A_984 = arith.index_cast %scan3A_877 : i32 to index
        %swap3A_985 = arith.constant 496 : index
        %swap3A_986 = tpu.vector_load %arg8[%swap3A_983, %swap3A_984, %swap3A_985] {strides = array<i32>} : memref<4x32x512xf32, #tpu.memory_space<vmem>>, vector<1x1x16xf32>,
        %swap3A_987 = vector.shape_cast %swap3A_986 : vector<1x1x16xf32> to vector<16xf32>
        %swap3A_988 = vector.shape_cast %add3A_981 : vector<16xf32> to vector<1x1x16xf32>
        tpu.vector_store %arg8[%swap3A_983, %swap3A_984, %swap3A_985], %swap3A_988 {strides = array<i32>} : memref<4x32x512xf32, #tpu.memory_space<vmem>>, vector<1x1x16xf32>,
      }
      %scan3A_836 = arith.constant 32 : i32
      %add3A_837 = arith.constant 96 : i32
      %add3A_838 = arith.addi %mul3A_2, %add3A_837 : i32
      %dma_start3A_839 = arith.constant 3 : i32
      %dma_start3A_840 = arith.constant 0 : i32
      %dma_start3A_841 = arith.constant 0 : i32
      %dma_start3A_842 = tpu.memref_slice %arg8[%dma_start3A_839, %dma_start3A_840, %dma_start3A_841] : memref<4x32x512xf32, #tpu.memory_space<vmem>> -> memref<1x32x512xf32, #tpu.memory_space<vmem>>
      %dma_start3A_843 = tpu.memref_squeeze %dma_start3A_842 : memref<1x32x512xf32, #tpu.memory_space<vmem>> -> memref<32x512xf32, #tpu.memory_space<vmem>>
      %dma_start3A_844 = arith.constant 0 : i32
      %dma_start3A_845 = tpu.memref_slice %arg5[%scan3A_60, %add3A_838, %dma_start3A_844] : memref<77x4096x512xf32, #tpu.memory_space<hbm>> -> memref<1x32x512xf32, #tpu.memory_space<hbm>>
      %dma_start3A_846 = tpu.memref_squeeze %dma_start3A_845 : memref<1x32x512xf32, #tpu.memory_space<hbm>> -> memref<32x512xf32, #tpu.memory_space<hbm>>
      %dma_start3A_847 = arith.constant 0 : i32
      %dma_start3A_848 = tpu.memref_slice %arg5[%scan3A_60, %add3A_838, %dma_start3A_847] : memref<77x4096x512xf32, #tpu.memory_space<hbm>> -> memref<1x32x512xf32, #tpu.memory_space<hbm>>
      %dma_start3A_849 = tpu.memref_squeeze %dma_start3A_848 : memref<1x32x512xf32, #tpu.memory_space<hbm>> -> memref<32x512xf32, #tpu.memory_space<hbm>>
      %dma_start3A_850 = arith.constant 0 : i32
      %dma_start3A_851 = arith.constant 0 : i32
      %dma_start3A_852 = tpu.memref_slice %arg8[%dma_start3A_839, %dma_start3A_850, %dma_start3A_851] : memref<4x32x512xf32, #tpu.memory_space<vmem>> -> memref<1x32x512xf32, #tpu.memory_space<vmem>>
      %dma_start3A_853 = tpu.memref_squeeze %dma_start3A_852 : memref<1x32x512xf32, #tpu.memory_space<vmem>> -> memref<32x512xf32, #tpu.memory_space<vmem>>
      tpu.enqueue_dma source(%dma_start3A_853 : memref<32x512xf32, #tpu.memory_space<vmem>>) target(%dma_start3A_849 : memref<32x512xf32, #tpu.memory_space<hbm>>) target_semaphore(%arg16 : memref<!tpu.dma_semaphore, #tpu.memory_space<semaphore_mem>>)
      %dma_wait3A_854 = arith.constant 0 : i32
      %dma_wait3A_855 = arith.constant 0 : i32
      %dma_wait3A_856 = arith.constant 0 : i32
      %dma_wait3A_857 = arith.constant 0 : i32
      %dma_wait3A_858 = tpu.memref_slice %arg8[%dma_wait3A_854, %dma_wait3A_856, %dma_wait3A_857] : memref<4x32x512xf32, #tpu.memory_space<vmem>> -> memref<1x32x512xf32, #tpu.memory_space<vmem>>
      %dma_wait3A_859 = tpu.memref_squeeze %dma_wait3A_858 : memref<1x32x512xf32, #tpu.memory_space<vmem>> -> memref<32x512xf32, #tpu.memory_space<vmem>>
      %dma_wait3A_860 = arith.constant 0 : i32
      %dma_wait3A_861 = arith.constant 0 : i32
      %dma_wait3A_862 = tpu.memref_slice %arg5[%dma_wait3A_855, %dma_wait3A_860, %dma_wait3A_861] : memref<77x4096x512xf32, #tpu.memory_space<hbm>> -> memref<1x32x512xf32, #tpu.memory_space<hbm>>
      %dma_wait3A_863 = tpu.memref_squeeze %dma_wait3A_862 : memref<1x32x512xf32, #tpu.memory_space<hbm>> -> memref<32x512xf32, #tpu.memory_space<hbm>>
      %dma_wait3A_864 = arith.constant 0 : i32
      %dma_wait3A_865 = arith.constant 0 : i32
      %dma_wait3A_866 = tpu.memref_slice %arg5[%dma_wait3A_855, %dma_wait3A_864, %dma_wait3A_865] : memref<77x4096x512xf32, #tpu.memory_space<hbm>> -> memref<1x32x512xf32, #tpu.memory_space<hbm>>
      %dma_wait3A_867 = tpu.memref_squeeze %dma_wait3A_866 : memref<1x32x512xf32, #tpu.memory_space<hbm>> -> memref<32x512xf32, #tpu.memory_space<hbm>>
      %dma_wait3A_868 = arith.constant 0 : i32
      %dma_wait3A_869 = arith.constant 0 : i32
      %dma_wait3A_870 = tpu.memref_slice %arg8[%dma_wait3A_854, %dma_wait3A_868, %dma_wait3A_869] : memref<4x32x512xf32, #tpu.memory_space<vmem>> -> memref<1x32x512xf32, #tpu.memory_space<vmem>>
      %dma_wait3A_871 = tpu.memref_squeeze %dma_wait3A_870 : memref<1x32x512xf32, #tpu.memory_space<vmem>> -> memref<32x512xf32, #tpu.memory_space<vmem>>
      tpu.wait_dma2 semaphore(%arg15 : memref<!tpu.dma_semaphore, #tpu.memory_space<semaphore_mem>>) src(%dma_wait3A_871 : memref<32x512xf32, #tpu.memory_space<vmem>>) dst(%dma_wait3A_867 : memref<32x512xf32, #tpu.memory_space<hbm>>)
      %lt3A_872 = arith.constant 76 : i32
      %lt3A_873 = arith.cmpi slt, %scan3A_60, %lt3A_872 : i32
      %convert_element_type3A_874 = arith.extui %lt3A_873 : i1 to i32
      %cond3A_875 = arith.constant 0 : i32
      %cond3A_876 = arith.cmpi ne, %convert_element_type3A_874, %cond3A_875 : i32
      scf.if %cond3A_876 {
        %add3A_877 = arith.constant 1 : i32
        %add3A_878 = arith.addi %scan3A_60, %add3A_877 : i32
        %dma_start3A_879 = arith.constant 2 : i32
        %dma_start3A_880 = arith.constant 0 : i32
        %dma_start3A_881 = arith.constant 0 : i32
        %dma_start3A_882 = tpu.memref_slice %arg8[%dma_start3A_879, %dma_start3A_880, %dma_start3A_881] : memref<4x32x512xf32, #tpu.memory_space<vmem>> -> memref<1x32x512xf32, #tpu.memory_space<vmem>>
        %dma_start3A_883 = tpu.memref_squeeze %dma_start3A_882 : memref<1x32x512xf32, #tpu.memory_space<vmem>> -> memref<32x512xf32, #tpu.memory_space<vmem>>
        %dma_start3A_884 = arith.constant 64 : i32
        %dma_start3A_885 = tpu.memref_slice %arg6[%add3A_878, %dma_start3A_884] : memref<77x128xi32, #tpu.memory_space<vmem>> -> memref<1x32xi32, #tpu.memory_space<vmem>>
        %dma_start3A_886 = tpu.memref_squeeze %dma_start3A_885 : memref<1x32xi32, #tpu.memory_space<vmem>> -> memref<32xi32, #tpu.memory_space<vmem>>
        %dma_start3A_887 = arith.constant 0 : i32
        %dma_start3A_888 = arith.constant 0 : i32
        %dma_start3A_889 = tpu.memref_slice %arg3[%dma_start3A_887, %dma_start3A_888] : memref<49408x512xf32, #tpu.memory_space<hbm>> -> memref<49408x512xf32, #tpu.memory_space<hbm>>
        tpu.enqueue_indirect_dma source(%dma_start3A_889 : memref<49408x512xf32, #tpu.memory_space<hbm>>) target(%dma_start3A_883 : memref<32x512xf32, #tpu.memory_space<vmem>>) offsets(%dma_start3A_886 : memref<32xi32, #tpu.memory_space<vmem>>) semaphore(%arg11 : memref<!tpu.dma_semaphore, #tpu.memory_space<semaphore_mem>>)
      } else {
      }
    }
    %scan3A_42 = arith.constant 77 : i32
    %dma_wait3A = arith.constant 0 : i32
    %dma_wait3A_43 = arith.constant 0 : i32
    %dma_wait3A_44 = arith.constant 0 : i32
    %dma_wait3A_45 = arith.constant 0 : i32
    %dma_wait3A_46 = tpu.memref_slice %arg8[%dma_wait3A, %dma_wait3A_44, %dma_wait3A_45] : memref<4x32x512xf32, #tpu.memory_space<vmem>> -> memref<1x32x512xf32, #tpu.memory_space<vmem>>
    %dma_wait3A_47 = tpu.memref_squeeze %dma_wait3A_46 : memref<1x32x512xf32, #tpu.memory_space<vmem>> -> memref<32x512xf32, #tpu.memory_space<vmem>>
    %dma_wait3A_48 = arith.constant 0 : i32
    %dma_wait3A_49 = arith.constant 0 : i32
    %dma_wait3A_50 = tpu.memref_slice %arg5[%dma_wait3A_43, %dma_wait3A_48, %dma_wait3A_49] : memref<77x4096x512xf32, #tpu.memory_space<hbm>> -> memref<1x32x512xf32, #tpu.memory_space<hbm>>
    %dma_wait3A_51 = tpu.memref_squeeze %dma_wait3A_50 : memref<1x32x512xf32, #tpu.memory_space<hbm>> -> memref<32x512xf32, #tpu.memory_space<hbm>>
    %dma_wait3A_52 = arith.constant 0 : i32
    %dma_wait3A_53 = arith.constant 0 : i32
    %dma_wait3A_54 = tpu.memref_slice %arg5[%dma_wait3A_43, %dma_wait3A_52, %dma_wait3A_53] : memref<77x4096x512xf32, #tpu.memory_space<hbm>> -> memref<1x32x512xf32, #tpu.memory_space<hbm>>
    %dma_wait3A_55 = tpu.memref_squeeze %dma_wait3A_54 : memref<1x32x512xf32, #tpu.memory_space<hbm>> -> memref<32x512xf32, #tpu.memory_space<hbm>>
    %dma_wait3A_56 = arith.constant 0 : i32
    %dma_wait3A_57 = arith.constant 0 : i32
    %dma_wait3A_58 = tpu.memref_slice %arg8[%dma_wait3A, %dma_wait3A_56, %dma_wait3A_57] : memref<4x32x512xf32, #tpu.memory_space<vmem>> -> memref<1x32x512xf32, #tpu.memory_space<vmem>>
    %dma_wait3A_59 = tpu.memref_squeeze %dma_wait3A_58 : memref<1x32x512xf32, #tpu.memory_space<vmem>> -> memref<32x512xf32, #tpu.memory_space<vmem>>
    tpu.wait_dma2 semaphore(%arg16 : memref<!tpu.dma_semaphore, #tpu.memory_space<semaphore_mem>>) src(%dma_wait3A_59 : memref<32x512xf32, #tpu.memory_space<vmem>>) dst(%dma_wait3A_55 : memref<32x512xf32, #tpu.memory_space<hbm>>)
    return
  }
}

module attributes {stable_mosaic.version = 14 : i64} {
  func.func @_mask_body(%arg0: memref<4096x77xi32, #tpu.memory_space<vmem>>, %arg1: memref<4096x77xi32, #tpu.memory_space<vmem>>) attributes {dimension_semantics = [], scalar_prefetch = 0 : i64, scratch_operands = 0 : i64, tpu.core_type = #tpu.core_type<tc>} {
    %get3A = arith.constant 0 : index
    %get3A_0 = arith.constant 0 : index
    %get3A_1 = vector.load %arg0[%get3A, %get3A_0] : memref<4096x77xi32, #tpu.memory_space<vmem>>, vector<4096x77xi32>
    %eq3A = arith.constant 49407 : i32
    %eq3A_2 = vector.broadcast %eq3A : i32 to vector<4096x77xi32>
    %eq3A_3 = arith.cmpi eq, %get3A_1, %eq3A_2 : vector<4096x77xi32>
    %swap3A = arith.constant 0 : index
    %swap3A_4 = arith.constant 0 : index
    %swap3A_5 = vector.load %arg1[%swap3A, %swap3A_4] : memref<4096x77xi32, #tpu.memory_space<vmem>>, vector<4096x77xi32>
    %swap3A_6 = arith.extui %eq3A_3 : vector<4096x77xi1> to vector<4096x77xi32>
    %swap3A_7 = arith.constant dense<0> : vector<4096x77xi32>
    %swap3A_8 = arith.cmpi ne, %swap3A_5, %swap3A_7 : vector<4096x77xi32>
    tpu.vector_store %arg1[%swap3A, %swap3A_4], %swap3A_6 {strides = array<i32>} : memref<4096x77xi32, #tpu.memory_space<vmem>>, vector<4096x77xi32>,
    return
  }
}

</mosaic_0001>

<sc_bundles>
// kernel: kernel.4.cloned.1.call-start
scs
__scs_entry_jumppad:
0x0: {  	(pc) =	sbr.rel $0x88, $3  }
0x1: {  	(tag) =	ssettag $0x0;
	lr =	simm.s32 $0x1  }
0x2: {  	[smem:$0x3F9E] =	sst lr;
	_ =	strace $0xD0000000  }
0x3: {  	_ = 	snop  }
0x4: {  	_ = 	snop  }
0x5: {  	_ = 	snop  }
0x6: {  	_ = 	snop  }
0x7: {  	_ = 	snop  }
__scs_overlays_trampoline_lowered:
0x8: {  	[smem:$0x3FAD] =	sst s0  }
0x9: {  	[smem:$0x3FAE] =	sst s1  }
0xa: {  	[smem:$0x3FAF] =	sst s2  }
0xb: {  	[smem:$0x3FB0] =	sst s3  }
0xc: {  	[smem:$0x3FB1] =	sst s4  }
0xd: {  	[smem:$0x3FB2] =	sst s5  }
0xe: {  	[smem:$0x3FB3] =	sst s6  }
0xf: {  	[smem:$0x3FB4] =	sst s7  }
0x10: {  	[smem:$0x3FB5] =	sst s8  }
0x11: {  	[smem:$0x3FB6] =	sst s9;
	s0 =	simm.s32 @!p0 $0x0  }
0x12: {  	s1 =	sld [smem:$0x3F9C];
	s0 =	simm.s32 @p0 $0x1  }
0x13: {  	[smem:$0x3FB7] =	sst s0;
	s0 =	simm.s32 @!p1 $0x0  }
0x14: {  	s2 =	sld [smem:$0x3F9B];
	s0 =	simm.s32 @p1 $0x1  }
0x15: {  	[smem:$0x3FB8] =	sst s0;
	s0 =	simm.s32 @!p2 $0x0  }
0x16: {  	s3 =	sld [smem:$0x3FDB];
	s0 =	simm.s32 @p2 $0x1  }
0x17: {  	s4 =	simm.s32 $0x1BF5;
	[smem:$0x3FBA] =	sst s0  }
0x18: {  	s0 =	sld [smem:$0x3F9D];
	_ =	swait.ge [sflag:s4], $0x0  }
0x19: {  	s7 =	sld [smem:$0x3F9E]  }
0x1a: {  	s8 =	sadd.s32 $0xFFFFE003, lr  }
0x1b: {  	s9 =	sadd.s32 $0xFFFFFEF7, lr;
	s5 =	simm.s32 $0xFFFFFFFF;
	p2 =	slt.u32 s8, $0xFFFFF086  }
0x1c: {  	p1 =	slt.u32 s9, $0xF7A;
	s5 =	simm.s32 @!p2 $0x0  }
0x1d: {  	s5 =	simm.s32 @p1 $0x1;
	p0 =	seq.s32 s7, s2  }
0x1e: {  	s7 =	smul.u32 @!p0 $0xF7A, s2;
	p2 =	seq.s32 @!p0 s5, $0x0  }
0x1f: {  	s9 =	smul.u32 $0xF7A, s1;
	s8 =	simm.s32 @!p0 $0x1BF5;
	p2 =	por !p2, p0  }
0x20: {  	[sflag:s8] =	ssyncset.s32 @!p0 $0xFFFFF086;
	s6 =	sadd.s32 @!p0 s3, s7;
	s7 =	simm.s32 @!p0 $0x108  }
0x21: {  	s3 =	sadd.s32 s3, s9;
	s6 =	sadd.s32 @!p0 $0x88, s6;
	s7 =	simm.s32 @p2 $0x1082  }
0x22: {  	[simem:s7], [sflag:s8] =	dma.local @!p0 [hbm:s6], $0xF7A  }
0x23: {  	s9 =	sor.u32 $0xD0000000, s2;
	s6 =	simm.s32 $0x108;
	_ =	swait.ge @!p0 [sflag:s8], $0x0  }
0x24: {  	s3 =	sadd.s32 $0x88, s3;
	s6 =	simm.s32 @!p1 $0x1082;
	[sflag:s4] =	ssyncset.s32 $0xFFFFF086  }
0x25: {  	[simem:s6], [sflag:s4] =	dma.local [hbm:s3], $0xF7A  }
0x26: {  	[smem:$0x3F9E] =	sst s1;
	(tag) =	ssettag s2;
	_ =	strace s9  }
0x27: {  	s1 =	sld [smem:$0x3FAE]  }
0x28: {  	s2 =	sld [smem:$0x3FAF]  }
0x29: {  	s4 =	sld [smem:$0x3FB1]  }
0x2a: {  	p0 =	seq.s32 s5, $0x0;
	s5 =	sld [smem:$0x3FB2]  }
0x2b: {  	s6 =	sld [smem:$0x3FB3]  }
0x2c: {  	s7 =	sld [smem:$0x3FB4]  }
0x2d: {  	s3 =	simm.s32 $0x108;
	s8 =	sld [smem:$0x3FB5]  }
0x2e: {  	s3 =	simm.s32 @!p0 $0x1082;
	s9 =	sld [smem:$0x3FB6]  }
0x2f: {  	lr =	sadd.s32 s0, s3;
	s0 =	sld [smem:$0x3FAD]  }
0x30: {  	s3 =	sld [smem:$0x3FB0]  }
0x31: {  	[smem:$0x3FB9] =	sst s10  }
0x32: {  	s10 =	sld [smem:$0x3FB7];
	_ =	sdelay $0x3  }
0x33: {  	p0 =	seq.s32 s10, $0x1;
	s10 =	sld [smem:$0x3FB9];
	_ =	sdelay $0x3  }
0x34: {  	[smem:$0x3FB9] =	sst s10  }
0x35: {  	s10 =	sld [smem:$0x3FB8];
	_ =	sdelay $0x3  }
0x36: {  	p1 =	seq.s32 s10, $0x1;
	s10 =	sld [smem:$0x3FB9];
	_ =	sdelay $0x3  }
0x37: {  	[smem:$0x3FB9] =	sst s10  }
0x38: {  	s10 =	sld [smem:$0x3FBA]  }
0x39: {  	_ = 	snop;
	(pc) =	sbr.ind lr, $3  }
0x3a: {  	_ = 	snop  }
0x3b: {  	_ = 	snop  }
0x3c: {  	p2 =	seq.s32 s10, $0x1;
	s10 =	sld [smem:$0x3FB9]  }
0x3d: {  	_ =	shalt  }
0x3e: {  	_ =	shalt  }
0x3f: {  	_ =	shalt  }
0x40: {  	_ =	shalt  }
0x41: {  	_ =	shalt  }
0x42: {  	_ =	shalt  }
0x43: {  	_ =	shalt  }
0x44: {  	_ =	shalt  }
0x45: {  	_ =	shalt  }
0x46: {  	_ =	shalt  }
0x47: {  	_ =	shalt  }
0x48: {  	_ =	shalt  }
0x49: {  	_ =	shalt  }
0x4a: {  	_ =	shalt  }
0x4b: {  	_ =	shalt  }
0x4c: {  	_ =	shalt  }
0x4d: {  	_ =	shalt  }
0x4e: {  	_ =	shalt  }
0x4f: {  	_ =	shalt  }
0x50: {  	_ =	shalt  }
0x51: {  	_ =	shalt  }
0x52: {  	_ =	shalt  }
0x53: {  	_ =	shalt  }
0x54: {  	_ =	shalt  }
0x55: {  	_ =	shalt  }
0x56: {  	_ =	shalt  }
0x57: {  	_ =	shalt  }
0x58: {  	_ =	shalt  }
0x59: {  	_ =	shalt  }
0x5a: {  	_ =	shalt  }
0x5b: {  	_ =	shalt  }
0x5c: {  	_ =	shalt  }
0x5d: {  	_ =	shalt  }
0x5e: {  	_ =	shalt  }
0x5f: {  	_ =	shalt  }
0x60: {  	_ =	shalt  }
0x61: {  	_ =	shalt  }
0x62: {  	_ =	shalt  }
0x63: {  	_ =	shalt  }
0x64: {  	_ =	shalt  }
0x65: {  	_ =	shalt  }
0x66: {  	_ =	shalt  }
0x67: {  	_ =	shalt  }
0x68: {  	_ =	shalt  }
0x69: {  	_ =	shalt  }
0x6a: {  	_ =	shalt  }
0x6b: {  	_ =	shalt  }
0x6c: {  	_ =	shalt  }
0x6d: {  	_ =	shalt  }
0x6e: {  	_ =	shalt  }
0x6f: {  	_ =	shalt  }
0x70: {  	_ =	shalt  }
0x71: {  	_ =	shalt  }
0x72: {  	_ =	shalt  }
0x73: {  	_ =	shalt  }
0x74: {  	_ =	shalt  }
0x75: {  	_ =	shalt  }
0x76: {  	_ =	shalt  }
0x77: {  	_ =	shalt  }
0x78: {  	_ =	shalt  }
0x79: {  	_ =	shalt  }
0x7a: {  	_ =	shalt  }
0x7b: {  	_ =	shalt  }
0x7c: {  	_ =	shalt  }
0x7d: {  	_ =	shalt  }
0x7e: {  	_ =	shalt  }
0x7f: {  	_ =	shalt  }
0x80: {  	_ =	shalt  }
0x81: {  	_ =	shalt  }
0x82: {  	_ =	shalt  }
0x83: {  	_ =	shalt  }
0x84: {  	_ =	shalt  }
0x85: {  	_ =	shalt  }
0x86: {  	_ =	shalt  }
0x87: {  	_ =	shalt  }
.Lfunc_end0:
.L_simem_size_0:
called_computation_lowered:
.L_overlay_start_0:
0x88: {  	s2 =	sld [smem:$0x3FD9]  }
0x89: {  	s3 =	sld [smem:$0x3FFE];
	_ =	sdelay $0x1  }
0x8a: {  	s1 =	srdreg.scid  }
0x8b: {  	s0 =	sand.u32 $0x1, s1  }
0x8c: {  	s15 =	sshll.u32 s0, $0xA;
	s2 =	sadd.s32 s3, s2  }
0x8d: {  	s2 =	sadd.s32 s2, s15  }
0x8e: {  	[smem:$0x3FC5] =	sst s2  }
0x8f: {  	_ = 	snop  }
0x90: {  	s2 =	sld [smem:$0x3FD0]  }
0x91: {  	s16 =	sld [smem:$0x3FC9]  }
0x92: {  	s4 =	sld [smem:$0x3FC8]  }
0x93: {  	s6 =	simm.s32 $0xA;
	s7 =	simm.s32 $0x10;
	s5 =	sld [smem:$0x3FC7]  }
0x94: {  	[smem:s7], [sflag:s6] =	dma.local [hbm:s2], $0x1  }
0x95: {  	_ =	swait.eq [sflag:s6], $0x1  }
0x96: {  	[sflag:s6] =	ssyncset.done $0x0  }
0x97: {  	[sflag:s6] =	ssyncadd.s32 $0xFFFFFFFF  }
0x98: {  	s17 =	sld [smem:$0x10];
	(tm) =	ssettm $0x1  }
0x99: {  	s18 =	sld [smem:$0x3FFB];
	_ =	sdelay $0x3  }
0x9a: {  	_ =	strace s18  }
0x9b: {  	s6 =	sld [smem:$0x3FFC];
	_ =	sdelay $0x3  }
0x9c: {  	_ =	strace s6  }
0x9d: {  	s6 =	sld [smem:$0x3FFD];
	_ =	sdelay $0x3  }
0x9e: {  	_ =	strace s6  }
0x9f: {  	_ =	strace $0x8FFFFFFF  }
0xa0: {  	s19 =	sld [smem:$0x3FDB];
	_ =	sdelay $0x1  }
0xa1: {  	s20 =	simm.s32 $_scs_section_size  }
0xa2: {  	s8 =	simm.s32 $_size__tile_overlayer_lowered;
	s9 =	simm.s32 $_tile_overlayer_lowered  }
0xa3: {  	s23 =	simm.s32 $0x1BFF;
	s22 =	sshll.u32 s9, $0x1;
	s6 =	sadd.s32 s20, s19  }
0xa4: {  	s10 =	simm.s32 $0x0;
	s21 =	sshll.u32 s8, $0x1;
	s8 =	sadd.s32 s22, s6  }
0xa5: {  	[timem:s10], [sflag:s23] =	dma.local [hbm:s8], s21  }
0xa6: {  	_ =	swait.ge [sflag:s23], s21  }
0xa7: {  	s7 =	ssub.s32 $0x0, s21;
	[sflag:s23] =	ssyncset.done $0x0  }
0xa8: {  	[sflag:s23] =	ssyncadd.s32 s7;
	_ =	sdelay $0x1  }
0xa9: {  	s24 =	simm.s32 $0x1B8B  }
0xaa: {  	_ =	swait.ge [sflag:s24], $0x1  }
0xab: {  	[sflag:s24] =	ssyncset.done $0x0  }
0xac: {  	s25 =	simm.s32 $0x1B8E;
	[sflag:s24] =	ssyncadd.s32 $0xFFFFFFFF  }
0xad: {  	s26 =	simm.s32 $execute0_lowered;
	[smem:$0x3FD2] =	sst s25  }
0xae: {  	s7 =	sshll.u32 s26, $0x1;
	_ =	strace $0x80000046;
	[dreg:$0x1] =	wrdreg $0xFFFFFFFF  }
0xaf: {  	s28 =	simm.s32 $_size_execute0_lowered;
	s6 =	sadd.s32 s6, s7;
	[dreg:$0x0] =	wrdreg $0x0  }
0xb0: {  	s7 =	sshll.u32 s28, $0x1;
	[dreg:$0x2] =	wrdreg s6  }
0xb1: {  	[dreg:$0x3] =	wrdreg s7  }
0xb2: {  	[dreg:$0x4] =	wrdreg $0xC0  }
0xb3: {  	_ =	task [dreg:s10], $0x5FFFF  }
0xb4: {  	[dreg:$0x1] =	wrdreg $0xFFFFFFFF  }
0xb5: {  	[dreg:$0x0] =	wrdreg $0x60  }
0xb6: {  	[dreg:$0x2] =	wrdreg s16  }
0xb7: {  	[dreg:$0x3] =	wrdreg s4  }
0xb8: {  	[dreg:$0x4] =	wrdreg s5  }
0xb9: {  	[dreg:$0x5] =	wrdreg s17  }
0xba: {  	[dreg:$0x6] =	wrdreg $0x9  }
0xbb: {  	_ =	task.clear_ibuf [dreg:s10], $0x7FFFF;
	_ =	strace $0x90000046  }
0xbc: {  	s29 =	simm.s32 $0x9;
	_ =	strace $0x80000048  }
0xbd: {  	_ =	swait.ge [sflag:s29], $0x1  }
0xbe: {  	[sflag:s29] =	ssyncadd.s32 $0xFFFFFFFF  }
0xbf: {  	_ =	strace $0x90000048  }
0xc0: {  	_ =	sfence  }
0xc1: {  	s30 =	sld [smem:$0x0];
	_ =	sdelay $0x2  }
0xc2: {  	s31 =	sshll.u32 s1, $0xD;
	s1 =	sshrl.u32 s1, $0x2  }
0xc3: {  	s3 =	sand.u32 $0x4000, s31;
	s1 =	sadd.s32 s1, s30  }
0xc4: {  	s0 =	sor.u32 s3, s0;
	s1 =	sshll.u32 s1, $0x11  }
0xc5: {  	s0 =	sor.u32 s1, s0  }
0xc6: {  	s0 =	sadd.s32 $0x8F2B, s0  }
0xc7: {  	[sflag:s0] =	ssyncadd.remote.s32 $0x1  }
0xc8: {  	_ =	sfence.sel $0xFFFF  }
0xc9: {  	[dreg:$0x0] =	wrdreg $0xFFFFFFFF;
	(pc) =	sbr.abs _section_cstart, $3  }
0xca: {  	[dreg:$0x1] =	wrdreg $0xFFFFFFFF  }
0xcb: {  	_ =	task.clear_ibuf [dreg:s10], $0x2FFFF;
	_ =	strace $0x9FFFFFFF  }
0xcc: {  	(tm) =	ssettm $0x7FFFFFFF  }
0xcd: {  	_ =	shalt  }
tec
execute0_lowered:
.L_overlay_start_1:
0x0: {  	(tag) =	ssettag $0x1  }
0x1: {  	s0 =	rddreg [dreg:$0x0]  }
0x2: {  	s1 =	rddreg [dreg:$0x1]  }
0x3: {  	s3 =	rddreg [dreg:$0x3];
	s2 =	srdreg.scid  }
0x4: {  	s5 =	simm.s32 $0x0;
	s7 =	stileid.u32;
	s19 =	simm.s32 $0xC800  }
0x5: {  	s28 =	simm.s32 $0x10800;
	s15 =	simm.s32 $0x14800;
	s25 =	simm.s32 $0x1  }
0x6: {  	s26 =	simm.s32 $0x18800;
	s13 =	simm.s32 $0x1C000;
	s12 =	simm.s32 $0x2  }
0x7: {  	s17 =	simm.s32 $0x5;
	s14 =	simm.s32 $0x6;
	s16 =	simm.s32 $0x4  }
0x8: {  	s18 =	simm.s32 $0x7;
	s2 =	sand.u32 $0x1, s2;
	[smem:$0x7FF] =	sst s5  }
0x9: {  	s7 =	sshll.u32 s7, $0x8;
	s4 =	ssub.s32 $0x2, s2;
	s2 =	sshll.u32 s2, $0x7  }
0xa: {  	_ =	strace $0x80000047;
	s6 =	sshrl.u32 s4, $0x1;
	s2 =	sor.u32 s2, s7  }
.Ltmp0:
0xb: {  	s7 =	sadd.s32 $0x100, s1;
	s4 =	ssub.s32 s4, s6;
	(pc) =	sbr.rel .LBB2_1-.Ltmp0, $4  }
0xc: {  	s0 =	sadd.s32 s0, s2;
	s8 =	sshll.u32 s2, $0x9;
	s6 =	simm.s32 $0x3  }
0xd: {  	v2 =	vlaneseq.u32;
	s9 =	sor.u32 $0x4000, s8;
	s31 =	smax.u32 s4, $0x1;
	[dreg:$0x5] =	wrdreg s0  }
0xe: {  	vm0 =	vmmov $0xffff;
	v1 =	vshrl.u32 v2, $0x3;
	s10 =	sor.u32 $0x8000, s8;
	s0 =	sadd.s32 $0x9000, s0;
	[dreg:$0x6] =	wrdreg s31  }
0xf: {  	v0 =	vand.u32 $0x7, v2;
	v2 =	vor.u32 $0x8, v2;
	v1 =	vmul.u32 $0x8, v1;
	s11 =	sor.u32 $0xC000, s8;
	s4 =	simm.s32 $0x0;
	[dreg:$0x7] =	wrdreg s0  }
.LBB2_36:
0x10: {  	s2 =	simm.s32 $0x8  }
0x11: {  	_ =	swait.ge [sflag:s2], $0x4000  }
0x12: {  	s4 =	rddreg [dreg:$0x8]  }
0x13: {  	s0 =	rddreg [dreg:$0x6];
	s4 =	sadd.s32 $0x1, s4  }
0x14: {  	p0 =	sne.s32 s4, s0  }
.Ltmp1:
0x15: {  	_ = 	snop;
	(pc) =	sbr.rel @!p0 .LBB2_37-.Ltmp1, $3  }
0x16: {  	_ =	sdelay $0x1  }
0x17: {  	[sflag:s2] =	ssyncset.done $0x0  }
0x18: {  	[sflag:s2] =	ssyncadd.s32 $0xFFFFC000  }
.LBB2_1:
0x19: {  	[dreg:$0x8] =	wrdreg s4  }
0x1a: {  	s0 =	rddreg [dreg:$0x2];
	s2 =	simm.s32 $0x2800;
	s22 =	simm.s32 $0x9  }
0x1b: {  	[tilespmem:s2], [sflag:$0x9] =	stream.linear.gather [hbm4b:s0+s5], $0xA000, $0x38;
	[tilespmem:$0x1C800] =	vst v63  }
0x1c: {  	_ =	swait.ge [sflag:s22], $0xA000  }
0x1d: {  	s24 =	simm.s32 $0x400;
	[sflag:s22] =	ssyncset.done $0x0  }
0x1e: {  	s20 =	simm.s32 $0x8000;
	s23 =	rddreg [dreg:$0x5];
	[sflag:s22] =	ssyncadd.s32 $0xFFFF6000  }
0x1f: {  	[tilespmem:s5], [sflag:$0x9] =	stream.strided.gather [hbm4b:s23+s24], $0x2400, s20, s24, $0x38;
	[tilespmem:$0x1C800] =	vst v63  }
0x20: {  	s30 =	simm.s32 $0x2400;
	s29 =	rddreg [dreg:$0x7]  }
0x21: {  	[tilespmem:s30], [sflag:$0x9] =	stream.linear.gather [hbm4b:s29+s5], $0x280, $0x38;
	[tilespmem:$0x1C800] =	vst v63  }
0x22: {  	_ =	swait.ge [sflag:s22], $0x2680  }
0x23: {  	[sflag:s22] =	ssyncset.done $0x0  }
0x24: {  	[sflag:s22] =	ssyncadd.s32 $0xFFFFD980  }
0x25: {  	v3 =	vld [tilespmem:$0x0];
	_ =	sdelay $0x4  }
0x26: {  	v4 =	vshll.u32 v3, $0x2  }
0x27: {  	v3 =	vand.u32 $0x7, v3;
	v4 =	vand.u32 $0xFFFFFFE0, v4  }
0x28: {  	v3 =	vor.u32 v3, v4  }
0x29: {  	v4 =	vperm.xlane v3, v0;
	_ =	sdelay $0x1  }
0x2a: {  	v4 =	vadd.s32 v1, v4;
	_ =	sdelay $0x1  }
0x2b: {  	v3 =	vperm.xlane v3, v2;
	_ =	sdelay $0x1  }
0x2c: {  	v3 =	vadd.s32 v1, v3  }
0x2d: {  	[tilespmem:s19], [sflag:$0x1] =	stream.indirect_vreg.gather [hbm4b:s1+s5], $0x80, v4, vm0, $0xb8;
	[tilespmem:$0x1C800] =	vst v63  }
0x2e: {  	s31 =	simm.s32 $0xD000  }
0x2f: {  	[tilespmem:s31], [sflag:$0x1] =	stream.indirect_vreg.gather [hbm4b:s7+s5], $0x80, v4, vm0, $0xb8;
	[tilespmem:$0x1C800] =	vst v63  }
0x30: {  	s2 =	simm.s32 $0xD800  }
0x31: {  	[tilespmem:s2], [sflag:$0x1] =	stream.indirect_vreg.gather [hbm4b:s1+s5], $0x80, v3, vm0, $0xb8;
	[tilespmem:$0x1C800] =	vst v63  }
0x32: {  	s4 =	simm.s32 $0xE000  }
0x33: {  	[tilespmem:s4], [sflag:$0x1] =	stream.indirect_vreg.gather [hbm4b:s7+s5], $0x80, v3, vm0, $0xb8;
	[tilespmem:$0x1C800] =	vst v63  }
0x34: {  	v3 =	vld [tilespmem:$0x10];
	_ =	sdelay $0x4  }
0x35: {  	v59 =	vshll.u32 v3, $0x2  }
0x36: {  	v3 =	vand.u32 $0x7, v3;
	v4 =	vand.u32 $0xFFFFFFE0, v59  }
0x37: {  	v3 =	vor.u32 v3, v4  }
0x38: {  	v4 =	vperm.xlane v3, v0;
	_ =	sdelay $0x1  }
0x39: {  	v4 =	vadd.s32 v1, v4;
	_ =	sdelay $0x1  }
0x3a: {  	v3 =	vperm.xlane v3, v2;
	_ =	sdelay $0x1  }
0x3b: {  	s20 =	simm.s32 $0xE800;
	v3 =	vadd.s32 v1, v3  }
0x3c: {  	[tilespmem:s20], [sflag:$0x1] =	stream.indirect_vreg.gather [hbm4b:s1+s5], $0x80, v4, vm0, $0xb8;
	[tilespmem:$0x1C800] =	vst v63  }
0x3d: {  	s21 =	simm.s32 $0xF000  }
0x3e: {  	[tilespmem:s21], [sflag:$0x1] =	stream.indirect_vreg.gather [hbm4b:s7+s5], $0x80, v4, vm0, $0xb8;
	[tilespmem:$0x1C800] =	vst v63  }
0x3f: {  	s22 =	simm.s32 $0xF800  }
0x40: {  	[tilespmem:s22], [sflag:$0x1] =	stream.indirect_vreg.gather [hbm4b:s1+s5], $0x80, v3, vm0, $0xb8;
	[tilespmem:$0x1C800] =	vst v63  }
0x41: {  	s23 =	simm.s32 $0x10000  }
0x42: {  	[tilespmem:s23], [sflag:$0x1] =	stream.indirect_vreg.gather [hbm4b:s7+s5], $0x80, v3, vm0, $0xb8;
	[tilespmem:$0x1C800] =	vst v63  }
0x43: {  	v3 =	vld [tilespmem:$0x20];
	_ =	sdelay $0x4  }
0x44: {  	v60 =	vshll.u32 v3, $0x2  }
0x45: {  	v3 =	vand.u32 $0x7, v3;
	v4 =	vand.u32 $0xFFFFFFE0, v60  }
0x46: {  	v3 =	vor.u32 v3, v4  }
0x47: {  	v4 =	vperm.xlane v3, v0;
	_ =	sdelay $0x1  }
0x48: {  	v4 =	vadd.s32 v1, v4;
	_ =	sdelay $0x1  }
0x49: {  	v3 =	vperm.xlane v3, v2;
	_ =	sdelay $0x1  }
0x4a: {  	v3 =	vadd.s32 v1, v3  }
0x4b: {  	[tilespmem:s28], [sflag:$0x2] =	stream.indirect_vreg.gather [hbm4b:s1+s5], $0x80, v4, vm0, $0xb8;
	[tilespmem:$0x1C800] =	vst v63  }
0x4c: {  	s24 =	simm.s32 $0x11000  }
0x4d: {  	[tilespmem:s24], [sflag:$0x2] =	stream.indirect_vreg.gather [hbm4b:s7+s5], $0x80, v4, vm0, $0xb8;
	[tilespmem:$0x1C800] =	vst v63  }
0x4e: {  	s29 =	simm.s32 $0x11800  }
0x4f: {  	[tilespmem:s29], [sflag:$0x2] =	stream.indirect_vreg.gather [hbm4b:s1+s5], $0x80, v3, vm0, $0xb8;
	[tilespmem:$0x1C800] =	vst v63  }
0x50: {  	s30 =	simm.s32 $0x12000  }
0x51: {  	[tilespmem:s30], [sflag:$0x2] =	stream.indirect_vreg.gather [hbm4b:s7+s5], $0x80, v3, vm0, $0xb8;
	[tilespmem:$0x1C800] =	vst v63  }
0x52: {  	v3 =	vld [tilespmem:$0x30];
	_ =	sdelay $0x4  }
0x53: {  	v61 =	vshll.u32 v3, $0x2  }
0x54: {  	v3 =	vand.u32 $0x7, v3;
	v4 =	vand.u32 $0xFFFFFFE0, v61  }
0x55: {  	v3 =	vor.u32 v3, v4  }
0x56: {  	v4 =	vperm.xlane v3, v0;
	_ =	sdelay $0x1  }
0x57: {  	v4 =	vadd.s32 v1, v4;
	_ =	sdelay $0x1  }
0x58: {  	v3 =	vperm.xlane v3, v2;
	_ =	sdelay $0x1  }
0x59: {  	s31 =	simm.s32 $0x12800;
	v3 =	vadd.s32 v1, v3  }
0x5a: {  	[tilespmem:s31], [sflag:$0x2] =	stream.indirect_vreg.gather [hbm4b:s1+s5], $0x80, v4, vm0, $0xb8;
	[tilespmem:$0x1C800] =	vst v63  }
0x5b: {  	s2 =	simm.s32 $0x13000  }
0x5c: {  	[tilespmem:s2], [sflag:$0x2] =	stream.indirect_vreg.gather [hbm4b:s7+s5], $0x80, v4, vm0, $0xb8;
	[tilespmem:$0x1C800] =	vst v63  }
0x5d: {  	s4 =	simm.s32 $0x13800  }
0x5e: {  	[tilespmem:s4], [sflag:$0x2] =	stream.indirect_vreg.gather [hbm4b:s1+s5], $0x80, v3, vm0, $0xb8;
	[tilespmem:$0x1C800] =	vst v63  }
0x5f: {  	s20 =	simm.s32 $0x14000  }
0x60: {  	[tilespmem:s20], [sflag:$0x2] =	stream.indirect_vreg.gather [hbm4b:s7+s5], $0x80, v3, vm0, $0xb8;
	[tilespmem:$0x1C800] =	vst v63  }
0x61: {  	v3 =	vld [tilespmem:$0x40];
	_ =	sdelay $0x4  }
0x62: {  	v62 =	vshll.u32 v3, $0x2  }
0x63: {  	v3 =	vand.u32 $0x7, v3;
	v4 =	vand.u32 $0xFFFFFFE0, v62  }
0x64: {  	v3 =	vor.u32 v3, v4  }
0x65: {  	v4 =	vperm.xlane v3, v0;
	_ =	sdelay $0x1  }
0x66: {  	v4 =	vadd.s32 v1, v4;
	_ =	sdelay $0x1  }
0x67: {  	v3 =	vperm.xlane v3, v2;
	_ =	sdelay $0x1  }
0x68: {  	v3 =	vadd.s32 v1, v3  }
0x69: {  	[tilespmem:s15], [sflag:$0x3] =	stream.indirect_vreg.gather [hbm4b:s1+s5], $0x80, v4, vm0, $0xb8;
	[tilespmem:$0x1C800] =	vst v63  }
0x6a: {  	s21 =	simm.s32 $0x15000  }
0x6b: {  	[tilespmem:s21], [sflag:$0x3] =	stream.indirect_vreg.gather [hbm4b:s7+s5], $0x80, v4, vm0, $0xb8;
	[tilespmem:$0x1C800] =	vst v63  }
0x6c: {  	s22 =	simm.s32 $0x15800  }
0x6d: {  	[tilespmem:s22], [sflag:$0x3] =	stream.indirect_vreg.gather [hbm4b:s1+s5], $0x80, v3, vm0, $0xb8;
	[tilespmem:$0x1C800] =	vst v63  }
0x6e: {  	s23 =	simm.s32 $0x16000  }
0x6f: {  	[tilespmem:s23], [sflag:$0x3] =	stream.indirect_vreg.gather [hbm4b:s7+s5], $0x80, v3, vm0, $0xb8;
	[tilespmem:$0x1C800] =	vst v63  }
0x70: {  	v3 =	vld [tilespmem:$0x50];
	_ =	sdelay $0x4  }
0x71: {  	v63 =	vshll.u32 v3, $0x2  }
0x72: {  	v3 =	vand.u32 $0x7, v3;
	v4 =	vand.u32 $0xFFFFFFE0, v63  }
0x73: {  	v3 =	vor.u32 v3, v4  }
0x74: {  	v4 =	vperm.xlane v3, v0;
	_ =	sdelay $0x1  }
0x75: {  	v4 =	vadd.s32 v1, v4;
	_ =	sdelay $0x1  }
0x76: {  	v3 =	vperm.xlane v3, v2;
	_ =	sdelay $0x1  }
0x77: {  	s24 =	simm.s32 $0x16800;
	v3 =	vadd.s32 v1, v3  }
0x78: {  	[tilespmem:s24], [sflag:$0x3] =	stream.indirect_vreg.gather [hbm4b:s1+s5], $0x80, v4, vm0, $0xb8;
	[tilespmem:$0x1C800] =	vst v63  }
0x79: {  	s29 =	simm.s32 $0x17000  }
0x7a: {  	[tilespmem:s29], [sflag:$0x3] =	stream.indirect_vreg.gather [hbm4b:s7+s5], $0x80, v4, vm0, $0xb8;
	[tilespmem:$0x1C800] =	vst v63  }
0x7b: {  	s30 =	simm.s32 $0x17800  }
0x7c: {  	[tilespmem:s30], [sflag:$0x3] =	stream.indirect_vreg.gather [hbm4b:s1+s5], $0x80, v3, vm0, $0xb8;
	[tilespmem:$0x1C800] =	vst v63  }
0x7d: {  	s31 =	simm.s32 $0x18000;
	s20 =	simm.s32 $0x0  }
0x7e: {  	[tilespmem:s31], [sflag:$0x3] =	stream.indirect_vreg.gather [hbm4b:s7+s5], $0x80, v3, vm0, $0xb8;
	[tilespmem:$0x1C800] =	vst v63  }
.LBB2_2:
0x7f: {  	_ =	swait.ge [sflag:s25], $0x4000;
	s22 =	sshll.u32 s20, $0x9;
	s0 =	sshll.u32 s20, $0x7  }
0x80: {  	[sflag:s25] =	ssyncset.done $0x0;
	s21 =	sand.u32 $0xF000, s22;
	s0 =	sand.u32 $0x380, s0  }
0x81: {  	[sflag:s25] =	ssyncadd.s32 $0xFFFFC000;
	s23 =	sor.u32 s0, s21  }
0x82: {  	v10 =	vld [tilespmem:s23+$0x2800]  }
0x83: {  	v9 =	vld [tilespmem:s23+$0x2810]  }
0x84: {  	v4 =	vld [tilespmem:s23+$0x2820]  }
0x85: {  	v3 =	vld [tilespmem:s23+$0x2830]  }
0x86: {  	v5 =	vld [tilespmem:s23+$0x2840]  }
0x87: {  	s2 =	simm.s32 $0x0;
	v6 =	vld [tilespmem:s23+$0x2850]  }
0x88: {  	s4 =	sand.u32 $0x3000, s2;
	s0 =	sand.u32 $0x380, s2;
	v7 =	vld [tilespmem:s23+$0x2860]  }
0x89: {  	s29 =	sor.u32 s0, s4;
	v8 =	vld [tilespmem:s23+$0x2870]  }
0x8a: {  	v11 =	vld [tilespmem:s29+$0xC800]  }
0x8b: {  	v12 =	vld [tilespmem:s29+$0xC810]  }
0x8c: {  	v13 =	vld [tilespmem:s29+$0xC820]  }
0x8d: {  	v14 =	vld [tilespmem:s29+$0xC830]  }
0x8e: {  	v15 =	vld [tilespmem:s29+$0xC840]  }
0x8f: {  	s24 =	simm.s32 $0x80;
	s31 =	simm.s32 $0x200;
	v16 =	vld [tilespmem:s29+$0xC850];
	v11 =	vadd.f32 v11, v10  }
0x90: {  	s21 =	sand.u32 $0x3000, s31;
	s0 =	sand.u32 $0x380, s24;
	v18 =	vld [tilespmem:s29+$0xC860];
	v12 =	vadd.f32 v12, v9  }
0x91: {  	s24 =	sor.u32 s0, s21;
	v19 =	vld [tilespmem:s29+$0xC870];
	[tilespmem:s29+$0xC800] =	vst v11;
	v11 =	vadd.f32 v13, v4  }
0x92: {  	v17 =	vld [tilespmem:s24+$0xC800];
	[tilespmem:s29+$0xC810] =	vst v12;
	v12 =	vadd.f32 v14, v3  }
0x93: {  	v15 =	vadd.f32 v15, v5;
	v13 =	vld [tilespmem:s24+$0xC810];
	[tilespmem:s29+$0xC820] =	vst v11  }
0x94: {  	v16 =	vadd.f32 v16, v6;
	v14 =	vld [tilespmem:s24+$0xC820];
	[tilespmem:s29+$0xC830] =	vst v12  }
0x95: {  	v18 =	vadd.f32 v18, v7;
	v11 =	vld [tilespmem:s24+$0xC830];
	[tilespmem:s29+$0xC840] =	vst v15  }
0x96: {  	v12 =	vld [tilespmem:s24+$0xC840];
	[tilespmem:s29+$0xC850] =	vst v16;
	v16 =	vadd.f32 v19, v8  }
0x97: {  	s30 =	simm.s32 $0x100;
	s21 =	sadd.s32 $0x2800, s23;
	s0 =	simm.s32 $0x400;
	v15 =	vld [tilespmem:s24+$0xC850];
	v17 =	vadd.f32 v17, v10;
	[tilespmem:s29+$0xC860] =	vst v18  }
.LBB2_3:
0x98: {  	s31 =	sand.u32 $0x3000, s0;
	s4 =	sand.u32 $0x380, s30;
	p0 =	sne.s32 s0, $0x3E00;
	v13 =	vadd.f32 v13, v9;
	v18 =	vld [tilespmem:s24+$0xC860];
	[tilespmem:s29+$0xC870] =	vst v16  }
0x99: {  	s29 =	smov.u32 s24;
	[tilespmem:s24+$0xC800] =	vst v17;
	v14 =	vadd.f32 v14, v4;
	v16 =	vld [tilespmem:s24+$0xC870];
	s24 =	sor.u32 s4, s31  }
0x9a: {  	v17 =	vld [tilespmem:s24+$0xC800];
	[tilespmem:s29+$0xC810] =	vst v13;
	v11 =	vadd.f32 v11, v3  }
.Ltmp2:
0x9b: {  	v13 =	vld [tilespmem:s24+$0xC810];
	[tilespmem:s29+$0xC820] =	vst v14;
	v12 =	vadd.f32 v12, v5;
	(pc) =	sbr.rel @p0 .LBB2_3-.Ltmp2, $4  }
0x9c: {  	v14 =	vld [tilespmem:s24+$0xC820];
	[tilespmem:s29+$0xC830] =	vst v11;
	v15 =	vadd.f32 v15, v6  }
0x9d: {  	v11 =	vld [tilespmem:s24+$0xC830];
	[tilespmem:s29+$0xC840] =	vst v12;
	v18 =	vadd.f32 v18, v7  }
0x9e: {  	v12 =	vld [tilespmem:s24+$0xC840];
	[tilespmem:s29+$0xC850] =	vst v15;
	v16 =	vadd.f32 v16, v8  }
0x9f: {  	s30 =	sadd.s32 $0x80, s30;
	s0 =	sadd.s32 $0x200, s0;
	v17 =	vadd.f32 v17, v10;
	v15 =	vld [tilespmem:s24+$0xC850];
	[tilespmem:s29+$0xC860] =	vst v18  }
0xa0: {  	v10 =	vld [tilespmem:s24+$0xC860];
	v9 =	vadd.f32 v13, v9;
	[tilespmem:s29+$0xC870] =	vst v16  }
0xa1: {  	[tilespmem:s24+$0xC800] =	vst v17;
	v4 =	vadd.f32 v14, v4;
	v13 =	vld [tilespmem:s24+$0xC870]  }
0xa2: {  	[tilespmem:s24+$0xC810] =	vst v9;
	v3 =	vadd.f32 v11, v3  }
0xa3: {  	[tilespmem:s24+$0xC820] =	vst v4;
	v4 =	vadd.f32 v12, v5  }
0xa4: {  	[tilespmem:s24+$0xC830] =	vst v3;
	v3 =	vadd.f32 v15, v6  }
0xa5: {  	s0 =	simm.s32 $0x0;
	[tilespmem:s24+$0xC840] =	vst v4;
	v4 =	vadd.f32 v10, v7  }
0xa6: {  	s4 =	sand.u32 $0x3000, s0;
	s0 =	sand.u32 $0x380, s0;
	[tilespmem:s24+$0xC850] =	vst v3;
	v3 =	vadd.f32 v13, v8  }
0xa7: {  	s29 =	sor.u32 s0, s4;
	[tilespmem:s24+$0xC860] =	vst v4  }
0xa8: {  	[tilespmem:s24+$0xC870] =	vst v3;
	v14 =	vld [tilespmem:s29+$0xCC30]  }
0xa9: {  	v10 =	vld [tilespmem:s21+$0x400]  }
0xaa: {  	v9 =	vld [tilespmem:s21+$0x410]  }
0xab: {  	v4 =	vld [tilespmem:s21+$0x420]  }
0xac: {  	v3 =	vld [tilespmem:s21+$0x430]  }
0xad: {  	v5 =	vld [tilespmem:s21+$0x440]  }
0xae: {  	v11 =	vld [tilespmem:s29+$0xCC00]  }
0xaf: {  	v6 =	vld [tilespmem:s21+$0x450]  }
0xb0: {  	v12 =	vld [tilespmem:s29+$0xCC10]  }
0xb1: {  	v7 =	vld [tilespmem:s21+$0x460]  }
0xb2: {  	v13 =	vld [tilespmem:s29+$0xCC20]  }
0xb3: {  	v8 =	vld [tilespmem:s21+$0x470]  }
0xb4: {  	v15 =	vld [tilespmem:s29+$0xCC40]  }
0xb5: {  	s31 =	simm.s32 $0x200;
	s24 =	simm.s32 $0x80;
	v16 =	vld [tilespmem:s29+$0xCC50];
	v11 =	vadd.f32 v11, v10  }
0xb6: {  	s4 =	sand.u32 $0x3000, s31;
	s0 =	sand.u32 $0x380, s24;
	v18 =	vld [tilespmem:s29+$0xCC60];
	v12 =	vadd.f32 v12, v9  }
0xb7: {  	v19 =	vld [tilespmem:s29+$0xCC70];
	s24 =	sor.u32 s0, s4;
	[tilespmem:s29+$0xCC00] =	vst v11;
	v11 =	vadd.f32 v13, v4  }
0xb8: {  	v17 =	vld [tilespmem:s24+$0xCC00];
	[tilespmem:s29+$0xCC10] =	vst v12;
	v12 =	vadd.f32 v14, v3  }
0xb9: {  	v15 =	vadd.f32 v15, v5;
	v13 =	vld [tilespmem:s24+$0xCC10];
	[tilespmem:s29+$0xCC20] =	vst v11  }
0xba: {  	v16 =	vadd.f32 v16, v6;
	v14 =	vld [tilespmem:s24+$0xCC20];
	[tilespmem:s29+$0xCC30] =	vst v12  }
0xbb: {  	v18 =	vadd.f32 v18, v7;
	v11 =	vld [tilespmem:s24+$0xCC30];
	[tilespmem:s29+$0xCC40] =	vst v15  }
0xbc: {  	v12 =	vld [tilespmem:s24+$0xCC40];
	[tilespmem:s29+$0xCC50] =	vst v16;
	v16 =	vadd.f32 v19, v8  }
0xbd: {  	s30 =	simm.s32 $0x100;
	s0 =	simm.s32 $0x400;
	v15 =	vld [tilespmem:s24+$0xCC50];
	v17 =	vadd.f32 v17, v10;
	[tilespmem:s29+$0xCC60] =	vst v18  }
.LBB2_5:
0xbe: {  	s4 =	sand.u32 $0x3000, s0;
	s31 =	sand.u32 $0x380, s30;
	p0 =	sne.s32 s0, $0x3E00;
	v13 =	vadd.f32 v13, v9;
	v18 =	vld [tilespmem:s24+$0xCC60];
	[tilespmem:s29+$0xCC70] =	vst v16  }
0xbf: {  	s29 =	smov.u32 s24;
	[tilespmem:s24+$0xCC00] =	vst v17;
	v14 =	vadd.f32 v14, v4;
	v16 =	vld [tilespmem:s24+$0xCC70];
	s24 =	sor.u32 s31, s4  }
0xc0: {  	v17 =	vld [tilespmem:s24+$0xCC00];
	[tilespmem:s29+$0xCC10] =	vst v13;
	v11 =	vadd.f32 v11, v3  }
.Ltmp3:
0xc1: {  	v13 =	vld [tilespmem:s24+$0xCC10];
	[tilespmem:s29+$0xCC20] =	vst v14;
	v12 =	vadd.f32 v12, v5;
	(pc) =	sbr.rel @p0 .LBB2_5-.Ltmp3, $4  }
0xc2: {  	v14 =	vld [tilespmem:s24+$0xCC20];
	[tilespmem:s29+$0xCC30] =	vst v11;
	v15 =	vadd.f32 v15, v6  }
0xc3: {  	v11 =	vld [tilespmem:s24+$0xCC30];
	[tilespmem:s29+$0xCC40] =	vst v12;
	v18 =	vadd.f32 v18, v7  }
0xc4: {  	v12 =	vld [tilespmem:s24+$0xCC40];
	[tilespmem:s29+$0xCC50] =	vst v15;
	v16 =	vadd.f32 v16, v8  }
0xc5: {  	s30 =	sadd.s32 $0x80, s30;
	s0 =	sadd.s32 $0x200, s0;
	v17 =	vadd.f32 v17, v10;
	v15 =	vld [tilespmem:s24+$0xCC50];
	[tilespmem:s29+$0xCC60] =	vst v18  }
0xc6: {  	v10 =	vld [tilespmem:s24+$0xCC60];
	v9 =	vadd.f32 v13, v9;
	[tilespmem:s29+$0xCC70] =	vst v16  }
0xc7: {  	[tilespmem:s24+$0xCC00] =	vst v17;
	v4 =	vadd.f32 v14, v4;
	v13 =	vld [tilespmem:s24+$0xCC70]  }
0xc8: {  	[tilespmem:s24+$0xCC10] =	vst v9;
	v3 =	vadd.f32 v11, v3  }
0xc9: {  	[tilespmem:s24+$0xCC20] =	vst v4;
	v4 =	vadd.f32 v12, v5  }
0xca: {  	[tilespmem:s24+$0xCC30] =	vst v3;
	v3 =	vadd.f32 v15, v6  }
0xcb: {  	s0 =	simm.s32 $0x0;
	[tilespmem:s24+$0xCC40] =	vst v4;
	v4 =	vadd.f32 v10, v7  }
0xcc: {  	s4 =	sand.u32 $0x3000, s0;
	s0 =	sand.u32 $0x380, s0;
	[tilespmem:s24+$0xCC50] =	vst v3;
	v3 =	vadd.f32 v13, v8  }
0xcd: {  	s29 =	sor.u32 s0, s4;
	[tilespmem:s24+$0xCC60] =	vst v4  }
0xce: {  	[tilespmem:s24+$0xCC70] =	vst v3;
	v14 =	vld [tilespmem:s29+$0xD030]  }
0xcf: {  	v10 =	vld [tilespmem:s21+$0x800]  }
0xd0: {  	v9 =	vld [tilespmem:s21+$0x810]  }
0xd1: {  	v4 =	vld [tilespmem:s21+$0x820]  }
0xd2: {  	v3 =	vld [tilespmem:s21+$0x830]  }
0xd3: {  	v5 =	vld [tilespmem:s21+$0x840]  }
0xd4: {  	v11 =	vld [tilespmem:s29+$0xD000]  }
0xd5: {  	v6 =	vld [tilespmem:s21+$0x850]  }
0xd6: {  	v12 =	vld [tilespmem:s29+$0xD010]  }
0xd7: {  	v7 =	vld [tilespmem:s21+$0x860]  }
0xd8: {  	v13 =	vld [tilespmem:s29+$0xD020]  }
0xd9: {  	v8 =	vld [tilespmem:s21+$0x870]  }
0xda: {  	v15 =	vld [tilespmem:s29+$0xD040]  }
0xdb: {  	s31 =	simm.s32 $0x200;
	s24 =	simm.s32 $0x80;
	v16 =	vld [tilespmem:s29+$0xD050];
	v11 =	vadd.f32 v11, v10  }
0xdc: {  	s4 =	sand.u32 $0x3000, s31;
	s0 =	sand.u32 $0x380, s24;
	v18 =	vld [tilespmem:s29+$0xD060];
	v12 =	vadd.f32 v12, v9  }
0xdd: {  	v19 =	vld [tilespmem:s29+$0xD070];
	s24 =	sor.u32 s0, s4;
	[tilespmem:s29+$0xD000] =	vst v11;
	v11 =	vadd.f32 v13, v4  }
0xde: {  	v17 =	vld [tilespmem:s24+$0xD000];
	[tilespmem:s29+$0xD010] =	vst v12;
	v12 =	vadd.f32 v14, v3  }
0xdf: {  	v15 =	vadd.f32 v15, v5;
	v13 =	vld [tilespmem:s24+$0xD010];
	[tilespmem:s29+$0xD020] =	vst v11  }
0xe0: {  	v16 =	vadd.f32 v16, v6;
	v14 =	vld [tilespmem:s24+$0xD020];
	[tilespmem:s29+$0xD030] =	vst v12  }
0xe1: {  	v18 =	vadd.f32 v18, v7;
	v11 =	vld [tilespmem:s24+$0xD030];
	[tilespmem:s29+$0xD040] =	vst v15  }
0xe2: {  	v12 =	vld [tilespmem:s24+$0xD040];
	[tilespmem:s29+$0xD050] =	vst v16;
	v16 =	vadd.f32 v19, v8  }
0xe3: {  	s30 =	simm.s32 $0x100;
	s0 =	simm.s32 $0x400;
	v15 =	vld [tilespmem:s24+$0xD050];
	v17 =	vadd.f32 v17, v10;
	[tilespmem:s29+$0xD060] =	vst v18  }
.LBB2_7:
0xe4: {  	s4 =	sand.u32 $0x3000, s0;
	s31 =	sand.u32 $0x380, s30;
	p0 =	sne.s32 s0, $0x3E00;
	v13 =	vadd.f32 v13, v9;
	v18 =	vld [tilespmem:s24+$0xD060];
	[tilespmem:s29+$0xD070] =	vst v16  }
0xe5: {  	s29 =	smov.u32 s24;
	[tilespmem:s24+$0xD000] =	vst v17;
	v14 =	vadd.f32 v14, v4;
	v16 =	vld [tilespmem:s24+$0xD070];
	s24 =	sor.u32 s31, s4  }
0xe6: {  	v17 =	vld [tilespmem:s24+$0xD000];
	[tilespmem:s29+$0xD010] =	vst v13;
	v11 =	vadd.f32 v11, v3  }
.Ltmp4:
0xe7: {  	v13 =	vld [tilespmem:s24+$0xD010];
	[tilespmem:s29+$0xD020] =	vst v14;
	v12 =	vadd.f32 v12, v5;
	(pc) =	sbr.rel @p0 .LBB2_7-.Ltmp4, $4  }
0xe8: {  	v14 =	vld [tilespmem:s24+$0xD020];
	[tilespmem:s29+$0xD030] =	vst v11;
	v15 =	vadd.f32 v15, v6  }
0xe9: {  	v11 =	vld [tilespmem:s24+$0xD030];
	[tilespmem:s29+$0xD040] =	vst v12;
	v18 =	vadd.f32 v18, v7  }
0xea: {  	v12 =	vld [tilespmem:s24+$0xD040];
	[tilespmem:s29+$0xD050] =	vst v15;
	v16 =	vadd.f32 v16, v8  }
0xeb: {  	s30 =	sadd.s32 $0x80, s30;
	s0 =	sadd.s32 $0x200, s0;
	v17 =	vadd.f32 v17, v10;
	v15 =	vld [tilespmem:s24+$0xD050];
	[tilespmem:s29+$0xD060] =	vst v18  }
0xec: {  	v10 =	vld [tilespmem:s24+$0xD060];
	v9 =	vadd.f32 v13, v9;
	[tilespmem:s29+$0xD070] =	vst v16  }
0xed: {  	[tilespmem:s24+$0xD000] =	vst v17;
	v4 =	vadd.f32 v14, v4;
	v13 =	vld [tilespmem:s24+$0xD070]  }
0xee: {  	[tilespmem:s24+$0xD010] =	vst v9;
	v3 =	vadd.f32 v11, v3  }
0xef: {  	[tilespmem:s24+$0xD020] =	vst v4;
	v4 =	vadd.f32 v12, v5  }
0xf0: {  	[tilespmem:s24+$0xD030] =	vst v3;
	v3 =	vadd.f32 v15, v6  }
0xf1: {  	[tilespmem:s24+$0xD040] =	vst v4;
	v4 =	vadd.f32 v10, v7  }
0xf2: {  	[tilespmem:s24+$0xD050] =	vst v3;
	v3 =	vadd.f32 v13, v8  }
0xf3: {  	[tilespmem:s24+$0xD060] =	vst v4  }
0xf4: {  	[tilespmem:s24+$0xD070] =	vst v3  }
0xf5: {  	v10 =	vld [tilespmem:s21+$0xC00]  }
0xf6: {  	v9 =	vld [tilespmem:s21+$0xC10]  }
0xf7: {  	s0 =	simm.s32 $0x0;
	v4 =	vld [tilespmem:s21+$0xC20]  }
0xf8: {  	s4 =	sand.u32 $0x3000, s0;
	s0 =	sand.u32 $0x380, s0;
	v3 =	vld [tilespmem:s21+$0xC30]  }
0xf9: {  	s24 =	sor.u32 s0, s4;
	v5 =	vld [tilespmem:s21+$0xC40]  }
0xfa: {  	v11 =	vld [tilespmem:s24+$0xD400]  }
0xfb: {  	v7 =	vld [tilespmem:s21+$0xC50]  }
0xfc: {  	v12 =	vld [tilespmem:s24+$0xD410]  }
0xfd: {  	v8 =	vld [tilespmem:s21+$0xC60]  }
0xfe: {  	v13 =	vld [tilespmem:s24+$0xD420]  }
0xff: {  	v6 =	vld [tilespmem:s21+$0xC70]  }
0x100: {  	v14 =	vld [tilespmem:s24+$0xD430]  }
0x101: {  	v15 =	vld [tilespmem:s24+$0xD440]  }
0x102: {  	s2 =	simm.s32 $0x80;
	s31 =	simm.s32 $0x200;
	v16 =	vld [tilespmem:s24+$0xD450];
	v11 =	vadd.f32 v11, v10  }
0x103: {  	s4 =	sand.u32 $0x3000, s31;
	s0 =	sand.u32 $0x380, s2;
	v18 =	vld [tilespmem:s24+$0xD460];
	v12 =	vadd.f32 v12, v9  }
0x104: {  	s29 =	sor.u32 s0, s4;
	v19 =	vld [tilespmem:s24+$0xD470];
	[tilespmem:s24+$0xD400] =	vst v11;
	v11 =	vadd.f32 v13, v4  }
0x105: {  	v17 =	vld [tilespmem:s29+$0xD400];
	[tilespmem:s24+$0xD410] =	vst v12;
	v12 =	vadd.f32 v14, v3  }
0x106: {  	v15 =	vadd.f32 v15, v5;
	v13 =	vld [tilespmem:s29+$0xD410];
	[tilespmem:s24+$0xD420] =	vst v11  }
0x107: {  	v16 =	vadd.f32 v16, v7;
	v14 =	vld [tilespmem:s29+$0xD420];
	[tilespmem:s24+$0xD430] =	vst v12  }
0x108: {  	v18 =	vadd.f32 v18, v8;
	v11 =	vld [tilespmem:s29+$0xD430];
	[tilespmem:s24+$0xD440] =	vst v15  }
0x109: {  	v12 =	vld [tilespmem:s29+$0xD440];
	[tilespmem:s24+$0xD450] =	vst v16;
	v16 =	vadd.f32 v19, v6  }
0x10a: {  	s30 =	simm.s32 $0x100;
	s0 =	simm.s32 $0x400;
	v15 =	vld [tilespmem:s29+$0xD450];
	v17 =	vadd.f32 v17, v10;
	[tilespmem:s24+$0xD460] =	vst v18  }
.LBB2_9:
0x10b: {  	s4 =	sand.u32 $0x3000, s0;
	s31 =	sand.u32 $0x380, s30;
	p0 =	sne.s32 s0, $0x3E00;
	v13 =	vadd.f32 v13, v9;
	v18 =	vld [tilespmem:s29+$0xD460];
	[tilespmem:s24+$0xD470] =	vst v16  }
0x10c: {  	s24 =	smov.u32 s29;
	[tilespmem:s29+$0xD400] =	vst v17;
	v14 =	vadd.f32 v14, v4;
	v16 =	vld [tilespmem:s29+$0xD470];
	s29 =	sor.u32 s31, s4  }
0x10d: {  	v17 =	vld [tilespmem:s29+$0xD400];
	[tilespmem:s24+$0xD410] =	vst v13;
	v11 =	vadd.f32 v11, v3  }
.Ltmp5:
0x10e: {  	v13 =	vld [tilespmem:s29+$0xD410];
	[tilespmem:s24+$0xD420] =	vst v14;
	v12 =	vadd.f32 v12, v5;
	(pc) =	sbr.rel @p0 .LBB2_9-.Ltmp5, $4  }
0x10f: {  	v14 =	vld [tilespmem:s29+$0xD420];
	[tilespmem:s24+$0xD430] =	vst v11;
	v15 =	vadd.f32 v15, v7  }
0x110: {  	v11 =	vld [tilespmem:s29+$0xD430];
	[tilespmem:s24+$0xD440] =	vst v12;
	v18 =	vadd.f32 v18, v8  }
0x111: {  	v12 =	vld [tilespmem:s29+$0xD440];
	[tilespmem:s24+$0xD450] =	vst v15;
	v16 =	vadd.f32 v16, v6  }
0x112: {  	s30 =	sadd.s32 $0x80, s30;
	s0 =	sadd.s32 $0x200, s0;
	v17 =	vadd.f32 v17, v10;
	v15 =	vld [tilespmem:s29+$0xD450];
	[tilespmem:s24+$0xD460] =	vst v18  }
0x113: {  	v10 =	vld [tilespmem:s29+$0xD460];
	v9 =	vadd.f32 v13, v9;
	[tilespmem:s24+$0xD470] =	vst v16  }
0x114: {  	[tilespmem:s29+$0xD400] =	vst v17;
	v4 =	vadd.f32 v14, v4;
	v13 =	vld [tilespmem:s29+$0xD470]  }
0x115: {  	[tilespmem:s29+$0xD410] =	vst v9;
	v3 =	vadd.f32 v11, v3  }
0x116: {  	[tilespmem:s29+$0xD420] =	vst v4;
	v4 =	vadd.f32 v12, v5  }
0x117: {  	[tilespmem:s29+$0xD430] =	vst v3;
	v3 =	vadd.f32 v15, v7  }
0x118: {  	s24 =	sshll.u32 s20, $0x15;
	[tilespmem:s29+$0xD440] =	vst v4;
	v4 =	vadd.f32 v10, v8  }
0x119: {  	s0 =	sor.u32 s8, s24;
	[tilespmem:s29+$0xD450] =	vst v3;
	v3 =	vadd.f32 v13, v6  }
0x11a: {  	s0 =	sshrl.u32 s0, $0x3;
	[tilespmem:s29+$0xD460] =	vst v4  }
0x11b: {  	p0 =	seq.s32 s20, $0x0;
	s0 =	sadd.s32 s3, s0;
	[tilespmem:s29+$0xD470] =	vst v3  }
0x11c: {  	[hbm4b:s0+s5] =	stream.linear.scatter [tilespmem:s19], [sflag:$0x5], $0x4000, $0x38;
	[tilespmem:$0x1C800] =	vst v63  }
0x11d: {  	s0 =	simm.s32 @!p0 $0x8  }
0x11e: {  	_ =	swait.ge @!p0 [sflag:s0], $0x4000  }
0x11f: {  	[sflag:s0] =	ssyncset.done @!p0 $0x0  }
0x120: {  	s22 =	sshrl.u32 s22, $0x2;
	[sflag:s0] =	ssyncadd.s32 @!p0 $0xFFFFC000  }
0x121: {  	v3 =	vld [tilespmem:s22+$0x60];
	_ =	sdelay $0x4  }
0x122: {  	v4 =	vshll.u32 v3, $0x2  }
0x123: {  	v3 =	vand.u32 $0x7, v3;
	v4 =	vand.u32 $0xFFFFFFE0, v4  }
0x124: {  	v3 =	vor.u32 v3, v4  }
0x125: {  	v4 =	vperm.xlane v3, v0;
	_ =	sdelay $0x1  }
0x126: {  	v4 =	vadd.s32 v1, v4;
	_ =	sdelay $0x1  }
0x127: {  	v3 =	vperm.xlane v3, v2;
	_ =	sdelay $0x1  }
0x128: {  	s0 =	simm.s32 $0x0;
	v3 =	vadd.s32 v1, v3  }
0x129: {  	[tilespmem:s26], [sflag:$0x4] =	stream.indirect_vreg.gather [hbm4b:s1+s0], $0x80, v4, vm0, $0xb8;
	[tilespmem:$0x1C800] =	vst v63  }
0x12a: {  	s2 =	simm.s32 $0x19000  }
0x12b: {  	[tilespmem:s2], [sflag:$0x4] =	stream.indirect_vreg.gather [hbm4b:s7+s0], $0x80, v4, vm0, $0xb8;
	[tilespmem:$0x1C800] =	vst v63  }
0x12c: {  	s4 =	simm.s32 $0x19800  }
0x12d: {  	[tilespmem:s4], [sflag:$0x4] =	stream.indirect_vreg.gather [hbm4b:s1+s0], $0x80, v3, vm0, $0xb8;
	[tilespmem:$0x1C800] =	vst v63  }
0x12e: {  	s4 =	simm.s32 $0x1A000  }
0x12f: {  	[tilespmem:s4], [sflag:$0x4] =	stream.indirect_vreg.gather [hbm4b:s7+s0], $0x80, v3, vm0, $0xb8;
	[tilespmem:$0x1C800] =	vst v63  }
0x130: {  	v3 =	vld [tilespmem:s22+$0x70];
	_ =	sdelay $0x4  }
0x131: {  	v4 =	vshll.u32 v3, $0x2  }
0x132: {  	v3 =	vand.u32 $0x7, v3;
	v4 =	vand.u32 $0xFFFFFFE0, v4  }
0x133: {  	v3 =	vor.u32 v3, v4  }
0x134: {  	v4 =	vperm.xlane v3, v0;
	_ =	sdelay $0x1  }
0x135: {  	v4 =	vadd.s32 v1, v4;
	_ =	sdelay $0x1  }
0x136: {  	v3 =	vperm.xlane v3, v2;
	_ =	sdelay $0x1  }
0x137: {  	s4 =	simm.s32 $0x1A800;
	v3 =	vadd.s32 v1, v3  }
0x138: {  	[tilespmem:s4], [sflag:$0x4] =	stream.indirect_vreg.gather [hbm4b:s1+s0], $0x80, v4, vm0, $0xb8;
	[tilespmem:$0x1C800] =	vst v63  }
0x139: {  	s4 =	simm.s32 $0x1B000  }
0x13a: {  	[tilespmem:s4], [sflag:$0x4] =	stream.indirect_vreg.gather [hbm4b:s7+s0], $0x80, v4, vm0, $0xb8;
	[tilespmem:$0x1C800] =	vst v63  }
0x13b: {  	s4 =	simm.s32 $0x1B800  }
0x13c: {  	[tilespmem:s4], [sflag:$0x4] =	stream.indirect_vreg.gather [hbm4b:s1+s0], $0x80, v3, vm0, $0xb8;
	[tilespmem:$0x1C800] =	vst v63  }
0x13d: {  	_ = 	snop  }
0x13e: {  	[tilespmem:s13], [sflag:$0x4] =	stream.indirect_vreg.gather [hbm4b:s7+s0], $0x80, v3, vm0, $0xb8;
	[tilespmem:$0x1C800] =	vst v63  }
0x13f: {  	_ =	swait.ge [sflag:s12], $0x4000  }
0x140: {  	[sflag:s12] =	ssyncset.done $0x0  }
0x141: {  	[sflag:s12] =	ssyncadd.s32 $0xFFFFC000  }
0x142: {  	v10 =	vld [tilespmem:s23+$0x2800]  }
0x143: {  	v9 =	vld [tilespmem:s21+$0x10]  }
0x144: {  	v5 =	vld [tilespmem:s21+$0x20]  }
0x145: {  	s4 =	sand.u32 $0x3000, s0;
	s0 =	sand.u32 $0x380, s0;
	v3 =	vld [tilespmem:s21+$0x30]  }
0x146: {  	s30 =	sor.u32 s0, s4;
	v4 =	vld [tilespmem:s21+$0x40]  }
0x147: {  	v11 =	vld [tilespmem:s30+$0x10800]  }
0x148: {  	v6 =	vld [tilespmem:s21+$0x50]  }
0x149: {  	v12 =	vld [tilespmem:s30+$0x10810]  }
0x14a: {  	v7 =	vld [tilespmem:s21+$0x60]  }
0x14b: {  	v13 =	vld [tilespmem:s30+$0x10820]  }
0x14c: {  	v8 =	vld [tilespmem:s21+$0x70]  }
0x14d: {  	v14 =	vld [tilespmem:s30+$0x10830]  }
0x14e: {  	v15 =	vld [tilespmem:s30+$0x10840]  }
0x14f: {  	s2 =	simm.s32 $0x200;
	s0 =	simm.s32 $0x80;
	v16 =	vld [tilespmem:s30+$0x10850];
	v11 =	vadd.f32 v11, v10  }
0x150: {  	s4 =	sand.u32 $0x3000, s2;
	s0 =	sand.u32 $0x380, s0;
	v18 =	vld [tilespmem:s30+$0x10860];
	v12 =	vadd.f32 v12, v9  }
0x151: {  	s29 =	sor.u32 s0, s4;
	v19 =	vld [tilespmem:s30+$0x10870];
	[tilespmem:s30+$0x10800] =	vst v11;
	v11 =	vadd.f32 v13, v5  }
0x152: {  	v17 =	vld [tilespmem:s29+$0x10800];
	[tilespmem:s30+$0x10810] =	vst v12;
	v12 =	vadd.f32 v14, v3  }
0x153: {  	v15 =	vadd.f32 v15, v4;
	v13 =	vld [tilespmem:s29+$0x10810];
	[tilespmem:s30+$0x10820] =	vst v11  }
0x154: {  	v16 =	vadd.f32 v16, v6;
	v14 =	vld [tilespmem:s29+$0x10820];
	[tilespmem:s30+$0x10830] =	vst v12  }
0x155: {  	v18 =	vadd.f32 v18, v7;
	v11 =	vld [tilespmem:s29+$0x10830];
	[tilespmem:s30+$0x10840] =	vst v15  }
0x156: {  	v12 =	vld [tilespmem:s29+$0x10840];
	[tilespmem:s30+$0x10850] =	vst v16;
	v16 =	vadd.f32 v19, v8  }
0x157: {  	s31 =	simm.s32 $0x100;
	s0 =	simm.s32 $0x400;
	v15 =	vld [tilespmem:s29+$0x10850];
	v17 =	vadd.f32 v17, v10;
	[tilespmem:s30+$0x10860] =	vst v18  }
.LBB2_11:
0x158: {  	s4 =	sand.u32 $0x3000, s0;
	s2 =	sand.u32 $0x380, s31;
	p0 =	sne.s32 s0, $0x3E00;
	v13 =	vadd.f32 v13, v9;
	v18 =	vld [tilespmem:s29+$0x10860];
	[tilespmem:s30+$0x10870] =	vst v16  }
0x159: {  	s30 =	smov.u32 s29;
	[tilespmem:s29+$0x10800] =	vst v17;
	v14 =	vadd.f32 v14, v5;
	v16 =	vld [tilespmem:s29+$0x10870];
	s29 =	sor.u32 s2, s4  }
0x15a: {  	v17 =	vld [tilespmem:s29+$0x10800];
	[tilespmem:s30+$0x10810] =	vst v13;
	v11 =	vadd.f32 v11, v3  }
.Ltmp6:
0x15b: {  	v13 =	vld [tilespmem:s29+$0x10810];
	[tilespmem:s30+$0x10820] =	vst v14;
	v12 =	vadd.f32 v12, v4;
	(pc) =	sbr.rel @p0 .LBB2_11-.Ltmp6, $4  }
0x15c: {  	v14 =	vld [tilespmem:s29+$0x10820];
	[tilespmem:s30+$0x10830] =	vst v11;
	v15 =	vadd.f32 v15, v6  }
0x15d: {  	v11 =	vld [tilespmem:s29+$0x10830];
	[tilespmem:s30+$0x10840] =	vst v12;
	v18 =	vadd.f32 v18, v7  }
0x15e: {  	v12 =	vld [tilespmem:s29+$0x10840];
	[tilespmem:s30+$0x10850] =	vst v15;
	v16 =	vadd.f32 v16, v8  }
0x15f: {  	s31 =	sadd.s32 $0x80, s31;
	s0 =	sadd.s32 $0x200, s0;
	v17 =	vadd.f32 v17, v10;
	v15 =	vld [tilespmem:s29+$0x10850];
	[tilespmem:s30+$0x10860] =	vst v18  }
0x160: {  	v10 =	vld [tilespmem:s29+$0x10860];
	v9 =	vadd.f32 v13, v9;
	[tilespmem:s30+$0x10870] =	vst v16  }
0x161: {  	[tilespmem:s29+$0x10800] =	vst v17;
	v5 =	vadd.f32 v14, v5;
	v13 =	vld [tilespmem:s29+$0x10870]  }
0x162: {  	[tilespmem:s29+$0x10810] =	vst v9;
	v3 =	vadd.f32 v11, v3  }
0x163: {  	[tilespmem:s29+$0x10820] =	vst v5;
	v4 =	vadd.f32 v12, v4  }
0x164: {  	[tilespmem:s29+$0x10830] =	vst v3;
	v3 =	vadd.f32 v15, v6  }
0x165: {  	s0 =	simm.s32 $0x0;
	[tilespmem:s29+$0x10840] =	vst v4;
	v4 =	vadd.f32 v10, v7  }
0x166: {  	s2 =	sand.u32 $0x3000, s0;
	s0 =	sand.u32 $0x380, s0;
	[tilespmem:s29+$0x10850] =	vst v3;
	v3 =	vadd.f32 v13, v8  }
0x167: {  	s30 =	sor.u32 s0, s2;
	[tilespmem:s29+$0x10860] =	vst v4  }
0x168: {  	[tilespmem:s29+$0x10870] =	vst v3;
	v14 =	vld [tilespmem:s30+$0x10C30]  }
0x169: {  	v10 =	vld [tilespmem:s21+$0x400]  }
0x16a: {  	v9 =	vld [tilespmem:s21+$0x410]  }
0x16b: {  	v4 =	vld [tilespmem:s21+$0x420]  }
0x16c: {  	v3 =	vld [tilespmem:s21+$0x430]  }
0x16d: {  	v5 =	vld [tilespmem:s21+$0x440]  }
0x16e: {  	v11 =	vld [tilespmem:s30+$0x10C00]  }
0x16f: {  	v6 =	vld [tilespmem:s21+$0x450]  }
0x170: {  	v12 =	vld [tilespmem:s30+$0x10C10]  }
0x171: {  	v7 =	vld [tilespmem:s21+$0x460]  }
0x172: {  	v13 =	vld [tilespmem:s30+$0x10C20]  }
0x173: {  	v8 =	vld [tilespmem:s21+$0x470]  }
0x174: {  	v15 =	vld [tilespmem:s30+$0x10C40]  }
0x175: {  	s4 =	simm.s32 $0x200;
	s0 =	simm.s32 $0x80;
	v16 =	vld [tilespmem:s30+$0x10C50];
	v11 =	vadd.f32 v11, v10  }
0x176: {  	s2 =	sand.u32 $0x3000, s4;
	s0 =	sand.u32 $0x380, s0;
	v18 =	vld [tilespmem:s30+$0x10C60];
	v12 =	vadd.f32 v12, v9  }
0x177: {  	s29 =	sor.u32 s0, s2;
	v19 =	vld [tilespmem:s30+$0x10C70];
	[tilespmem:s30+$0x10C00] =	vst v11;
	v11 =	vadd.f32 v13, v4  }
0x178: {  	v17 =	vld [tilespmem:s29+$0x10C00];
	[tilespmem:s30+$0x10C10] =	vst v12;
	v12 =	vadd.f32 v14, v3  }
0x179: {  	v15 =	vadd.f32 v15, v5;
	v13 =	vld [tilespmem:s29+$0x10C10];
	[tilespmem:s30+$0x10C20] =	vst v11  }
0x17a: {  	v16 =	vadd.f32 v16, v6;
	v14 =	vld [tilespmem:s29+$0x10C20];
	[tilespmem:s30+$0x10C30] =	vst v12  }
0x17b: {  	v18 =	vadd.f32 v18, v7;
	v11 =	vld [tilespmem:s29+$0x10C30];
	[tilespmem:s30+$0x10C40] =	vst v15  }
0x17c: {  	v12 =	vld [tilespmem:s29+$0x10C40];
	[tilespmem:s30+$0x10C50] =	vst v16;
	v16 =	vadd.f32 v19, v8  }
0x17d: {  	s31 =	simm.s32 $0x100;
	s0 =	simm.s32 $0x400;
	v15 =	vld [tilespmem:s29+$0x10C50];
	v17 =	vadd.f32 v17, v10;
	[tilespmem:s30+$0x10C60] =	vst v18  }
.LBB2_13:
0x17e: {  	s2 =	sand.u32 $0x3000, s0;
	s4 =	sand.u32 $0x380, s31;
	p0 =	sne.s32 s0, $0x3E00;
	v13 =	vadd.f32 v13, v9;
	v18 =	vld [tilespmem:s29+$0x10C60];
	[tilespmem:s30+$0x10C70] =	vst v16  }
0x17f: {  	s30 =	smov.u32 s29;
	[tilespmem:s29+$0x10C00] =	vst v17;
	v14 =	vadd.f32 v14, v4;
	v16 =	vld [tilespmem:s29+$0x10C70];
	s29 =	sor.u32 s4, s2  }
0x180: {  	v17 =	vld [tilespmem:s29+$0x10C00];
	[tilespmem:s30+$0x10C10] =	vst v13;
	v11 =	vadd.f32 v11, v3  }
.Ltmp7:
0x181: {  	v13 =	vld [tilespmem:s29+$0x10C10];
	[tilespmem:s30+$0x10C20] =	vst v14;
	v12 =	vadd.f32 v12, v5;
	(pc) =	sbr.rel @p0 .LBB2_13-.Ltmp7, $4  }
0x182: {  	v14 =	vld [tilespmem:s29+$0x10C20];
	[tilespmem:s30+$0x10C30] =	vst v11;
	v15 =	vadd.f32 v15, v6  }
0x183: {  	v11 =	vld [tilespmem:s29+$0x10C30];
	[tilespmem:s30+$0x10C40] =	vst v12;
	v18 =	vadd.f32 v18, v7  }
0x184: {  	v12 =	vld [tilespmem:s29+$0x10C40];
	[tilespmem:s30+$0x10C50] =	vst v15;
	v16 =	vadd.f32 v16, v8  }
0x185: {  	s31 =	sadd.s32 $0x80, s31;
	s0 =	sadd.s32 $0x200, s0;
	v17 =	vadd.f32 v17, v10;
	v15 =	vld [tilespmem:s29+$0x10C50];
	[tilespmem:s30+$0x10C60] =	vst v18  }
0x186: {  	v10 =	vld [tilespmem:s29+$0x10C60];
	v9 =	vadd.f32 v13, v9;
	[tilespmem:s30+$0x10C70] =	vst v16  }
0x187: {  	[tilespmem:s29+$0x10C00] =	vst v17;
	v4 =	vadd.f32 v14, v4;
	v13 =	vld [tilespmem:s29+$0x10C70]  }
0x188: {  	[tilespmem:s29+$0x10C10] =	vst v9;
	v3 =	vadd.f32 v11, v3  }
0x189: {  	[tilespmem:s29+$0x10C20] =	vst v4;
	v4 =	vadd.f32 v12, v5  }
0x18a: {  	[tilespmem:s29+$0x10C30] =	vst v3;
	v3 =	vadd.f32 v15, v6  }
0x18b: {  	s0 =	simm.s32 $0x0;
	[tilespmem:s29+$0x10C40] =	vst v4;
	v4 =	vadd.f32 v10, v7  }
0x18c: {  	s2 =	sand.u32 $0x3000, s0;
	s0 =	sand.u32 $0x380, s0;
	[tilespmem:s29+$0x10C50] =	vst v3;
	v3 =	vadd.f32 v13, v8  }
0x18d: {  	s30 =	sor.u32 s0, s2;
	[tilespmem:s29+$0x10C60] =	vst v4  }
0x18e: {  	[tilespmem:s29+$0x10C70] =	vst v3;
	v14 =	vld [tilespmem:s30+$0x11030]  }
0x18f: {  	v10 =	vld [tilespmem:s21+$0x800]  }
0x190: {  	v9 =	vld [tilespmem:s21+$0x810]  }
0x191: {  	v4 =	vld [tilespmem:s21+$0x820]  }
0x192: {  	v3 =	vld [tilespmem:s21+$0x830]  }
0x193: {  	v5 =	vld [tilespmem:s21+$0x840]  }
0x194: {  	v11 =	vld [tilespmem:s30+$0x11000]  }
0x195: {  	v6 =	vld [tilespmem:s21+$0x850]  }
0x196: {  	v12 =	vld [tilespmem:s30+$0x11010]  }
0x197: {  	v7 =	vld [tilespmem:s21+$0x860]  }
0x198: {  	v13 =	vld [tilespmem:s30+$0x11020]  }
0x199: {  	v8 =	vld [tilespmem:s21+$0x870]  }
0x19a: {  	v15 =	vld [tilespmem:s30+$0x11040]  }
0x19b: {  	s4 =	simm.s32 $0x200;
	s0 =	simm.s32 $0x80;
	v16 =	vld [tilespmem:s30+$0x11050];
	v11 =	vadd.f32 v11, v10  }
0x19c: {  	s2 =	sand.u32 $0x3000, s4;
	s0 =	sand.u32 $0x380, s0;
	v18 =	vld [tilespmem:s30+$0x11060];
	v12 =	vadd.f32 v12, v9  }
0x19d: {  	s29 =	sor.u32 s0, s2;
	v19 =	vld [tilespmem:s30+$0x11070];
	[tilespmem:s30+$0x11000] =	vst v11;
	v11 =	vadd.f32 v13, v4  }
0x19e: {  	v17 =	vld [tilespmem:s29+$0x11000];
	[tilespmem:s30+$0x11010] =	vst v12;
	v12 =	vadd.f32 v14, v3  }
0x19f: {  	v15 =	vadd.f32 v15, v5;
	v13 =	vld [tilespmem:s29+$0x11010];
	[tilespmem:s30+$0x11020] =	vst v11  }
0x1a0: {  	v16 =	vadd.f32 v16, v6;
	v14 =	vld [tilespmem:s29+$0x11020];
	[tilespmem:s30+$0x11030] =	vst v12  }
0x1a1: {  	v18 =	vadd.f32 v18, v7;
	v11 =	vld [tilespmem:s29+$0x11030];
	[tilespmem:s30+$0x11040] =	vst v15  }
0x1a2: {  	v12 =	vld [tilespmem:s29+$0x11040];
	[tilespmem:s30+$0x11050] =	vst v16;
	v16 =	vadd.f32 v19, v8  }
0x1a3: {  	s31 =	simm.s32 $0x100;
	s0 =	simm.s32 $0x400;
	v15 =	vld [tilespmem:s29+$0x11050];
	v17 =	vadd.f32 v17, v10;
	[tilespmem:s30+$0x11060] =	vst v18  }
.LBB2_15:
0x1a4: {  	s2 =	sand.u32 $0x3000, s0;
	s4 =	sand.u32 $0x380, s31;
	p0 =	sne.s32 s0, $0x3E00;
	v13 =	vadd.f32 v13, v9;
	v18 =	vld [tilespmem:s29+$0x11060];
	[tilespmem:s30+$0x11070] =	vst v16  }
0x1a5: {  	s30 =	smov.u32 s29;
	[tilespmem:s29+$0x11000] =	vst v17;
	v14 =	vadd.f32 v14, v4;
	v16 =	vld [tilespmem:s29+$0x11070];
	s29 =	sor.u32 s4, s2  }
0x1a6: {  	v17 =	vld [tilespmem:s29+$0x11000];
	[tilespmem:s30+$0x11010] =	vst v13;
	v11 =	vadd.f32 v11, v3  }
.Ltmp8:
0x1a7: {  	v13 =	vld [tilespmem:s29+$0x11010];
	[tilespmem:s30+$0x11020] =	vst v14;
	v12 =	vadd.f32 v12, v5;
	(pc) =	sbr.rel @p0 .LBB2_15-.Ltmp8, $4  }
0x1a8: {  	v14 =	vld [tilespmem:s29+$0x11020];
	[tilespmem:s30+$0x11030] =	vst v11;
	v15 =	vadd.f32 v15, v6  }
0x1a9: {  	v11 =	vld [tilespmem:s29+$0x11030];
	[tilespmem:s30+$0x11040] =	vst v12;
	v18 =	vadd.f32 v18, v7  }
0x1aa: {  	v12 =	vld [tilespmem:s29+$0x11040];
	[tilespmem:s30+$0x11050] =	vst v15;
	v16 =	vadd.f32 v16, v8  }
0x1ab: {  	s31 =	sadd.s32 $0x80, s31;
	s0 =	sadd.s32 $0x200, s0;
	v17 =	vadd.f32 v17, v10;
	v15 =	vld [tilespmem:s29+$0x11050];
	[tilespmem:s30+$0x11060] =	vst v18  }
0x1ac: {  	v10 =	vld [tilespmem:s29+$0x11060];
	v9 =	vadd.f32 v13, v9;
	[tilespmem:s30+$0x11070] =	vst v16  }
0x1ad: {  	[tilespmem:s29+$0x11000] =	vst v17;
	v4 =	vadd.f32 v14, v4;
	v13 =	vld [tilespmem:s29+$0x11070]  }
0x1ae: {  	[tilespmem:s29+$0x11010] =	vst v9;
	v3 =	vadd.f32 v11, v3  }
0x1af: {  	[tilespmem:s29+$0x11020] =	vst v4;
	v4 =	vadd.f32 v12, v5  }
0x1b0: {  	[tilespmem:s29+$0x11030] =	vst v3;
	v3 =	vadd.f32 v15, v6  }
0x1b1: {  	[tilespmem:s29+$0x11040] =	vst v4;
	v4 =	vadd.f32 v10, v7  }
0x1b2: {  	[tilespmem:s29+$0x11050] =	vst v3;
	v3 =	vadd.f32 v13, v8  }
0x1b3: {  	[tilespmem:s29+$0x11060] =	vst v4  }
0x1b4: {  	[tilespmem:s29+$0x11070] =	vst v3  }
0x1b5: {  	v10 =	vld [tilespmem:s21+$0xC00]  }
0x1b6: {  	v9 =	vld [tilespmem:s21+$0xC10]  }
0x1b7: {  	v8 =	vld [tilespmem:s21+$0xC20]  }
0x1b8: {  	s0 =	simm.s32 $0x0;
	v7 =	vld [tilespmem:s21+$0xC30]  }
0x1b9: {  	s0 =	sand.u32 $0xFFFFF000, s0;
	v3 =	vld [tilespmem:s21+$0xC40]  }
0x1ba: {  	s0 =	sadd.s32 $0x0, s0;
	v4 =	vld [tilespmem:s21+$0xC50]  }
0x1bb: {  	s30 =	sor.u32 $0x4C00, s0;
	v5 =	vld [tilespmem:s21+$0xC60]  }
0x1bc: {  	v11 =	vld [tilespmem:s30+$0xC800]  }
0x1bd: {  	v6 =	vld [tilespmem:s21+$0xC70]  }
0x1be: {  	v12 =	vld [tilespmem:s30+$0xC810]  }
0x1bf: {  	v13 =	vld [tilespmem:s30+$0xC820]  }
0x1c0: {  	v16 =	vld [tilespmem:s30+$0xC830]  }
0x1c1: {  	s4 =	simm.s32 $0x200;
	v17 =	vld [tilespmem:s30+$0xC840];
	v11 =	vadd.f32 v11, v10  }
0x1c2: {  	s0 =	sand.u32 $0xFFFFF000, s4;
	v18 =	vld [tilespmem:s30+$0xC850]  }
0x1c3: {  	s0 =	sadd.s32 $0x80, s0;
	v19 =	vld [tilespmem:s30+$0xC860];
	[tilespmem:s30+$0xC800] =	vst v11;
	v11 =	vadd.f32 v12, v9  }
0x1c4: {  	s29 =	sor.u32 $0x4C00, s0;
	v20 =	vld [tilespmem:s30+$0xC870];
	v12 =	vadd.f32 v13, v8  }
0x1c5: {  	v15 =	vld [tilespmem:s29+$0xC800];
	[tilespmem:s30+$0xC810] =	vst v11;
	v11 =	vadd.f32 v16, v7  }
0x1c6: {  	v13 =	vadd.f32 v17, v3;
	v14 =	vld [tilespmem:s29+$0xC810];
	[tilespmem:s30+$0xC820] =	vst v12  }
0x1c7: {  	v17 =	vadd.f32 v18, v4;
	v12 =	vld [tilespmem:s29+$0xC820];
	[tilespmem:s30+$0xC830] =	vst v11  }
0x1c8: {  	v16 =	vadd.f32 v19, v5;
	v11 =	vld [tilespmem:s29+$0xC830];
	[tilespmem:s30+$0xC840] =	vst v13  }
0x1c9: {  	s31 =	simm.s32 $0x80;
	s0 =	simm.s32 $0x400;
	v13 =	vld [tilespmem:s29+$0xC840];
	[tilespmem:s30+$0xC850] =	vst v17;
	v17 =	vadd.f32 v20, v6  }
.LBB2_17:
0x1ca: {  	s2 =	sand.u32 $0xFFFFF000, s0;
	p0 =	sne.s32 s0, $0x3E00;
	v15 =	vadd.f32 v15, v10;
	v18 =	vld [tilespmem:s29+$0xC850];
	s31 =	sadd.s32 $0x80, s31;
	[tilespmem:s30+$0xC860] =	vst v16  }
0x1cb: {  	s2 =	sadd.s32 s2, s31;
	v14 =	vadd.f32 v14, v9;
	v16 =	vld [tilespmem:s29+$0xC860];
	[tilespmem:s30+$0xC870] =	vst v17;
	s30 =	smov.u32 s29  }
0x1cc: {  	s29 =	sor.u32 $0x4C00, s2;
	[tilespmem:s30+$0xC800] =	vst v15;
	v12 =	vadd.f32 v12, v8;
	v17 =	vld [tilespmem:s30+$0xC870]  }
.Ltmp9:
0x1cd: {  	v15 =	vld [tilespmem:s29+$0xC800];
	[tilespmem:s30+$0xC810] =	vst v14;
	v11 =	vadd.f32 v11, v7;
	(pc) =	sbr.rel @p0 .LBB2_17-.Ltmp9, $4  }
0x1ce: {  	v14 =	vld [tilespmem:s29+$0xC810];
	[tilespmem:s30+$0xC820] =	vst v12;
	v13 =	vadd.f32 v13, v3  }
0x1cf: {  	v12 =	vld [tilespmem:s29+$0xC820];
	[tilespmem:s30+$0xC830] =	vst v11;
	v18 =	vadd.f32 v18, v4  }
0x1d0: {  	v11 =	vld [tilespmem:s29+$0xC830];
	[tilespmem:s30+$0xC840] =	vst v13;
	v16 =	vadd.f32 v16, v5  }
0x1d1: {  	s0 =	sadd.s32 $0x200, s0;
	v13 =	vld [tilespmem:s29+$0xC840];
	[tilespmem:s30+$0xC850] =	vst v18;
	v17 =	vadd.f32 v17, v6  }
0x1d2: {  	v18 =	vld [tilespmem:s29+$0xC850];
	[tilespmem:s30+$0xC860] =	vst v16;
	v10 =	vadd.f32 v15, v10  }
0x1d3: {  	v15 =	vld [tilespmem:s29+$0xC860];
	[tilespmem:s30+$0xC870] =	vst v17;
	v9 =	vadd.f32 v14, v9  }
0x1d4: {  	[tilespmem:s29+$0xC800] =	vst v10;
	v8 =	vadd.f32 v12, v8;
	v10 =	vld [tilespmem:s29+$0xC870]  }
0x1d5: {  	[tilespmem:s29+$0xC810] =	vst v9;
	v7 =	vadd.f32 v11, v7  }
0x1d6: {  	[tilespmem:s29+$0xC820] =	vst v8;
	v3 =	vadd.f32 v13, v3  }
0x1d7: {  	[tilespmem:s29+$0xC830] =	vst v7;
	v4 =	vadd.f32 v18, v4  }
0x1d8: {  	[tilespmem:s29+$0xC840] =	vst v3;
	v3 =	vadd.f32 v15, v5  }
0x1d9: {  	s0 =	sor.u32 s9, s24;
	[tilespmem:s29+$0xC850] =	vst v4;
	v4 =	vadd.f32 v10, v6  }
0x1da: {  	s0 =	sshrl.u32 s0, $0x3;
	[tilespmem:s29+$0xC860] =	vst v3  }
0x1db: {  	s0 =	sadd.s32 s3, s0;
	[tilespmem:s29+$0xC870] =	vst v4  }
0x1dc: {  	[hbm4b:s0+s5] =	stream.linear.scatter [tilespmem:s28], [sflag:$0x6], $0x4000, $0x38;
	[tilespmem:$0x1C800] =	vst v63  }
0x1dd: {  	_ =	swait.ge [sflag:s17], $0x4000  }
0x1de: {  	[sflag:s17] =	ssyncset.done $0x0  }
0x1df: {  	p0 =	seq.s32 s20, $0x4C;
	[sflag:s17] =	ssyncadd.s32 $0xFFFFC000  }
0x1e0: {  	v3 =	vld @!p0 [tilespmem:s22+$0x80];
	_ =	sdelay $0x4  }
0x1e1: {  	v4 =	vshll.u32 @!p0 v3, $0x2  }
0x1e2: {  	v5 =	vlaneseq.u32 @!p0;
	v3 =	vand.u32 @!p0 $0x7, v3;
	v4 =	vand.u32 @!p0 $0xFFFFFFE0, v4  }
0x1e3: {  	v6 =	vshrl.u32 @!p0 v5, $0x3;
	v3 =	vor.u32 @!p0 v3, v4;
	v4 =	vand.u32 @!p0 $0x7, v5  }
0x1e4: {  	v6 =	vmul.u32 @!p0 $0x8, v6;
	v7 =	vperm.xlane @!p0 v3, v4;
	_ =	sdelay $0x1  }
0x1e5: {  	v7 =	vadd.s32 @!p0 v6, v7  }
0x1e6: {  	v5 =	vor.u32 @!p0 $0x8, v5  }
0x1e7: {  	v3 =	vperm.xlane @!p0 v3, v5;
	_ =	sdelay $0x1  }
0x1e8: {  	vm1 =	vmmov @!p0 $0xffff;
	s2 =	simm.s32 @!p0 $0xC800;
	s0 =	simm.s32 @!p0 $0x0;
	v3 =	vadd.s32 @!p0 v6, v3  }
0x1e9: {  	[tilespmem:s2], [sflag:$0x1] =	stream.indirect_vreg.gather @!p0 [hbm4b:s1+s0], $0x80, v7, vm1, $0xb8;
	[tilespmem:$0x1C800] =	vst v63  }
0x1ea: {  	s2 =	simm.s32 @!p0 $0xD000  }
0x1eb: {  	[tilespmem:s2], [sflag:$0x1] =	stream.indirect_vreg.gather @!p0 [hbm4b:s7+s0], $0x80, v7, vm1, $0xb8;
	[tilespmem:$0x1C800] =	vst v63  }
0x1ec: {  	s2 =	simm.s32 @!p0 $0xD800  }
0x1ed: {  	[tilespmem:s2], [sflag:$0x1] =	stream.indirect_vreg.gather @!p0 [hbm4b:s1+s0], $0x80, v3, vm1, $0xb8;
	[tilespmem:$0x1C800] =	vst v63  }
0x1ee: {  	s2 =	simm.s32 @!p0 $0xE000  }
0x1ef: {  	[tilespmem:s2], [sflag:$0x1] =	stream.indirect_vreg.gather @!p0 [hbm4b:s7+s0], $0x80, v3, vm1, $0xb8;
	[tilespmem:$0x1C800] =	vst v63  }
0x1f0: {  	v3 =	vld @!p0 [tilespmem:s22+$0x90];
	_ =	sdelay $0x4  }
0x1f1: {  	v7 =	vshll.u32 @!p0 v3, $0x2  }
0x1f2: {  	v3 =	vand.u32 @!p0 $0x7, v3;
	v7 =	vand.u32 @!p0 $0xFFFFFFE0, v7  }
0x1f3: {  	v3 =	vor.u32 @!p0 v3, v7  }
0x1f4: {  	v4 =	vperm.xlane @!p0 v3, v4;
	_ =	sdelay $0x1  }
0x1f5: {  	v4 =	vadd.s32 @!p0 v6, v4;
	_ =	sdelay $0x1  }
0x1f6: {  	v3 =	vperm.xlane @!p0 v3, v5;
	_ =	sdelay $0x1  }
0x1f7: {  	s2 =	simm.s32 @!p0 $0xE800;
	v3 =	vadd.s32 @!p0 v6, v3  }
0x1f8: {  	[tilespmem:s2], [sflag:$0x1] =	stream.indirect_vreg.gather @!p0 [hbm4b:s1+s0], $0x80, v4, vm1, $0xb8;
	[tilespmem:$0x1C800] =	vst v63  }
0x1f9: {  	s2 =	simm.s32 @!p0 $0xF000  }
0x1fa: {  	[tilespmem:s2], [sflag:$0x1] =	stream.indirect_vreg.gather @!p0 [hbm4b:s7+s0], $0x80, v4, vm1, $0xb8;
	[tilespmem:$0x1C800] =	vst v63  }
0x1fb: {  	s2 =	simm.s32 @!p0 $0xF800  }
0x1fc: {  	[tilespmem:s2], [sflag:$0x1] =	stream.indirect_vreg.gather @!p0 [hbm4b:s1+s0], $0x80, v3, vm1, $0xb8;
	[tilespmem:$0x1C800] =	vst v63  }
0x1fd: {  	s2 =	simm.s32 @!p0 $0x10000  }
0x1fe: {  	[tilespmem:s2], [sflag:$0x1] =	stream.indirect_vreg.gather @!p0 [hbm4b:s7+s0], $0x80, v3, vm1, $0xb8;
	[tilespmem:$0x1C800] =	vst v63  }
0x1ff: {  	_ =	swait.ge [sflag:s6], $0x4000  }
0x200: {  	[sflag:s6] =	ssyncset.done $0x0  }
0x201: {  	[sflag:s6] =	ssyncadd.s32 $0xFFFFC000  }
0x202: {  	v10 =	vld [tilespmem:s23+$0x2800]  }
0x203: {  	v9 =	vld [tilespmem:s21+$0x10]  }
0x204: {  	s2 =	simm.s32 $0x0;
	v4 =	vld [tilespmem:s21+$0x20]  }
0x205: {  	s4 =	sand.u32 $0x3000, s2;
	s0 =	sand.u32 $0x380, s2;
	v3 =	vld [tilespmem:s21+$0x30]  }
0x206: {  	s30 =	sor.u32 s0, s4;
	v5 =	vld [tilespmem:s21+$0x40]  }
0x207: {  	v11 =	vld [tilespmem:s30+$0x14800]  }
0x208: {  	v6 =	vld [tilespmem:s21+$0x50]  }
0x209: {  	v12 =	vld [tilespmem:s30+$0x14810]  }
0x20a: {  	v7 =	vld [tilespmem:s21+$0x60]  }
0x20b: {  	v13 =	vld [tilespmem:s30+$0x14820]  }
0x20c: {  	v8 =	vld [tilespmem:s21+$0x70]  }
0x20d: {  	v14 =	vld [tilespmem:s30+$0x14830]  }
0x20e: {  	v15 =	vld [tilespmem:s30+$0x14840]  }
0x20f: {  	s0 =	simm.s32 $0x80;
	s4 =	simm.s32 $0x200;
	v16 =	vld [tilespmem:s30+$0x14850];
	v11 =	vadd.f32 v11, v10  }
0x210: {  	s2 =	sand.u32 $0x3000, s4;
	s0 =	sand.u32 $0x380, s0;
	v18 =	vld [tilespmem:s30+$0x14860];
	v12 =	vadd.f32 v12, v9  }
0x211: {  	s29 =	sor.u32 s0, s2;
	v19 =	vld [tilespmem:s30+$0x14870];
	[tilespmem:s30+$0x14800] =	vst v11;
	v11 =	vadd.f32 v13, v4  }
0x212: {  	v17 =	vld [tilespmem:s29+$0x14800];
	[tilespmem:s30+$0x14810] =	vst v12;
	v12 =	vadd.f32 v14, v3  }
0x213: {  	v15 =	vadd.f32 v15, v5;
	v13 =	vld [tilespmem:s29+$0x14810];
	[tilespmem:s30+$0x14820] =	vst v11  }
0x214: {  	v16 =	vadd.f32 v16, v6;
	v14 =	vld [tilespmem:s29+$0x14820];
	[tilespmem:s30+$0x14830] =	vst v12  }
0x215: {  	v18 =	vadd.f32 v18, v7;
	v11 =	vld [tilespmem:s29+$0x14830];
	[tilespmem:s30+$0x14840] =	vst v15  }
0x216: {  	v12 =	vld [tilespmem:s29+$0x14840];
	[tilespmem:s30+$0x14850] =	vst v16;
	v16 =	vadd.f32 v19, v8  }
0x217: {  	s31 =	simm.s32 $0x400;
	s0 =	simm.s32 $0x100;
	v15 =	vld [tilespmem:s29+$0x14850];
	v17 =	vadd.f32 v17, v10;
	[tilespmem:s30+$0x14860] =	vst v18  }
.LBB2_19:
0x218: {  	s2 =	sand.u32 $0x3000, s31;
	s4 =	sand.u32 $0x380, s0;
	p1 =	sne.s32 s31, $0x3E00;
	v13 =	vadd.f32 v13, v9;
	v18 =	vld [tilespmem:s29+$0x14860];
	[tilespmem:s30+$0x14870] =	vst v16  }
0x219: {  	s30 =	smov.u32 s29;
	[tilespmem:s29+$0x14800] =	vst v17;
	v14 =	vadd.f32 v14, v4;
	v16 =	vld [tilespmem:s29+$0x14870];
	s29 =	sor.u32 s4, s2  }
0x21a: {  	v17 =	vld [tilespmem:s29+$0x14800];
	[tilespmem:s30+$0x14810] =	vst v13;
	v11 =	vadd.f32 v11, v3  }
.Ltmp10:
0x21b: {  	v13 =	vld [tilespmem:s29+$0x14810];
	[tilespmem:s30+$0x14820] =	vst v14;
	v12 =	vadd.f32 v12, v5;
	(pc) =	sbr.rel @p1 .LBB2_19-.Ltmp10, $4  }
0x21c: {  	v14 =	vld [tilespmem:s29+$0x14820];
	[tilespmem:s30+$0x14830] =	vst v11;
	v15 =	vadd.f32 v15, v6  }
0x21d: {  	v11 =	vld [tilespmem:s29+$0x14830];
	[tilespmem:s30+$0x14840] =	vst v12;
	v18 =	vadd.f32 v18, v7  }
0x21e: {  	v12 =	vld [tilespmem:s29+$0x14840];
	[tilespmem:s30+$0x14850] =	vst v15;
	v16 =	vadd.f32 v16, v8  }
0x21f: {  	s0 =	sadd.s32 $0x80, s0;
	s31 =	sadd.s32 $0x200, s31;
	v17 =	vadd.f32 v17, v10;
	v15 =	vld [tilespmem:s29+$0x14850];
	[tilespmem:s30+$0x14860] =	vst v18  }
0x220: {  	v10 =	vld [tilespmem:s29+$0x14860];
	v9 =	vadd.f32 v13, v9;
	[tilespmem:s30+$0x14870] =	vst v16  }
0x221: {  	[tilespmem:s29+$0x14800] =	vst v17;
	v4 =	vadd.f32 v14, v4;
	v13 =	vld [tilespmem:s29+$0x14870]  }
0x222: {  	[tilespmem:s29+$0x14810] =	vst v9;
	v3 =	vadd.f32 v11, v3  }
0x223: {  	[tilespmem:s29+$0x14820] =	vst v4;
	v4 =	vadd.f32 v12, v5  }
0x224: {  	[tilespmem:s29+$0x14830] =	vst v3;
	v3 =	vadd.f32 v15, v6  }
0x225: {  	s0 =	simm.s32 $0x0;
	[tilespmem:s29+$0x14840] =	vst v4;
	v4 =	vadd.f32 v10, v7  }
0x226: {  	s2 =	sand.u32 $0x3000, s0;
	s0 =	sand.u32 $0x380, s0;
	[tilespmem:s29+$0x14850] =	vst v3;
	v3 =	vadd.f32 v13, v8  }
0x227: {  	s30 =	sor.u32 s0, s2;
	[tilespmem:s29+$0x14860] =	vst v4  }
0x228: {  	[tilespmem:s29+$0x14870] =	vst v3;
	v14 =	vld [tilespmem:s30+$0x14C30]  }
0x229: {  	v10 =	vld [tilespmem:s21+$0x400]  }
0x22a: {  	v9 =	vld [tilespmem:s21+$0x410]  }
0x22b: {  	v4 =	vld [tilespmem:s21+$0x420]  }
0x22c: {  	v3 =	vld [tilespmem:s21+$0x430]  }
0x22d: {  	v5 =	vld [tilespmem:s21+$0x440]  }
0x22e: {  	v11 =	vld [tilespmem:s30+$0x14C00]  }
0x22f: {  	v6 =	vld [tilespmem:s21+$0x450]  }
0x230: {  	v12 =	vld [tilespmem:s30+$0x14C10]  }
0x231: {  	v7 =	vld [tilespmem:s21+$0x460]  }
0x232: {  	v13 =	vld [tilespmem:s30+$0x14C20]  }
0x233: {  	v8 =	vld [tilespmem:s21+$0x470]  }
0x234: {  	v15 =	vld [tilespmem:s30+$0x14C40]  }
0x235: {  	s4 =	simm.s32 $0x200;
	s0 =	simm.s32 $0x80;
	v16 =	vld [tilespmem:s30+$0x14C50];
	v11 =	vadd.f32 v11, v10  }
0x236: {  	s2 =	sand.u32 $0x3000, s4;
	s0 =	sand.u32 $0x380, s0;
	v18 =	vld [tilespmem:s30+$0x14C60];
	v12 =	vadd.f32 v12, v9  }
0x237: {  	s29 =	sor.u32 s0, s2;
	v19 =	vld [tilespmem:s30+$0x14C70];
	[tilespmem:s30+$0x14C00] =	vst v11;
	v11 =	vadd.f32 v13, v4  }
0x238: {  	v17 =	vld [tilespmem:s29+$0x14C00];
	[tilespmem:s30+$0x14C10] =	vst v12;
	v12 =	vadd.f32 v14, v3  }
0x239: {  	v15 =	vadd.f32 v15, v5;
	v13 =	vld [tilespmem:s29+$0x14C10];
	[tilespmem:s30+$0x14C20] =	vst v11  }
0x23a: {  	v16 =	vadd.f32 v16, v6;
	v14 =	vld [tilespmem:s29+$0x14C20];
	[tilespmem:s30+$0x14C30] =	vst v12  }
0x23b: {  	v18 =	vadd.f32 v18, v7;
	v11 =	vld [tilespmem:s29+$0x14C30];
	[tilespmem:s30+$0x14C40] =	vst v15  }
0x23c: {  	v12 =	vld [tilespmem:s29+$0x14C40];
	[tilespmem:s30+$0x14C50] =	vst v16;
	v16 =	vadd.f32 v19, v8  }
0x23d: {  	s31 =	simm.s32 $0x400;
	s0 =	simm.s32 $0x100;
	v15 =	vld [tilespmem:s29+$0x14C50];
	v17 =	vadd.f32 v17, v10;
	[tilespmem:s30+$0x14C60] =	vst v18  }
.LBB2_21:
0x23e: {  	s2 =	sand.u32 $0x3000, s31;
	s4 =	sand.u32 $0x380, s0;
	p1 =	sne.s32 s31, $0x3E00;
	v13 =	vadd.f32 v13, v9;
	v18 =	vld [tilespmem:s29+$0x14C60];
	[tilespmem:s30+$0x14C70] =	vst v16  }
0x23f: {  	s30 =	smov.u32 s29;
	[tilespmem:s29+$0x14C00] =	vst v17;
	v14 =	vadd.f32 v14, v4;
	v16 =	vld [tilespmem:s29+$0x14C70];
	s29 =	sor.u32 s4, s2  }
0x240: {  	v17 =	vld [tilespmem:s29+$0x14C00];
	[tilespmem:s30+$0x14C10] =	vst v13;
	v11 =	vadd.f32 v11, v3  }
.Ltmp11:
0x241: {  	v13 =	vld [tilespmem:s29+$0x14C10];
	[tilespmem:s30+$0x14C20] =	vst v14;
	v12 =	vadd.f32 v12, v5;
	(pc) =	sbr.rel @p1 .LBB2_21-.Ltmp11, $4  }
0x242: {  	v14 =	vld [tilespmem:s29+$0x14C20];
	[tilespmem:s30+$0x14C30] =	vst v11;
	v15 =	vadd.f32 v15, v6  }
0x243: {  	v11 =	vld [tilespmem:s29+$0x14C30];
	[tilespmem:s30+$0x14C40] =	vst v12;
	v18 =	vadd.f32 v18, v7  }
0x244: {  	v12 =	vld [tilespmem:s29+$0x14C40];
	[tilespmem:s30+$0x14C50] =	vst v15;
	v16 =	vadd.f32 v16, v8  }
0x245: {  	s0 =	sadd.s32 $0x80, s0;
	s31 =	sadd.s32 $0x200, s31;
	v17 =	vadd.f32 v17, v10;
	v15 =	vld [tilespmem:s29+$0x14C50];
	[tilespmem:s30+$0x14C60] =	vst v18  }
0x246: {  	v10 =	vld [tilespmem:s29+$0x14C60];
	v9 =	vadd.f32 v13, v9;
	[tilespmem:s30+$0x14C70] =	vst v16  }
0x247: {  	[tilespmem:s29+$0x14C00] =	vst v17;
	v4 =	vadd.f32 v14, v4;
	v13 =	vld [tilespmem:s29+$0x14C70]  }
0x248: {  	[tilespmem:s29+$0x14C10] =	vst v9;
	v3 =	vadd.f32 v11, v3  }
0x249: {  	[tilespmem:s29+$0x14C20] =	vst v4;
	v4 =	vadd.f32 v12, v5  }
0x24a: {  	[tilespmem:s29+$0x14C30] =	vst v3;
	v3 =	vadd.f32 v15, v6  }
0x24b: {  	s0 =	simm.s32 $0x0;
	[tilespmem:s29+$0x14C40] =	vst v4;
	v4 =	vadd.f32 v10, v7  }
0x24c: {  	s2 =	sand.u32 $0x3000, s0;
	s0 =	sand.u32 $0x380, s0;
	[tilespmem:s29+$0x14C50] =	vst v3;
	v3 =	vadd.f32 v13, v8  }
0x24d: {  	s30 =	sor.u32 s0, s2;
	[tilespmem:s29+$0x14C60] =	vst v4  }
0x24e: {  	[tilespmem:s29+$0x14C70] =	vst v3;
	v14 =	vld [tilespmem:s30+$0x15030]  }
0x24f: {  	v10 =	vld [tilespmem:s21+$0x800]  }
0x250: {  	v9 =	vld [tilespmem:s21+$0x810]  }
0x251: {  	v4 =	vld [tilespmem:s21+$0x820]  }
0x252: {  	v3 =	vld [tilespmem:s21+$0x830]  }
0x253: {  	v5 =	vld [tilespmem:s21+$0x840]  }
0x254: {  	v11 =	vld [tilespmem:s30+$0x15000]  }
0x255: {  	v6 =	vld [tilespmem:s21+$0x850]  }
0x256: {  	v12 =	vld [tilespmem:s30+$0x15010]  }
0x257: {  	v7 =	vld [tilespmem:s21+$0x860]  }
0x258: {  	v13 =	vld [tilespmem:s30+$0x15020]  }
0x259: {  	v8 =	vld [tilespmem:s21+$0x870]  }
0x25a: {  	v15 =	vld [tilespmem:s30+$0x15040]  }
0x25b: {  	s4 =	simm.s32 $0x200;
	s0 =	simm.s32 $0x80;
	v16 =	vld [tilespmem:s30+$0x15050];
	v11 =	vadd.f32 v11, v10  }
0x25c: {  	s2 =	sand.u32 $0x3000, s4;
	s0 =	sand.u32 $0x380, s0;
	v18 =	vld [tilespmem:s30+$0x15060];
	v12 =	vadd.f32 v12, v9  }
0x25d: {  	s29 =	sor.u32 s0, s2;
	v19 =	vld [tilespmem:s30+$0x15070];
	[tilespmem:s30+$0x15000] =	vst v11;
	v11 =	vadd.f32 v13, v4  }
0x25e: {  	v17 =	vld [tilespmem:s29+$0x15000];
	[tilespmem:s30+$0x15010] =	vst v12;
	v12 =	vadd.f32 v14, v3  }
0x25f: {  	v15 =	vadd.f32 v15, v5;
	v13 =	vld [tilespmem:s29+$0x15010];
	[tilespmem:s30+$0x15020] =	vst v11  }
0x260: {  	v16 =	vadd.f32 v16, v6;
	v14 =	vld [tilespmem:s29+$0x15020];
	[tilespmem:s30+$0x15030] =	vst v12  }
0x261: {  	v18 =	vadd.f32 v18, v7;
	v11 =	vld [tilespmem:s29+$0x15030];
	[tilespmem:s30+$0x15040] =	vst v15  }
0x262: {  	v12 =	vld [tilespmem:s29+$0x15040];
	[tilespmem:s30+$0x15050] =	vst v16;
	v16 =	vadd.f32 v19, v8  }
0x263: {  	s31 =	simm.s32 $0x400;
	s0 =	simm.s32 $0x100;
	v15 =	vld [tilespmem:s29+$0x15050];
	v17 =	vadd.f32 v17, v10;
	[tilespmem:s30+$0x15060] =	vst v18  }
.LBB2_23:
0x264: {  	s2 =	sand.u32 $0x3000, s31;
	s4 =	sand.u32 $0x380, s0;
	p1 =	sne.s32 s31, $0x3E00;
	v13 =	vadd.f32 v13, v9;
	v18 =	vld [tilespmem:s29+$0x15060];
	[tilespmem:s30+$0x15070] =	vst v16  }
0x265: {  	s30 =	smov.u32 s29;
	[tilespmem:s29+$0x15000] =	vst v17;
	v14 =	vadd.f32 v14, v4;
	v16 =	vld [tilespmem:s29+$0x15070];
	s29 =	sor.u32 s4, s2  }
0x266: {  	v17 =	vld [tilespmem:s29+$0x15000];
	[tilespmem:s30+$0x15010] =	vst v13;
	v11 =	vadd.f32 v11, v3  }
.Ltmp12:
0x267: {  	v13 =	vld [tilespmem:s29+$0x15010];
	[tilespmem:s30+$0x15020] =	vst v14;
	v12 =	vadd.f32 v12, v5;
	(pc) =	sbr.rel @p1 .LBB2_23-.Ltmp12, $4  }
0x268: {  	v14 =	vld [tilespmem:s29+$0x15020];
	[tilespmem:s30+$0x15030] =	vst v11;
	v15 =	vadd.f32 v15, v6  }
0x269: {  	v11 =	vld [tilespmem:s29+$0x15030];
	[tilespmem:s30+$0x15040] =	vst v12;
	v18 =	vadd.f32 v18, v7  }
0x26a: {  	v12 =	vld [tilespmem:s29+$0x15040];
	[tilespmem:s30+$0x15050] =	vst v15;
	v16 =	vadd.f32 v16, v8  }
0x26b: {  	s0 =	sadd.s32 $0x80, s0;
	s31 =	sadd.s32 $0x200, s31;
	v17 =	vadd.f32 v17, v10;
	v15 =	vld [tilespmem:s29+$0x15050];
	[tilespmem:s30+$0x15060] =	vst v18  }
0x26c: {  	v10 =	vld [tilespmem:s29+$0x15060];
	v9 =	vadd.f32 v13, v9;
	[tilespmem:s30+$0x15070] =	vst v16  }
0x26d: {  	[tilespmem:s29+$0x15000] =	vst v17;
	v4 =	vadd.f32 v14, v4;
	v13 =	vld [tilespmem:s29+$0x15070]  }
0x26e: {  	[tilespmem:s29+$0x15010] =	vst v9;
	v3 =	vadd.f32 v11, v3  }
0x26f: {  	[tilespmem:s29+$0x15020] =	vst v4;
	v4 =	vadd.f32 v12, v5  }
0x270: {  	[tilespmem:s29+$0x15030] =	vst v3;
	v3 =	vadd.f32 v15, v6  }
0x271: {  	[tilespmem:s29+$0x15040] =	vst v4;
	v4 =	vadd.f32 v10, v7  }
0x272: {  	[tilespmem:s29+$0x15050] =	vst v3;
	v3 =	vadd.f32 v13, v8  }
0x273: {  	[tilespmem:s29+$0x15060] =	vst v4  }
0x274: {  	[tilespmem:s29+$0x15070] =	vst v3  }
0x275: {  	v10 =	vld [tilespmem:s21+$0xC00]  }
0x276: {  	v9 =	vld [tilespmem:s21+$0xC10]  }
0x277: {  	v8 =	vld [tilespmem:s21+$0xC20]  }
0x278: {  	s0 =	simm.s32 $0x0;
	v7 =	vld [tilespmem:s21+$0xC30]  }
0x279: {  	s0 =	sand.u32 $0xFFFFF000, s0;
	v3 =	vld [tilespmem:s21+$0xC40]  }
0x27a: {  	s0 =	sadd.s32 $0x0, s0;
	v4 =	vld [tilespmem:s21+$0xC50]  }
0x27b: {  	s30 =	sor.u32 $0x8C00, s0;
	v5 =	vld [tilespmem:s21+$0xC60]  }
0x27c: {  	v11 =	vld [tilespmem:s30+$0xC800]  }
0x27d: {  	v6 =	vld [tilespmem:s21+$0xC70]  }
0x27e: {  	v12 =	vld [tilespmem:s30+$0xC810]  }
0x27f: {  	v13 =	vld [tilespmem:s30+$0xC820]  }
0x280: {  	v16 =	vld [tilespmem:s30+$0xC830]  }
0x281: {  	s4 =	simm.s32 $0x200;
	v17 =	vld [tilespmem:s30+$0xC840];
	v11 =	vadd.f32 v11, v10  }
0x282: {  	s0 =	sand.u32 $0xFFFFF000, s4;
	v18 =	vld [tilespmem:s30+$0xC850]  }
0x283: {  	s0 =	sadd.s32 $0x80, s0;
	v19 =	vld [tilespmem:s30+$0xC860];
	[tilespmem:s30+$0xC800] =	vst v11;
	v11 =	vadd.f32 v12, v9  }
0x284: {  	s29 =	sor.u32 $0x8C00, s0;
	v20 =	vld [tilespmem:s30+$0xC870];
	v12 =	vadd.f32 v13, v8  }
0x285: {  	v15 =	vld [tilespmem:s29+$0xC800];
	[tilespmem:s30+$0xC810] =	vst v11;
	v11 =	vadd.f32 v16, v7  }
0x286: {  	v13 =	vadd.f32 v17, v3;
	v14 =	vld [tilespmem:s29+$0xC810];
	[tilespmem:s30+$0xC820] =	vst v12  }
0x287: {  	v17 =	vadd.f32 v18, v4;
	v12 =	vld [tilespmem:s29+$0xC820];
	[tilespmem:s30+$0xC830] =	vst v11  }
0x288: {  	v16 =	vadd.f32 v19, v5;
	v11 =	vld [tilespmem:s29+$0xC830];
	[tilespmem:s30+$0xC840] =	vst v13  }
0x289: {  	s31 =	simm.s32 $0x80;
	s0 =	simm.s32 $0x400;
	v13 =	vld [tilespmem:s29+$0xC840];
	[tilespmem:s30+$0xC850] =	vst v17;
	v17 =	vadd.f32 v20, v6  }
.LBB2_25:
0x28a: {  	s2 =	sand.u32 $0xFFFFF000, s0;
	p1 =	sne.s32 s0, $0x3E00;
	v15 =	vadd.f32 v15, v10;
	v18 =	vld [tilespmem:s29+$0xC850];
	s31 =	sadd.s32 $0x80, s31;
	[tilespmem:s30+$0xC860] =	vst v16  }
0x28b: {  	s2 =	sadd.s32 s2, s31;
	v14 =	vadd.f32 v14, v9;
	v16 =	vld [tilespmem:s29+$0xC860];
	[tilespmem:s30+$0xC870] =	vst v17;
	s30 =	smov.u32 s29  }
0x28c: {  	s29 =	sor.u32 $0x8C00, s2;
	[tilespmem:s30+$0xC800] =	vst v15;
	v12 =	vadd.f32 v12, v8;
	v17 =	vld [tilespmem:s30+$0xC870]  }
.Ltmp13:
0x28d: {  	v15 =	vld [tilespmem:s29+$0xC800];
	[tilespmem:s30+$0xC810] =	vst v14;
	v11 =	vadd.f32 v11, v7;
	(pc) =	sbr.rel @p1 .LBB2_25-.Ltmp13, $4  }
0x28e: {  	v14 =	vld [tilespmem:s29+$0xC810];
	[tilespmem:s30+$0xC820] =	vst v12;
	v13 =	vadd.f32 v13, v3  }
0x28f: {  	v12 =	vld [tilespmem:s29+$0xC820];
	[tilespmem:s30+$0xC830] =	vst v11;
	v18 =	vadd.f32 v18, v4  }
0x290: {  	v11 =	vld [tilespmem:s29+$0xC830];
	[tilespmem:s30+$0xC840] =	vst v13;
	v16 =	vadd.f32 v16, v5  }
0x291: {  	s0 =	sadd.s32 $0x200, s0;
	v13 =	vld [tilespmem:s29+$0xC840];
	[tilespmem:s30+$0xC850] =	vst v18;
	v17 =	vadd.f32 v17, v6  }
0x292: {  	v18 =	vld [tilespmem:s29+$0xC850];
	[tilespmem:s30+$0xC860] =	vst v16;
	v10 =	vadd.f32 v15, v10  }
0x293: {  	v15 =	vld [tilespmem:s29+$0xC860];
	[tilespmem:s30+$0xC870] =	vst v17;
	v9 =	vadd.f32 v14, v9  }
0x294: {  	[tilespmem:s29+$0xC800] =	vst v10;
	v8 =	vadd.f32 v12, v8;
	v10 =	vld [tilespmem:s29+$0xC870]  }
0x295: {  	[tilespmem:s29+$0xC810] =	vst v9;
	v7 =	vadd.f32 v11, v7  }
0x296: {  	[tilespmem:s29+$0xC820] =	vst v8;
	v3 =	vadd.f32 v13, v3  }
0x297: {  	[tilespmem:s29+$0xC830] =	vst v7;
	v4 =	vadd.f32 v18, v4  }
0x298: {  	[tilespmem:s29+$0xC840] =	vst v3;
	v3 =	vadd.f32 v15, v5  }
0x299: {  	s0 =	sor.u32 s10, s24;
	[tilespmem:s29+$0xC850] =	vst v4;
	v4 =	vadd.f32 v10, v6  }
0x29a: {  	s0 =	sshrl.u32 s0, $0x3;
	[tilespmem:s29+$0xC860] =	vst v3  }
0x29b: {  	s0 =	sadd.s32 s3, s0;
	[tilespmem:s29+$0xC870] =	vst v4  }
0x29c: {  	[hbm4b:s0+s5] =	stream.linear.scatter [tilespmem:s15], [sflag:$0x7], $0x4000, $0x38;
	[tilespmem:$0x1C800] =	vst v63  }
0x29d: {  	_ =	swait.ge [sflag:s14], $0x4000  }
0x29e: {  	[sflag:s14] =	ssyncset.done $0x0  }
0x29f: {  	[sflag:s14] =	ssyncadd.s32 $0xFFFFC000  }
0x2a0: {  	v3 =	vld @!p0 [tilespmem:s22+$0xA0];
	_ =	sdelay $0x4  }
0x2a1: {  	v4 =	vshll.u32 @!p0 v3, $0x2  }
0x2a2: {  	v5 =	vlaneseq.u32 @!p0;
	v3 =	vand.u32 @!p0 $0x7, v3;
	v4 =	vand.u32 @!p0 $0xFFFFFFE0, v4  }
0x2a3: {  	v6 =	vshrl.u32 @!p0 v5, $0x3;
	v3 =	vor.u32 @!p0 v3, v4;
	v4 =	vand.u32 @!p0 $0x7, v5  }
0x2a4: {  	v6 =	vmul.u32 @!p0 $0x8, v6;
	v7 =	vperm.xlane @!p0 v3, v4;
	_ =	sdelay $0x1  }
0x2a5: {  	v7 =	vadd.s32 @!p0 v6, v7  }
0x2a6: {  	v5 =	vor.u32 @!p0 $0x8, v5  }
0x2a7: {  	v3 =	vperm.xlane @!p0 v3, v5;
	_ =	sdelay $0x1  }
0x2a8: {  	s2 =	simm.s32 @!p0 $0x10800;
	s0 =	simm.s32 @!p0 $0x0;
	v3 =	vadd.s32 @!p0 v6, v3  }
0x2a9: {  	[tilespmem:s2], [sflag:$0x2] =	stream.indirect_vreg.gather @!p0 [hbm4b:s1+s0], $0x80, v7, vm1, $0xb8;
	[tilespmem:$0x1C800] =	vst v63  }
0x2aa: {  	s2 =	simm.s32 @!p0 $0x11000  }
0x2ab: {  	[tilespmem:s2], [sflag:$0x2] =	stream.indirect_vreg.gather @!p0 [hbm4b:s7+s0], $0x80, v7, vm1, $0xb8;
	[tilespmem:$0x1C800] =	vst v63  }
0x2ac: {  	s2 =	simm.s32 @!p0 $0x11800  }
0x2ad: {  	[tilespmem:s2], [sflag:$0x2] =	stream.indirect_vreg.gather @!p0 [hbm4b:s1+s0], $0x80, v3, vm1, $0xb8;
	[tilespmem:$0x1C800] =	vst v63  }
0x2ae: {  	s2 =	simm.s32 @!p0 $0x12000  }
0x2af: {  	[tilespmem:s2], [sflag:$0x2] =	stream.indirect_vreg.gather @!p0 [hbm4b:s7+s0], $0x80, v3, vm1, $0xb8;
	[tilespmem:$0x1C800] =	vst v63  }
0x2b0: {  	v3 =	vld @!p0 [tilespmem:s22+$0xB0];
	_ =	sdelay $0x4  }
0x2b1: {  	v7 =	vshll.u32 @!p0 v3, $0x2  }
0x2b2: {  	v3 =	vand.u32 @!p0 $0x7, v3;
	v7 =	vand.u32 @!p0 $0xFFFFFFE0, v7  }
0x2b3: {  	v3 =	vor.u32 @!p0 v3, v7  }
0x2b4: {  	v4 =	vperm.xlane @!p0 v3, v4;
	_ =	sdelay $0x1  }
0x2b5: {  	v4 =	vadd.s32 @!p0 v6, v4;
	_ =	sdelay $0x1  }
0x2b6: {  	v3 =	vperm.xlane @!p0 v3, v5;
	_ =	sdelay $0x1  }
0x2b7: {  	s2 =	simm.s32 @!p0 $0x12800;
	v3 =	vadd.s32 @!p0 v6, v3  }
0x2b8: {  	[tilespmem:s2], [sflag:$0x2] =	stream.indirect_vreg.gather @!p0 [hbm4b:s1+s0], $0x80, v4, vm1, $0xb8;
	[tilespmem:$0x1C800] =	vst v63  }
0x2b9: {  	s2 =	simm.s32 @!p0 $0x13000  }
0x2ba: {  	[tilespmem:s2], [sflag:$0x2] =	stream.indirect_vreg.gather @!p0 [hbm4b:s7+s0], $0x80, v4, vm1, $0xb8;
	[tilespmem:$0x1C800] =	vst v63  }
0x2bb: {  	s2 =	simm.s32 @!p0 $0x13800  }
0x2bc: {  	[tilespmem:s2], [sflag:$0x2] =	stream.indirect_vreg.gather @!p0 [hbm4b:s1+s0], $0x80, v3, vm1, $0xb8;
	[tilespmem:$0x1C800] =	vst v63  }
0x2bd: {  	s2 =	simm.s32 @!p0 $0x14000  }
0x2be: {  	[tilespmem:s2], [sflag:$0x2] =	stream.indirect_vreg.gather @!p0 [hbm4b:s7+s0], $0x80, v3, vm1, $0xb8;
	[tilespmem:$0x1C800] =	vst v63  }
0x2bf: {  	_ =	swait.ge [sflag:s16], $0x4000  }
0x2c0: {  	[sflag:s16] =	ssyncset.done $0x0  }
0x2c1: {  	[sflag:s16] =	ssyncadd.s32 $0xFFFFC000  }
0x2c2: {  	v10 =	vld [tilespmem:s23+$0x2800]  }
0x2c3: {  	v9 =	vld [tilespmem:s21+$0x10]  }
0x2c4: {  	s2 =	simm.s32 $0x0;
	v4 =	vld [tilespmem:s21+$0x20]  }
0x2c5: {  	s4 =	sand.u32 $0x3000, s2;
	s0 =	sand.u32 $0x380, s2;
	v3 =	vld [tilespmem:s21+$0x30]  }
0x2c6: {  	s29 =	sor.u32 s0, s4;
	v5 =	vld [tilespmem:s21+$0x40]  }
0x2c7: {  	v11 =	vld [tilespmem:s29+$0x18800]  }
0x2c8: {  	v6 =	vld [tilespmem:s21+$0x50]  }
0x2c9: {  	v12 =	vld [tilespmem:s29+$0x18810]  }
0x2ca: {  	v7 =	vld [tilespmem:s21+$0x60]  }
0x2cb: {  	v13 =	vld [tilespmem:s29+$0x18820]  }
0x2cc: {  	v8 =	vld [tilespmem:s21+$0x70]  }
0x2cd: {  	v14 =	vld [tilespmem:s29+$0x18830]  }
0x2ce: {  	v15 =	vld [tilespmem:s29+$0x18840]  }
0x2cf: {  	s31 =	simm.s32 $0x200;
	s23 =	simm.s32 $0x80;
	v16 =	vld [tilespmem:s29+$0x18850];
	v11 =	vadd.f32 v11, v10  }
0x2d0: {  	s2 =	sand.u32 $0x3000, s31;
	v18 =	vld [tilespmem:s29+$0x18860];
	s0 =	sand.u32 $0x380, s23;
	v12 =	vadd.f32 v12, v9  }
0x2d1: {  	v19 =	vld [tilespmem:s29+$0x18870];
	s23 =	sor.u32 s0, s2;
	[tilespmem:s29+$0x18800] =	vst v11;
	v11 =	vadd.f32 v13, v4  }
0x2d2: {  	v17 =	vld [tilespmem:s23+$0x18800];
	[tilespmem:s29+$0x18810] =	vst v12;
	v12 =	vadd.f32 v14, v3  }
0x2d3: {  	v15 =	vadd.f32 v15, v5;
	v13 =	vld [tilespmem:s23+$0x18810];
	[tilespmem:s29+$0x18820] =	vst v11  }
0x2d4: {  	v16 =	vadd.f32 v16, v6;
	v14 =	vld [tilespmem:s23+$0x18820];
	[tilespmem:s29+$0x18830] =	vst v12  }
0x2d5: {  	v18 =	vadd.f32 v18, v7;
	v11 =	vld [tilespmem:s23+$0x18830];
	[tilespmem:s29+$0x18840] =	vst v15  }
0x2d6: {  	v12 =	vld [tilespmem:s23+$0x18840];
	[tilespmem:s29+$0x18850] =	vst v16;
	v16 =	vadd.f32 v19, v8  }
0x2d7: {  	s30 =	simm.s32 $0x400;
	s0 =	simm.s32 $0x100;
	v15 =	vld [tilespmem:s23+$0x18850];
	v17 =	vadd.f32 v17, v10;
	[tilespmem:s29+$0x18860] =	vst v18  }
.LBB2_27:
0x2d8: {  	s2 =	sand.u32 $0x3000, s30;
	s4 =	sand.u32 $0x380, s0;
	p1 =	sne.s32 s30, $0x3E00;
	v13 =	vadd.f32 v13, v9;
	v18 =	vld [tilespmem:s23+$0x18860];
	[tilespmem:s29+$0x18870] =	vst v16  }
0x2d9: {  	s29 =	smov.u32 s23;
	[tilespmem:s23+$0x18800] =	vst v17;
	v14 =	vadd.f32 v14, v4;
	v16 =	vld [tilespmem:s23+$0x18870];
	s23 =	sor.u32 s4, s2  }
0x2da: {  	v17 =	vld [tilespmem:s23+$0x18800];
	[tilespmem:s29+$0x18810] =	vst v13;
	v11 =	vadd.f32 v11, v3  }
.Ltmp14:
0x2db: {  	v13 =	vld [tilespmem:s23+$0x18810];
	[tilespmem:s29+$0x18820] =	vst v14;
	v12 =	vadd.f32 v12, v5;
	(pc) =	sbr.rel @p1 .LBB2_27-.Ltmp14, $4  }
0x2dc: {  	v14 =	vld [tilespmem:s23+$0x18820];
	[tilespmem:s29+$0x18830] =	vst v11;
	v15 =	vadd.f32 v15, v6  }
0x2dd: {  	v11 =	vld [tilespmem:s23+$0x18830];
	[tilespmem:s29+$0x18840] =	vst v12;
	v18 =	vadd.f32 v18, v7  }
0x2de: {  	v12 =	vld [tilespmem:s23+$0x18840];
	[tilespmem:s29+$0x18850] =	vst v15;
	v16 =	vadd.f32 v16, v8  }
0x2df: {  	s0 =	sadd.s32 $0x80, s0;
	s30 =	sadd.s32 $0x200, s30;
	v17 =	vadd.f32 v17, v10;
	v15 =	vld [tilespmem:s23+$0x18850];
	[tilespmem:s29+$0x18860] =	vst v18  }
0x2e0: {  	v10 =	vld [tilespmem:s23+$0x18860];
	v9 =	vadd.f32 v13, v9;
	[tilespmem:s29+$0x18870] =	vst v16  }
0x2e1: {  	[tilespmem:s23+$0x18800] =	vst v17;
	v4 =	vadd.f32 v14, v4;
	v13 =	vld [tilespmem:s23+$0x18870]  }
0x2e2: {  	[tilespmem:s23+$0x18810] =	vst v9;
	v3 =	vadd.f32 v11, v3  }
0x2e3: {  	[tilespmem:s23+$0x18820] =	vst v4;
	v4 =	vadd.f32 v12, v5  }
0x2e4: {  	[tilespmem:s23+$0x18830] =	vst v3;
	v3 =	vadd.f32 v15, v6  }
0x2e5: {  	s0 =	simm.s32 $0x0;
	[tilespmem:s23+$0x18840] =	vst v4;
	v4 =	vadd.f32 v10, v7  }
0x2e6: {  	s2 =	sand.u32 $0x3000, s0;
	s0 =	sand.u32 $0x380, s0;
	[tilespmem:s23+$0x18850] =	vst v3;
	v3 =	vadd.f32 v13, v8  }
0x2e7: {  	s29 =	sor.u32 s0, s2;
	[tilespmem:s23+$0x18860] =	vst v4  }
0x2e8: {  	[tilespmem:s23+$0x18870] =	vst v3;
	v14 =	vld [tilespmem:s29+$0x18C30]  }
0x2e9: {  	v10 =	vld [tilespmem:s21+$0x400]  }
0x2ea: {  	v9 =	vld [tilespmem:s21+$0x410]  }
0x2eb: {  	v4 =	vld [tilespmem:s21+$0x420]  }
0x2ec: {  	v3 =	vld [tilespmem:s21+$0x430]  }
0x2ed: {  	v5 =	vld [tilespmem:s21+$0x440]  }
0x2ee: {  	v11 =	vld [tilespmem:s29+$0x18C00]  }
0x2ef: {  	v6 =	vld [tilespmem:s21+$0x450]  }
0x2f0: {  	v12 =	vld [tilespmem:s29+$0x18C10]  }
0x2f1: {  	v7 =	vld [tilespmem:s21+$0x460]  }
0x2f2: {  	v13 =	vld [tilespmem:s29+$0x18C20]  }
0x2f3: {  	v8 =	vld [tilespmem:s21+$0x470]  }
0x2f4: {  	v15 =	vld [tilespmem:s29+$0x18C40]  }
0x2f5: {  	s31 =	simm.s32 $0x200;
	s23 =	simm.s32 $0x80;
	v16 =	vld [tilespmem:s29+$0x18C50];
	v11 =	vadd.f32 v11, v10  }
0x2f6: {  	s2 =	sand.u32 $0x3000, s31;
	s0 =	sand.u32 $0x380, s23;
	v18 =	vld [tilespmem:s29+$0x18C60];
	v12 =	vadd.f32 v12, v9  }
0x2f7: {  	v19 =	vld [tilespmem:s29+$0x18C70];
	s23 =	sor.u32 s0, s2;
	[tilespmem:s29+$0x18C00] =	vst v11;
	v11 =	vadd.f32 v13, v4  }
0x2f8: {  	v17 =	vld [tilespmem:s23+$0x18C00];
	[tilespmem:s29+$0x18C10] =	vst v12;
	v12 =	vadd.f32 v14, v3  }
0x2f9: {  	v15 =	vadd.f32 v15, v5;
	v13 =	vld [tilespmem:s23+$0x18C10];
	[tilespmem:s29+$0x18C20] =	vst v11  }
0x2fa: {  	v16 =	vadd.f32 v16, v6;
	v14 =	vld [tilespmem:s23+$0x18C20];
	[tilespmem:s29+$0x18C30] =	vst v12  }
0x2fb: {  	v18 =	vadd.f32 v18, v7;
	v11 =	vld [tilespmem:s23+$0x18C30];
	[tilespmem:s29+$0x18C40] =	vst v15  }
0x2fc: {  	v12 =	vld [tilespmem:s23+$0x18C40];
	[tilespmem:s29+$0x18C50] =	vst v16;
	v16 =	vadd.f32 v19, v8  }
0x2fd: {  	s30 =	simm.s32 $0x400;
	s0 =	simm.s32 $0x100;
	v15 =	vld [tilespmem:s23+$0x18C50];
	v17 =	vadd.f32 v17, v10;
	[tilespmem:s29+$0x18C60] =	vst v18  }
.LBB2_29:
0x2fe: {  	s2 =	sand.u32 $0x3000, s30;
	s4 =	sand.u32 $0x380, s0;
	p1 =	sne.s32 s30, $0x3E00;
	v13 =	vadd.f32 v13, v9;
	v18 =	vld [tilespmem:s23+$0x18C60];
	[tilespmem:s29+$0x18C70] =	vst v16  }
0x2ff: {  	s29 =	smov.u32 s23;
	[tilespmem:s23+$0x18C00] =	vst v17;
	v14 =	vadd.f32 v14, v4;
	v16 =	vld [tilespmem:s23+$0x18C70];
	s23 =	sor.u32 s4, s2  }
0x300: {  	v17 =	vld [tilespmem:s23+$0x18C00];
	[tilespmem:s29+$0x18C10] =	vst v13;
	v11 =	vadd.f32 v11, v3  }
.Ltmp15:
0x301: {  	v13 =	vld [tilespmem:s23+$0x18C10];
	[tilespmem:s29+$0x18C20] =	vst v14;
	v12 =	vadd.f32 v12, v5;
	(pc) =	sbr.rel @p1 .LBB2_29-.Ltmp15, $4  }
0x302: {  	v14 =	vld [tilespmem:s23+$0x18C20];
	[tilespmem:s29+$0x18C30] =	vst v11;
	v15 =	vadd.f32 v15, v6  }
0x303: {  	v11 =	vld [tilespmem:s23+$0x18C30];
	[tilespmem:s29+$0x18C40] =	vst v12;
	v18 =	vadd.f32 v18, v7  }
0x304: {  	v12 =	vld [tilespmem:s23+$0x18C40];
	[tilespmem:s29+$0x18C50] =	vst v15;
	v16 =	vadd.f32 v16, v8  }
0x305: {  	s0 =	sadd.s32 $0x80, s0;
	s30 =	sadd.s32 $0x200, s30;
	v17 =	vadd.f32 v17, v10;
	v15 =	vld [tilespmem:s23+$0x18C50];
	[tilespmem:s29+$0x18C60] =	vst v18  }
0x306: {  	v10 =	vld [tilespmem:s23+$0x18C60];
	v9 =	vadd.f32 v13, v9;
	[tilespmem:s29+$0x18C70] =	vst v16  }
0x307: {  	[tilespmem:s23+$0x18C00] =	vst v17;
	v4 =	vadd.f32 v14, v4;
	v13 =	vld [tilespmem:s23+$0x18C70]  }
0x308: {  	[tilespmem:s23+$0x18C10] =	vst v9;
	v3 =	vadd.f32 v11, v3  }
0x309: {  	[tilespmem:s23+$0x18C20] =	vst v4;
	v4 =	vadd.f32 v12, v5  }
0x30a: {  	[tilespmem:s23+$0x18C30] =	vst v3;
	v3 =	vadd.f32 v15, v6  }
0x30b: {  	s0 =	simm.s32 $0x0;
	[tilespmem:s23+$0x18C40] =	vst v4;
	v4 =	vadd.f32 v10, v7  }
0x30c: {  	s2 =	sand.u32 $0x3000, s0;
	s0 =	sand.u32 $0x380, s0;
	[tilespmem:s23+$0x18C50] =	vst v3;
	v3 =	vadd.f32 v13, v8  }
0x30d: {  	s29 =	sor.u32 s0, s2;
	[tilespmem:s23+$0x18C60] =	vst v4  }
0x30e: {  	[tilespmem:s23+$0x18C70] =	vst v3;
	v14 =	vld [tilespmem:s29+$0x19030]  }
0x30f: {  	v10 =	vld [tilespmem:s21+$0x800]  }
0x310: {  	v9 =	vld [tilespmem:s21+$0x810]  }
0x311: {  	v4 =	vld [tilespmem:s21+$0x820]  }
0x312: {  	v3 =	vld [tilespmem:s21+$0x830]  }
0x313: {  	v5 =	vld [tilespmem:s21+$0x840]  }
0x314: {  	v11 =	vld [tilespmem:s29+$0x19000]  }
0x315: {  	v6 =	vld [tilespmem:s21+$0x850]  }
0x316: {  	v12 =	vld [tilespmem:s29+$0x19010]  }
0x317: {  	v7 =	vld [tilespmem:s21+$0x860]  }
0x318: {  	v13 =	vld [tilespmem:s29+$0x19020]  }
0x319: {  	v8 =	vld [tilespmem:s21+$0x870]  }
0x31a: {  	v15 =	vld [tilespmem:s29+$0x19040]  }
0x31b: {  	s31 =	simm.s32 $0x200;
	s23 =	simm.s32 $0x80;
	v16 =	vld [tilespmem:s29+$0x19050];
	v11 =	vadd.f32 v11, v10  }
0x31c: {  	s2 =	sand.u32 $0x3000, s31;
	s0 =	sand.u32 $0x380, s23;
	v18 =	vld [tilespmem:s29+$0x19060];
	v12 =	vadd.f32 v12, v9  }
0x31d: {  	v19 =	vld [tilespmem:s29+$0x19070];
	s23 =	sor.u32 s0, s2;
	[tilespmem:s29+$0x19000] =	vst v11;
	v11 =	vadd.f32 v13, v4  }
0x31e: {  	v17 =	vld [tilespmem:s23+$0x19000];
	[tilespmem:s29+$0x19010] =	vst v12;
	v12 =	vadd.f32 v14, v3  }
0x31f: {  	v15 =	vadd.f32 v15, v5;
	v13 =	vld [tilespmem:s23+$0x19010];
	[tilespmem:s29+$0x19020] =	vst v11  }
0x320: {  	v16 =	vadd.f32 v16, v6;
	v14 =	vld [tilespmem:s23+$0x19020];
	[tilespmem:s29+$0x19030] =	vst v12  }
0x321: {  	v18 =	vadd.f32 v18, v7;
	v11 =	vld [tilespmem:s23+$0x19030];
	[tilespmem:s29+$0x19040] =	vst v15  }
0x322: {  	v12 =	vld [tilespmem:s23+$0x19040];
	[tilespmem:s29+$0x19050] =	vst v16;
	v16 =	vadd.f32 v19, v8  }
0x323: {  	s30 =	simm.s32 $0x400;
	s0 =	simm.s32 $0x100;
	v15 =	vld [tilespmem:s23+$0x19050];
	v17 =	vadd.f32 v17, v10;
	[tilespmem:s29+$0x19060] =	vst v18  }
.LBB2_31:
0x324: {  	s2 =	sand.u32 $0x3000, s30;
	s4 =	sand.u32 $0x380, s0;
	p1 =	sne.s32 s30, $0x3E00;
	v13 =	vadd.f32 v13, v9;
	v18 =	vld [tilespmem:s23+$0x19060];
	[tilespmem:s29+$0x19070] =	vst v16  }
0x325: {  	s29 =	smov.u32 s23;
	[tilespmem:s23+$0x19000] =	vst v17;
	v14 =	vadd.f32 v14, v4;
	v16 =	vld [tilespmem:s23+$0x19070];
	s23 =	sor.u32 s4, s2  }
0x326: {  	v17 =	vld [tilespmem:s23+$0x19000];
	[tilespmem:s29+$0x19010] =	vst v13;
	v11 =	vadd.f32 v11, v3  }
.Ltmp16:
0x327: {  	v13 =	vld [tilespmem:s23+$0x19010];
	[tilespmem:s29+$0x19020] =	vst v14;
	v12 =	vadd.f32 v12, v5;
	(pc) =	sbr.rel @p1 .LBB2_31-.Ltmp16, $4  }
0x328: {  	v14 =	vld [tilespmem:s23+$0x19020];
	[tilespmem:s29+$0x19030] =	vst v11;
	v15 =	vadd.f32 v15, v6  }
0x329: {  	v11 =	vld [tilespmem:s23+$0x19030];
	[tilespmem:s29+$0x19040] =	vst v12;
	v18 =	vadd.f32 v18, v7  }
0x32a: {  	v12 =	vld [tilespmem:s23+$0x19040];
	[tilespmem:s29+$0x19050] =	vst v15;
	v16 =	vadd.f32 v16, v8  }
0x32b: {  	s0 =	sadd.s32 $0x80, s0;
	s30 =	sadd.s32 $0x200, s30;
	v17 =	vadd.f32 v17, v10;
	v15 =	vld [tilespmem:s23+$0x19050];
	[tilespmem:s29+$0x19060] =	vst v18  }
0x32c: {  	v10 =	vld [tilespmem:s23+$0x19060];
	v9 =	vadd.f32 v13, v9;
	[tilespmem:s29+$0x19070] =	vst v16  }
0x32d: {  	[tilespmem:s23+$0x19000] =	vst v17;
	v4 =	vadd.f32 v14, v4;
	v13 =	vld [tilespmem:s23+$0x19070]  }
0x32e: {  	[tilespmem:s23+$0x19010] =	vst v9;
	v3 =	vadd.f32 v11, v3  }
0x32f: {  	[tilespmem:s23+$0x19020] =	vst v4;
	v4 =	vadd.f32 v12, v5  }
0x330: {  	[tilespmem:s23+$0x19030] =	vst v3;
	v3 =	vadd.f32 v15, v6  }
0x331: {  	[tilespmem:s23+$0x19040] =	vst v4;
	v4 =	vadd.f32 v10, v7  }
0x332: {  	[tilespmem:s23+$0x19050] =	vst v3;
	v3 =	vadd.f32 v13, v8  }
0x333: {  	[tilespmem:s23+$0x19060] =	vst v4  }
0x334: {  	[tilespmem:s23+$0x19070] =	vst v3  }
0x335: {  	v10 =	vld [tilespmem:s21+$0xC00]  }
0x336: {  	v9 =	vld [tilespmem:s21+$0xC10]  }
0x337: {  	v8 =	vld [tilespmem:s21+$0xC20]  }
0x338: {  	s0 =	simm.s32 $0x0;
	v7 =	vld [tilespmem:s21+$0xC30]  }
0x339: {  	s0 =	sand.u32 $0xFFFFF000, s0;
	v3 =	vld [tilespmem:s21+$0xC40]  }
0x33a: {  	s0 =	sadd.s32 $0x0, s0;
	v4 =	vld [tilespmem:s21+$0xC50]  }
0x33b: {  	s23 =	sor.u32 $0xCC00, s0;
	v5 =	vld [tilespmem:s21+$0xC60]  }
0x33c: {  	v11 =	vld [tilespmem:s23+$0xC800]  }
0x33d: {  	v6 =	vld [tilespmem:s21+$0xC70]  }
0x33e: {  	v12 =	vld [tilespmem:s23+$0xC810]  }
0x33f: {  	v13 =	vld [tilespmem:s23+$0xC820]  }
0x340: {  	v16 =	vld [tilespmem:s23+$0xC830]  }
0x341: {  	s31 =	simm.s32 $0x200;
	v17 =	vld [tilespmem:s23+$0xC840];
	v11 =	vadd.f32 v11, v10  }
0x342: {  	s0 =	sand.u32 $0xFFFFF000, s31;
	v18 =	vld [tilespmem:s23+$0xC850]  }
0x343: {  	v19 =	vld [tilespmem:s23+$0xC860];
	s0 =	sadd.s32 $0x80, s0;
	[tilespmem:s23+$0xC800] =	vst v11;
	v11 =	vadd.f32 v12, v9  }
0x344: {  	v20 =	vld [tilespmem:s23+$0xC870];
	s21 =	sor.u32 $0xCC00, s0;
	v12 =	vadd.f32 v13, v8  }
0x345: {  	v15 =	vld [tilespmem:s21+$0xC800];
	[tilespmem:s23+$0xC810] =	vst v11;
	v11 =	vadd.f32 v16, v7  }
0x346: {  	v13 =	vadd.f32 v17, v3;
	v14 =	vld [tilespmem:s21+$0xC810];
	[tilespmem:s23+$0xC820] =	vst v12  }
0x347: {  	v17 =	vadd.f32 v18, v4;
	v12 =	vld [tilespmem:s21+$0xC820];
	[tilespmem:s23+$0xC830] =	vst v11  }
0x348: {  	v16 =	vadd.f32 v19, v5;
	v11 =	vld [tilespmem:s21+$0xC830];
	[tilespmem:s23+$0xC840] =	vst v13  }
0x349: {  	s29 =	simm.s32 $0x80;
	s0 =	simm.s32 $0x400;
	v13 =	vld [tilespmem:s21+$0xC840];
	[tilespmem:s23+$0xC850] =	vst v17;
	v17 =	vadd.f32 v20, v6  }
.LBB2_33:
0x34a: {  	s2 =	sand.u32 $0xFFFFF000, s0;
	p1 =	sne.s32 s0, $0x3E00;
	v15 =	vadd.f32 v15, v10;
	v18 =	vld [tilespmem:s21+$0xC850];
	s29 =	sadd.s32 $0x80, s29;
	[tilespmem:s23+$0xC860] =	vst v16  }
0x34b: {  	s2 =	sadd.s32 s2, s29;
	v14 =	vadd.f32 v14, v9;
	v16 =	vld [tilespmem:s21+$0xC860];
	[tilespmem:s23+$0xC870] =	vst v17;
	s23 =	smov.u32 s21  }
0x34c: {  	s21 =	sor.u32 $0xCC00, s2;
	[tilespmem:s23+$0xC800] =	vst v15;
	v12 =	vadd.f32 v12, v8;
	v17 =	vld [tilespmem:s23+$0xC870]  }
.Ltmp17:
0x34d: {  	v15 =	vld [tilespmem:s21+$0xC800];
	[tilespmem:s23+$0xC810] =	vst v14;
	v11 =	vadd.f32 v11, v7;
	(pc) =	sbr.rel @p1 .LBB2_33-.Ltmp17, $4  }
0x34e: {  	v14 =	vld [tilespmem:s21+$0xC810];
	[tilespmem:s23+$0xC820] =	vst v12;
	v13 =	vadd.f32 v13, v3  }
0x34f: {  	v12 =	vld [tilespmem:s21+$0xC820];
	[tilespmem:s23+$0xC830] =	vst v11;
	v18 =	vadd.f32 v18, v4  }
0x350: {  	v11 =	vld [tilespmem:s21+$0xC830];
	[tilespmem:s23+$0xC840] =	vst v13;
	v16 =	vadd.f32 v16, v5  }
0x351: {  	s0 =	sadd.s32 $0x200, s0;
	v13 =	vld [tilespmem:s21+$0xC840];
	[tilespmem:s23+$0xC850] =	vst v18;
	v17 =	vadd.f32 v17, v6  }
0x352: {  	v18 =	vld [tilespmem:s21+$0xC850];
	[tilespmem:s23+$0xC860] =	vst v16;
	v10 =	vadd.f32 v15, v10  }
0x353: {  	v61 =	vld [tilespmem:s21+$0xC860];
	[tilespmem:s23+$0xC870] =	vst v17;
	v9 =	vadd.f32 v14, v9  }
0x354: {  	[tilespmem:s21+$0xC800] =	vst v10;
	v8 =	vadd.f32 v12, v8;
	v62 =	vld [tilespmem:s21+$0xC870]  }
0x355: {  	[tilespmem:s21+$0xC810] =	vst v9;
	v7 =	vadd.f32 v11, v7  }
0x356: {  	[tilespmem:s21+$0xC820] =	vst v8;
	v3 =	vadd.f32 v13, v3  }
0x357: {  	[tilespmem:s21+$0xC830] =	vst v7;
	v4 =	vadd.f32 v18, v4  }
0x358: {  	[tilespmem:s21+$0xC840] =	vst v3;
	v3 =	vadd.f32 v61, v5  }
0x359: {  	s0 =	sor.u32 s11, s24;
	[tilespmem:s21+$0xC850] =	vst v4;
	v63 =	vadd.f32 v62, v6  }
0x35a: {  	s0 =	sshrl.u32 s0, $0x3;
	[tilespmem:s21+$0xC860] =	vst v3  }
.Ltmp18:
0x35b: {  	s0 =	sadd.s32 s3, s0;
	[tilespmem:s21+$0xC870] =	vst v63;
	(pc) =	sbr.rel @p0 .LBB2_36-.Ltmp18, $4  }
0x35c: {  	[hbm4b:s0+s5] =	stream.linear.scatter [tilespmem:s26], [sflag:$0x8], $0x4000, $0x38;
	[tilespmem:$0x1C800] =	vst v63  }
0x35d: {  	_ =	swait.ge [sflag:s18], $0x4000  }
0x35e: {  	[sflag:s18] =	ssyncset.done $0x0  }
0x35f: {  	[sflag:s18] =	ssyncadd.s32 $0xFFFFC000  }
0x360: {  	v3 =	vld [tilespmem:s22+$0xC0];
	_ =	sdelay $0x4  }
0x361: {  	v4 =	vshll.u32 v3, $0x2  }
0x362: {  	v3 =	vand.u32 $0x7, v3;
	v4 =	vand.u32 $0xFFFFFFE0, v4  }
0x363: {  	v3 =	vor.u32 v3, v4  }
0x364: {  	v4 =	vperm.xlane v3, v0;
	_ =	sdelay $0x1  }
0x365: {  	v4 =	vadd.s32 v1, v4;
	_ =	sdelay $0x1  }
0x366: {  	v3 =	vperm.xlane v3, v2;
	_ =	sdelay $0x1  }
0x367: {  	v3 =	vadd.s32 v1, v3  }
0x368: {  	[tilespmem:s15], [sflag:$0x3] =	stream.indirect_vreg.gather [hbm4b:s1+s5], $0x80, v4, vm0, $0xb8;
	[tilespmem:$0x1C800] =	vst v63  }
0x369: {  	s0 =	simm.s32 $0x15000  }
0x36a: {  	[tilespmem:s0], [sflag:$0x3] =	stream.indirect_vreg.gather [hbm4b:s7+s5], $0x80, v4, vm0, $0xb8;
	[tilespmem:$0x1C800] =	vst v63  }
0x36b: {  	s21 =	simm.s32 $0x15800  }
0x36c: {  	[tilespmem:s21], [sflag:$0x3] =	stream.indirect_vreg.gather [hbm4b:s1+s5], $0x80, v3, vm0, $0xb8;
	[tilespmem:$0x1C800] =	vst v63  }
0x36d: {  	s23 =	simm.s32 $0x16000  }
0x36e: {  	[tilespmem:s23], [sflag:$0x3] =	stream.indirect_vreg.gather [hbm4b:s7+s5], $0x80, v3, vm0, $0xb8;
	[tilespmem:$0x1C800] =	vst v63  }
0x36f: {  	v3 =	vld [tilespmem:s22+$0xD0];
	_ =	sdelay $0x4  }
0x370: {  	v63 =	vshll.u32 v3, $0x2  }
0x371: {  	v3 =	vand.u32 $0x7, v3;
	v4 =	vand.u32 $0xFFFFFFE0, v63  }
0x372: {  	v3 =	vor.u32 v3, v4  }
0x373: {  	v4 =	vperm.xlane v3, v0;
	_ =	sdelay $0x1  }
0x374: {  	v4 =	vadd.s32 v1, v4;
	_ =	sdelay $0x2  }
0x375: {  	v3 =	vperm.xlane v3, v2  }
0x376: {  	s24 =	simm.s32 $0x16800  }
0x377: {  	v3 =	vadd.s32 v1, v3;
	[tilespmem:s24], [sflag:$0x3] =	stream.indirect_vreg.gather [hbm4b:s1+s5], $0x80, v4, vm0, $0xb8;
	[tilespmem:$0x1C800] =	vst v63  }
0x378: {  	s29 =	simm.s32 $0x17000  }
0x379: {  	[tilespmem:s29], [sflag:$0x3] =	stream.indirect_vreg.gather [hbm4b:s7+s5], $0x80, v4, vm0, $0xb8;
	[tilespmem:$0x1C800] =	vst v63  }
.Ltmp19:
0x37a: {  	_ = 	snop;
	(pc) =	sbr.rel .LBB2_2-.Ltmp19, $4  }
0x37b: {  	s30 =	simm.s32 $0x17800  }
0x37c: {  	[tilespmem:s30], [sflag:$0x3] =	stream.indirect_vreg.gather [hbm4b:s1+s5], $0x80, v3, vm0, $0xb8;
	[tilespmem:$0x1C800] =	vst v63  }
0x37d: {  	s31 =	simm.s32 $0x18000;
	s20 =	sadd.s32 $0x1, s20  }
0x37e: {  	[tilespmem:s31], [sflag:$0x3] =	stream.indirect_vreg.gather [hbm4b:s7+s5], $0x80, v3, vm0, $0xb8;
	[tilespmem:$0x1C800] =	vst v63  }
.LBB2_37:
0x37f: {  	_ =	sfence.sel $0x180000  }
0x380: {  	[bflag:$0x0] =	sbarrier.arrive $0xFFFF  }
0x381: {  	_ =	strace $0x90000047  }
0x382: {  	s0 =	stileid.u32;
	[bflag:$0x2] =	sbarrier.arrive $0xFFFF  }
0x383: {  	p0 =	sne.s32 s0, $0x0;
	s0 =	rddreg [dreg:$0x4]  }
0x384: {  	s0 =	sadd.s32 @!p0 $0x100000, s0  }
0x385: {  	[sflag:s0] =	ssyncadd.tile.s32 @!p0 $0x1;
	_ =	shalt  }
.Lfunc_end2:
_tile_overlayer_lowered:
.L_overlay_start_2:
0x386: {  	(tag) =	ssettag $0x2  }
0x387: {  	s0 =	rddreg [dreg:$0x0];
	s2 =	stileid.u32  }
0x388: {  	s1 =	rddreg [dreg:$0x1];
	p0 =	sne.s32 s2, $0x0  }
0x389: {  	s3 =	rddreg [dreg:$0x2];
	[bflag:$0x3] =	sbarrier.arrive $0xFFFF;
	s2 =	simm.s32 @!p0 $0x1C09  }
0x38a: {  	[timem:s3], [sflag:s2] =	dma.local @!p0 [hbm:s0], s1  }
0x38b: {  	s0 =	simm.s32 @!p0 $0x9  }
0x38c: {  	_ =	swait.ge @!p0 [sflag:s0], s1  }
0x38d: {  	s1 =	ssub.s32 @!p0 $0x0, s1;
	[sflag:s0] =	ssyncset.done @!p0 $0x0  }
0x38e: {  	[sflag:s0] =	ssyncadd.s32 @!p0 s1  }
0x38f: {  	[bflag:$0x3] =	sbarrier.arrive $0xFFFF  }
0x390: {  	_ =	shalt  }

</sc_bundles>
